<compile_context>
chip_gen: v7x
topology: tpu7x:2x2x1
jax: 0.10.2.dev20260603
libtpu: 0.0.44.dev20260713+nightly
codegen_flags: <defaults>
</compile_context>

<pallas_src>
import functools

import jax
import jax.numpy as jnp
from jax import lax
from jax.experimental import pallas as pl
from jax.experimental.pallas import tpu as pltpu
from jax.experimental.pallas import tpu_sc as plsc

VOCAB_SIZE = 100000
DIM = 128
BATCH = 4096
HIST = 50

_info = plsc.get_sparse_core_info()
_NC, _NS = _info.num_cores, _info.num_subcores
_NW = _NC * _NS
_BW = BATCH // _NW
_NBUF = 7


@functools.partial(
    pl.kernel,
    mesh=plsc.VectorSubcoreMesh(core_axis_name="c", subcore_axis_name="s"),
    out_type=jax.ShapeDtypeStruct((HIST, BATCH, DIM), jnp.float32),
    scratch_types=[
        pltpu.VMEM((HIST, _BW), jnp.int32),
        [pltpu.VMEM((_BW, DIM), jnp.float32) for _ in range(_NBUF)],
        [pltpu.SemaphoreType.DMA for _ in range(_NBUF)],
        [pltpu.SemaphoreType.DMA for _ in range(_NBUF)],
    ],
)
def _gather_kernel(table_hbm, idx_hbm, out_hbm, idx_v, bufs, semg, semw):
    wid = lax.axis_index("s") * _NC + lax.axis_index("c")
    b0 = wid * _BW
    pltpu.sync_copy(idx_hbm.at[:, pl.ds(b0, _BW)], idx_v)

    def gather(h, b):
        pltpu.async_copy(table_hbm.at[idx_v.at[h]], bufs[b], semg[b])

    def wait_gather(h, b):
        pltpu.make_async_copy(
            table_hbm.at[idx_v.at[h]], bufs[b], semg[b]
        ).wait()

    def issue_write(h, b):
        pltpu.async_copy(bufs[b], out_hbm.at[h, pl.ds(b0, _BW)], semw[b])

    def drain_write(h, b):
        pltpu.make_async_copy(
            bufs[b], out_hbm.at[h, pl.ds(b0, _BW)], semw[b]
        ).wait()

    for h in range(_NBUF - 1):
        gather(h, h % _NBUF)

    for h in range(HIST):
        b = h % _NBUF
        wait_gather(h, b)
        issue_write(h, b)
        nh = h + _NBUF - 1
        if nh < HIST:
            nb = nh % _NBUF
            if h >= 1:
                drain_write(h - 1, nb)
            gather(nh, nb)

    for h in range(HIST - _NBUF, HIST):
        drain_write(h, h % _NBUF)


def kernel(x, weight):
    out_t = _gather_kernel(weight, x.T.astype(jnp.int32))
    return jnp.transpose(out_t, (1, 0, 2))

# --- scband reference (transcript-rebuilt; emitter-appended) ---
"""Pipeline reference for scband-parallel-embedding-81209241633267 (READ-ONLY COPY).

The authoritative reference and input builder live on the scoring server;
editing this copy changes nothing except your own understanding.
"""

import jax, jax.numpy as jnp
import numpy as np

VOCAB_SIZE = 100000
DIM = 128
BATCH = 4096
HIST = 50

def setup_inputs(seed: int = 0) -> dict:
    key = jax.random.key(seed)
    k1, k2 = jax.random.split(key)
    x = jax.random.randint(k1, (BATCH, HIST), 0, VOCAB_SIZE, dtype=jnp.int64)
    weight = jax.random.normal(k2, (VOCAB_SIZE, DIM), dtype=jnp.float32) * 0.02
    return {"x": x, "weight": weight}

def reference(x, weight):
    # Single-rank simulation of ParallelEmbedding (world_size=1):
    # vocab_start_idx = 0, vocab_end_idx = vocab_size; all_reduce is identity;
    # parallel_merge is identity on a single shard.
    vocab_start_idx = 0
    vocab_end_idx = weight.shape[0]
    mask = (x < vocab_start_idx) | (x >= vocab_end_idx)
    xs = x - vocab_start_idx
    xs = jnp.where(mask, 0, xs)
    y = jnp.take(weight, xs, axis=0)
    y = jnp.where(mask[..., None], 0.0, y)
    return y

if __name__ == "__main__":
    import jax
    _d = setup_inputs()
    print(jax.jit(kernel)(*tuple(_d.values())))

</pallas_src>

<mosaic_0001>
#map = affine_map<(d0, d1) -> (0, 0)>
#map1 = affine_map<(d0, d1) -> (0, 0, 0)>
module attributes {stable_mosaic.version = 14 : i64} {
  func.func @_gather_kernel(%arg0: i32, %arg1: i32, %arg2: memref<100000x128xf32, #tpu.memory_space<hbm>>, %arg3: memref<50x4096xi32, #tpu.memory_space<hbm>>, %arg4: memref<50x4096x128xf32, #tpu.memory_space<hbm>>, %arg5: memref<50x128xi32, #tpu.memory_space<vmem>>, %arg6: memref<128x128xf32, #tpu.memory_space<vmem>>, %arg7: memref<128x128xf32, #tpu.memory_space<vmem>>, %arg8: memref<128x128xf32, #tpu.memory_space<vmem>>, %arg9: memref<128x128xf32, #tpu.memory_space<vmem>>, %arg10: memref<128x128xf32, #tpu.memory_space<vmem>>, %arg11: memref<128x128xf32, #tpu.memory_space<vmem>>, %arg12: memref<128x128xf32, #tpu.memory_space<vmem>>, %arg13: memref<!tpu.dma_semaphore, #tpu.memory_space<semaphore_mem>>, %arg14: memref<!tpu.dma_semaphore, #tpu.memory_space<semaphore_mem>>, %arg15: memref<!tpu.dma_semaphore, #tpu.memory_space<semaphore_mem>>, %arg16: memref<!tpu.dma_semaphore, #tpu.memory_space<semaphore_mem>>, %arg17: memref<!tpu.dma_semaphore, #tpu.memory_space<semaphore_mem>>, %arg18: memref<!tpu.dma_semaphore, #tpu.memory_space<semaphore_mem>>, %arg19: memref<!tpu.dma_semaphore, #tpu.memory_space<semaphore_mem>>, %arg20: memref<!tpu.dma_semaphore, #tpu.memory_space<semaphore_mem>>, %arg21: memref<!tpu.dma_semaphore, #tpu.memory_space<semaphore_mem>>, %arg22: memref<!tpu.dma_semaphore, #tpu.memory_space<semaphore_mem>>, %arg23: memref<!tpu.dma_semaphore, #tpu.memory_space<semaphore_mem>>, %arg24: memref<!tpu.dma_semaphore, #tpu.memory_space<semaphore_mem>>, %arg25: memref<!tpu.dma_semaphore, #tpu.memory_space<semaphore_mem>>, %arg26: memref<!tpu.dma_semaphore, #tpu.memory_space<semaphore_mem>>) attributes {dimension_semantics = [#tpu.dimension_semantics<core_parallel>, #tpu.dimension_semantics<subcore_parallel>], iteration_bounds = array<i64: 2, 16>, scalar_prefetch = 0 : i64, scratch_operands = 22 : i64, tpu.core_type = #tpu.core_type<sc_vector_subcore>, window_params = [{transform_indices = #map}, {transform_indices = #map}, {transform_indices = #map1}]} {
    %mul3A = arith.constant 2 : i32
    %mul3A_0 = arith.muli %arg1, %mul3A : i32
    %add3A = arith.addi %mul3A_0, %arg0 : i32
    %mul3A_1 = arith.constant 128 : i32
    %mul3A_2 = arith.muli %add3A, %mul3A_1 : i32
    "tpu.region"() ({
      %run_scoped3A = tpu.sem_alloc : memref<!tpu.dma_semaphore, #tpu.memory_space<semaphore_mem>>
      %dma_start3A_1401 = arith.constant 0 : i32
      %dma_start3A_1402 = tpu.memref_slice %arg3[%dma_start3A_1401, %mul3A_2] : memref<50x4096xi32, #tpu.memory_space<hbm>> -> memref<50x128xi32, #tpu.memory_space<hbm>>
      %dma_start3A_1403 = arith.constant 0 : i32
      %dma_start3A_1404 = tpu.memref_slice %arg3[%dma_start3A_1403, %mul3A_2] : memref<50x4096xi32, #tpu.memory_space<hbm>> -> memref<50x128xi32, #tpu.memory_space<hbm>>
      tpu.enqueue_dma source(%dma_start3A_1404 : memref<50x128xi32, #tpu.memory_space<hbm>>) target(%arg5 : memref<50x128xi32, #tpu.memory_space<vmem>>) target_semaphore(%run_scoped3A : memref<!tpu.dma_semaphore, #tpu.memory_space<semaphore_mem>>)
      %dma_wait3A_1405 = arith.constant 0 : i32
      %dma_wait3A_1406 = tpu.memref_slice %arg3[%dma_wait3A_1405, %mul3A_2] : memref<50x4096xi32, #tpu.memory_space<hbm>> -> memref<50x128xi32, #tpu.memory_space<hbm>>
      %dma_wait3A_1407 = arith.constant 0 : i32
      %dma_wait3A_1408 = tpu.memref_slice %arg3[%dma_wait3A_1407, %mul3A_2] : memref<50x4096xi32, #tpu.memory_space<hbm>> -> memref<50x128xi32, #tpu.memory_space<hbm>>
      tpu.wait_dma2 semaphore(%run_scoped3A : memref<!tpu.dma_semaphore, #tpu.memory_space<semaphore_mem>>) src(%dma_wait3A_1408 : memref<50x128xi32, #tpu.memory_space<hbm>>) dst(%arg5 : memref<50x128xi32, #tpu.memory_space<vmem>>)
      tpu.yield
    }) : () -> ()
    %dma_start3A = arith.constant 0 : i32
    %dma_start3A_3 = arith.constant 0 : i32
    %dma_start3A_4 = tpu.memref_slice %arg5[%dma_start3A, %dma_start3A_3] : memref<50x128xi32, #tpu.memory_space<vmem>> -> memref<1x128xi32, #tpu.memory_space<vmem>>
    %dma_start3A_5 = tpu.memref_squeeze %dma_start3A_4 : memref<1x128xi32, #tpu.memory_space<vmem>> -> memref<128xi32, #tpu.memory_space<vmem>>
    %dma_start3A_6 = arith.constant 0 : i32
    %dma_start3A_7 = arith.constant 0 : i32
    %dma_start3A_8 = tpu.memref_slice %arg2[%dma_start3A_6, %dma_start3A_7] : memref<100000x128xf32, #tpu.memory_space<hbm>> -> memref<100000x128xf32, #tpu.memory_space<hbm>>
    tpu.enqueue_indirect_dma source(%dma_start3A_8 : memref<100000x128xf32, #tpu.memory_space<hbm>>) target(%arg6 : memref<128x128xf32, #tpu.memory_space<vmem>>) offsets(%dma_start3A_5 : memref<128xi32, #tpu.memory_space<vmem>>) semaphore(%arg13 : memref<!tpu.dma_semaphore, #tpu.memory_space<semaphore_mem>>)
    %dma_start3A_9 = arith.constant 1 : i32
    %dma_start3A_10 = arith.constant 0 : i32
    %dma_start3A_11 = tpu.memref_slice %arg5[%dma_start3A_9, %dma_start3A_10] : memref<50x128xi32, #tpu.memory_space<vmem>> -> memref<1x128xi32, #tpu.memory_space<vmem>>
    %dma_start3A_12 = tpu.memref_squeeze %dma_start3A_11 : memref<1x128xi32, #tpu.memory_space<vmem>> -> memref<128xi32, #tpu.memory_space<vmem>>
    %dma_start3A_13 = arith.constant 0 : i32
    %dma_start3A_14 = arith.constant 0 : i32
    %dma_start3A_15 = tpu.memref_slice %arg2[%dma_start3A_13, %dma_start3A_14] : memref<100000x128xf32, #tpu.memory_space<hbm>> -> memref<100000x128xf32, #tpu.memory_space<hbm>>
    tpu.enqueue_indirect_dma source(%dma_start3A_15 : memref<100000x128xf32, #tpu.memory_space<hbm>>) target(%arg7 : memref<128x128xf32, #tpu.memory_space<vmem>>) offsets(%dma_start3A_12 : memref<128xi32, #tpu.memory_space<vmem>>) semaphore(%arg14 : memref<!tpu.dma_semaphore, #tpu.memory_space<semaphore_mem>>)
    %dma_start3A_16 = arith.constant 2 : i32
    %dma_start3A_17 = arith.constant 0 : i32
    %dma_start3A_18 = tpu.memref_slice %arg5[%dma_start3A_16, %dma_start3A_17] : memref<50x128xi32, #tpu.memory_space<vmem>> -> memref<1x128xi32, #tpu.memory_space<vmem>>
    %dma_start3A_19 = tpu.memref_squeeze %dma_start3A_18 : memref<1x128xi32, #tpu.memory_space<vmem>> -> memref<128xi32, #tpu.memory_space<vmem>>
    %dma_start3A_20 = arith.constant 0 : i32
    %dma_start3A_21 = arith.constant 0 : i32
    %dma_start3A_22 = tpu.memref_slice %arg2[%dma_start3A_20, %dma_start3A_21] : memref<100000x128xf32, #tpu.memory_space<hbm>> -> memref<100000x128xf32, #tpu.memory_space<hbm>>
    tpu.enqueue_indirect_dma source(%dma_start3A_22 : memref<100000x128xf32, #tpu.memory_space<hbm>>) target(%arg8 : memref<128x128xf32, #tpu.memory_space<vmem>>) offsets(%dma_start3A_19 : memref<128xi32, #tpu.memory_space<vmem>>) semaphore(%arg15 : memref<!tpu.dma_semaphore, #tpu.memory_space<semaphore_mem>>)
    %dma_start3A_23 = arith.constant 3 : i32
    %dma_start3A_24 = arith.constant 0 : i32
    %dma_start3A_25 = tpu.memref_slice %arg5[%dma_start3A_23, %dma_start3A_24] : memref<50x128xi32, #tpu.memory_space<vmem>> -> memref<1x128xi32, #tpu.memory_space<vmem>>
    %dma_start3A_26 = tpu.memref_squeeze %dma_start3A_25 : memref<1x128xi32, #tpu.memory_space<vmem>> -> memref<128xi32, #tpu.memory_space<vmem>>
    %dma_start3A_27 = arith.constant 0 : i32
    %dma_start3A_28 = arith.constant 0 : i32
    %dma_start3A_29 = tpu.memref_slice %arg2[%dma_start3A_27, %dma_start3A_28] : memref<100000x128xf32, #tpu.memory_space<hbm>> -> memref<100000x128xf32, #tpu.memory_space<hbm>>
    tpu.enqueue_indirect_dma source(%dma_start3A_29 : memref<100000x128xf32, #tpu.memory_space<hbm>>) target(%arg9 : memref<128x128xf32, #tpu.memory_space<vmem>>) offsets(%dma_start3A_26 : memref<128xi32, #tpu.memory_space<vmem>>) semaphore(%arg16 : memref<!tpu.dma_semaphore, #tpu.memory_space<semaphore_mem>>)
    %dma_start3A_30 = arith.constant 4 : i32
    %dma_start3A_31 = arith.constant 0 : i32
    %dma_start3A_32 = tpu.memref_slice %arg5[%dma_start3A_30, %dma_start3A_31] : memref<50x128xi32, #tpu.memory_space<vmem>> -> memref<1x128xi32, #tpu.memory_space<vmem>>
    %dma_start3A_33 = tpu.memref_squeeze %dma_start3A_32 : memref<1x128xi32, #tpu.memory_space<vmem>> -> memref<128xi32, #tpu.memory_space<vmem>>
    %dma_start3A_34 = arith.constant 0 : i32
    %dma_start3A_35 = arith.constant 0 : i32
    %dma_start3A_36 = tpu.memref_slice %arg2[%dma_start3A_34, %dma_start3A_35] : memref<100000x128xf32, #tpu.memory_space<hbm>> -> memref<100000x128xf32, #tpu.memory_space<hbm>>
    tpu.enqueue_indirect_dma source(%dma_start3A_36 : memref<100000x128xf32, #tpu.memory_space<hbm>>) target(%arg10 : memref<128x128xf32, #tpu.memory_space<vmem>>) offsets(%dma_start3A_33 : memref<128xi32, #tpu.memory_space<vmem>>) semaphore(%arg17 : memref<!tpu.dma_semaphore, #tpu.memory_space<semaphore_mem>>)
    %dma_start3A_37 = arith.constant 5 : i32
    %dma_start3A_38 = arith.constant 0 : i32
    %dma_start3A_39 = tpu.memref_slice %arg5[%dma_start3A_37, %dma_start3A_38] : memref<50x128xi32, #tpu.memory_space<vmem>> -> memref<1x128xi32, #tpu.memory_space<vmem>>
    %dma_start3A_40 = tpu.memref_squeeze %dma_start3A_39 : memref<1x128xi32, #tpu.memory_space<vmem>> -> memref<128xi32, #tpu.memory_space<vmem>>
    %dma_start3A_41 = arith.constant 0 : i32
    %dma_start3A_42 = arith.constant 0 : i32
    %dma_start3A_43 = tpu.memref_slice %arg2[%dma_start3A_41, %dma_start3A_42] : memref<100000x128xf32, #tpu.memory_space<hbm>> -> memref<100000x128xf32, #tpu.memory_space<hbm>>
    tpu.enqueue_indirect_dma source(%dma_start3A_43 : memref<100000x128xf32, #tpu.memory_space<hbm>>) target(%arg11 : memref<128x128xf32, #tpu.memory_space<vmem>>) offsets(%dma_start3A_40 : memref<128xi32, #tpu.memory_space<vmem>>) semaphore(%arg18 : memref<!tpu.dma_semaphore, #tpu.memory_space<semaphore_mem>>)
    %dma_wait3A = arith.constant 0 : i32
    %dma_wait3A_44 = arith.constant 0 : i32
    %dma_wait3A_45 = tpu.memref_slice %arg5[%dma_wait3A, %dma_wait3A_44] : memref<50x128xi32, #tpu.memory_space<vmem>> -> memref<1x128xi32, #tpu.memory_space<vmem>>
    %dma_wait3A_46 = tpu.memref_squeeze %dma_wait3A_45 : memref<1x128xi32, #tpu.memory_space<vmem>> -> memref<128xi32, #tpu.memory_space<vmem>>
    %dma_wait3A_47 = arith.constant 0 : i32
    %dma_wait3A_48 = arith.constant 0 : i32
    %dma_wait3A_49 = tpu.memref_slice %arg2[%dma_wait3A_47, %dma_wait3A_48] : memref<100000x128xf32, #tpu.memory_space<hbm>> -> memref<100000x128xf32, #tpu.memory_space<hbm>>
    tpu.wait_indirect_dma semaphore(%arg13 : memref<!tpu.dma_semaphore, #tpu.memory_space<semaphore_mem>>) src(%dma_wait3A_49 : memref<100000x128xf32, #tpu.memory_space<hbm>>) dst(%arg6 : memref<128x128xf32, #tpu.memory_space<vmem>>)
    %dma_start3A_50 = arith.constant 0 : i32
    %dma_start3A_51 = arith.constant 0 : i32
    %dma_start3A_52 = tpu.memref_slice %arg4[%dma_start3A_50, %mul3A_2, %dma_start3A_51] : memref<50x4096x128xf32, #tpu.memory_space<hbm>> -> memref<1x128x128xf32, #tpu.memory_space<hbm>>
    %dma_start3A_53 = tpu.memref_squeeze %dma_start3A_52 : memref<1x128x128xf32, #tpu.memory_space<hbm>> -> memref<128x128xf32, #tpu.memory_space<hbm>>
    %dma_start3A_54 = arith.constant 0 : i32
    %dma_start3A_55 = tpu.memref_slice %arg4[%dma_start3A_50, %mul3A_2, %dma_start3A_54] : memref<50x4096x128xf32, #tpu.memory_space<hbm>> -> memref<1x128x128xf32, #tpu.memory_space<hbm>>
    %dma_start3A_56 = tpu.memref_squeeze %dma_start3A_55 : memref<1x128x128xf32, #tpu.memory_space<hbm>> -> memref<128x128xf32, #tpu.memory_space<hbm>>
    tpu.enqueue_dma source(%arg6 : memref<128x128xf32, #tpu.memory_space<vmem>>) target(%dma_start3A_56 : memref<128x128xf32, #tpu.memory_space<hbm>>) target_semaphore(%arg20 : memref<!tpu.dma_semaphore, #tpu.memory_space<semaphore_mem>>)
    %dma_start3A_57 = arith.constant 6 : i32
    %dma_start3A_58 = arith.constant 0 : i32
    %dma_start3A_59 = tpu.memref_slice %arg5[%dma_start3A_57, %dma_start3A_58] : memref<50x128xi32, #tpu.memory_space<vmem>> -> memref<1x128xi32, #tpu.memory_space<vmem>>
    %dma_start3A_60 = tpu.memref_squeeze %dma_start3A_59 : memref<1x128xi32, #tpu.memory_space<vmem>> -> memref<128xi32, #tpu.memory_space<vmem>>
    %dma_start3A_61 = arith.constant 0 : i32
    %dma_start3A_62 = arith.constant 0 : i32
    %dma_start3A_63 = tpu.memref_slice %arg2[%dma_start3A_61, %dma_start3A_62] : memref<100000x128xf32, #tpu.memory_space<hbm>> -> memref<100000x128xf32, #tpu.memory_space<hbm>>
    tpu.enqueue_indirect_dma source(%dma_start3A_63 : memref<100000x128xf32, #tpu.memory_space<hbm>>) target(%arg12 : memref<128x128xf32, #tpu.memory_space<vmem>>) offsets(%dma_start3A_60 : memref<128xi32, #tpu.memory_space<vmem>>) semaphore(%arg19 : memref<!tpu.dma_semaphore, #tpu.memory_space<semaphore_mem>>)
    %dma_wait3A_64 = arith.constant 1 : i32
    %dma_wait3A_65 = arith.constant 0 : i32
    %dma_wait3A_66 = tpu.memref_slice %arg5[%dma_wait3A_64, %dma_wait3A_65] : memref<50x128xi32, #tpu.memory_space<vmem>> -> memref<1x128xi32, #tpu.memory_space<vmem>>
    %dma_wait3A_67 = tpu.memref_squeeze %dma_wait3A_66 : memref<1x128xi32, #tpu.memory_space<vmem>> -> memref<128xi32, #tpu.memory_space<vmem>>
    %dma_wait3A_68 = arith.constant 0 : i32
    %dma_wait3A_69 = arith.constant 0 : i32
    %dma_wait3A_70 = tpu.memref_slice %arg2[%dma_wait3A_68, %dma_wait3A_69] : memref<100000x128xf32, #tpu.memory_space<hbm>> -> memref<100000x128xf32, #tpu.memory_space<hbm>>
    tpu.wait_indirect_dma semaphore(%arg14 : memref<!tpu.dma_semaphore, #tpu.memory_space<semaphore_mem>>) src(%dma_wait3A_70 : memref<100000x128xf32, #tpu.memory_space<hbm>>) dst(%arg7 : memref<128x128xf32, #tpu.memory_space<vmem>>)
    %dma_start3A_71 = arith.constant 1 : i32
    %dma_start3A_72 = arith.constant 0 : i32
    %dma_start3A_73 = tpu.memref_slice %arg4[%dma_start3A_71, %mul3A_2, %dma_start3A_72] : memref<50x4096x128xf32, #tpu.memory_space<hbm>> -> memref<1x128x128xf32, #tpu.memory_space<hbm>>
    %dma_start3A_74 = tpu.memref_squeeze %dma_start3A_73 : memref<1x128x128xf32, #tpu.memory_space<hbm>> -> memref<128x128xf32, #tpu.memory_space<hbm>>
    %dma_start3A_75 = arith.constant 0 : i32
    %dma_start3A_76 = tpu.memref_slice %arg4[%dma_start3A_71, %mul3A_2, %dma_start3A_75] : memref<50x4096x128xf32, #tpu.memory_space<hbm>> -> memref<1x128x128xf32, #tpu.memory_space<hbm>>
    %dma_start3A_77 = tpu.memref_squeeze %dma_start3A_76 : memref<1x128x128xf32, #tpu.memory_space<hbm>> -> memref<128x128xf32, #tpu.memory_space<hbm>>
    tpu.enqueue_dma source(%arg7 : memref<128x128xf32, #tpu.memory_space<vmem>>) target(%dma_start3A_77 : memref<128x128xf32, #tpu.memory_space<hbm>>) target_semaphore(%arg21 : memref<!tpu.dma_semaphore, #tpu.memory_space<semaphore_mem>>)
    %dma_wait3A_78 = arith.constant 0 : i32
    %dma_wait3A_79 = arith.constant 0 : i32
    %dma_wait3A_80 = tpu.memref_slice %arg4[%dma_wait3A_78, %mul3A_2, %dma_wait3A_79] : memref<50x4096x128xf32, #tpu.memory_space<hbm>> -> memref<1x128x128xf32, #tpu.memory_space<hbm>>
    %dma_wait3A_81 = tpu.memref_squeeze %dma_wait3A_80 : memref<1x128x128xf32, #tpu.memory_space<hbm>> -> memref<128x128xf32, #tpu.memory_space<hbm>>
    %dma_wait3A_82 = arith.constant 0 : i32
    %dma_wait3A_83 = tpu.memref_slice %arg4[%dma_wait3A_78, %mul3A_2, %dma_wait3A_82] : memref<50x4096x128xf32, #tpu.memory_space<hbm>> -> memref<1x128x128xf32, #tpu.memory_space<hbm>>
    %dma_wait3A_84 = tpu.memref_squeeze %dma_wait3A_83 : memref<1x128x128xf32, #tpu.memory_space<hbm>> -> memref<128x128xf32, #tpu.memory_space<hbm>>
    tpu.wait_dma2 semaphore(%arg20 : memref<!tpu.dma_semaphore, #tpu.memory_space<semaphore_mem>>) src(%arg6 : memref<128x128xf32, #tpu.memory_space<vmem>>) dst(%dma_wait3A_84 : memref<128x128xf32, #tpu.memory_space<hbm>>)
    %dma_start3A_85 = arith.constant 7 : i32
    %dma_start3A_86 = arith.constant 0 : i32
    %dma_start3A_87 = tpu.memref_slice %arg5[%dma_start3A_85, %dma_start3A_86] : memref<50x128xi32, #tpu.memory_space<vmem>> -> memref<1x128xi32, #tpu.memory_space<vmem>>
    %dma_start3A_88 = tpu.memref_squeeze %dma_start3A_87 : memref<1x128xi32, #tpu.memory_space<vmem>> -> memref<128xi32, #tpu.memory_space<vmem>>
    %dma_start3A_89 = arith.constant 0 : i32
    %dma_start3A_90 = arith.constant 0 : i32
    %dma_start3A_91 = tpu.memref_slice %arg2[%dma_start3A_89, %dma_start3A_90] : memref<100000x128xf32, #tpu.memory_space<hbm>> -> memref<100000x128xf32, #tpu.memory_space<hbm>>
    tpu.enqueue_indirect_dma source(%dma_start3A_91 : memref<100000x128xf32, #tpu.memory_space<hbm>>) target(%arg6 : memref<128x128xf32, #tpu.memory_space<vmem>>) offsets(%dma_start3A_88 : memref<128xi32, #tpu.memory_space<vmem>>) semaphore(%arg13 : memref<!tpu.dma_semaphore, #tpu.memory_space<semaphore_mem>>)
    %dma_wait3A_92 = arith.constant 2 : i32
    %dma_wait3A_93 = arith.constant 0 : i32
    %dma_wait3A_94 = tpu.memref_slice %arg5[%dma_wait3A_92, %dma_wait3A_93] : memref<50x128xi32, #tpu.memory_space<vmem>> -> memref<1x128xi32, #tpu.memory_space<vmem>>
    %dma_wait3A_95 = tpu.memref_squeeze %dma_wait3A_94 : memref<1x128xi32, #tpu.memory_space<vmem>> -> memref<128xi32, #tpu.memory_space<vmem>>
    %dma_wait3A_96 = arith.constant 0 : i32
    %dma_wait3A_97 = arith.constant 0 : i32
    %dma_wait3A_98 = tpu.memref_slice %arg2[%dma_wait3A_96, %dma_wait3A_97] : memref<100000x128xf32, #tpu.memory_space<hbm>> -> memref<100000x128xf32, #tpu.memory_space<hbm>>
    tpu.wait_indirect_dma semaphore(%arg15 : memref<!tpu.dma_semaphore, #tpu.memory_space<semaphore_mem>>) src(%dma_wait3A_98 : memref<100000x128xf32, #tpu.memory_space<hbm>>) dst(%arg8 : memref<128x128xf32, #tpu.memory_space<vmem>>)
    %dma_start3A_99 = arith.constant 2 : i32
    %dma_start3A_100 = arith.constant 0 : i32
    %dma_start3A_101 = tpu.memref_slice %arg4[%dma_start3A_99, %mul3A_2, %dma_start3A_100] : memref<50x4096x128xf32, #tpu.memory_space<hbm>> -> memref<1x128x128xf32, #tpu.memory_space<hbm>>
    %dma_start3A_102 = tpu.memref_squeeze %dma_start3A_101 : memref<1x128x128xf32, #tpu.memory_space<hbm>> -> memref<128x128xf32, #tpu.memory_space<hbm>>
    %dma_start3A_103 = arith.constant 0 : i32
    %dma_start3A_104 = tpu.memref_slice %arg4[%dma_start3A_99, %mul3A_2, %dma_start3A_103] : memref<50x4096x128xf32, #tpu.memory_space<hbm>> -> memref<1x128x128xf32, #tpu.memory_space<hbm>>
    %dma_start3A_105 = tpu.memref_squeeze %dma_start3A_104 : memref<1x128x128xf32, #tpu.memory_space<hbm>> -> memref<128x128xf32, #tpu.memory_space<hbm>>
    tpu.enqueue_dma source(%arg8 : memref<128x128xf32, #tpu.memory_space<vmem>>) target(%dma_start3A_105 : memref<128x128xf32, #tpu.memory_space<hbm>>) target_semaphore(%arg22 : memref<!tpu.dma_semaphore, #tpu.memory_space<semaphore_mem>>)
    %dma_wait3A_106 = arith.constant 1 : i32
    %dma_wait3A_107 = arith.constant 0 : i32
    %dma_wait3A_108 = tpu.memref_slice %arg4[%dma_wait3A_106, %mul3A_2, %dma_wait3A_107] : memref<50x4096x128xf32, #tpu.memory_space<hbm>> -> memref<1x128x128xf32, #tpu.memory_space<hbm>>
    %dma_wait3A_109 = tpu.memref_squeeze %dma_wait3A_108 : memref<1x128x128xf32, #tpu.memory_space<hbm>> -> memref<128x128xf32, #tpu.memory_space<hbm>>
    %dma_wait3A_110 = arith.constant 0 : i32
    %dma_wait3A_111 = tpu.memref_slice %arg4[%dma_wait3A_106, %mul3A_2, %dma_wait3A_110] : memref<50x4096x128xf32, #tpu.memory_space<hbm>> -> memref<1x128x128xf32, #tpu.memory_space<hbm>>
    %dma_wait3A_112 = tpu.memref_squeeze %dma_wait3A_111 : memref<1x128x128xf32, #tpu.memory_space<hbm>> -> memref<128x128xf32, #tpu.memory_space<hbm>>
    tpu.wait_dma2 semaphore(%arg21 : memref<!tpu.dma_semaphore, #tpu.memory_space<semaphore_mem>>) src(%arg7 : memref<128x128xf32, #tpu.memory_space<vmem>>) dst(%dma_wait3A_112 : memref<128x128xf32, #tpu.memory_space<hbm>>)
    %dma_start3A_113 = arith.constant 8 : i32
    %dma_start3A_114 = arith.constant 0 : i32
    %dma_start3A_115 = tpu.memref_slice %arg5[%dma_start3A_113, %dma_start3A_114] : memref<50x128xi32, #tpu.memory_space<vmem>> -> memref<1x128xi32, #tpu.memory_space<vmem>>
    %dma_start3A_116 = tpu.memref_squeeze %dma_start3A_115 : memref<1x128xi32, #tpu.memory_space<vmem>> -> memref<128xi32, #tpu.memory_space<vmem>>
    %dma_start3A_117 = arith.constant 0 : i32
    %dma_start3A_118 = arith.constant 0 : i32
    %dma_start3A_119 = tpu.memref_slice %arg2[%dma_start3A_117, %dma_start3A_118] : memref<100000x128xf32, #tpu.memory_space<hbm>> -> memref<100000x128xf32, #tpu.memory_space<hbm>>
    tpu.enqueue_indirect_dma source(%dma_start3A_119 : memref<100000x128xf32, #tpu.memory_space<hbm>>) target(%arg7 : memref<128x128xf32, #tpu.memory_space<vmem>>) offsets(%dma_start3A_116 : memref<128xi32, #tpu.memory_space<vmem>>) semaphore(%arg14 : memref<!tpu.dma_semaphore, #tpu.memory_space<semaphore_mem>>)
    %dma_wait3A_120 = arith.constant 3 : i32
    %dma_wait3A_121 = arith.constant 0 : i32
    %dma_wait3A_122 = tpu.memref_slice %arg5[%dma_wait3A_120, %dma_wait3A_121] : memref<50x128xi32, #tpu.memory_space<vmem>> -> memref<1x128xi32, #tpu.memory_space<vmem>>
    %dma_wait3A_123 = tpu.memref_squeeze %dma_wait3A_122 : memref<1x128xi32, #tpu.memory_space<vmem>> -> memref<128xi32, #tpu.memory_space<vmem>>
    %dma_wait3A_124 = arith.constant 0 : i32
    %dma_wait3A_125 = arith.constant 0 : i32
    %dma_wait3A_126 = tpu.memref_slice %arg2[%dma_wait3A_124, %dma_wait3A_125] : memref<100000x128xf32, #tpu.memory_space<hbm>> -> memref<100000x128xf32, #tpu.memory_space<hbm>>
    tpu.wait_indirect_dma semaphore(%arg16 : memref<!tpu.dma_semaphore, #tpu.memory_space<semaphore_mem>>) src(%dma_wait3A_126 : memref<100000x128xf32, #tpu.memory_space<hbm>>) dst(%arg9 : memref<128x128xf32, #tpu.memory_space<vmem>>)
    %dma_start3A_127 = arith.constant 3 : i32
    %dma_start3A_128 = arith.constant 0 : i32
    %dma_start3A_129 = tpu.memref_slice %arg4[%dma_start3A_127, %mul3A_2, %dma_start3A_128] : memref<50x4096x128xf32, #tpu.memory_space<hbm>> -> memref<1x128x128xf32, #tpu.memory_space<hbm>>
    %dma_start3A_130 = tpu.memref_squeeze %dma_start3A_129 : memref<1x128x128xf32, #tpu.memory_space<hbm>> -> memref<128x128xf32, #tpu.memory_space<hbm>>
    %dma_start3A_131 = arith.constant 0 : i32
    %dma_start3A_132 = tpu.memref_slice %arg4[%dma_start3A_127, %mul3A_2, %dma_start3A_131] : memref<50x4096x128xf32, #tpu.memory_space<hbm>> -> memref<1x128x128xf32, #tpu.memory_space<hbm>>
    %dma_start3A_133 = tpu.memref_squeeze %dma_start3A_132 : memref<1x128x128xf32, #tpu.memory_space<hbm>> -> memref<128x128xf32, #tpu.memory_space<hbm>>
    tpu.enqueue_dma source(%arg9 : memref<128x128xf32, #tpu.memory_space<vmem>>) target(%dma_start3A_133 : memref<128x128xf32, #tpu.memory_space<hbm>>) target_semaphore(%arg23 : memref<!tpu.dma_semaphore, #tpu.memory_space<semaphore_mem>>)
    %dma_wait3A_134 = arith.constant 2 : i32
    %dma_wait3A_135 = arith.constant 0 : i32
    %dma_wait3A_136 = tpu.memref_slice %arg4[%dma_wait3A_134, %mul3A_2, %dma_wait3A_135] : memref<50x4096x128xf32, #tpu.memory_space<hbm>> -> memref<1x128x128xf32, #tpu.memory_space<hbm>>
    %dma_wait3A_137 = tpu.memref_squeeze %dma_wait3A_136 : memref<1x128x128xf32, #tpu.memory_space<hbm>> -> memref<128x128xf32, #tpu.memory_space<hbm>>
    %dma_wait3A_138 = arith.constant 0 : i32
    %dma_wait3A_139 = tpu.memref_slice %arg4[%dma_wait3A_134, %mul3A_2, %dma_wait3A_138] : memref<50x4096x128xf32, #tpu.memory_space<hbm>> -> memref<1x128x128xf32, #tpu.memory_space<hbm>>
    %dma_wait3A_140 = tpu.memref_squeeze %dma_wait3A_139 : memref<1x128x128xf32, #tpu.memory_space<hbm>> -> memref<128x128xf32, #tpu.memory_space<hbm>>
    tpu.wait_dma2 semaphore(%arg22 : memref<!tpu.dma_semaphore, #tpu.memory_space<semaphore_mem>>) src(%arg8 : memref<128x128xf32, #tpu.memory_space<vmem>>) dst(%dma_wait3A_140 : memref<128x128xf32, #tpu.memory_space<hbm>>)
    %dma_start3A_141 = arith.constant 9 : i32
    %dma_start3A_142 = arith.constant 0 : i32
    %dma_start3A_143 = tpu.memref_slice %arg5[%dma_start3A_141, %dma_start3A_142] : memref<50x128xi32, #tpu.memory_space<vmem>> -> memref<1x128xi32, #tpu.memory_space<vmem>>
    %dma_start3A_144 = tpu.memref_squeeze %dma_start3A_143 : memref<1x128xi32, #tpu.memory_space<vmem>> -> memref<128xi32, #tpu.memory_space<vmem>>
    %dma_start3A_145 = arith.constant 0 : i32
    %dma_start3A_146 = arith.constant 0 : i32
    %dma_start3A_147 = tpu.memref_slice %arg2[%dma_start3A_145, %dma_start3A_146] : memref<100000x128xf32, #tpu.memory_space<hbm>> -> memref<100000x128xf32, #tpu.memory_space<hbm>>
    tpu.enqueue_indirect_dma source(%dma_start3A_147 : memref<100000x128xf32, #tpu.memory_space<hbm>>) target(%arg8 : memref<128x128xf32, #tpu.memory_space<vmem>>) offsets(%dma_start3A_144 : memref<128xi32, #tpu.memory_space<vmem>>) semaphore(%arg15 : memref<!tpu.dma_semaphore, #tpu.memory_space<semaphore_mem>>)
    %dma_wait3A_148 = arith.constant 4 : i32
    %dma_wait3A_149 = arith.constant 0 : i32
    %dma_wait3A_150 = tpu.memref_slice %arg5[%dma_wait3A_148, %dma_wait3A_149] : memref<50x128xi32, #tpu.memory_space<vmem>> -> memref<1x128xi32, #tpu.memory_space<vmem>>
    %dma_wait3A_151 = tpu.memref_squeeze %dma_wait3A_150 : memref<1x128xi32, #tpu.memory_space<vmem>> -> memref<128xi32, #tpu.memory_space<vmem>>
    %dma_wait3A_152 = arith.constant 0 : i32
    %dma_wait3A_153 = arith.constant 0 : i32
    %dma_wait3A_154 = tpu.memref_slice %arg2[%dma_wait3A_152, %dma_wait3A_153] : memref<100000x128xf32, #tpu.memory_space<hbm>> -> memref<100000x128xf32, #tpu.memory_space<hbm>>
    tpu.wait_indirect_dma semaphore(%arg17 : memref<!tpu.dma_semaphore, #tpu.memory_space<semaphore_mem>>) src(%dma_wait3A_154 : memref<100000x128xf32, #tpu.memory_space<hbm>>) dst(%arg10 : memref<128x128xf32, #tpu.memory_space<vmem>>)
    %dma_start3A_155 = arith.constant 4 : i32
    %dma_start3A_156 = arith.constant 0 : i32
    %dma_start3A_157 = tpu.memref_slice %arg4[%dma_start3A_155, %mul3A_2, %dma_start3A_156] : memref<50x4096x128xf32, #tpu.memory_space<hbm>> -> memref<1x128x128xf32, #tpu.memory_space<hbm>>
    %dma_start3A_158 = tpu.memref_squeeze %dma_start3A_157 : memref<1x128x128xf32, #tpu.memory_space<hbm>> -> memref<128x128xf32, #tpu.memory_space<hbm>>
    %dma_start3A_159 = arith.constant 0 : i32
    %dma_start3A_160 = tpu.memref_slice %arg4[%dma_start3A_155, %mul3A_2, %dma_start3A_159] : memref<50x4096x128xf32, #tpu.memory_space<hbm>> -> memref<1x128x128xf32, #tpu.memory_space<hbm>>
    %dma_start3A_161 = tpu.memref_squeeze %dma_start3A_160 : memref<1x128x128xf32, #tpu.memory_space<hbm>> -> memref<128x128xf32, #tpu.memory_space<hbm>>
    tpu.enqueue_dma source(%arg10 : memref<128x128xf32, #tpu.memory_space<vmem>>) target(%dma_start3A_161 : memref<128x128xf32, #tpu.memory_space<hbm>>) target_semaphore(%arg24 : memref<!tpu.dma_semaphore, #tpu.memory_space<semaphore_mem>>)
    %dma_wait3A_162 = arith.constant 3 : i32
    %dma_wait3A_163 = arith.constant 0 : i32
    %dma_wait3A_164 = tpu.memref_slice %arg4[%dma_wait3A_162, %mul3A_2, %dma_wait3A_163] : memref<50x4096x128xf32, #tpu.memory_space<hbm>> -> memref<1x128x128xf32, #tpu.memory_space<hbm>>
    %dma_wait3A_165 = tpu.memref_squeeze %dma_wait3A_164 : memref<1x128x128xf32, #tpu.memory_space<hbm>> -> memref<128x128xf32, #tpu.memory_space<hbm>>
    %dma_wait3A_166 = arith.constant 0 : i32
    %dma_wait3A_167 = tpu.memref_slice %arg4[%dma_wait3A_162, %mul3A_2, %dma_wait3A_166] : memref<50x4096x128xf32, #tpu.memory_space<hbm>> -> memref<1x128x128xf32, #tpu.memory_space<hbm>>
    %dma_wait3A_168 = tpu.memref_squeeze %dma_wait3A_167 : memref<1x128x128xf32, #tpu.memory_space<hbm>> -> memref<128x128xf32, #tpu.memory_space<hbm>>
    tpu.wait_dma2 semaphore(%arg23 : memref<!tpu.dma_semaphore, #tpu.memory_space<semaphore_mem>>) src(%arg9 : memref<128x128xf32, #tpu.memory_space<vmem>>) dst(%dma_wait3A_168 : memref<128x128xf32, #tpu.memory_space<hbm>>)
    %dma_start3A_169 = arith.constant 10 : i32
    %dma_start3A_170 = arith.constant 0 : i32
    %dma_start3A_171 = tpu.memref_slice %arg5[%dma_start3A_169, %dma_start3A_170] : memref<50x128xi32, #tpu.memory_space<vmem>> -> memref<1x128xi32, #tpu.memory_space<vmem>>
    %dma_start3A_172 = tpu.memref_squeeze %dma_start3A_171 : memref<1x128xi32, #tpu.memory_space<vmem>> -> memref<128xi32, #tpu.memory_space<vmem>>
    %dma_start3A_173 = arith.constant 0 : i32
    %dma_start3A_174 = arith.constant 0 : i32
    %dma_start3A_175 = tpu.memref_slice %arg2[%dma_start3A_173, %dma_start3A_174] : memref<100000x128xf32, #tpu.memory_space<hbm>> -> memref<100000x128xf32, #tpu.memory_space<hbm>>
    tpu.enqueue_indirect_dma source(%dma_start3A_175 : memref<100000x128xf32, #tpu.memory_space<hbm>>) target(%arg9 : memref<128x128xf32, #tpu.memory_space<vmem>>) offsets(%dma_start3A_172 : memref<128xi32, #tpu.memory_space<vmem>>) semaphore(%arg16 : memref<!tpu.dma_semaphore, #tpu.memory_space<semaphore_mem>>)
    %dma_wait3A_176 = arith.constant 5 : i32
    %dma_wait3A_177 = arith.constant 0 : i32
    %dma_wait3A_178 = tpu.memref_slice %arg5[%dma_wait3A_176, %dma_wait3A_177] : memref<50x128xi32, #tpu.memory_space<vmem>> -> memref<1x128xi32, #tpu.memory_space<vmem>>
    %dma_wait3A_179 = tpu.memref_squeeze %dma_wait3A_178 : memref<1x128xi32, #tpu.memory_space<vmem>> -> memref<128xi32, #tpu.memory_space<vmem>>
    %dma_wait3A_180 = arith.constant 0 : i32
    %dma_wait3A_181 = arith.constant 0 : i32
    %dma_wait3A_182 = tpu.memref_slice %arg2[%dma_wait3A_180, %dma_wait3A_181] : memref<100000x128xf32, #tpu.memory_space<hbm>> -> memref<100000x128xf32, #tpu.memory_space<hbm>>
    tpu.wait_indirect_dma semaphore(%arg18 : memref<!tpu.dma_semaphore, #tpu.memory_space<semaphore_mem>>) src(%dma_wait3A_182 : memref<100000x128xf32, #tpu.memory_space<hbm>>) dst(%arg11 : memref<128x128xf32, #tpu.memory_space<vmem>>)
    %dma_start3A_183 = arith.constant 5 : i32
    %dma_start3A_184 = arith.constant 0 : i32
    %dma_start3A_185 = tpu.memref_slice %arg4[%dma_start3A_183, %mul3A_2, %dma_start3A_184] : memref<50x4096x128xf32, #tpu.memory_space<hbm>> -> memref<1x128x128xf32, #tpu.memory_space<hbm>>
    %dma_start3A_186 = tpu.memref_squeeze %dma_start3A_185 : memref<1x128x128xf32, #tpu.memory_space<hbm>> -> memref<128x128xf32, #tpu.memory_space<hbm>>
    %dma_start3A_187 = arith.constant 0 : i32
    %dma_start3A_188 = tpu.memref_slice %arg4[%dma_start3A_183, %mul3A_2, %dma_start3A_187] : memref<50x4096x128xf32, #tpu.memory_space<hbm>> -> memref<1x128x128xf32, #tpu.memory_space<hbm>>
    %dma_start3A_189 = tpu.memref_squeeze %dma_start3A_188 : memref<1x128x128xf32, #tpu.memory_space<hbm>> -> memref<128x128xf32, #tpu.memory_space<hbm>>
    tpu.enqueue_dma source(%arg11 : memref<128x128xf32, #tpu.memory_space<vmem>>) target(%dma_start3A_189 : memref<128x128xf32, #tpu.memory_space<hbm>>) target_semaphore(%arg25 : memref<!tpu.dma_semaphore, #tpu.memory_space<semaphore_mem>>)
    %dma_wait3A_190 = arith.constant 4 : i32
    %dma_wait3A_191 = arith.constant 0 : i32
    %dma_wait3A_192 = tpu.memref_slice %arg4[%dma_wait3A_190, %mul3A_2, %dma_wait3A_191] : memref<50x4096x128xf32, #tpu.memory_space<hbm>> -> memref<1x128x128xf32, #tpu.memory_space<hbm>>
    %dma_wait3A_193 = tpu.memref_squeeze %dma_wait3A_192 : memref<1x128x128xf32, #tpu.memory_space<hbm>> -> memref<128x128xf32, #tpu.memory_space<hbm>>
    %dma_wait3A_194 = arith.constant 0 : i32
    %dma_wait3A_195 = tpu.memref_slice %arg4[%dma_wait3A_190, %mul3A_2, %dma_wait3A_194] : memref<50x4096x128xf32, #tpu.memory_space<hbm>> -> memref<1x128x128xf32, #tpu.memory_space<hbm>>
    %dma_wait3A_196 = tpu.memref_squeeze %dma_wait3A_195 : memref<1x128x128xf32, #tpu.memory_space<hbm>> -> memref<128x128xf32, #tpu.memory_space<hbm>>
    tpu.wait_dma2 semaphore(%arg24 : memref<!tpu.dma_semaphore, #tpu.memory_space<semaphore_mem>>) src(%arg10 : memref<128x128xf32, #tpu.memory_space<vmem>>) dst(%dma_wait3A_196 : memref<128x128xf32, #tpu.memory_space<hbm>>)
    %dma_start3A_197 = arith.constant 11 : i32
    %dma_start3A_198 = arith.constant 0 : i32
    %dma_start3A_199 = tpu.memref_slice %arg5[%dma_start3A_197, %dma_start3A_198] : memref<50x128xi32, #tpu.memory_space<vmem>> -> memref<1x128xi32, #tpu.memory_space<vmem>>
    %dma_start3A_200 = tpu.memref_squeeze %dma_start3A_199 : memref<1x128xi32, #tpu.memory_space<vmem>> -> memref<128xi32, #tpu.memory_space<vmem>>
    %dma_start3A_201 = arith.constant 0 : i32
    %dma_start3A_202 = arith.constant 0 : i32
    %dma_start3A_203 = tpu.memref_slice %arg2[%dma_start3A_201, %dma_start3A_202] : memref<100000x128xf32, #tpu.memory_space<hbm>> -> memref<100000x128xf32, #tpu.memory_space<hbm>>
    tpu.enqueue_indirect_dma source(%dma_start3A_203 : memref<100000x128xf32, #tpu.memory_space<hbm>>) target(%arg10 : memref<128x128xf32, #tpu.memory_space<vmem>>) offsets(%dma_start3A_200 : memref<128xi32, #tpu.memory_space<vmem>>) semaphore(%arg17 : memref<!tpu.dma_semaphore, #tpu.memory_space<semaphore_mem>>)
    %dma_wait3A_204 = arith.constant 6 : i32
    %dma_wait3A_205 = arith.constant 0 : i32
    %dma_wait3A_206 = tpu.memref_slice %arg5[%dma_wait3A_204, %dma_wait3A_205] : memref<50x128xi32, #tpu.memory_space<vmem>> -> memref<1x128xi32, #tpu.memory_space<vmem>>
    %dma_wait3A_207 = tpu.memref_squeeze %dma_wait3A_206 : memref<1x128xi32, #tpu.memory_space<vmem>> -> memref<128xi32, #tpu.memory_space<vmem>>
    %dma_wait3A_208 = arith.constant 0 : i32
    %dma_wait3A_209 = arith.constant 0 : i32
    %dma_wait3A_210 = tpu.memref_slice %arg2[%dma_wait3A_208, %dma_wait3A_209] : memref<100000x128xf32, #tpu.memory_space<hbm>> -> memref<100000x128xf32, #tpu.memory_space<hbm>>
    tpu.wait_indirect_dma semaphore(%arg19 : memref<!tpu.dma_semaphore, #tpu.memory_space<semaphore_mem>>) src(%dma_wait3A_210 : memref<100000x128xf32, #tpu.memory_space<hbm>>) dst(%arg12 : memref<128x128xf32, #tpu.memory_space<vmem>>)
    %dma_start3A_211 = arith.constant 6 : i32
    %dma_start3A_212 = arith.constant 0 : i32
    %dma_start3A_213 = tpu.memref_slice %arg4[%dma_start3A_211, %mul3A_2, %dma_start3A_212] : memref<50x4096x128xf32, #tpu.memory_space<hbm>> -> memref<1x128x128xf32, #tpu.memory_space<hbm>>
    %dma_start3A_214 = tpu.memref_squeeze %dma_start3A_213 : memref<1x128x128xf32, #tpu.memory_space<hbm>> -> memref<128x128xf32, #tpu.memory_space<hbm>>
    %dma_start3A_215 = arith.constant 0 : i32
    %dma_start3A_216 = tpu.memref_slice %arg4[%dma_start3A_211, %mul3A_2, %dma_start3A_215] : memref<50x4096x128xf32, #tpu.memory_space<hbm>> -> memref<1x128x128xf32, #tpu.memory_space<hbm>>
    %dma_start3A_217 = tpu.memref_squeeze %dma_start3A_216 : memref<1x128x128xf32, #tpu.memory_space<hbm>> -> memref<128x128xf32, #tpu.memory_space<hbm>>
    tpu.enqueue_dma source(%arg12 : memref<128x128xf32, #tpu.memory_space<vmem>>) target(%dma_start3A_217 : memref<128x128xf32, #tpu.memory_space<hbm>>) target_semaphore(%arg26 : memref<!tpu.dma_semaphore, #tpu.memory_space<semaphore_mem>>)
    %dma_wait3A_218 = arith.constant 5 : i32
    %dma_wait3A_219 = arith.constant 0 : i32
    %dma_wait3A_220 = tpu.memref_slice %arg4[%dma_wait3A_218, %mul3A_2, %dma_wait3A_219] : memref<50x4096x128xf32, #tpu.memory_space<hbm>> -> memref<1x128x128xf32, #tpu.memory_space<hbm>>
    %dma_wait3A_221 = tpu.memref_squeeze %dma_wait3A_220 : memref<1x128x128xf32, #tpu.memory_space<hbm>> -> memref<128x128xf32, #tpu.memory_space<hbm>>
    %dma_wait3A_222 = arith.constant 0 : i32
    %dma_wait3A_223 = tpu.memref_slice %arg4[%dma_wait3A_218, %mul3A_2, %dma_wait3A_222] : memref<50x4096x128xf32, #tpu.memory_space<hbm>> -> memref<1x128x128xf32, #tpu.memory_space<hbm>>
    %dma_wait3A_224 = tpu.memref_squeeze %dma_wait3A_223 : memref<1x128x128xf32, #tpu.memory_space<hbm>> -> memref<128x128xf32, #tpu.memory_space<hbm>>
    tpu.wait_dma2 semaphore(%arg25 : memref<!tpu.dma_semaphore, #tpu.memory_space<semaphore_mem>>) src(%arg11 : memref<128x128xf32, #tpu.memory_space<vmem>>) dst(%dma_wait3A_224 : memref<128x128xf32, #tpu.memory_space<hbm>>)
    %dma_start3A_225 = arith.constant 12 : i32
    %dma_start3A_226 = arith.constant 0 : i32
    %dma_start3A_227 = tpu.memref_slice %arg5[%dma_start3A_225, %dma_start3A_226] : memref<50x128xi32, #tpu.memory_space<vmem>> -> memref<1x128xi32, #tpu.memory_space<vmem>>
    %dma_start3A_228 = tpu.memref_squeeze %dma_start3A_227 : memref<1x128xi32, #tpu.memory_space<vmem>> -> memref<128xi32, #tpu.memory_space<vmem>>
    %dma_start3A_229 = arith.constant 0 : i32
    %dma_start3A_230 = arith.constant 0 : i32
    %dma_start3A_231 = tpu.memref_slice %arg2[%dma_start3A_229, %dma_start3A_230] : memref<100000x128xf32, #tpu.memory_space<hbm>> -> memref<100000x128xf32, #tpu.memory_space<hbm>>
    tpu.enqueue_indirect_dma source(%dma_start3A_231 : memref<100000x128xf32, #tpu.memory_space<hbm>>) target(%arg11 : memref<128x128xf32, #tpu.memory_space<vmem>>) offsets(%dma_start3A_228 : memref<128xi32, #tpu.memory_space<vmem>>) semaphore(%arg18 : memref<!tpu.dma_semaphore, #tpu.memory_space<semaphore_mem>>)
    %dma_wait3A_232 = arith.constant 7 : i32
    %dma_wait3A_233 = arith.constant 0 : i32
    %dma_wait3A_234 = tpu.memref_slice %arg5[%dma_wait3A_232, %dma_wait3A_233] : memref<50x128xi32, #tpu.memory_space<vmem>> -> memref<1x128xi32, #tpu.memory_space<vmem>>
    %dma_wait3A_235 = tpu.memref_squeeze %dma_wait3A_234 : memref<1x128xi32, #tpu.memory_space<vmem>> -> memref<128xi32, #tpu.memory_space<vmem>>
    %dma_wait3A_236 = arith.constant 0 : i32
    %dma_wait3A_237 = arith.constant 0 : i32
    %dma_wait3A_238 = tpu.memref_slice %arg2[%dma_wait3A_236, %dma_wait3A_237] : memref<100000x128xf32, #tpu.memory_space<hbm>> -> memref<100000x128xf32, #tpu.memory_space<hbm>>
    tpu.wait_indirect_dma semaphore(%arg13 : memref<!tpu.dma_semaphore, #tpu.memory_space<semaphore_mem>>) src(%dma_wait3A_238 : memref<100000x128xf32, #tpu.memory_space<hbm>>) dst(%arg6 : memref<128x128xf32, #tpu.memory_space<vmem>>)
    %dma_start3A_239 = arith.constant 7 : i32
    %dma_start3A_240 = arith.constant 0 : i32
    %dma_start3A_241 = tpu.memref_slice %arg4[%dma_start3A_239, %mul3A_2, %dma_start3A_240] : memref<50x4096x128xf32, #tpu.memory_space<hbm>> -> memref<1x128x128xf32, #tpu.memory_space<hbm>>
    %dma_start3A_242 = tpu.memref_squeeze %dma_start3A_241 : memref<1x128x128xf32, #tpu.memory_space<hbm>> -> memref<128x128xf32, #tpu.memory_space<hbm>>
    %dma_start3A_243 = arith.constant 0 : i32
    %dma_start3A_244 = tpu.memref_slice %arg4[%dma_start3A_239, %mul3A_2, %dma_start3A_243] : memref<50x4096x128xf32, #tpu.memory_space<hbm>> -> memref<1x128x128xf32, #tpu.memory_space<hbm>>
    %dma_start3A_245 = tpu.memref_squeeze %dma_start3A_244 : memref<1x128x128xf32, #tpu.memory_space<hbm>> -> memref<128x128xf32, #tpu.memory_space<hbm>>
    tpu.enqueue_dma source(%arg6 : memref<128x128xf32, #tpu.memory_space<vmem>>) target(%dma_start3A_245 : memref<128x128xf32, #tpu.memory_space<hbm>>) target_semaphore(%arg20 : memref<!tpu.dma_semaphore, #tpu.memory_space<semaphore_mem>>)
    %dma_wait3A_246 = arith.constant 6 : i32
    %dma_wait3A_247 = arith.constant 0 : i32
    %dma_wait3A_248 = tpu.memref_slice %arg4[%dma_wait3A_246, %mul3A_2, %dma_wait3A_247] : memref<50x4096x128xf32, #tpu.memory_space<hbm>> -> memref<1x128x128xf32, #tpu.memory_space<hbm>>
    %dma_wait3A_249 = tpu.memref_squeeze %dma_wait3A_248 : memref<1x128x128xf32, #tpu.memory_space<hbm>> -> memref<128x128xf32, #tpu.memory_space<hbm>>
    %dma_wait3A_250 = arith.constant 0 : i32
    %dma_wait3A_251 = tpu.memref_slice %arg4[%dma_wait3A_246, %mul3A_2, %dma_wait3A_250] : memref<50x4096x128xf32, #tpu.memory_space<hbm>> -> memref<1x128x128xf32, #tpu.memory_space<hbm>>
    %dma_wait3A_252 = tpu.memref_squeeze %dma_wait3A_251 : memref<1x128x128xf32, #tpu.memory_space<hbm>> -> memref<128x128xf32, #tpu.memory_space<hbm>>
    tpu.wait_dma2 semaphore(%arg26 : memref<!tpu.dma_semaphore, #tpu.memory_space<semaphore_mem>>) src(%arg12 : memref<128x128xf32, #tpu.memory_space<vmem>>) dst(%dma_wait3A_252 : memref<128x128xf32, #tpu.memory_space<hbm>>)
    %dma_start3A_253 = arith.constant 13 : i32
    %dma_start3A_254 = arith.constant 0 : i32
    %dma_start3A_255 = tpu.memref_slice %arg5[%dma_start3A_253, %dma_start3A_254] : memref<50x128xi32, #tpu.memory_space<vmem>> -> memref<1x128xi32, #tpu.memory_space<vmem>>
    %dma_start3A_256 = tpu.memref_squeeze %dma_start3A_255 : memref<1x128xi32, #tpu.memory_space<vmem>> -> memref<128xi32, #tpu.memory_space<vmem>>
    %dma_start3A_257 = arith.constant 0 : i32
    %dma_start3A_258 = arith.constant 0 : i32
    %dma_start3A_259 = tpu.memref_slice %arg2[%dma_start3A_257, %dma_start3A_258] : memref<100000x128xf32, #tpu.memory_space<hbm>> -> memref<100000x128xf32, #tpu.memory_space<hbm>>
    tpu.enqueue_indirect_dma source(%dma_start3A_259 : memref<100000x128xf32, #tpu.memory_space<hbm>>) target(%arg12 : memref<128x128xf32, #tpu.memory_space<vmem>>) offsets(%dma_start3A_256 : memref<128xi32, #tpu.memory_space<vmem>>) semaphore(%arg19 : memref<!tpu.dma_semaphore, #tpu.memory_space<semaphore_mem>>)
    %dma_wait3A_260 = arith.constant 8 : i32
    %dma_wait3A_261 = arith.constant 0 : i32
    %dma_wait3A_262 = tpu.memref_slice %arg5[%dma_wait3A_260, %dma_wait3A_261] : memref<50x128xi32, #tpu.memory_space<vmem>> -> memref<1x128xi32, #tpu.memory_space<vmem>>
    %dma_wait3A_263 = tpu.memref_squeeze %dma_wait3A_262 : memref<1x128xi32, #tpu.memory_space<vmem>> -> memref<128xi32, #tpu.memory_space<vmem>>
    %dma_wait3A_264 = arith.constant 0 : i32
    %dma_wait3A_265 = arith.constant 0 : i32
    %dma_wait3A_266 = tpu.memref_slice %arg2[%dma_wait3A_264, %dma_wait3A_265] : memref<100000x128xf32, #tpu.memory_space<hbm>> -> memref<100000x128xf32, #tpu.memory_space<hbm>>
    tpu.wait_indirect_dma semaphore(%arg14 : memref<!tpu.dma_semaphore, #tpu.memory_space<semaphore_mem>>) src(%dma_wait3A_266 : memref<100000x128xf32, #tpu.memory_space<hbm>>) dst(%arg7 : memref<128x128xf32, #tpu.memory_space<vmem>>)
    %dma_start3A_267 = arith.constant 8 : i32
    %dma_start3A_268 = arith.constant 0 : i32
    %dma_start3A_269 = tpu.memref_slice %arg4[%dma_start3A_267, %mul3A_2, %dma_start3A_268] : memref<50x4096x128xf32, #tpu.memory_space<hbm>> -> memref<1x128x128xf32, #tpu.memory_space<hbm>>
    %dma_start3A_270 = tpu.memref_squeeze %dma_start3A_269 : memref<1x128x128xf32, #tpu.memory_space<hbm>> -> memref<128x128xf32, #tpu.memory_space<hbm>>
    %dma_start3A_271 = arith.constant 0 : i32
    %dma_start3A_272 = tpu.memref_slice %arg4[%dma_start3A_267, %mul3A_2, %dma_start3A_271] : memref<50x4096x128xf32, #tpu.memory_space<hbm>> -> memref<1x128x128xf32, #tpu.memory_space<hbm>>
    %dma_start3A_273 = tpu.memref_squeeze %dma_start3A_272 : memref<1x128x128xf32, #tpu.memory_space<hbm>> -> memref<128x128xf32, #tpu.memory_space<hbm>>
    tpu.enqueue_dma source(%arg7 : memref<128x128xf32, #tpu.memory_space<vmem>>) target(%dma_start3A_273 : memref<128x128xf32, #tpu.memory_space<hbm>>) target_semaphore(%arg21 : memref<!tpu.dma_semaphore, #tpu.memory_space<semaphore_mem>>)
    %dma_wait3A_274 = arith.constant 7 : i32
    %dma_wait3A_275 = arith.constant 0 : i32
    %dma_wait3A_276 = tpu.memref_slice %arg4[%dma_wait3A_274, %mul3A_2, %dma_wait3A_275] : memref<50x4096x128xf32, #tpu.memory_space<hbm>> -> memref<1x128x128xf32, #tpu.memory_space<hbm>>
    %dma_wait3A_277 = tpu.memref_squeeze %dma_wait3A_276 : memref<1x128x128xf32, #tpu.memory_space<hbm>> -> memref<128x128xf32, #tpu.memory_space<hbm>>
    %dma_wait3A_278 = arith.constant 0 : i32
    %dma_wait3A_279 = tpu.memref_slice %arg4[%dma_wait3A_274, %mul3A_2, %dma_wait3A_278] : memref<50x4096x128xf32, #tpu.memory_space<hbm>> -> memref<1x128x128xf32, #tpu.memory_space<hbm>>
    %dma_wait3A_280 = tpu.memref_squeeze %dma_wait3A_279 : memref<1x128x128xf32, #tpu.memory_space<hbm>> -> memref<128x128xf32, #tpu.memory_space<hbm>>
    tpu.wait_dma2 semaphore(%arg20 : memref<!tpu.dma_semaphore, #tpu.memory_space<semaphore_mem>>) src(%arg6 : memref<128x128xf32, #tpu.memory_space<vmem>>) dst(%dma_wait3A_280 : memref<128x128xf32, #tpu.memory_space<hbm>>)
    %dma_start3A_281 = arith.constant 14 : i32
    %dma_start3A_282 = arith.constant 0 : i32
    %dma_start3A_283 = tpu.memref_slice %arg5[%dma_start3A_281, %dma_start3A_282] : memref<50x128xi32, #tpu.memory_space<vmem>> -> memref<1x128xi32, #tpu.memory_space<vmem>>
    %dma_start3A_284 = tpu.memref_squeeze %dma_start3A_283 : memref<1x128xi32, #tpu.memory_space<vmem>> -> memref<128xi32, #tpu.memory_space<vmem>>
    %dma_start3A_285 = arith.constant 0 : i32
    %dma_start3A_286 = arith.constant 0 : i32
    %dma_start3A_287 = tpu.memref_slice %arg2[%dma_start3A_285, %dma_start3A_286] : memref<100000x128xf32, #tpu.memory_space<hbm>> -> memref<100000x128xf32, #tpu.memory_space<hbm>>
    tpu.enqueue_indirect_dma source(%dma_start3A_287 : memref<100000x128xf32, #tpu.memory_space<hbm>>) target(%arg6 : memref<128x128xf32, #tpu.memory_space<vmem>>) offsets(%dma_start3A_284 : memref<128xi32, #tpu.memory_space<vmem>>) semaphore(%arg13 : memref<!tpu.dma_semaphore, #tpu.memory_space<semaphore_mem>>)
    %dma_wait3A_288 = arith.constant 9 : i32
    %dma_wait3A_289 = arith.constant 0 : i32
    %dma_wait3A_290 = tpu.memref_slice %arg5[%dma_wait3A_288, %dma_wait3A_289] : memref<50x128xi32, #tpu.memory_space<vmem>> -> memref<1x128xi32, #tpu.memory_space<vmem>>
    %dma_wait3A_291 = tpu.memref_squeeze %dma_wait3A_290 : memref<1x128xi32, #tpu.memory_space<vmem>> -> memref<128xi32, #tpu.memory_space<vmem>>
    %dma_wait3A_292 = arith.constant 0 : i32
    %dma_wait3A_293 = arith.constant 0 : i32
    %dma_wait3A_294 = tpu.memref_slice %arg2[%dma_wait3A_292, %dma_wait3A_293] : memref<100000x128xf32, #tpu.memory_space<hbm>> -> memref<100000x128xf32, #tpu.memory_space<hbm>>
    tpu.wait_indirect_dma semaphore(%arg15 : memref<!tpu.dma_semaphore, #tpu.memory_space<semaphore_mem>>) src(%dma_wait3A_294 : memref<100000x128xf32, #tpu.memory_space<hbm>>) dst(%arg8 : memref<128x128xf32, #tpu.memory_space<vmem>>)
    %dma_start3A_295 = arith.constant 9 : i32
    %dma_start3A_296 = arith.constant 0 : i32
    %dma_start3A_297 = tpu.memref_slice %arg4[%dma_start3A_295, %mul3A_2, %dma_start3A_296] : memref<50x4096x128xf32, #tpu.memory_space<hbm>> -> memref<1x128x128xf32, #tpu.memory_space<hbm>>
    %dma_start3A_298 = tpu.memref_squeeze %dma_start3A_297 : memref<1x128x128xf32, #tpu.memory_space<hbm>> -> memref<128x128xf32, #tpu.memory_space<hbm>>
    %dma_start3A_299 = arith.constant 0 : i32
    %dma_start3A_300 = tpu.memref_slice %arg4[%dma_start3A_295, %mul3A_2, %dma_start3A_299] : memref<50x4096x128xf32, #tpu.memory_space<hbm>> -> memref<1x128x128xf32, #tpu.memory_space<hbm>>
    %dma_start3A_301 = tpu.memref_squeeze %dma_start3A_300 : memref<1x128x128xf32, #tpu.memory_space<hbm>> -> memref<128x128xf32, #tpu.memory_space<hbm>>
    tpu.enqueue_dma source(%arg8 : memref<128x128xf32, #tpu.memory_space<vmem>>) target(%dma_start3A_301 : memref<128x128xf32, #tpu.memory_space<hbm>>) target_semaphore(%arg22 : memref<!tpu.dma_semaphore, #tpu.memory_space<semaphore_mem>>)
    %dma_wait3A_302 = arith.constant 8 : i32
    %dma_wait3A_303 = arith.constant 0 : i32
    %dma_wait3A_304 = tpu.memref_slice %arg4[%dma_wait3A_302, %mul3A_2, %dma_wait3A_303] : memref<50x4096x128xf32, #tpu.memory_space<hbm>> -> memref<1x128x128xf32, #tpu.memory_space<hbm>>
    %dma_wait3A_305 = tpu.memref_squeeze %dma_wait3A_304 : memref<1x128x128xf32, #tpu.memory_space<hbm>> -> memref<128x128xf32, #tpu.memory_space<hbm>>
    %dma_wait3A_306 = arith.constant 0 : i32
    %dma_wait3A_307 = tpu.memref_slice %arg4[%dma_wait3A_302, %mul3A_2, %dma_wait3A_306] : memref<50x4096x128xf32, #tpu.memory_space<hbm>> -> memref<1x128x128xf32, #tpu.memory_space<hbm>>
    %dma_wait3A_308 = tpu.memref_squeeze %dma_wait3A_307 : memref<1x128x128xf32, #tpu.memory_space<hbm>> -> memref<128x128xf32, #tpu.memory_space<hbm>>
    tpu.wait_dma2 semaphore(%arg21 : memref<!tpu.dma_semaphore, #tpu.memory_space<semaphore_mem>>) src(%arg7 : memref<128x128xf32, #tpu.memory_space<vmem>>) dst(%dma_wait3A_308 : memref<128x128xf32, #tpu.memory_space<hbm>>)
    %dma_start3A_309 = arith.constant 15 : i32
    %dma_start3A_310 = arith.constant 0 : i32
    %dma_start3A_311 = tpu.memref_slice %arg5[%dma_start3A_309, %dma_start3A_310] : memref<50x128xi32, #tpu.memory_space<vmem>> -> memref<1x128xi32, #tpu.memory_space<vmem>>
    %dma_start3A_312 = tpu.memref_squeeze %dma_start3A_311 : memref<1x128xi32, #tpu.memory_space<vmem>> -> memref<128xi32, #tpu.memory_space<vmem>>
    %dma_start3A_313 = arith.constant 0 : i32
    %dma_start3A_314 = arith.constant 0 : i32
    %dma_start3A_315 = tpu.memref_slice %arg2[%dma_start3A_313, %dma_start3A_314] : memref<100000x128xf32, #tpu.memory_space<hbm>> -> memref<100000x128xf32, #tpu.memory_space<hbm>>
    tpu.enqueue_indirect_dma source(%dma_start3A_315 : memref<100000x128xf32, #tpu.memory_space<hbm>>) target(%arg7 : memref<128x128xf32, #tpu.memory_space<vmem>>) offsets(%dma_start3A_312 : memref<128xi32, #tpu.memory_space<vmem>>) semaphore(%arg14 : memref<!tpu.dma_semaphore, #tpu.memory_space<semaphore_mem>>)
    %dma_wait3A_316 = arith.constant 10 : i32
    %dma_wait3A_317 = arith.constant 0 : i32
    %dma_wait3A_318 = tpu.memref_slice %arg5[%dma_wait3A_316, %dma_wait3A_317] : memref<50x128xi32, #tpu.memory_space<vmem>> -> memref<1x128xi32, #tpu.memory_space<vmem>>
    %dma_wait3A_319 = tpu.memref_squeeze %dma_wait3A_318 : memref<1x128xi32, #tpu.memory_space<vmem>> -> memref<128xi32, #tpu.memory_space<vmem>>
    %dma_wait3A_320 = arith.constant 0 : i32
    %dma_wait3A_321 = arith.constant 0 : i32
    %dma_wait3A_322 = tpu.memref_slice %arg2[%dma_wait3A_320, %dma_wait3A_321] : memref<100000x128xf32, #tpu.memory_space<hbm>> -> memref<100000x128xf32, #tpu.memory_space<hbm>>
    tpu.wait_indirect_dma semaphore(%arg16 : memref<!tpu.dma_semaphore, #tpu.memory_space<semaphore_mem>>) src(%dma_wait3A_322 : memref<100000x128xf32, #tpu.memory_space<hbm>>) dst(%arg9 : memref<128x128xf32, #tpu.memory_space<vmem>>)
    %dma_start3A_323 = arith.constant 10 : i32
    %dma_start3A_324 = arith.constant 0 : i32
    %dma_start3A_325 = tpu.memref_slice %arg4[%dma_start3A_323, %mul3A_2, %dma_start3A_324] : memref<50x4096x128xf32, #tpu.memory_space<hbm>> -> memref<1x128x128xf32, #tpu.memory_space<hbm>>
    %dma_start3A_326 = tpu.memref_squeeze %dma_start3A_325 : memref<1x128x128xf32, #tpu.memory_space<hbm>> -> memref<128x128xf32, #tpu.memory_space<hbm>>
    %dma_start3A_327 = arith.constant 0 : i32
    %dma_start3A_328 = tpu.memref_slice %arg4[%dma_start3A_323, %mul3A_2, %dma_start3A_327] : memref<50x4096x128xf32, #tpu.memory_space<hbm>> -> memref<1x128x128xf32, #tpu.memory_space<hbm>>
    %dma_start3A_329 = tpu.memref_squeeze %dma_start3A_328 : memref<1x128x128xf32, #tpu.memory_space<hbm>> -> memref<128x128xf32, #tpu.memory_space<hbm>>
    tpu.enqueue_dma source(%arg9 : memref<128x128xf32, #tpu.memory_space<vmem>>) target(%dma_start3A_329 : memref<128x128xf32, #tpu.memory_space<hbm>>) target_semaphore(%arg23 : memref<!tpu.dma_semaphore, #tpu.memory_space<semaphore_mem>>)
    %dma_wait3A_330 = arith.constant 9 : i32
    %dma_wait3A_331 = arith.constant 0 : i32
    %dma_wait3A_332 = tpu.memref_slice %arg4[%dma_wait3A_330, %mul3A_2, %dma_wait3A_331] : memref<50x4096x128xf32, #tpu.memory_space<hbm>> -> memref<1x128x128xf32, #tpu.memory_space<hbm>>
    %dma_wait3A_333 = tpu.memref_squeeze %dma_wait3A_332 : memref<1x128x128xf32, #tpu.memory_space<hbm>> -> memref<128x128xf32, #tpu.memory_space<hbm>>
    %dma_wait3A_334 = arith.constant 0 : i32
    %dma_wait3A_335 = tpu.memref_slice %arg4[%dma_wait3A_330, %mul3A_2, %dma_wait3A_334] : memref<50x4096x128xf32, #tpu.memory_space<hbm>> -> memref<1x128x128xf32, #tpu.memory_space<hbm>>
    %dma_wait3A_336 = tpu.memref_squeeze %dma_wait3A_335 : memref<1x128x128xf32, #tpu.memory_space<hbm>> -> memref<128x128xf32, #tpu.memory_space<hbm>>
    tpu.wait_dma2 semaphore(%arg22 : memref<!tpu.dma_semaphore, #tpu.memory_space<semaphore_mem>>) src(%arg8 : memref<128x128xf32, #tpu.memory_space<vmem>>) dst(%dma_wait3A_336 : memref<128x128xf32, #tpu.memory_space<hbm>>)
    %dma_start3A_337 = arith.constant 16 : i32
    %dma_start3A_338 = arith.constant 0 : i32
    %dma_start3A_339 = tpu.memref_slice %arg5[%dma_start3A_337, %dma_start3A_338] : memref<50x128xi32, #tpu.memory_space<vmem>> -> memref<1x128xi32, #tpu.memory_space<vmem>>
    %dma_start3A_340 = tpu.memref_squeeze %dma_start3A_339 : memref<1x128xi32, #tpu.memory_space<vmem>> -> memref<128xi32, #tpu.memory_space<vmem>>
    %dma_start3A_341 = arith.constant 0 : i32
    %dma_start3A_342 = arith.constant 0 : i32
    %dma_start3A_343 = tpu.memref_slice %arg2[%dma_start3A_341, %dma_start3A_342] : memref<100000x128xf32, #tpu.memory_space<hbm>> -> memref<100000x128xf32, #tpu.memory_space<hbm>>
    tpu.enqueue_indirect_dma source(%dma_start3A_343 : memref<100000x128xf32, #tpu.memory_space<hbm>>) target(%arg8 : memref<128x128xf32, #tpu.memory_space<vmem>>) offsets(%dma_start3A_340 : memref<128xi32, #tpu.memory_space<vmem>>) semaphore(%arg15 : memref<!tpu.dma_semaphore, #tpu.memory_space<semaphore_mem>>)
    %dma_wait3A_344 = arith.constant 11 : i32
    %dma_wait3A_345 = arith.constant 0 : i32
    %dma_wait3A_346 = tpu.memref_slice %arg5[%dma_wait3A_344, %dma_wait3A_345] : memref<50x128xi32, #tpu.memory_space<vmem>> -> memref<1x128xi32, #tpu.memory_space<vmem>>
    %dma_wait3A_347 = tpu.memref_squeeze %dma_wait3A_346 : memref<1x128xi32, #tpu.memory_space<vmem>> -> memref<128xi32, #tpu.memory_space<vmem>>
    %dma_wait3A_348 = arith.constant 0 : i32
    %dma_wait3A_349 = arith.constant 0 : i32
    %dma_wait3A_350 = tpu.memref_slice %arg2[%dma_wait3A_348, %dma_wait3A_349] : memref<100000x128xf32, #tpu.memory_space<hbm>> -> memref<100000x128xf32, #tpu.memory_space<hbm>>
    tpu.wait_indirect_dma semaphore(%arg17 : memref<!tpu.dma_semaphore, #tpu.memory_space<semaphore_mem>>) src(%dma_wait3A_350 : memref<100000x128xf32, #tpu.memory_space<hbm>>) dst(%arg10 : memref<128x128xf32, #tpu.memory_space<vmem>>)
    %dma_start3A_351 = arith.constant 11 : i32
    %dma_start3A_352 = arith.constant 0 : i32
    %dma_start3A_353 = tpu.memref_slice %arg4[%dma_start3A_351, %mul3A_2, %dma_start3A_352] : memref<50x4096x128xf32, #tpu.memory_space<hbm>> -> memref<1x128x128xf32, #tpu.memory_space<hbm>>
    %dma_start3A_354 = tpu.memref_squeeze %dma_start3A_353 : memref<1x128x128xf32, #tpu.memory_space<hbm>> -> memref<128x128xf32, #tpu.memory_space<hbm>>
    %dma_start3A_355 = arith.constant 0 : i32
    %dma_start3A_356 = tpu.memref_slice %arg4[%dma_start3A_351, %mul3A_2, %dma_start3A_355] : memref<50x4096x128xf32, #tpu.memory_space<hbm>> -> memref<1x128x128xf32, #tpu.memory_space<hbm>>
    %dma_start3A_357 = tpu.memref_squeeze %dma_start3A_356 : memref<1x128x128xf32, #tpu.memory_space<hbm>> -> memref<128x128xf32, #tpu.memory_space<hbm>>
    tpu.enqueue_dma source(%arg10 : memref<128x128xf32, #tpu.memory_space<vmem>>) target(%dma_start3A_357 : memref<128x128xf32, #tpu.memory_space<hbm>>) target_semaphore(%arg24 : memref<!tpu.dma_semaphore, #tpu.memory_space<semaphore_mem>>)
    %dma_wait3A_358 = arith.constant 10 : i32
    %dma_wait3A_359 = arith.constant 0 : i32
    %dma_wait3A_360 = tpu.memref_slice %arg4[%dma_wait3A_358, %mul3A_2, %dma_wait3A_359] : memref<50x4096x128xf32, #tpu.memory_space<hbm>> -> memref<1x128x128xf32, #tpu.memory_space<hbm>>
    %dma_wait3A_361 = tpu.memref_squeeze %dma_wait3A_360 : memref<1x128x128xf32, #tpu.memory_space<hbm>> -> memref<128x128xf32, #tpu.memory_space<hbm>>
    %dma_wait3A_362 = arith.constant 0 : i32
    %dma_wait3A_363 = tpu.memref_slice %arg4[%dma_wait3A_358, %mul3A_2, %dma_wait3A_362] : memref<50x4096x128xf32, #tpu.memory_space<hbm>> -> memref<1x128x128xf32, #tpu.memory_space<hbm>>
    %dma_wait3A_364 = tpu.memref_squeeze %dma_wait3A_363 : memref<1x128x128xf32, #tpu.memory_space<hbm>> -> memref<128x128xf32, #tpu.memory_space<hbm>>
    tpu.wait_dma2 semaphore(%arg23 : memref<!tpu.dma_semaphore, #tpu.memory_space<semaphore_mem>>) src(%arg9 : memref<128x128xf32, #tpu.memory_space<vmem>>) dst(%dma_wait3A_364 : memref<128x128xf32, #tpu.memory_space<hbm>>)
    %dma_start3A_365 = arith.constant 17 : i32
    %dma_start3A_366 = arith.constant 0 : i32
    %dma_start3A_367 = tpu.memref_slice %arg5[%dma_start3A_365, %dma_start3A_366] : memref<50x128xi32, #tpu.memory_space<vmem>> -> memref<1x128xi32, #tpu.memory_space<vmem>>
    %dma_start3A_368 = tpu.memref_squeeze %dma_start3A_367 : memref<1x128xi32, #tpu.memory_space<vmem>> -> memref<128xi32, #tpu.memory_space<vmem>>
    %dma_start3A_369 = arith.constant 0 : i32
    %dma_start3A_370 = arith.constant 0 : i32
    %dma_start3A_371 = tpu.memref_slice %arg2[%dma_start3A_369, %dma_start3A_370] : memref<100000x128xf32, #tpu.memory_space<hbm>> -> memref<100000x128xf32, #tpu.memory_space<hbm>>
    tpu.enqueue_indirect_dma source(%dma_start3A_371 : memref<100000x128xf32, #tpu.memory_space<hbm>>) target(%arg9 : memref<128x128xf32, #tpu.memory_space<vmem>>) offsets(%dma_start3A_368 : memref<128xi32, #tpu.memory_space<vmem>>) semaphore(%arg16 : memref<!tpu.dma_semaphore, #tpu.memory_space<semaphore_mem>>)
    %dma_wait3A_372 = arith.constant 12 : i32
    %dma_wait3A_373 = arith.constant 0 : i32
    %dma_wait3A_374 = tpu.memref_slice %arg5[%dma_wait3A_372, %dma_wait3A_373] : memref<50x128xi32, #tpu.memory_space<vmem>> -> memref<1x128xi32, #tpu.memory_space<vmem>>
    %dma_wait3A_375 = tpu.memref_squeeze %dma_wait3A_374 : memref<1x128xi32, #tpu.memory_space<vmem>> -> memref<128xi32, #tpu.memory_space<vmem>>
    %dma_wait3A_376 = arith.constant 0 : i32
    %dma_wait3A_377 = arith.constant 0 : i32
    %dma_wait3A_378 = tpu.memref_slice %arg2[%dma_wait3A_376, %dma_wait3A_377] : memref<100000x128xf32, #tpu.memory_space<hbm>> -> memref<100000x128xf32, #tpu.memory_space<hbm>>
    tpu.wait_indirect_dma semaphore(%arg18 : memref<!tpu.dma_semaphore, #tpu.memory_space<semaphore_mem>>) src(%dma_wait3A_378 : memref<100000x128xf32, #tpu.memory_space<hbm>>) dst(%arg11 : memref<128x128xf32, #tpu.memory_space<vmem>>)
    %dma_start3A_379 = arith.constant 12 : i32
    %dma_start3A_380 = arith.constant 0 : i32
    %dma_start3A_381 = tpu.memref_slice %arg4[%dma_start3A_379, %mul3A_2, %dma_start3A_380] : memref<50x4096x128xf32, #tpu.memory_space<hbm>> -> memref<1x128x128xf32, #tpu.memory_space<hbm>>
    %dma_start3A_382 = tpu.memref_squeeze %dma_start3A_381 : memref<1x128x128xf32, #tpu.memory_space<hbm>> -> memref<128x128xf32, #tpu.memory_space<hbm>>
    %dma_start3A_383 = arith.constant 0 : i32
    %dma_start3A_384 = tpu.memref_slice %arg4[%dma_start3A_379, %mul3A_2, %dma_start3A_383] : memref<50x4096x128xf32, #tpu.memory_space<hbm>> -> memref<1x128x128xf32, #tpu.memory_space<hbm>>
    %dma_start3A_385 = tpu.memref_squeeze %dma_start3A_384 : memref<1x128x128xf32, #tpu.memory_space<hbm>> -> memref<128x128xf32, #tpu.memory_space<hbm>>
    tpu.enqueue_dma source(%arg11 : memref<128x128xf32, #tpu.memory_space<vmem>>) target(%dma_start3A_385 : memref<128x128xf32, #tpu.memory_space<hbm>>) target_semaphore(%arg25 : memref<!tpu.dma_semaphore, #tpu.memory_space<semaphore_mem>>)
    %dma_wait3A_386 = arith.constant 11 : i32
    %dma_wait3A_387 = arith.constant 0 : i32
    %dma_wait3A_388 = tpu.memref_slice %arg4[%dma_wait3A_386, %mul3A_2, %dma_wait3A_387] : memref<50x4096x128xf32, #tpu.memory_space<hbm>> -> memref<1x128x128xf32, #tpu.memory_space<hbm>>
    %dma_wait3A_389 = tpu.memref_squeeze %dma_wait3A_388 : memref<1x128x128xf32, #tpu.memory_space<hbm>> -> memref<128x128xf32, #tpu.memory_space<hbm>>
    %dma_wait3A_390 = arith.constant 0 : i32
    %dma_wait3A_391 = tpu.memref_slice %arg4[%dma_wait3A_386, %mul3A_2, %dma_wait3A_390] : memref<50x4096x128xf32, #tpu.memory_space<hbm>> -> memref<1x128x128xf32, #tpu.memory_space<hbm>>
    %dma_wait3A_392 = tpu.memref_squeeze %dma_wait3A_391 : memref<1x128x128xf32, #tpu.memory_space<hbm>> -> memref<128x128xf32, #tpu.memory_space<hbm>>
    tpu.wait_dma2 semaphore(%arg24 : memref<!tpu.dma_semaphore, #tpu.memory_space<semaphore_mem>>) src(%arg10 : memref<128x128xf32, #tpu.memory_space<vmem>>) dst(%dma_wait3A_392 : memref<128x128xf32, #tpu.memory_space<hbm>>)
    %dma_start3A_393 = arith.constant 18 : i32
    %dma_start3A_394 = arith.constant 0 : i32
    %dma_start3A_395 = tpu.memref_slice %arg5[%dma_start3A_393, %dma_start3A_394] : memref<50x128xi32, #tpu.memory_space<vmem>> -> memref<1x128xi32, #tpu.memory_space<vmem>>
    %dma_start3A_396 = tpu.memref_squeeze %dma_start3A_395 : memref<1x128xi32, #tpu.memory_space<vmem>> -> memref<128xi32, #tpu.memory_space<vmem>>
    %dma_start3A_397 = arith.constant 0 : i32
    %dma_start3A_398 = arith.constant 0 : i32
    %dma_start3A_399 = tpu.memref_slice %arg2[%dma_start3A_397, %dma_start3A_398] : memref<100000x128xf32, #tpu.memory_space<hbm>> -> memref<100000x128xf32, #tpu.memory_space<hbm>>
    tpu.enqueue_indirect_dma source(%dma_start3A_399 : memref<100000x128xf32, #tpu.memory_space<hbm>>) target(%arg10 : memref<128x128xf32, #tpu.memory_space<vmem>>) offsets(%dma_start3A_396 : memref<128xi32, #tpu.memory_space<vmem>>) semaphore(%arg17 : memref<!tpu.dma_semaphore, #tpu.memory_space<semaphore_mem>>)
    %dma_wait3A_400 = arith.constant 13 : i32
    %dma_wait3A_401 = arith.constant 0 : i32
    %dma_wait3A_402 = tpu.memref_slice %arg5[%dma_wait3A_400, %dma_wait3A_401] : memref<50x128xi32, #tpu.memory_space<vmem>> -> memref<1x128xi32, #tpu.memory_space<vmem>>
    %dma_wait3A_403 = tpu.memref_squeeze %dma_wait3A_402 : memref<1x128xi32, #tpu.memory_space<vmem>> -> memref<128xi32, #tpu.memory_space<vmem>>
    %dma_wait3A_404 = arith.constant 0 : i32
    %dma_wait3A_405 = arith.constant 0 : i32
    %dma_wait3A_406 = tpu.memref_slice %arg2[%dma_wait3A_404, %dma_wait3A_405] : memref<100000x128xf32, #tpu.memory_space<hbm>> -> memref<100000x128xf32, #tpu.memory_space<hbm>>
    tpu.wait_indirect_dma semaphore(%arg19 : memref<!tpu.dma_semaphore, #tpu.memory_space<semaphore_mem>>) src(%dma_wait3A_406 : memref<100000x128xf32, #tpu.memory_space<hbm>>) dst(%arg12 : memref<128x128xf32, #tpu.memory_space<vmem>>)
    %dma_start3A_407 = arith.constant 13 : i32
    %dma_start3A_408 = arith.constant 0 : i32
    %dma_start3A_409 = tpu.memref_slice %arg4[%dma_start3A_407, %mul3A_2, %dma_start3A_408] : memref<50x4096x128xf32, #tpu.memory_space<hbm>> -> memref<1x128x128xf32, #tpu.memory_space<hbm>>
    %dma_start3A_410 = tpu.memref_squeeze %dma_start3A_409 : memref<1x128x128xf32, #tpu.memory_space<hbm>> -> memref<128x128xf32, #tpu.memory_space<hbm>>
    %dma_start3A_411 = arith.constant 0 : i32
    %dma_start3A_412 = tpu.memref_slice %arg4[%dma_start3A_407, %mul3A_2, %dma_start3A_411] : memref<50x4096x128xf32, #tpu.memory_space<hbm>> -> memref<1x128x128xf32, #tpu.memory_space<hbm>>
    %dma_start3A_413 = tpu.memref_squeeze %dma_start3A_412 : memref<1x128x128xf32, #tpu.memory_space<hbm>> -> memref<128x128xf32, #tpu.memory_space<hbm>>
    tpu.enqueue_dma source(%arg12 : memref<128x128xf32, #tpu.memory_space<vmem>>) target(%dma_start3A_413 : memref<128x128xf32, #tpu.memory_space<hbm>>) target_semaphore(%arg26 : memref<!tpu.dma_semaphore, #tpu.memory_space<semaphore_mem>>)
    %dma_wait3A_414 = arith.constant 12 : i32
    %dma_wait3A_415 = arith.constant 0 : i32
    %dma_wait3A_416 = tpu.memref_slice %arg4[%dma_wait3A_414, %mul3A_2, %dma_wait3A_415] : memref<50x4096x128xf32, #tpu.memory_space<hbm>> -> memref<1x128x128xf32, #tpu.memory_space<hbm>>
    %dma_wait3A_417 = tpu.memref_squeeze %dma_wait3A_416 : memref<1x128x128xf32, #tpu.memory_space<hbm>> -> memref<128x128xf32, #tpu.memory_space<hbm>>
    %dma_wait3A_418 = arith.constant 0 : i32
    %dma_wait3A_419 = tpu.memref_slice %arg4[%dma_wait3A_414, %mul3A_2, %dma_wait3A_418] : memref<50x4096x128xf32, #tpu.memory_space<hbm>> -> memref<1x128x128xf32, #tpu.memory_space<hbm>>
    %dma_wait3A_420 = tpu.memref_squeeze %dma_wait3A_419 : memref<1x128x128xf32, #tpu.memory_space<hbm>> -> memref<128x128xf32, #tpu.memory_space<hbm>>
    tpu.wait_dma2 semaphore(%arg25 : memref<!tpu.dma_semaphore, #tpu.memory_space<semaphore_mem>>) src(%arg11 : memref<128x128xf32, #tpu.memory_space<vmem>>) dst(%dma_wait3A_420 : memref<128x128xf32, #tpu.memory_space<hbm>>)
    %dma_start3A_421 = arith.constant 19 : i32
    %dma_start3A_422 = arith.constant 0 : i32
    %dma_start3A_423 = tpu.memref_slice %arg5[%dma_start3A_421, %dma_start3A_422] : memref<50x128xi32, #tpu.memory_space<vmem>> -> memref<1x128xi32, #tpu.memory_space<vmem>>
    %dma_start3A_424 = tpu.memref_squeeze %dma_start3A_423 : memref<1x128xi32, #tpu.memory_space<vmem>> -> memref<128xi32, #tpu.memory_space<vmem>>
    %dma_start3A_425 = arith.constant 0 : i32
    %dma_start3A_426 = arith.constant 0 : i32
    %dma_start3A_427 = tpu.memref_slice %arg2[%dma_start3A_425, %dma_start3A_426] : memref<100000x128xf32, #tpu.memory_space<hbm>> -> memref<100000x128xf32, #tpu.memory_space<hbm>>
    tpu.enqueue_indirect_dma source(%dma_start3A_427 : memref<100000x128xf32, #tpu.memory_space<hbm>>) target(%arg11 : memref<128x128xf32, #tpu.memory_space<vmem>>) offsets(%dma_start3A_424 : memref<128xi32, #tpu.memory_space<vmem>>) semaphore(%arg18 : memref<!tpu.dma_semaphore, #tpu.memory_space<semaphore_mem>>)
    %dma_wait3A_428 = arith.constant 14 : i32
    %dma_wait3A_429 = arith.constant 0 : i32
    %dma_wait3A_430 = tpu.memref_slice %arg5[%dma_wait3A_428, %dma_wait3A_429] : memref<50x128xi32, #tpu.memory_space<vmem>> -> memref<1x128xi32, #tpu.memory_space<vmem>>
    %dma_wait3A_431 = tpu.memref_squeeze %dma_wait3A_430 : memref<1x128xi32, #tpu.memory_space<vmem>> -> memref<128xi32, #tpu.memory_space<vmem>>
    %dma_wait3A_432 = arith.constant 0 : i32
    %dma_wait3A_433 = arith.constant 0 : i32
    %dma_wait3A_434 = tpu.memref_slice %arg2[%dma_wait3A_432, %dma_wait3A_433] : memref<100000x128xf32, #tpu.memory_space<hbm>> -> memref<100000x128xf32, #tpu.memory_space<hbm>>
    tpu.wait_indirect_dma semaphore(%arg13 : memref<!tpu.dma_semaphore, #tpu.memory_space<semaphore_mem>>) src(%dma_wait3A_434 : memref<100000x128xf32, #tpu.memory_space<hbm>>) dst(%arg6 : memref<128x128xf32, #tpu.memory_space<vmem>>)
    %dma_start3A_435 = arith.constant 14 : i32
    %dma_start3A_436 = arith.constant 0 : i32
    %dma_start3A_437 = tpu.memref_slice %arg4[%dma_start3A_435, %mul3A_2, %dma_start3A_436] : memref<50x4096x128xf32, #tpu.memory_space<hbm>> -> memref<1x128x128xf32, #tpu.memory_space<hbm>>
    %dma_start3A_438 = tpu.memref_squeeze %dma_start3A_437 : memref<1x128x128xf32, #tpu.memory_space<hbm>> -> memref<128x128xf32, #tpu.memory_space<hbm>>
    %dma_start3A_439 = arith.constant 0 : i32
    %dma_start3A_440 = tpu.memref_slice %arg4[%dma_start3A_435, %mul3A_2, %dma_start3A_439] : memref<50x4096x128xf32, #tpu.memory_space<hbm>> -> memref<1x128x128xf32, #tpu.memory_space<hbm>>
    %dma_start3A_441 = tpu.memref_squeeze %dma_start3A_440 : memref<1x128x128xf32, #tpu.memory_space<hbm>> -> memref<128x128xf32, #tpu.memory_space<hbm>>
    tpu.enqueue_dma source(%arg6 : memref<128x128xf32, #tpu.memory_space<vmem>>) target(%dma_start3A_441 : memref<128x128xf32, #tpu.memory_space<hbm>>) target_semaphore(%arg20 : memref<!tpu.dma_semaphore, #tpu.memory_space<semaphore_mem>>)
    %dma_wait3A_442 = arith.constant 13 : i32
    %dma_wait3A_443 = arith.constant 0 : i32
    %dma_wait3A_444 = tpu.memref_slice %arg4[%dma_wait3A_442, %mul3A_2, %dma_wait3A_443] : memref<50x4096x128xf32, #tpu.memory_space<hbm>> -> memref<1x128x128xf32, #tpu.memory_space<hbm>>
    %dma_wait3A_445 = tpu.memref_squeeze %dma_wait3A_444 : memref<1x128x128xf32, #tpu.memory_space<hbm>> -> memref<128x128xf32, #tpu.memory_space<hbm>>
    %dma_wait3A_446 = arith.constant 0 : i32
    %dma_wait3A_447 = tpu.memref_slice %arg4[%dma_wait3A_442, %mul3A_2, %dma_wait3A_446] : memref<50x4096x128xf32, #tpu.memory_space<hbm>> -> memref<1x128x128xf32, #tpu.memory_space<hbm>>
    %dma_wait3A_448 = tpu.memref_squeeze %dma_wait3A_447 : memref<1x128x128xf32, #tpu.memory_space<hbm>> -> memref<128x128xf32, #tpu.memory_space<hbm>>
    tpu.wait_dma2 semaphore(%arg26 : memref<!tpu.dma_semaphore, #tpu.memory_space<semaphore_mem>>) src(%arg12 : memref<128x128xf32, #tpu.memory_space<vmem>>) dst(%dma_wait3A_448 : memref<128x128xf32, #tpu.memory_space<hbm>>)
    %dma_start3A_449 = arith.constant 20 : i32
    %dma_start3A_450 = arith.constant 0 : i32
    %dma_start3A_451 = tpu.memref_slice %arg5[%dma_start3A_449, %dma_start3A_450] : memref<50x128xi32, #tpu.memory_space<vmem>> -> memref<1x128xi32, #tpu.memory_space<vmem>>
    %dma_start3A_452 = tpu.memref_squeeze %dma_start3A_451 : memref<1x128xi32, #tpu.memory_space<vmem>> -> memref<128xi32, #tpu.memory_space<vmem>>
    %dma_start3A_453 = arith.constant 0 : i32
    %dma_start3A_454 = arith.constant 0 : i32
    %dma_start3A_455 = tpu.memref_slice %arg2[%dma_start3A_453, %dma_start3A_454] : memref<100000x128xf32, #tpu.memory_space<hbm>> -> memref<100000x128xf32, #tpu.memory_space<hbm>>
    tpu.enqueue_indirect_dma source(%dma_start3A_455 : memref<100000x128xf32, #tpu.memory_space<hbm>>) target(%arg12 : memref<128x128xf32, #tpu.memory_space<vmem>>) offsets(%dma_start3A_452 : memref<128xi32, #tpu.memory_space<vmem>>) semaphore(%arg19 : memref<!tpu.dma_semaphore, #tpu.memory_space<semaphore_mem>>)
    %dma_wait3A_456 = arith.constant 15 : i32
    %dma_wait3A_457 = arith.constant 0 : i32
    %dma_wait3A_458 = tpu.memref_slice %arg5[%dma_wait3A_456, %dma_wait3A_457] : memref<50x128xi32, #tpu.memory_space<vmem>> -> memref<1x128xi32, #tpu.memory_space<vmem>>
    %dma_wait3A_459 = tpu.memref_squeeze %dma_wait3A_458 : memref<1x128xi32, #tpu.memory_space<vmem>> -> memref<128xi32, #tpu.memory_space<vmem>>
    %dma_wait3A_460 = arith.constant 0 : i32
    %dma_wait3A_461 = arith.constant 0 : i32
    %dma_wait3A_462 = tpu.memref_slice %arg2[%dma_wait3A_460, %dma_wait3A_461] : memref<100000x128xf32, #tpu.memory_space<hbm>> -> memref<100000x128xf32, #tpu.memory_space<hbm>>
    tpu.wait_indirect_dma semaphore(%arg14 : memref<!tpu.dma_semaphore, #tpu.memory_space<semaphore_mem>>) src(%dma_wait3A_462 : memref<100000x128xf32, #tpu.memory_space<hbm>>) dst(%arg7 : memref<128x128xf32, #tpu.memory_space<vmem>>)
    %dma_start3A_463 = arith.constant 15 : i32
    %dma_start3A_464 = arith.constant 0 : i32
    %dma_start3A_465 = tpu.memref_slice %arg4[%dma_start3A_463, %mul3A_2, %dma_start3A_464] : memref<50x4096x128xf32, #tpu.memory_space<hbm>> -> memref<1x128x128xf32, #tpu.memory_space<hbm>>
    %dma_start3A_466 = tpu.memref_squeeze %dma_start3A_465 : memref<1x128x128xf32, #tpu.memory_space<hbm>> -> memref<128x128xf32, #tpu.memory_space<hbm>>
    %dma_start3A_467 = arith.constant 0 : i32
    %dma_start3A_468 = tpu.memref_slice %arg4[%dma_start3A_463, %mul3A_2, %dma_start3A_467] : memref<50x4096x128xf32, #tpu.memory_space<hbm>> -> memref<1x128x128xf32, #tpu.memory_space<hbm>>
    %dma_start3A_469 = tpu.memref_squeeze %dma_start3A_468 : memref<1x128x128xf32, #tpu.memory_space<hbm>> -> memref<128x128xf32, #tpu.memory_space<hbm>>
    tpu.enqueue_dma source(%arg7 : memref<128x128xf32, #tpu.memory_space<vmem>>) target(%dma_start3A_469 : memref<128x128xf32, #tpu.memory_space<hbm>>) target_semaphore(%arg21 : memref<!tpu.dma_semaphore, #tpu.memory_space<semaphore_mem>>)
    %dma_wait3A_470 = arith.constant 14 : i32
    %dma_wait3A_471 = arith.constant 0 : i32
    %dma_wait3A_472 = tpu.memref_slice %arg4[%dma_wait3A_470, %mul3A_2, %dma_wait3A_471] : memref<50x4096x128xf32, #tpu.memory_space<hbm>> -> memref<1x128x128xf32, #tpu.memory_space<hbm>>
    %dma_wait3A_473 = tpu.memref_squeeze %dma_wait3A_472 : memref<1x128x128xf32, #tpu.memory_space<hbm>> -> memref<128x128xf32, #tpu.memory_space<hbm>>
    %dma_wait3A_474 = arith.constant 0 : i32
    %dma_wait3A_475 = tpu.memref_slice %arg4[%dma_wait3A_470, %mul3A_2, %dma_wait3A_474] : memref<50x4096x128xf32, #tpu.memory_space<hbm>> -> memref<1x128x128xf32, #tpu.memory_space<hbm>>
    %dma_wait3A_476 = tpu.memref_squeeze %dma_wait3A_475 : memref<1x128x128xf32, #tpu.memory_space<hbm>> -> memref<128x128xf32, #tpu.memory_space<hbm>>
    tpu.wait_dma2 semaphore(%arg20 : memref<!tpu.dma_semaphore, #tpu.memory_space<semaphore_mem>>) src(%arg6 : memref<128x128xf32, #tpu.memory_space<vmem>>) dst(%dma_wait3A_476 : memref<128x128xf32, #tpu.memory_space<hbm>>)
    %dma_start3A_477 = arith.constant 21 : i32
    %dma_start3A_478 = arith.constant 0 : i32
    %dma_start3A_479 = tpu.memref_slice %arg5[%dma_start3A_477, %dma_start3A_478] : memref<50x128xi32, #tpu.memory_space<vmem>> -> memref<1x128xi32, #tpu.memory_space<vmem>>
    %dma_start3A_480 = tpu.memref_squeeze %dma_start3A_479 : memref<1x128xi32, #tpu.memory_space<vmem>> -> memref<128xi32, #tpu.memory_space<vmem>>
    %dma_start3A_481 = arith.constant 0 : i32
    %dma_start3A_482 = arith.constant 0 : i32
    %dma_start3A_483 = tpu.memref_slice %arg2[%dma_start3A_481, %dma_start3A_482] : memref<100000x128xf32, #tpu.memory_space<hbm>> -> memref<100000x128xf32, #tpu.memory_space<hbm>>
    tpu.enqueue_indirect_dma source(%dma_start3A_483 : memref<100000x128xf32, #tpu.memory_space<hbm>>) target(%arg6 : memref<128x128xf32, #tpu.memory_space<vmem>>) offsets(%dma_start3A_480 : memref<128xi32, #tpu.memory_space<vmem>>) semaphore(%arg13 : memref<!tpu.dma_semaphore, #tpu.memory_space<semaphore_mem>>)
    %dma_wait3A_484 = arith.constant 16 : i32
    %dma_wait3A_485 = arith.constant 0 : i32
    %dma_wait3A_486 = tpu.memref_slice %arg5[%dma_wait3A_484, %dma_wait3A_485] : memref<50x128xi32, #tpu.memory_space<vmem>> -> memref<1x128xi32, #tpu.memory_space<vmem>>
    %dma_wait3A_487 = tpu.memref_squeeze %dma_wait3A_486 : memref<1x128xi32, #tpu.memory_space<vmem>> -> memref<128xi32, #tpu.memory_space<vmem>>
    %dma_wait3A_488 = arith.constant 0 : i32
    %dma_wait3A_489 = arith.constant 0 : i32
    %dma_wait3A_490 = tpu.memref_slice %arg2[%dma_wait3A_488, %dma_wait3A_489] : memref<100000x128xf32, #tpu.memory_space<hbm>> -> memref<100000x128xf32, #tpu.memory_space<hbm>>
    tpu.wait_indirect_dma semaphore(%arg15 : memref<!tpu.dma_semaphore, #tpu.memory_space<semaphore_mem>>) src(%dma_wait3A_490 : memref<100000x128xf32, #tpu.memory_space<hbm>>) dst(%arg8 : memref<128x128xf32, #tpu.memory_space<vmem>>)
    %dma_start3A_491 = arith.constant 16 : i32
    %dma_start3A_492 = arith.constant 0 : i32
    %dma_start3A_493 = tpu.memref_slice %arg4[%dma_start3A_491, %mul3A_2, %dma_start3A_492] : memref<50x4096x128xf32, #tpu.memory_space<hbm>> -> memref<1x128x128xf32, #tpu.memory_space<hbm>>
    %dma_start3A_494 = tpu.memref_squeeze %dma_start3A_493 : memref<1x128x128xf32, #tpu.memory_space<hbm>> -> memref<128x128xf32, #tpu.memory_space<hbm>>
    %dma_start3A_495 = arith.constant 0 : i32
    %dma_start3A_496 = tpu.memref_slice %arg4[%dma_start3A_491, %mul3A_2, %dma_start3A_495] : memref<50x4096x128xf32, #tpu.memory_space<hbm>> -> memref<1x128x128xf32, #tpu.memory_space<hbm>>
    %dma_start3A_497 = tpu.memref_squeeze %dma_start3A_496 : memref<1x128x128xf32, #tpu.memory_space<hbm>> -> memref<128x128xf32, #tpu.memory_space<hbm>>
    tpu.enqueue_dma source(%arg8 : memref<128x128xf32, #tpu.memory_space<vmem>>) target(%dma_start3A_497 : memref<128x128xf32, #tpu.memory_space<hbm>>) target_semaphore(%arg22 : memref<!tpu.dma_semaphore, #tpu.memory_space<semaphore_mem>>)
    %dma_wait3A_498 = arith.constant 15 : i32
    %dma_wait3A_499 = arith.constant 0 : i32
    %dma_wait3A_500 = tpu.memref_slice %arg4[%dma_wait3A_498, %mul3A_2, %dma_wait3A_499] : memref<50x4096x128xf32, #tpu.memory_space<hbm>> -> memref<1x128x128xf32, #tpu.memory_space<hbm>>
    %dma_wait3A_501 = tpu.memref_squeeze %dma_wait3A_500 : memref<1x128x128xf32, #tpu.memory_space<hbm>> -> memref<128x128xf32, #tpu.memory_space<hbm>>
    %dma_wait3A_502 = arith.constant 0 : i32
    %dma_wait3A_503 = tpu.memref_slice %arg4[%dma_wait3A_498, %mul3A_2, %dma_wait3A_502] : memref<50x4096x128xf32, #tpu.memory_space<hbm>> -> memref<1x128x128xf32, #tpu.memory_space<hbm>>
    %dma_wait3A_504 = tpu.memref_squeeze %dma_wait3A_503 : memref<1x128x128xf32, #tpu.memory_space<hbm>> -> memref<128x128xf32, #tpu.memory_space<hbm>>
    tpu.wait_dma2 semaphore(%arg21 : memref<!tpu.dma_semaphore, #tpu.memory_space<semaphore_mem>>) src(%arg7 : memref<128x128xf32, #tpu.memory_space<vmem>>) dst(%dma_wait3A_504 : memref<128x128xf32, #tpu.memory_space<hbm>>)
    %dma_start3A_505 = arith.constant 22 : i32
    %dma_start3A_506 = arith.constant 0 : i32
    %dma_start3A_507 = tpu.memref_slice %arg5[%dma_start3A_505, %dma_start3A_506] : memref<50x128xi32, #tpu.memory_space<vmem>> -> memref<1x128xi32, #tpu.memory_space<vmem>>
    %dma_start3A_508 = tpu.memref_squeeze %dma_start3A_507 : memref<1x128xi32, #tpu.memory_space<vmem>> -> memref<128xi32, #tpu.memory_space<vmem>>
    %dma_start3A_509 = arith.constant 0 : i32
    %dma_start3A_510 = arith.constant 0 : i32
    %dma_start3A_511 = tpu.memref_slice %arg2[%dma_start3A_509, %dma_start3A_510] : memref<100000x128xf32, #tpu.memory_space<hbm>> -> memref<100000x128xf32, #tpu.memory_space<hbm>>
    tpu.enqueue_indirect_dma source(%dma_start3A_511 : memref<100000x128xf32, #tpu.memory_space<hbm>>) target(%arg7 : memref<128x128xf32, #tpu.memory_space<vmem>>) offsets(%dma_start3A_508 : memref<128xi32, #tpu.memory_space<vmem>>) semaphore(%arg14 : memref<!tpu.dma_semaphore, #tpu.memory_space<semaphore_mem>>)
    %dma_wait3A_512 = arith.constant 17 : i32
    %dma_wait3A_513 = arith.constant 0 : i32
    %dma_wait3A_514 = tpu.memref_slice %arg5[%dma_wait3A_512, %dma_wait3A_513] : memref<50x128xi32, #tpu.memory_space<vmem>> -> memref<1x128xi32, #tpu.memory_space<vmem>>
    %dma_wait3A_515 = tpu.memref_squeeze %dma_wait3A_514 : memref<1x128xi32, #tpu.memory_space<vmem>> -> memref<128xi32, #tpu.memory_space<vmem>>
    %dma_wait3A_516 = arith.constant 0 : i32
    %dma_wait3A_517 = arith.constant 0 : i32
    %dma_wait3A_518 = tpu.memref_slice %arg2[%dma_wait3A_516, %dma_wait3A_517] : memref<100000x128xf32, #tpu.memory_space<hbm>> -> memref<100000x128xf32, #tpu.memory_space<hbm>>
    tpu.wait_indirect_dma semaphore(%arg16 : memref<!tpu.dma_semaphore, #tpu.memory_space<semaphore_mem>>) src(%dma_wait3A_518 : memref<100000x128xf32, #tpu.memory_space<hbm>>) dst(%arg9 : memref<128x128xf32, #tpu.memory_space<vmem>>)
    %dma_start3A_519 = arith.constant 17 : i32
    %dma_start3A_520 = arith.constant 0 : i32
    %dma_start3A_521 = tpu.memref_slice %arg4[%dma_start3A_519, %mul3A_2, %dma_start3A_520] : memref<50x4096x128xf32, #tpu.memory_space<hbm>> -> memref<1x128x128xf32, #tpu.memory_space<hbm>>
    %dma_start3A_522 = tpu.memref_squeeze %dma_start3A_521 : memref<1x128x128xf32, #tpu.memory_space<hbm>> -> memref<128x128xf32, #tpu.memory_space<hbm>>
    %dma_start3A_523 = arith.constant 0 : i32
    %dma_start3A_524 = tpu.memref_slice %arg4[%dma_start3A_519, %mul3A_2, %dma_start3A_523] : memref<50x4096x128xf32, #tpu.memory_space<hbm>> -> memref<1x128x128xf32, #tpu.memory_space<hbm>>
    %dma_start3A_525 = tpu.memref_squeeze %dma_start3A_524 : memref<1x128x128xf32, #tpu.memory_space<hbm>> -> memref<128x128xf32, #tpu.memory_space<hbm>>
    tpu.enqueue_dma source(%arg9 : memref<128x128xf32, #tpu.memory_space<vmem>>) target(%dma_start3A_525 : memref<128x128xf32, #tpu.memory_space<hbm>>) target_semaphore(%arg23 : memref<!tpu.dma_semaphore, #tpu.memory_space<semaphore_mem>>)
    %dma_wait3A_526 = arith.constant 16 : i32
    %dma_wait3A_527 = arith.constant 0 : i32
    %dma_wait3A_528 = tpu.memref_slice %arg4[%dma_wait3A_526, %mul3A_2, %dma_wait3A_527] : memref<50x4096x128xf32, #tpu.memory_space<hbm>> -> memref<1x128x128xf32, #tpu.memory_space<hbm>>
    %dma_wait3A_529 = tpu.memref_squeeze %dma_wait3A_528 : memref<1x128x128xf32, #tpu.memory_space<hbm>> -> memref<128x128xf32, #tpu.memory_space<hbm>>
    %dma_wait3A_530 = arith.constant 0 : i32
    %dma_wait3A_531 = tpu.memref_slice %arg4[%dma_wait3A_526, %mul3A_2, %dma_wait3A_530] : memref<50x4096x128xf32, #tpu.memory_space<hbm>> -> memref<1x128x128xf32, #tpu.memory_space<hbm>>
    %dma_wait3A_532 = tpu.memref_squeeze %dma_wait3A_531 : memref<1x128x128xf32, #tpu.memory_space<hbm>> -> memref<128x128xf32, #tpu.memory_space<hbm>>
    tpu.wait_dma2 semaphore(%arg22 : memref<!tpu.dma_semaphore, #tpu.memory_space<semaphore_mem>>) src(%arg8 : memref<128x128xf32, #tpu.memory_space<vmem>>) dst(%dma_wait3A_532 : memref<128x128xf32, #tpu.memory_space<hbm>>)
    %dma_start3A_533 = arith.constant 23 : i32
    %dma_start3A_534 = arith.constant 0 : i32
    %dma_start3A_535 = tpu.memref_slice %arg5[%dma_start3A_533, %dma_start3A_534] : memref<50x128xi32, #tpu.memory_space<vmem>> -> memref<1x128xi32, #tpu.memory_space<vmem>>
    %dma_start3A_536 = tpu.memref_squeeze %dma_start3A_535 : memref<1x128xi32, #tpu.memory_space<vmem>> -> memref<128xi32, #tpu.memory_space<vmem>>
    %dma_start3A_537 = arith.constant 0 : i32
    %dma_start3A_538 = arith.constant 0 : i32
    %dma_start3A_539 = tpu.memref_slice %arg2[%dma_start3A_537, %dma_start3A_538] : memref<100000x128xf32, #tpu.memory_space<hbm>> -> memref<100000x128xf32, #tpu.memory_space<hbm>>
    tpu.enqueue_indirect_dma source(%dma_start3A_539 : memref<100000x128xf32, #tpu.memory_space<hbm>>) target(%arg8 : memref<128x128xf32, #tpu.memory_space<vmem>>) offsets(%dma_start3A_536 : memref<128xi32, #tpu.memory_space<vmem>>) semaphore(%arg15 : memref<!tpu.dma_semaphore, #tpu.memory_space<semaphore_mem>>)
    %dma_wait3A_540 = arith.constant 18 : i32
    %dma_wait3A_541 = arith.constant 0 : i32
    %dma_wait3A_542 = tpu.memref_slice %arg5[%dma_wait3A_540, %dma_wait3A_541] : memref<50x128xi32, #tpu.memory_space<vmem>> -> memref<1x128xi32, #tpu.memory_space<vmem>>
    %dma_wait3A_543 = tpu.memref_squeeze %dma_wait3A_542 : memref<1x128xi32, #tpu.memory_space<vmem>> -> memref<128xi32, #tpu.memory_space<vmem>>
    %dma_wait3A_544 = arith.constant 0 : i32
    %dma_wait3A_545 = arith.constant 0 : i32
    %dma_wait3A_546 = tpu.memref_slice %arg2[%dma_wait3A_544, %dma_wait3A_545] : memref<100000x128xf32, #tpu.memory_space<hbm>> -> memref<100000x128xf32, #tpu.memory_space<hbm>>
    tpu.wait_indirect_dma semaphore(%arg17 : memref<!tpu.dma_semaphore, #tpu.memory_space<semaphore_mem>>) src(%dma_wait3A_546 : memref<100000x128xf32, #tpu.memory_space<hbm>>) dst(%arg10 : memref<128x128xf32, #tpu.memory_space<vmem>>)
    %dma_start3A_547 = arith.constant 18 : i32
    %dma_start3A_548 = arith.constant 0 : i32
    %dma_start3A_549 = tpu.memref_slice %arg4[%dma_start3A_547, %mul3A_2, %dma_start3A_548] : memref<50x4096x128xf32, #tpu.memory_space<hbm>> -> memref<1x128x128xf32, #tpu.memory_space<hbm>>
    %dma_start3A_550 = tpu.memref_squeeze %dma_start3A_549 : memref<1x128x128xf32, #tpu.memory_space<hbm>> -> memref<128x128xf32, #tpu.memory_space<hbm>>
    %dma_start3A_551 = arith.constant 0 : i32
    %dma_start3A_552 = tpu.memref_slice %arg4[%dma_start3A_547, %mul3A_2, %dma_start3A_551] : memref<50x4096x128xf32, #tpu.memory_space<hbm>> -> memref<1x128x128xf32, #tpu.memory_space<hbm>>
    %dma_start3A_553 = tpu.memref_squeeze %dma_start3A_552 : memref<1x128x128xf32, #tpu.memory_space<hbm>> -> memref<128x128xf32, #tpu.memory_space<hbm>>
    tpu.enqueue_dma source(%arg10 : memref<128x128xf32, #tpu.memory_space<vmem>>) target(%dma_start3A_553 : memref<128x128xf32, #tpu.memory_space<hbm>>) target_semaphore(%arg24 : memref<!tpu.dma_semaphore, #tpu.memory_space<semaphore_mem>>)
    %dma_wait3A_554 = arith.constant 17 : i32
    %dma_wait3A_555 = arith.constant 0 : i32
    %dma_wait3A_556 = tpu.memref_slice %arg4[%dma_wait3A_554, %mul3A_2, %dma_wait3A_555] : memref<50x4096x128xf32, #tpu.memory_space<hbm>> -> memref<1x128x128xf32, #tpu.memory_space<hbm>>
    %dma_wait3A_557 = tpu.memref_squeeze %dma_wait3A_556 : memref<1x128x128xf32, #tpu.memory_space<hbm>> -> memref<128x128xf32, #tpu.memory_space<hbm>>
    %dma_wait3A_558 = arith.constant 0 : i32
    %dma_wait3A_559 = tpu.memref_slice %arg4[%dma_wait3A_554, %mul3A_2, %dma_wait3A_558] : memref<50x4096x128xf32, #tpu.memory_space<hbm>> -> memref<1x128x128xf32, #tpu.memory_space<hbm>>
    %dma_wait3A_560 = tpu.memref_squeeze %dma_wait3A_559 : memref<1x128x128xf32, #tpu.memory_space<hbm>> -> memref<128x128xf32, #tpu.memory_space<hbm>>
    tpu.wait_dma2 semaphore(%arg23 : memref<!tpu.dma_semaphore, #tpu.memory_space<semaphore_mem>>) src(%arg9 : memref<128x128xf32, #tpu.memory_space<vmem>>) dst(%dma_wait3A_560 : memref<128x128xf32, #tpu.memory_space<hbm>>)
    %dma_start3A_561 = arith.constant 24 : i32
    %dma_start3A_562 = arith.constant 0 : i32
    %dma_start3A_563 = tpu.memref_slice %arg5[%dma_start3A_561, %dma_start3A_562] : memref<50x128xi32, #tpu.memory_space<vmem>> -> memref<1x128xi32, #tpu.memory_space<vmem>>
    %dma_start3A_564 = tpu.memref_squeeze %dma_start3A_563 : memref<1x128xi32, #tpu.memory_space<vmem>> -> memref<128xi32, #tpu.memory_space<vmem>>
    %dma_start3A_565 = arith.constant 0 : i32
    %dma_start3A_566 = arith.constant 0 : i32
    %dma_start3A_567 = tpu.memref_slice %arg2[%dma_start3A_565, %dma_start3A_566] : memref<100000x128xf32, #tpu.memory_space<hbm>> -> memref<100000x128xf32, #tpu.memory_space<hbm>>
    tpu.enqueue_indirect_dma source(%dma_start3A_567 : memref<100000x128xf32, #tpu.memory_space<hbm>>) target(%arg9 : memref<128x128xf32, #tpu.memory_space<vmem>>) offsets(%dma_start3A_564 : memref<128xi32, #tpu.memory_space<vmem>>) semaphore(%arg16 : memref<!tpu.dma_semaphore, #tpu.memory_space<semaphore_mem>>)
    %dma_wait3A_568 = arith.constant 19 : i32
    %dma_wait3A_569 = arith.constant 0 : i32
    %dma_wait3A_570 = tpu.memref_slice %arg5[%dma_wait3A_568, %dma_wait3A_569] : memref<50x128xi32, #tpu.memory_space<vmem>> -> memref<1x128xi32, #tpu.memory_space<vmem>>
    %dma_wait3A_571 = tpu.memref_squeeze %dma_wait3A_570 : memref<1x128xi32, #tpu.memory_space<vmem>> -> memref<128xi32, #tpu.memory_space<vmem>>
    %dma_wait3A_572 = arith.constant 0 : i32
    %dma_wait3A_573 = arith.constant 0 : i32
    %dma_wait3A_574 = tpu.memref_slice %arg2[%dma_wait3A_572, %dma_wait3A_573] : memref<100000x128xf32, #tpu.memory_space<hbm>> -> memref<100000x128xf32, #tpu.memory_space<hbm>>
    tpu.wait_indirect_dma semaphore(%arg18 : memref<!tpu.dma_semaphore, #tpu.memory_space<semaphore_mem>>) src(%dma_wait3A_574 : memref<100000x128xf32, #tpu.memory_space<hbm>>) dst(%arg11 : memref<128x128xf32, #tpu.memory_space<vmem>>)
    %dma_start3A_575 = arith.constant 19 : i32
    %dma_start3A_576 = arith.constant 0 : i32
    %dma_start3A_577 = tpu.memref_slice %arg4[%dma_start3A_575, %mul3A_2, %dma_start3A_576] : memref<50x4096x128xf32, #tpu.memory_space<hbm>> -> memref<1x128x128xf32, #tpu.memory_space<hbm>>
    %dma_start3A_578 = tpu.memref_squeeze %dma_start3A_577 : memref<1x128x128xf32, #tpu.memory_space<hbm>> -> memref<128x128xf32, #tpu.memory_space<hbm>>
    %dma_start3A_579 = arith.constant 0 : i32
    %dma_start3A_580 = tpu.memref_slice %arg4[%dma_start3A_575, %mul3A_2, %dma_start3A_579] : memref<50x4096x128xf32, #tpu.memory_space<hbm>> -> memref<1x128x128xf32, #tpu.memory_space<hbm>>
    %dma_start3A_581 = tpu.memref_squeeze %dma_start3A_580 : memref<1x128x128xf32, #tpu.memory_space<hbm>> -> memref<128x128xf32, #tpu.memory_space<hbm>>
    tpu.enqueue_dma source(%arg11 : memref<128x128xf32, #tpu.memory_space<vmem>>) target(%dma_start3A_581 : memref<128x128xf32, #tpu.memory_space<hbm>>) target_semaphore(%arg25 : memref<!tpu.dma_semaphore, #tpu.memory_space<semaphore_mem>>)
    %dma_wait3A_582 = arith.constant 18 : i32
    %dma_wait3A_583 = arith.constant 0 : i32
    %dma_wait3A_584 = tpu.memref_slice %arg4[%dma_wait3A_582, %mul3A_2, %dma_wait3A_583] : memref<50x4096x128xf32, #tpu.memory_space<hbm>> -> memref<1x128x128xf32, #tpu.memory_space<hbm>>
    %dma_wait3A_585 = tpu.memref_squeeze %dma_wait3A_584 : memref<1x128x128xf32, #tpu.memory_space<hbm>> -> memref<128x128xf32, #tpu.memory_space<hbm>>
    %dma_wait3A_586 = arith.constant 0 : i32
    %dma_wait3A_587 = tpu.memref_slice %arg4[%dma_wait3A_582, %mul3A_2, %dma_wait3A_586] : memref<50x4096x128xf32, #tpu.memory_space<hbm>> -> memref<1x128x128xf32, #tpu.memory_space<hbm>>
    %dma_wait3A_588 = tpu.memref_squeeze %dma_wait3A_587 : memref<1x128x128xf32, #tpu.memory_space<hbm>> -> memref<128x128xf32, #tpu.memory_space<hbm>>
    tpu.wait_dma2 semaphore(%arg24 : memref<!tpu.dma_semaphore, #tpu.memory_space<semaphore_mem>>) src(%arg10 : memref<128x128xf32, #tpu.memory_space<vmem>>) dst(%dma_wait3A_588 : memref<128x128xf32, #tpu.memory_space<hbm>>)
    %dma_start3A_589 = arith.constant 25 : i32
    %dma_start3A_590 = arith.constant 0 : i32
    %dma_start3A_591 = tpu.memref_slice %arg5[%dma_start3A_589, %dma_start3A_590] : memref<50x128xi32, #tpu.memory_space<vmem>> -> memref<1x128xi32, #tpu.memory_space<vmem>>
    %dma_start3A_592 = tpu.memref_squeeze %dma_start3A_591 : memref<1x128xi32, #tpu.memory_space<vmem>> -> memref<128xi32, #tpu.memory_space<vmem>>
    %dma_start3A_593 = arith.constant 0 : i32
    %dma_start3A_594 = arith.constant 0 : i32
    %dma_start3A_595 = tpu.memref_slice %arg2[%dma_start3A_593, %dma_start3A_594] : memref<100000x128xf32, #tpu.memory_space<hbm>> -> memref<100000x128xf32, #tpu.memory_space<hbm>>
    tpu.enqueue_indirect_dma source(%dma_start3A_595 : memref<100000x128xf32, #tpu.memory_space<hbm>>) target(%arg10 : memref<128x128xf32, #tpu.memory_space<vmem>>) offsets(%dma_start3A_592 : memref<128xi32, #tpu.memory_space<vmem>>) semaphore(%arg17 : memref<!tpu.dma_semaphore, #tpu.memory_space<semaphore_mem>>)
    %dma_wait3A_596 = arith.constant 20 : i32
    %dma_wait3A_597 = arith.constant 0 : i32
    %dma_wait3A_598 = tpu.memref_slice %arg5[%dma_wait3A_596, %dma_wait3A_597] : memref<50x128xi32, #tpu.memory_space<vmem>> -> memref<1x128xi32, #tpu.memory_space<vmem>>
    %dma_wait3A_599 = tpu.memref_squeeze %dma_wait3A_598 : memref<1x128xi32, #tpu.memory_space<vmem>> -> memref<128xi32, #tpu.memory_space<vmem>>
    %dma_wait3A_600 = arith.constant 0 : i32
    %dma_wait3A_601 = arith.constant 0 : i32
    %dma_wait3A_602 = tpu.memref_slice %arg2[%dma_wait3A_600, %dma_wait3A_601] : memref<100000x128xf32, #tpu.memory_space<hbm>> -> memref<100000x128xf32, #tpu.memory_space<hbm>>
    tpu.wait_indirect_dma semaphore(%arg19 : memref<!tpu.dma_semaphore, #tpu.memory_space<semaphore_mem>>) src(%dma_wait3A_602 : memref<100000x128xf32, #tpu.memory_space<hbm>>) dst(%arg12 : memref<128x128xf32, #tpu.memory_space<vmem>>)
    %dma_start3A_603 = arith.constant 20 : i32
    %dma_start3A_604 = arith.constant 0 : i32
    %dma_start3A_605 = tpu.memref_slice %arg4[%dma_start3A_603, %mul3A_2, %dma_start3A_604] : memref<50x4096x128xf32, #tpu.memory_space<hbm>> -> memref<1x128x128xf32, #tpu.memory_space<hbm>>
    %dma_start3A_606 = tpu.memref_squeeze %dma_start3A_605 : memref<1x128x128xf32, #tpu.memory_space<hbm>> -> memref<128x128xf32, #tpu.memory_space<hbm>>
    %dma_start3A_607 = arith.constant 0 : i32
    %dma_start3A_608 = tpu.memref_slice %arg4[%dma_start3A_603, %mul3A_2, %dma_start3A_607] : memref<50x4096x128xf32, #tpu.memory_space<hbm>> -> memref<1x128x128xf32, #tpu.memory_space<hbm>>
    %dma_start3A_609 = tpu.memref_squeeze %dma_start3A_608 : memref<1x128x128xf32, #tpu.memory_space<hbm>> -> memref<128x128xf32, #tpu.memory_space<hbm>>
    tpu.enqueue_dma source(%arg12 : memref<128x128xf32, #tpu.memory_space<vmem>>) target(%dma_start3A_609 : memref<128x128xf32, #tpu.memory_space<hbm>>) target_semaphore(%arg26 : memref<!tpu.dma_semaphore, #tpu.memory_space<semaphore_mem>>)
    %dma_wait3A_610 = arith.constant 19 : i32
    %dma_wait3A_611 = arith.constant 0 : i32
    %dma_wait3A_612 = tpu.memref_slice %arg4[%dma_wait3A_610, %mul3A_2, %dma_wait3A_611] : memref<50x4096x128xf32, #tpu.memory_space<hbm>> -> memref<1x128x128xf32, #tpu.memory_space<hbm>>
    %dma_wait3A_613 = tpu.memref_squeeze %dma_wait3A_612 : memref<1x128x128xf32, #tpu.memory_space<hbm>> -> memref<128x128xf32, #tpu.memory_space<hbm>>
    %dma_wait3A_614 = arith.constant 0 : i32
    %dma_wait3A_615 = tpu.memref_slice %arg4[%dma_wait3A_610, %mul3A_2, %dma_wait3A_614] : memref<50x4096x128xf32, #tpu.memory_space<hbm>> -> memref<1x128x128xf32, #tpu.memory_space<hbm>>
    %dma_wait3A_616 = tpu.memref_squeeze %dma_wait3A_615 : memref<1x128x128xf32, #tpu.memory_space<hbm>> -> memref<128x128xf32, #tpu.memory_space<hbm>>
    tpu.wait_dma2 semaphore(%arg25 : memref<!tpu.dma_semaphore, #tpu.memory_space<semaphore_mem>>) src(%arg11 : memref<128x128xf32, #tpu.memory_space<vmem>>) dst(%dma_wait3A_616 : memref<128x128xf32, #tpu.memory_space<hbm>>)
    %dma_start3A_617 = arith.constant 26 : i32
    %dma_start3A_618 = arith.constant 0 : i32
    %dma_start3A_619 = tpu.memref_slice %arg5[%dma_start3A_617, %dma_start3A_618] : memref<50x128xi32, #tpu.memory_space<vmem>> -> memref<1x128xi32, #tpu.memory_space<vmem>>
    %dma_start3A_620 = tpu.memref_squeeze %dma_start3A_619 : memref<1x128xi32, #tpu.memory_space<vmem>> -> memref<128xi32, #tpu.memory_space<vmem>>
    %dma_start3A_621 = arith.constant 0 : i32
    %dma_start3A_622 = arith.constant 0 : i32
    %dma_start3A_623 = tpu.memref_slice %arg2[%dma_start3A_621, %dma_start3A_622] : memref<100000x128xf32, #tpu.memory_space<hbm>> -> memref<100000x128xf32, #tpu.memory_space<hbm>>
    tpu.enqueue_indirect_dma source(%dma_start3A_623 : memref<100000x128xf32, #tpu.memory_space<hbm>>) target(%arg11 : memref<128x128xf32, #tpu.memory_space<vmem>>) offsets(%dma_start3A_620 : memref<128xi32, #tpu.memory_space<vmem>>) semaphore(%arg18 : memref<!tpu.dma_semaphore, #tpu.memory_space<semaphore_mem>>)
    %dma_wait3A_624 = arith.constant 21 : i32
    %dma_wait3A_625 = arith.constant 0 : i32
    %dma_wait3A_626 = tpu.memref_slice %arg5[%dma_wait3A_624, %dma_wait3A_625] : memref<50x128xi32, #tpu.memory_space<vmem>> -> memref<1x128xi32, #tpu.memory_space<vmem>>
    %dma_wait3A_627 = tpu.memref_squeeze %dma_wait3A_626 : memref<1x128xi32, #tpu.memory_space<vmem>> -> memref<128xi32, #tpu.memory_space<vmem>>
    %dma_wait3A_628 = arith.constant 0 : i32
    %dma_wait3A_629 = arith.constant 0 : i32
    %dma_wait3A_630 = tpu.memref_slice %arg2[%dma_wait3A_628, %dma_wait3A_629] : memref<100000x128xf32, #tpu.memory_space<hbm>> -> memref<100000x128xf32, #tpu.memory_space<hbm>>
    tpu.wait_indirect_dma semaphore(%arg13 : memref<!tpu.dma_semaphore, #tpu.memory_space<semaphore_mem>>) src(%dma_wait3A_630 : memref<100000x128xf32, #tpu.memory_space<hbm>>) dst(%arg6 : memref<128x128xf32, #tpu.memory_space<vmem>>)
    %dma_start3A_631 = arith.constant 21 : i32
    %dma_start3A_632 = arith.constant 0 : i32
    %dma_start3A_633 = tpu.memref_slice %arg4[%dma_start3A_631, %mul3A_2, %dma_start3A_632] : memref<50x4096x128xf32, #tpu.memory_space<hbm>> -> memref<1x128x128xf32, #tpu.memory_space<hbm>>
    %dma_start3A_634 = tpu.memref_squeeze %dma_start3A_633 : memref<1x128x128xf32, #tpu.memory_space<hbm>> -> memref<128x128xf32, #tpu.memory_space<hbm>>
    %dma_start3A_635 = arith.constant 0 : i32
    %dma_start3A_636 = tpu.memref_slice %arg4[%dma_start3A_631, %mul3A_2, %dma_start3A_635] : memref<50x4096x128xf32, #tpu.memory_space<hbm>> -> memref<1x128x128xf32, #tpu.memory_space<hbm>>
    %dma_start3A_637 = tpu.memref_squeeze %dma_start3A_636 : memref<1x128x128xf32, #tpu.memory_space<hbm>> -> memref<128x128xf32, #tpu.memory_space<hbm>>
    tpu.enqueue_dma source(%arg6 : memref<128x128xf32, #tpu.memory_space<vmem>>) target(%dma_start3A_637 : memref<128x128xf32, #tpu.memory_space<hbm>>) target_semaphore(%arg20 : memref<!tpu.dma_semaphore, #tpu.memory_space<semaphore_mem>>)
    %dma_wait3A_638 = arith.constant 20 : i32
    %dma_wait3A_639 = arith.constant 0 : i32
    %dma_wait3A_640 = tpu.memref_slice %arg4[%dma_wait3A_638, %mul3A_2, %dma_wait3A_639] : memref<50x4096x128xf32, #tpu.memory_space<hbm>> -> memref<1x128x128xf32, #tpu.memory_space<hbm>>
    %dma_wait3A_641 = tpu.memref_squeeze %dma_wait3A_640 : memref<1x128x128xf32, #tpu.memory_space<hbm>> -> memref<128x128xf32, #tpu.memory_space<hbm>>
    %dma_wait3A_642 = arith.constant 0 : i32
    %dma_wait3A_643 = tpu.memref_slice %arg4[%dma_wait3A_638, %mul3A_2, %dma_wait3A_642] : memref<50x4096x128xf32, #tpu.memory_space<hbm>> -> memref<1x128x128xf32, #tpu.memory_space<hbm>>
    %dma_wait3A_644 = tpu.memref_squeeze %dma_wait3A_643 : memref<1x128x128xf32, #tpu.memory_space<hbm>> -> memref<128x128xf32, #tpu.memory_space<hbm>>
    tpu.wait_dma2 semaphore(%arg26 : memref<!tpu.dma_semaphore, #tpu.memory_space<semaphore_mem>>) src(%arg12 : memref<128x128xf32, #tpu.memory_space<vmem>>) dst(%dma_wait3A_644 : memref<128x128xf32, #tpu.memory_space<hbm>>)
    %dma_start3A_645 = arith.constant 27 : i32
    %dma_start3A_646 = arith.constant 0 : i32
    %dma_start3A_647 = tpu.memref_slice %arg5[%dma_start3A_645, %dma_start3A_646] : memref<50x128xi32, #tpu.memory_space<vmem>> -> memref<1x128xi32, #tpu.memory_space<vmem>>
    %dma_start3A_648 = tpu.memref_squeeze %dma_start3A_647 : memref<1x128xi32, #tpu.memory_space<vmem>> -> memref<128xi32, #tpu.memory_space<vmem>>
    %dma_start3A_649 = arith.constant 0 : i32
    %dma_start3A_650 = arith.constant 0 : i32
    %dma_start3A_651 = tpu.memref_slice %arg2[%dma_start3A_649, %dma_start3A_650] : memref<100000x128xf32, #tpu.memory_space<hbm>> -> memref<100000x128xf32, #tpu.memory_space<hbm>>
    tpu.enqueue_indirect_dma source(%dma_start3A_651 : memref<100000x128xf32, #tpu.memory_space<hbm>>) target(%arg12 : memref<128x128xf32, #tpu.memory_space<vmem>>) offsets(%dma_start3A_648 : memref<128xi32, #tpu.memory_space<vmem>>) semaphore(%arg19 : memref<!tpu.dma_semaphore, #tpu.memory_space<semaphore_mem>>)
    %dma_wait3A_652 = arith.constant 22 : i32
    %dma_wait3A_653 = arith.constant 0 : i32
    %dma_wait3A_654 = tpu.memref_slice %arg5[%dma_wait3A_652, %dma_wait3A_653] : memref<50x128xi32, #tpu.memory_space<vmem>> -> memref<1x128xi32, #tpu.memory_space<vmem>>
    %dma_wait3A_655 = tpu.memref_squeeze %dma_wait3A_654 : memref<1x128xi32, #tpu.memory_space<vmem>> -> memref<128xi32, #tpu.memory_space<vmem>>
    %dma_wait3A_656 = arith.constant 0 : i32
    %dma_wait3A_657 = arith.constant 0 : i32
    %dma_wait3A_658 = tpu.memref_slice %arg2[%dma_wait3A_656, %dma_wait3A_657] : memref<100000x128xf32, #tpu.memory_space<hbm>> -> memref<100000x128xf32, #tpu.memory_space<hbm>>
    tpu.wait_indirect_dma semaphore(%arg14 : memref<!tpu.dma_semaphore, #tpu.memory_space<semaphore_mem>>) src(%dma_wait3A_658 : memref<100000x128xf32, #tpu.memory_space<hbm>>) dst(%arg7 : memref<128x128xf32, #tpu.memory_space<vmem>>)
    %dma_start3A_659 = arith.constant 22 : i32
    %dma_start3A_660 = arith.constant 0 : i32
    %dma_start3A_661 = tpu.memref_slice %arg4[%dma_start3A_659, %mul3A_2, %dma_start3A_660] : memref<50x4096x128xf32, #tpu.memory_space<hbm>> -> memref<1x128x128xf32, #tpu.memory_space<hbm>>
    %dma_start3A_662 = tpu.memref_squeeze %dma_start3A_661 : memref<1x128x128xf32, #tpu.memory_space<hbm>> -> memref<128x128xf32, #tpu.memory_space<hbm>>
    %dma_start3A_663 = arith.constant 0 : i32
    %dma_start3A_664 = tpu.memref_slice %arg4[%dma_start3A_659, %mul3A_2, %dma_start3A_663] : memref<50x4096x128xf32, #tpu.memory_space<hbm>> -> memref<1x128x128xf32, #tpu.memory_space<hbm>>
    %dma_start3A_665 = tpu.memref_squeeze %dma_start3A_664 : memref<1x128x128xf32, #tpu.memory_space<hbm>> -> memref<128x128xf32, #tpu.memory_space<hbm>>
    tpu.enqueue_dma source(%arg7 : memref<128x128xf32, #tpu.memory_space<vmem>>) target(%dma_start3A_665 : memref<128x128xf32, #tpu.memory_space<hbm>>) target_semaphore(%arg21 : memref<!tpu.dma_semaphore, #tpu.memory_space<semaphore_mem>>)
    %dma_wait3A_666 = arith.constant 21 : i32
    %dma_wait3A_667 = arith.constant 0 : i32
    %dma_wait3A_668 = tpu.memref_slice %arg4[%dma_wait3A_666, %mul3A_2, %dma_wait3A_667] : memref<50x4096x128xf32, #tpu.memory_space<hbm>> -> memref<1x128x128xf32, #tpu.memory_space<hbm>>
    %dma_wait3A_669 = tpu.memref_squeeze %dma_wait3A_668 : memref<1x128x128xf32, #tpu.memory_space<hbm>> -> memref<128x128xf32, #tpu.memory_space<hbm>>
    %dma_wait3A_670 = arith.constant 0 : i32
    %dma_wait3A_671 = tpu.memref_slice %arg4[%dma_wait3A_666, %mul3A_2, %dma_wait3A_670] : memref<50x4096x128xf32, #tpu.memory_space<hbm>> -> memref<1x128x128xf32, #tpu.memory_space<hbm>>
    %dma_wait3A_672 = tpu.memref_squeeze %dma_wait3A_671 : memref<1x128x128xf32, #tpu.memory_space<hbm>> -> memref<128x128xf32, #tpu.memory_space<hbm>>
    tpu.wait_dma2 semaphore(%arg20 : memref<!tpu.dma_semaphore, #tpu.memory_space<semaphore_mem>>) src(%arg6 : memref<128x128xf32, #tpu.memory_space<vmem>>) dst(%dma_wait3A_672 : memref<128x128xf32, #tpu.memory_space<hbm>>)
    %dma_start3A_673 = arith.constant 28 : i32
    %dma_start3A_674 = arith.constant 0 : i32
    %dma_start3A_675 = tpu.memref_slice %arg5[%dma_start3A_673, %dma_start3A_674] : memref<50x128xi32, #tpu.memory_space<vmem>> -> memref<1x128xi32, #tpu.memory_space<vmem>>
    %dma_start3A_676 = tpu.memref_squeeze %dma_start3A_675 : memref<1x128xi32, #tpu.memory_space<vmem>> -> memref<128xi32, #tpu.memory_space<vmem>>
    %dma_start3A_677 = arith.constant 0 : i32
    %dma_start3A_678 = arith.constant 0 : i32
    %dma_start3A_679 = tpu.memref_slice %arg2[%dma_start3A_677, %dma_start3A_678] : memref<100000x128xf32, #tpu.memory_space<hbm>> -> memref<100000x128xf32, #tpu.memory_space<hbm>>
    tpu.enqueue_indirect_dma source(%dma_start3A_679 : memref<100000x128xf32, #tpu.memory_space<hbm>>) target(%arg6 : memref<128x128xf32, #tpu.memory_space<vmem>>) offsets(%dma_start3A_676 : memref<128xi32, #tpu.memory_space<vmem>>) semaphore(%arg13 : memref<!tpu.dma_semaphore, #tpu.memory_space<semaphore_mem>>)
    %dma_wait3A_680 = arith.constant 23 : i32
    %dma_wait3A_681 = arith.constant 0 : i32
    %dma_wait3A_682 = tpu.memref_slice %arg5[%dma_wait3A_680, %dma_wait3A_681] : memref<50x128xi32, #tpu.memory_space<vmem>> -> memref<1x128xi32, #tpu.memory_space<vmem>>
    %dma_wait3A_683 = tpu.memref_squeeze %dma_wait3A_682 : memref<1x128xi32, #tpu.memory_space<vmem>> -> memref<128xi32, #tpu.memory_space<vmem>>
    %dma_wait3A_684 = arith.constant 0 : i32
    %dma_wait3A_685 = arith.constant 0 : i32
    %dma_wait3A_686 = tpu.memref_slice %arg2[%dma_wait3A_684, %dma_wait3A_685] : memref<100000x128xf32, #tpu.memory_space<hbm>> -> memref<100000x128xf32, #tpu.memory_space<hbm>>
    tpu.wait_indirect_dma semaphore(%arg15 : memref<!tpu.dma_semaphore, #tpu.memory_space<semaphore_mem>>) src(%dma_wait3A_686 : memref<100000x128xf32, #tpu.memory_space<hbm>>) dst(%arg8 : memref<128x128xf32, #tpu.memory_space<vmem>>)
    %dma_start3A_687 = arith.constant 23 : i32
    %dma_start3A_688 = arith.constant 0 : i32
    %dma_start3A_689 = tpu.memref_slice %arg4[%dma_start3A_687, %mul3A_2, %dma_start3A_688] : memref<50x4096x128xf32, #tpu.memory_space<hbm>> -> memref<1x128x128xf32, #tpu.memory_space<hbm>>
    %dma_start3A_690 = tpu.memref_squeeze %dma_start3A_689 : memref<1x128x128xf32, #tpu.memory_space<hbm>> -> memref<128x128xf32, #tpu.memory_space<hbm>>
    %dma_start3A_691 = arith.constant 0 : i32
    %dma_start3A_692 = tpu.memref_slice %arg4[%dma_start3A_687, %mul3A_2, %dma_start3A_691] : memref<50x4096x128xf32, #tpu.memory_space<hbm>> -> memref<1x128x128xf32, #tpu.memory_space<hbm>>
    %dma_start3A_693 = tpu.memref_squeeze %dma_start3A_692 : memref<1x128x128xf32, #tpu.memory_space<hbm>> -> memref<128x128xf32, #tpu.memory_space<hbm>>
    tpu.enqueue_dma source(%arg8 : memref<128x128xf32, #tpu.memory_space<vmem>>) target(%dma_start3A_693 : memref<128x128xf32, #tpu.memory_space<hbm>>) target_semaphore(%arg22 : memref<!tpu.dma_semaphore, #tpu.memory_space<semaphore_mem>>)
    %dma_wait3A_694 = arith.constant 22 : i32
    %dma_wait3A_695 = arith.constant 0 : i32
    %dma_wait3A_696 = tpu.memref_slice %arg4[%dma_wait3A_694, %mul3A_2, %dma_wait3A_695] : memref<50x4096x128xf32, #tpu.memory_space<hbm>> -> memref<1x128x128xf32, #tpu.memory_space<hbm>>
    %dma_wait3A_697 = tpu.memref_squeeze %dma_wait3A_696 : memref<1x128x128xf32, #tpu.memory_space<hbm>> -> memref<128x128xf32, #tpu.memory_space<hbm>>
    %dma_wait3A_698 = arith.constant 0 : i32
    %dma_wait3A_699 = tpu.memref_slice %arg4[%dma_wait3A_694, %mul3A_2, %dma_wait3A_698] : memref<50x4096x128xf32, #tpu.memory_space<hbm>> -> memref<1x128x128xf32, #tpu.memory_space<hbm>>
    %dma_wait3A_700 = tpu.memref_squeeze %dma_wait3A_699 : memref<1x128x128xf32, #tpu.memory_space<hbm>> -> memref<128x128xf32, #tpu.memory_space<hbm>>
    tpu.wait_dma2 semaphore(%arg21 : memref<!tpu.dma_semaphore, #tpu.memory_space<semaphore_mem>>) src(%arg7 : memref<128x128xf32, #tpu.memory_space<vmem>>) dst(%dma_wait3A_700 : memref<128x128xf32, #tpu.memory_space<hbm>>)
    %dma_start3A_701 = arith.constant 29 : i32
    %dma_start3A_702 = arith.constant 0 : i32
    %dma_start3A_703 = tpu.memref_slice %arg5[%dma_start3A_701, %dma_start3A_702] : memref<50x128xi32, #tpu.memory_space<vmem>> -> memref<1x128xi32, #tpu.memory_space<vmem>>
    %dma_start3A_704 = tpu.memref_squeeze %dma_start3A_703 : memref<1x128xi32, #tpu.memory_space<vmem>> -> memref<128xi32, #tpu.memory_space<vmem>>
    %dma_start3A_705 = arith.constant 0 : i32
    %dma_start3A_706 = arith.constant 0 : i32
    %dma_start3A_707 = tpu.memref_slice %arg2[%dma_start3A_705, %dma_start3A_706] : memref<100000x128xf32, #tpu.memory_space<hbm>> -> memref<100000x128xf32, #tpu.memory_space<hbm>>
    tpu.enqueue_indirect_dma source(%dma_start3A_707 : memref<100000x128xf32, #tpu.memory_space<hbm>>) target(%arg7 : memref<128x128xf32, #tpu.memory_space<vmem>>) offsets(%dma_start3A_704 : memref<128xi32, #tpu.memory_space<vmem>>) semaphore(%arg14 : memref<!tpu.dma_semaphore, #tpu.memory_space<semaphore_mem>>)
    %dma_wait3A_708 = arith.constant 24 : i32
    %dma_wait3A_709 = arith.constant 0 : i32
    %dma_wait3A_710 = tpu.memref_slice %arg5[%dma_wait3A_708, %dma_wait3A_709] : memref<50x128xi32, #tpu.memory_space<vmem>> -> memref<1x128xi32, #tpu.memory_space<vmem>>
    %dma_wait3A_711 = tpu.memref_squeeze %dma_wait3A_710 : memref<1x128xi32, #tpu.memory_space<vmem>> -> memref<128xi32, #tpu.memory_space<vmem>>
    %dma_wait3A_712 = arith.constant 0 : i32
    %dma_wait3A_713 = arith.constant 0 : i32
    %dma_wait3A_714 = tpu.memref_slice %arg2[%dma_wait3A_712, %dma_wait3A_713] : memref<100000x128xf32, #tpu.memory_space<hbm>> -> memref<100000x128xf32, #tpu.memory_space<hbm>>
    tpu.wait_indirect_dma semaphore(%arg16 : memref<!tpu.dma_semaphore, #tpu.memory_space<semaphore_mem>>) src(%dma_wait3A_714 : memref<100000x128xf32, #tpu.memory_space<hbm>>) dst(%arg9 : memref<128x128xf32, #tpu.memory_space<vmem>>)
    %dma_start3A_715 = arith.constant 24 : i32
    %dma_start3A_716 = arith.constant 0 : i32
    %dma_start3A_717 = tpu.memref_slice %arg4[%dma_start3A_715, %mul3A_2, %dma_start3A_716] : memref<50x4096x128xf32, #tpu.memory_space<hbm>> -> memref<1x128x128xf32, #tpu.memory_space<hbm>>
    %dma_start3A_718 = tpu.memref_squeeze %dma_start3A_717 : memref<1x128x128xf32, #tpu.memory_space<hbm>> -> memref<128x128xf32, #tpu.memory_space<hbm>>
    %dma_start3A_719 = arith.constant 0 : i32
    %dma_start3A_720 = tpu.memref_slice %arg4[%dma_start3A_715, %mul3A_2, %dma_start3A_719] : memref<50x4096x128xf32, #tpu.memory_space<hbm>> -> memref<1x128x128xf32, #tpu.memory_space<hbm>>
    %dma_start3A_721 = tpu.memref_squeeze %dma_start3A_720 : memref<1x128x128xf32, #tpu.memory_space<hbm>> -> memref<128x128xf32, #tpu.memory_space<hbm>>
    tpu.enqueue_dma source(%arg9 : memref<128x128xf32, #tpu.memory_space<vmem>>) target(%dma_start3A_721 : memref<128x128xf32, #tpu.memory_space<hbm>>) target_semaphore(%arg23 : memref<!tpu.dma_semaphore, #tpu.memory_space<semaphore_mem>>)
    %dma_wait3A_722 = arith.constant 23 : i32
    %dma_wait3A_723 = arith.constant 0 : i32
    %dma_wait3A_724 = tpu.memref_slice %arg4[%dma_wait3A_722, %mul3A_2, %dma_wait3A_723] : memref<50x4096x128xf32, #tpu.memory_space<hbm>> -> memref<1x128x128xf32, #tpu.memory_space<hbm>>
    %dma_wait3A_725 = tpu.memref_squeeze %dma_wait3A_724 : memref<1x128x128xf32, #tpu.memory_space<hbm>> -> memref<128x128xf32, #tpu.memory_space<hbm>>
    %dma_wait3A_726 = arith.constant 0 : i32
    %dma_wait3A_727 = tpu.memref_slice %arg4[%dma_wait3A_722, %mul3A_2, %dma_wait3A_726] : memref<50x4096x128xf32, #tpu.memory_space<hbm>> -> memref<1x128x128xf32, #tpu.memory_space<hbm>>
    %dma_wait3A_728 = tpu.memref_squeeze %dma_wait3A_727 : memref<1x128x128xf32, #tpu.memory_space<hbm>> -> memref<128x128xf32, #tpu.memory_space<hbm>>
    tpu.wait_dma2 semaphore(%arg22 : memref<!tpu.dma_semaphore, #tpu.memory_space<semaphore_mem>>) src(%arg8 : memref<128x128xf32, #tpu.memory_space<vmem>>) dst(%dma_wait3A_728 : memref<128x128xf32, #tpu.memory_space<hbm>>)
    %dma_start3A_729 = arith.constant 30 : i32
    %dma_start3A_730 = arith.constant 0 : i32
    %dma_start3A_731 = tpu.memref_slice %arg5[%dma_start3A_729, %dma_start3A_730] : memref<50x128xi32, #tpu.memory_space<vmem>> -> memref<1x128xi32, #tpu.memory_space<vmem>>
    %dma_start3A_732 = tpu.memref_squeeze %dma_start3A_731 : memref<1x128xi32, #tpu.memory_space<vmem>> -> memref<128xi32, #tpu.memory_space<vmem>>
    %dma_start3A_733 = arith.constant 0 : i32
    %dma_start3A_734 = arith.constant 0 : i32
    %dma_start3A_735 = tpu.memref_slice %arg2[%dma_start3A_733, %dma_start3A_734] : memref<100000x128xf32, #tpu.memory_space<hbm>> -> memref<100000x128xf32, #tpu.memory_space<hbm>>
    tpu.enqueue_indirect_dma source(%dma_start3A_735 : memref<100000x128xf32, #tpu.memory_space<hbm>>) target(%arg8 : memref<128x128xf32, #tpu.memory_space<vmem>>) offsets(%dma_start3A_732 : memref<128xi32, #tpu.memory_space<vmem>>) semaphore(%arg15 : memref<!tpu.dma_semaphore, #tpu.memory_space<semaphore_mem>>)
    %dma_wait3A_736 = arith.constant 25 : i32
    %dma_wait3A_737 = arith.constant 0 : i32
    %dma_wait3A_738 = tpu.memref_slice %arg5[%dma_wait3A_736, %dma_wait3A_737] : memref<50x128xi32, #tpu.memory_space<vmem>> -> memref<1x128xi32, #tpu.memory_space<vmem>>
    %dma_wait3A_739 = tpu.memref_squeeze %dma_wait3A_738 : memref<1x128xi32, #tpu.memory_space<vmem>> -> memref<128xi32, #tpu.memory_space<vmem>>
    %dma_wait3A_740 = arith.constant 0 : i32
    %dma_wait3A_741 = arith.constant 0 : i32
    %dma_wait3A_742 = tpu.memref_slice %arg2[%dma_wait3A_740, %dma_wait3A_741] : memref<100000x128xf32, #tpu.memory_space<hbm>> -> memref<100000x128xf32, #tpu.memory_space<hbm>>
    tpu.wait_indirect_dma semaphore(%arg17 : memref<!tpu.dma_semaphore, #tpu.memory_space<semaphore_mem>>) src(%dma_wait3A_742 : memref<100000x128xf32, #tpu.memory_space<hbm>>) dst(%arg10 : memref<128x128xf32, #tpu.memory_space<vmem>>)
    %dma_start3A_743 = arith.constant 25 : i32
    %dma_start3A_744 = arith.constant 0 : i32
    %dma_start3A_745 = tpu.memref_slice %arg4[%dma_start3A_743, %mul3A_2, %dma_start3A_744] : memref<50x4096x128xf32, #tpu.memory_space<hbm>> -> memref<1x128x128xf32, #tpu.memory_space<hbm>>
    %dma_start3A_746 = tpu.memref_squeeze %dma_start3A_745 : memref<1x128x128xf32, #tpu.memory_space<hbm>> -> memref<128x128xf32, #tpu.memory_space<hbm>>
    %dma_start3A_747 = arith.constant 0 : i32
    %dma_start3A_748 = tpu.memref_slice %arg4[%dma_start3A_743, %mul3A_2, %dma_start3A_747] : memref<50x4096x128xf32, #tpu.memory_space<hbm>> -> memref<1x128x128xf32, #tpu.memory_space<hbm>>
    %dma_start3A_749 = tpu.memref_squeeze %dma_start3A_748 : memref<1x128x128xf32, #tpu.memory_space<hbm>> -> memref<128x128xf32, #tpu.memory_space<hbm>>
    tpu.enqueue_dma source(%arg10 : memref<128x128xf32, #tpu.memory_space<vmem>>) target(%dma_start3A_749 : memref<128x128xf32, #tpu.memory_space<hbm>>) target_semaphore(%arg24 : memref<!tpu.dma_semaphore, #tpu.memory_space<semaphore_mem>>)
    %dma_wait3A_750 = arith.constant 24 : i32
    %dma_wait3A_751 = arith.constant 0 : i32
    %dma_wait3A_752 = tpu.memref_slice %arg4[%dma_wait3A_750, %mul3A_2, %dma_wait3A_751] : memref<50x4096x128xf32, #tpu.memory_space<hbm>> -> memref<1x128x128xf32, #tpu.memory_space<hbm>>
    %dma_wait3A_753 = tpu.memref_squeeze %dma_wait3A_752 : memref<1x128x128xf32, #tpu.memory_space<hbm>> -> memref<128x128xf32, #tpu.memory_space<hbm>>
    %dma_wait3A_754 = arith.constant 0 : i32
    %dma_wait3A_755 = tpu.memref_slice %arg4[%dma_wait3A_750, %mul3A_2, %dma_wait3A_754] : memref<50x4096x128xf32, #tpu.memory_space<hbm>> -> memref<1x128x128xf32, #tpu.memory_space<hbm>>
    %dma_wait3A_756 = tpu.memref_squeeze %dma_wait3A_755 : memref<1x128x128xf32, #tpu.memory_space<hbm>> -> memref<128x128xf32, #tpu.memory_space<hbm>>
    tpu.wait_dma2 semaphore(%arg23 : memref<!tpu.dma_semaphore, #tpu.memory_space<semaphore_mem>>) src(%arg9 : memref<128x128xf32, #tpu.memory_space<vmem>>) dst(%dma_wait3A_756 : memref<128x128xf32, #tpu.memory_space<hbm>>)
    %dma_start3A_757 = arith.constant 31 : i32
    %dma_start3A_758 = arith.constant 0 : i32
    %dma_start3A_759 = tpu.memref_slice %arg5[%dma_start3A_757, %dma_start3A_758] : memref<50x128xi32, #tpu.memory_space<vmem>> -> memref<1x128xi32, #tpu.memory_space<vmem>>
    %dma_start3A_760 = tpu.memref_squeeze %dma_start3A_759 : memref<1x128xi32, #tpu.memory_space<vmem>> -> memref<128xi32, #tpu.memory_space<vmem>>
    %dma_start3A_761 = arith.constant 0 : i32
    %dma_start3A_762 = arith.constant 0 : i32
    %dma_start3A_763 = tpu.memref_slice %arg2[%dma_start3A_761, %dma_start3A_762] : memref<100000x128xf32, #tpu.memory_space<hbm>> -> memref<100000x128xf32, #tpu.memory_space<hbm>>
    tpu.enqueue_indirect_dma source(%dma_start3A_763 : memref<100000x128xf32, #tpu.memory_space<hbm>>) target(%arg9 : memref<128x128xf32, #tpu.memory_space<vmem>>) offsets(%dma_start3A_760 : memref<128xi32, #tpu.memory_space<vmem>>) semaphore(%arg16 : memref<!tpu.dma_semaphore, #tpu.memory_space<semaphore_mem>>)
    %dma_wait3A_764 = arith.constant 26 : i32
    %dma_wait3A_765 = arith.constant 0 : i32
    %dma_wait3A_766 = tpu.memref_slice %arg5[%dma_wait3A_764, %dma_wait3A_765] : memref<50x128xi32, #tpu.memory_space<vmem>> -> memref<1x128xi32, #tpu.memory_space<vmem>>
    %dma_wait3A_767 = tpu.memref_squeeze %dma_wait3A_766 : memref<1x128xi32, #tpu.memory_space<vmem>> -> memref<128xi32, #tpu.memory_space<vmem>>
    %dma_wait3A_768 = arith.constant 0 : i32
    %dma_wait3A_769 = arith.constant 0 : i32
    %dma_wait3A_770 = tpu.memref_slice %arg2[%dma_wait3A_768, %dma_wait3A_769] : memref<100000x128xf32, #tpu.memory_space<hbm>> -> memref<100000x128xf32, #tpu.memory_space<hbm>>
    tpu.wait_indirect_dma semaphore(%arg18 : memref<!tpu.dma_semaphore, #tpu.memory_space<semaphore_mem>>) src(%dma_wait3A_770 : memref<100000x128xf32, #tpu.memory_space<hbm>>) dst(%arg11 : memref<128x128xf32, #tpu.memory_space<vmem>>)
    %dma_start3A_771 = arith.constant 26 : i32
    %dma_start3A_772 = arith.constant 0 : i32
    %dma_start3A_773 = tpu.memref_slice %arg4[%dma_start3A_771, %mul3A_2, %dma_start3A_772] : memref<50x4096x128xf32, #tpu.memory_space<hbm>> -> memref<1x128x128xf32, #tpu.memory_space<hbm>>
    %dma_start3A_774 = tpu.memref_squeeze %dma_start3A_773 : memref<1x128x128xf32, #tpu.memory_space<hbm>> -> memref<128x128xf32, #tpu.memory_space<hbm>>
    %dma_start3A_775 = arith.constant 0 : i32
    %dma_start3A_776 = tpu.memref_slice %arg4[%dma_start3A_771, %mul3A_2, %dma_start3A_775] : memref<50x4096x128xf32, #tpu.memory_space<hbm>> -> memref<1x128x128xf32, #tpu.memory_space<hbm>>
    %dma_start3A_777 = tpu.memref_squeeze %dma_start3A_776 : memref<1x128x128xf32, #tpu.memory_space<hbm>> -> memref<128x128xf32, #tpu.memory_space<hbm>>
    tpu.enqueue_dma source(%arg11 : memref<128x128xf32, #tpu.memory_space<vmem>>) target(%dma_start3A_777 : memref<128x128xf32, #tpu.memory_space<hbm>>) target_semaphore(%arg25 : memref<!tpu.dma_semaphore, #tpu.memory_space<semaphore_mem>>)
    %dma_wait3A_778 = arith.constant 25 : i32
    %dma_wait3A_779 = arith.constant 0 : i32
    %dma_wait3A_780 = tpu.memref_slice %arg4[%dma_wait3A_778, %mul3A_2, %dma_wait3A_779] : memref<50x4096x128xf32, #tpu.memory_space<hbm>> -> memref<1x128x128xf32, #tpu.memory_space<hbm>>
    %dma_wait3A_781 = tpu.memref_squeeze %dma_wait3A_780 : memref<1x128x128xf32, #tpu.memory_space<hbm>> -> memref<128x128xf32, #tpu.memory_space<hbm>>
    %dma_wait3A_782 = arith.constant 0 : i32
    %dma_wait3A_783 = tpu.memref_slice %arg4[%dma_wait3A_778, %mul3A_2, %dma_wait3A_782] : memref<50x4096x128xf32, #tpu.memory_space<hbm>> -> memref<1x128x128xf32, #tpu.memory_space<hbm>>
    %dma_wait3A_784 = tpu.memref_squeeze %dma_wait3A_783 : memref<1x128x128xf32, #tpu.memory_space<hbm>> -> memref<128x128xf32, #tpu.memory_space<hbm>>
    tpu.wait_dma2 semaphore(%arg24 : memref<!tpu.dma_semaphore, #tpu.memory_space<semaphore_mem>>) src(%arg10 : memref<128x128xf32, #tpu.memory_space<vmem>>) dst(%dma_wait3A_784 : memref<128x128xf32, #tpu.memory_space<hbm>>)
    %dma_start3A_785 = arith.constant 32 : i32
    %dma_start3A_786 = arith.constant 0 : i32
    %dma_start3A_787 = tpu.memref_slice %arg5[%dma_start3A_785, %dma_start3A_786] : memref<50x128xi32, #tpu.memory_space<vmem>> -> memref<1x128xi32, #tpu.memory_space<vmem>>
    %dma_start3A_788 = tpu.memref_squeeze %dma_start3A_787 : memref<1x128xi32, #tpu.memory_space<vmem>> -> memref<128xi32, #tpu.memory_space<vmem>>
    %dma_start3A_789 = arith.constant 0 : i32
    %dma_start3A_790 = arith.constant 0 : i32
    %dma_start3A_791 = tpu.memref_slice %arg2[%dma_start3A_789, %dma_start3A_790] : memref<100000x128xf32, #tpu.memory_space<hbm>> -> memref<100000x128xf32, #tpu.memory_space<hbm>>
    tpu.enqueue_indirect_dma source(%dma_start3A_791 : memref<100000x128xf32, #tpu.memory_space<hbm>>) target(%arg10 : memref<128x128xf32, #tpu.memory_space<vmem>>) offsets(%dma_start3A_788 : memref<128xi32, #tpu.memory_space<vmem>>) semaphore(%arg17 : memref<!tpu.dma_semaphore, #tpu.memory_space<semaphore_mem>>)
    %dma_wait3A_792 = arith.constant 27 : i32
    %dma_wait3A_793 = arith.constant 0 : i32
    %dma_wait3A_794 = tpu.memref_slice %arg5[%dma_wait3A_792, %dma_wait3A_793] : memref<50x128xi32, #tpu.memory_space<vmem>> -> memref<1x128xi32, #tpu.memory_space<vmem>>
    %dma_wait3A_795 = tpu.memref_squeeze %dma_wait3A_794 : memref<1x128xi32, #tpu.memory_space<vmem>> -> memref<128xi32, #tpu.memory_space<vmem>>
    %dma_wait3A_796 = arith.constant 0 : i32
    %dma_wait3A_797 = arith.constant 0 : i32
    %dma_wait3A_798 = tpu.memref_slice %arg2[%dma_wait3A_796, %dma_wait3A_797] : memref<100000x128xf32, #tpu.memory_space<hbm>> -> memref<100000x128xf32, #tpu.memory_space<hbm>>
    tpu.wait_indirect_dma semaphore(%arg19 : memref<!tpu.dma_semaphore, #tpu.memory_space<semaphore_mem>>) src(%dma_wait3A_798 : memref<100000x128xf32, #tpu.memory_space<hbm>>) dst(%arg12 : memref<128x128xf32, #tpu.memory_space<vmem>>)
    %dma_start3A_799 = arith.constant 27 : i32
    %dma_start3A_800 = arith.constant 0 : i32
    %dma_start3A_801 = tpu.memref_slice %arg4[%dma_start3A_799, %mul3A_2, %dma_start3A_800] : memref<50x4096x128xf32, #tpu.memory_space<hbm>> -> memref<1x128x128xf32, #tpu.memory_space<hbm>>
    %dma_start3A_802 = tpu.memref_squeeze %dma_start3A_801 : memref<1x128x128xf32, #tpu.memory_space<hbm>> -> memref<128x128xf32, #tpu.memory_space<hbm>>
    %dma_start3A_803 = arith.constant 0 : i32
    %dma_start3A_804 = tpu.memref_slice %arg4[%dma_start3A_799, %mul3A_2, %dma_start3A_803] : memref<50x4096x128xf32, #tpu.memory_space<hbm>> -> memref<1x128x128xf32, #tpu.memory_space<hbm>>
    %dma_start3A_805 = tpu.memref_squeeze %dma_start3A_804 : memref<1x128x128xf32, #tpu.memory_space<hbm>> -> memref<128x128xf32, #tpu.memory_space<hbm>>
    tpu.enqueue_dma source(%arg12 : memref<128x128xf32, #tpu.memory_space<vmem>>) target(%dma_start3A_805 : memref<128x128xf32, #tpu.memory_space<hbm>>) target_semaphore(%arg26 : memref<!tpu.dma_semaphore, #tpu.memory_space<semaphore_mem>>)
    %dma_wait3A_806 = arith.constant 26 : i32
    %dma_wait3A_807 = arith.constant 0 : i32
    %dma_wait3A_808 = tpu.memref_slice %arg4[%dma_wait3A_806, %mul3A_2, %dma_wait3A_807] : memref<50x4096x128xf32, #tpu.memory_space<hbm>> -> memref<1x128x128xf32, #tpu.memory_space<hbm>>
    %dma_wait3A_809 = tpu.memref_squeeze %dma_wait3A_808 : memref<1x128x128xf32, #tpu.memory_space<hbm>> -> memref<128x128xf32, #tpu.memory_space<hbm>>
    %dma_wait3A_810 = arith.constant 0 : i32
    %dma_wait3A_811 = tpu.memref_slice %arg4[%dma_wait3A_806, %mul3A_2, %dma_wait3A_810] : memref<50x4096x128xf32, #tpu.memory_space<hbm>> -> memref<1x128x128xf32, #tpu.memory_space<hbm>>
    %dma_wait3A_812 = tpu.memref_squeeze %dma_wait3A_811 : memref<1x128x128xf32, #tpu.memory_space<hbm>> -> memref<128x128xf32, #tpu.memory_space<hbm>>
    tpu.wait_dma2 semaphore(%arg25 : memref<!tpu.dma_semaphore, #tpu.memory_space<semaphore_mem>>) src(%arg11 : memref<128x128xf32, #tpu.memory_space<vmem>>) dst(%dma_wait3A_812 : memref<128x128xf32, #tpu.memory_space<hbm>>)
    %dma_start3A_813 = arith.constant 33 : i32
    %dma_start3A_814 = arith.constant 0 : i32
    %dma_start3A_815 = tpu.memref_slice %arg5[%dma_start3A_813, %dma_start3A_814] : memref<50x128xi32, #tpu.memory_space<vmem>> -> memref<1x128xi32, #tpu.memory_space<vmem>>
    %dma_start3A_816 = tpu.memref_squeeze %dma_start3A_815 : memref<1x128xi32, #tpu.memory_space<vmem>> -> memref<128xi32, #tpu.memory_space<vmem>>
    %dma_start3A_817 = arith.constant 0 : i32
    %dma_start3A_818 = arith.constant 0 : i32
    %dma_start3A_819 = tpu.memref_slice %arg2[%dma_start3A_817, %dma_start3A_818] : memref<100000x128xf32, #tpu.memory_space<hbm>> -> memref<100000x128xf32, #tpu.memory_space<hbm>>
    tpu.enqueue_indirect_dma source(%dma_start3A_819 : memref<100000x128xf32, #tpu.memory_space<hbm>>) target(%arg11 : memref<128x128xf32, #tpu.memory_space<vmem>>) offsets(%dma_start3A_816 : memref<128xi32, #tpu.memory_space<vmem>>) semaphore(%arg18 : memref<!tpu.dma_semaphore, #tpu.memory_space<semaphore_mem>>)
    %dma_wait3A_820 = arith.constant 28 : i32
    %dma_wait3A_821 = arith.constant 0 : i32
    %dma_wait3A_822 = tpu.memref_slice %arg5[%dma_wait3A_820, %dma_wait3A_821] : memref<50x128xi32, #tpu.memory_space<vmem>> -> memref<1x128xi32, #tpu.memory_space<vmem>>
    %dma_wait3A_823 = tpu.memref_squeeze %dma_wait3A_822 : memref<1x128xi32, #tpu.memory_space<vmem>> -> memref<128xi32, #tpu.memory_space<vmem>>
    %dma_wait3A_824 = arith.constant 0 : i32
    %dma_wait3A_825 = arith.constant 0 : i32
    %dma_wait3A_826 = tpu.memref_slice %arg2[%dma_wait3A_824, %dma_wait3A_825] : memref<100000x128xf32, #tpu.memory_space<hbm>> -> memref<100000x128xf32, #tpu.memory_space<hbm>>
    tpu.wait_indirect_dma semaphore(%arg13 : memref<!tpu.dma_semaphore, #tpu.memory_space<semaphore_mem>>) src(%dma_wait3A_826 : memref<100000x128xf32, #tpu.memory_space<hbm>>) dst(%arg6 : memref<128x128xf32, #tpu.memory_space<vmem>>)
    %dma_start3A_827 = arith.constant 28 : i32
    %dma_start3A_828 = arith.constant 0 : i32
    %dma_start3A_829 = tpu.memref_slice %arg4[%dma_start3A_827, %mul3A_2, %dma_start3A_828] : memref<50x4096x128xf32, #tpu.memory_space<hbm>> -> memref<1x128x128xf32, #tpu.memory_space<hbm>>
    %dma_start3A_830 = tpu.memref_squeeze %dma_start3A_829 : memref<1x128x128xf32, #tpu.memory_space<hbm>> -> memref<128x128xf32, #tpu.memory_space<hbm>>
    %dma_start3A_831 = arith.constant 0 : i32
    %dma_start3A_832 = tpu.memref_slice %arg4[%dma_start3A_827, %mul3A_2, %dma_start3A_831] : memref<50x4096x128xf32, #tpu.memory_space<hbm>> -> memref<1x128x128xf32, #tpu.memory_space<hbm>>
    %dma_start3A_833 = tpu.memref_squeeze %dma_start3A_832 : memref<1x128x128xf32, #tpu.memory_space<hbm>> -> memref<128x128xf32, #tpu.memory_space<hbm>>
    tpu.enqueue_dma source(%arg6 : memref<128x128xf32, #tpu.memory_space<vmem>>) target(%dma_start3A_833 : memref<128x128xf32, #tpu.memory_space<hbm>>) target_semaphore(%arg20 : memref<!tpu.dma_semaphore, #tpu.memory_space<semaphore_mem>>)
    %dma_wait3A_834 = arith.constant 27 : i32
    %dma_wait3A_835 = arith.constant 0 : i32
    %dma_wait3A_836 = tpu.memref_slice %arg4[%dma_wait3A_834, %mul3A_2, %dma_wait3A_835] : memref<50x4096x128xf32, #tpu.memory_space<hbm>> -> memref<1x128x128xf32, #tpu.memory_space<hbm>>
    %dma_wait3A_837 = tpu.memref_squeeze %dma_wait3A_836 : memref<1x128x128xf32, #tpu.memory_space<hbm>> -> memref<128x128xf32, #tpu.memory_space<hbm>>
    %dma_wait3A_838 = arith.constant 0 : i32
    %dma_wait3A_839 = tpu.memref_slice %arg4[%dma_wait3A_834, %mul3A_2, %dma_wait3A_838] : memref<50x4096x128xf32, #tpu.memory_space<hbm>> -> memref<1x128x128xf32, #tpu.memory_space<hbm>>
    %dma_wait3A_840 = tpu.memref_squeeze %dma_wait3A_839 : memref<1x128x128xf32, #tpu.memory_space<hbm>> -> memref<128x128xf32, #tpu.memory_space<hbm>>
    tpu.wait_dma2 semaphore(%arg26 : memref<!tpu.dma_semaphore, #tpu.memory_space<semaphore_mem>>) src(%arg12 : memref<128x128xf32, #tpu.memory_space<vmem>>) dst(%dma_wait3A_840 : memref<128x128xf32, #tpu.memory_space<hbm>>)
    %dma_start3A_841 = arith.constant 34 : i32
    %dma_start3A_842 = arith.constant 0 : i32
    %dma_start3A_843 = tpu.memref_slice %arg5[%dma_start3A_841, %dma_start3A_842] : memref<50x128xi32, #tpu.memory_space<vmem>> -> memref<1x128xi32, #tpu.memory_space<vmem>>
    %dma_start3A_844 = tpu.memref_squeeze %dma_start3A_843 : memref<1x128xi32, #tpu.memory_space<vmem>> -> memref<128xi32, #tpu.memory_space<vmem>>
    %dma_start3A_845 = arith.constant 0 : i32
    %dma_start3A_846 = arith.constant 0 : i32
    %dma_start3A_847 = tpu.memref_slice %arg2[%dma_start3A_845, %dma_start3A_846] : memref<100000x128xf32, #tpu.memory_space<hbm>> -> memref<100000x128xf32, #tpu.memory_space<hbm>>
    tpu.enqueue_indirect_dma source(%dma_start3A_847 : memref<100000x128xf32, #tpu.memory_space<hbm>>) target(%arg12 : memref<128x128xf32, #tpu.memory_space<vmem>>) offsets(%dma_start3A_844 : memref<128xi32, #tpu.memory_space<vmem>>) semaphore(%arg19 : memref<!tpu.dma_semaphore, #tpu.memory_space<semaphore_mem>>)
    %dma_wait3A_848 = arith.constant 29 : i32
    %dma_wait3A_849 = arith.constant 0 : i32
    %dma_wait3A_850 = tpu.memref_slice %arg5[%dma_wait3A_848, %dma_wait3A_849] : memref<50x128xi32, #tpu.memory_space<vmem>> -> memref<1x128xi32, #tpu.memory_space<vmem>>
    %dma_wait3A_851 = tpu.memref_squeeze %dma_wait3A_850 : memref<1x128xi32, #tpu.memory_space<vmem>> -> memref<128xi32, #tpu.memory_space<vmem>>
    %dma_wait3A_852 = arith.constant 0 : i32
    %dma_wait3A_853 = arith.constant 0 : i32
    %dma_wait3A_854 = tpu.memref_slice %arg2[%dma_wait3A_852, %dma_wait3A_853] : memref<100000x128xf32, #tpu.memory_space<hbm>> -> memref<100000x128xf32, #tpu.memory_space<hbm>>
    tpu.wait_indirect_dma semaphore(%arg14 : memref<!tpu.dma_semaphore, #tpu.memory_space<semaphore_mem>>) src(%dma_wait3A_854 : memref<100000x128xf32, #tpu.memory_space<hbm>>) dst(%arg7 : memref<128x128xf32, #tpu.memory_space<vmem>>)
    %dma_start3A_855 = arith.constant 29 : i32
    %dma_start3A_856 = arith.constant 0 : i32
    %dma_start3A_857 = tpu.memref_slice %arg4[%dma_start3A_855, %mul3A_2, %dma_start3A_856] : memref<50x4096x128xf32, #tpu.memory_space<hbm>> -> memref<1x128x128xf32, #tpu.memory_space<hbm>>
    %dma_start3A_858 = tpu.memref_squeeze %dma_start3A_857 : memref<1x128x128xf32, #tpu.memory_space<hbm>> -> memref<128x128xf32, #tpu.memory_space<hbm>>
    %dma_start3A_859 = arith.constant 0 : i32
    %dma_start3A_860 = tpu.memref_slice %arg4[%dma_start3A_855, %mul3A_2, %dma_start3A_859] : memref<50x4096x128xf32, #tpu.memory_space<hbm>> -> memref<1x128x128xf32, #tpu.memory_space<hbm>>
    %dma_start3A_861 = tpu.memref_squeeze %dma_start3A_860 : memref<1x128x128xf32, #tpu.memory_space<hbm>> -> memref<128x128xf32, #tpu.memory_space<hbm>>
    tpu.enqueue_dma source(%arg7 : memref<128x128xf32, #tpu.memory_space<vmem>>) target(%dma_start3A_861 : memref<128x128xf32, #tpu.memory_space<hbm>>) target_semaphore(%arg21 : memref<!tpu.dma_semaphore, #tpu.memory_space<semaphore_mem>>)
    %dma_wait3A_862 = arith.constant 28 : i32
    %dma_wait3A_863 = arith.constant 0 : i32
    %dma_wait3A_864 = tpu.memref_slice %arg4[%dma_wait3A_862, %mul3A_2, %dma_wait3A_863] : memref<50x4096x128xf32, #tpu.memory_space<hbm>> -> memref<1x128x128xf32, #tpu.memory_space<hbm>>
    %dma_wait3A_865 = tpu.memref_squeeze %dma_wait3A_864 : memref<1x128x128xf32, #tpu.memory_space<hbm>> -> memref<128x128xf32, #tpu.memory_space<hbm>>
    %dma_wait3A_866 = arith.constant 0 : i32
    %dma_wait3A_867 = tpu.memref_slice %arg4[%dma_wait3A_862, %mul3A_2, %dma_wait3A_866] : memref<50x4096x128xf32, #tpu.memory_space<hbm>> -> memref<1x128x128xf32, #tpu.memory_space<hbm>>
    %dma_wait3A_868 = tpu.memref_squeeze %dma_wait3A_867 : memref<1x128x128xf32, #tpu.memory_space<hbm>> -> memref<128x128xf32, #tpu.memory_space<hbm>>
    tpu.wait_dma2 semaphore(%arg20 : memref<!tpu.dma_semaphore, #tpu.memory_space<semaphore_mem>>) src(%arg6 : memref<128x128xf32, #tpu.memory_space<vmem>>) dst(%dma_wait3A_868 : memref<128x128xf32, #tpu.memory_space<hbm>>)
    %dma_start3A_869 = arith.constant 35 : i32
    %dma_start3A_870 = arith.constant 0 : i32
    %dma_start3A_871 = tpu.memref_slice %arg5[%dma_start3A_869, %dma_start3A_870] : memref<50x128xi32, #tpu.memory_space<vmem>> -> memref<1x128xi32, #tpu.memory_space<vmem>>
    %dma_start3A_872 = tpu.memref_squeeze %dma_start3A_871 : memref<1x128xi32, #tpu.memory_space<vmem>> -> memref<128xi32, #tpu.memory_space<vmem>>
    %dma_start3A_873 = arith.constant 0 : i32
    %dma_start3A_874 = arith.constant 0 : i32
    %dma_start3A_875 = tpu.memref_slice %arg2[%dma_start3A_873, %dma_start3A_874] : memref<100000x128xf32, #tpu.memory_space<hbm>> -> memref<100000x128xf32, #tpu.memory_space<hbm>>
    tpu.enqueue_indirect_dma source(%dma_start3A_875 : memref<100000x128xf32, #tpu.memory_space<hbm>>) target(%arg6 : memref<128x128xf32, #tpu.memory_space<vmem>>) offsets(%dma_start3A_872 : memref<128xi32, #tpu.memory_space<vmem>>) semaphore(%arg13 : memref<!tpu.dma_semaphore, #tpu.memory_space<semaphore_mem>>)
    %dma_wait3A_876 = arith.constant 30 : i32
    %dma_wait3A_877 = arith.constant 0 : i32
    %dma_wait3A_878 = tpu.memref_slice %arg5[%dma_wait3A_876, %dma_wait3A_877] : memref<50x128xi32, #tpu.memory_space<vmem>> -> memref<1x128xi32, #tpu.memory_space<vmem>>
    %dma_wait3A_879 = tpu.memref_squeeze %dma_wait3A_878 : memref<1x128xi32, #tpu.memory_space<vmem>> -> memref<128xi32, #tpu.memory_space<vmem>>
    %dma_wait3A_880 = arith.constant 0 : i32
    %dma_wait3A_881 = arith.constant 0 : i32
    %dma_wait3A_882 = tpu.memref_slice %arg2[%dma_wait3A_880, %dma_wait3A_881] : memref<100000x128xf32, #tpu.memory_space<hbm>> -> memref<100000x128xf32, #tpu.memory_space<hbm>>
    tpu.wait_indirect_dma semaphore(%arg15 : memref<!tpu.dma_semaphore, #tpu.memory_space<semaphore_mem>>) src(%dma_wait3A_882 : memref<100000x128xf32, #tpu.memory_space<hbm>>) dst(%arg8 : memref<128x128xf32, #tpu.memory_space<vmem>>)
    %dma_start3A_883 = arith.constant 30 : i32
    %dma_start3A_884 = arith.constant 0 : i32
    %dma_start3A_885 = tpu.memref_slice %arg4[%dma_start3A_883, %mul3A_2, %dma_start3A_884] : memref<50x4096x128xf32, #tpu.memory_space<hbm>> -> memref<1x128x128xf32, #tpu.memory_space<hbm>>
    %dma_start3A_886 = tpu.memref_squeeze %dma_start3A_885 : memref<1x128x128xf32, #tpu.memory_space<hbm>> -> memref<128x128xf32, #tpu.memory_space<hbm>>
    %dma_start3A_887 = arith.constant 0 : i32
    %dma_start3A_888 = tpu.memref_slice %arg4[%dma_start3A_883, %mul3A_2, %dma_start3A_887] : memref<50x4096x128xf32, #tpu.memory_space<hbm>> -> memref<1x128x128xf32, #tpu.memory_space<hbm>>
    %dma_start3A_889 = tpu.memref_squeeze %dma_start3A_888 : memref<1x128x128xf32, #tpu.memory_space<hbm>> -> memref<128x128xf32, #tpu.memory_space<hbm>>
    tpu.enqueue_dma source(%arg8 : memref<128x128xf32, #tpu.memory_space<vmem>>) target(%dma_start3A_889 : memref<128x128xf32, #tpu.memory_space<hbm>>) target_semaphore(%arg22 : memref<!tpu.dma_semaphore, #tpu.memory_space<semaphore_mem>>)
    %dma_wait3A_890 = arith.constant 29 : i32
    %dma_wait3A_891 = arith.constant 0 : i32
    %dma_wait3A_892 = tpu.memref_slice %arg4[%dma_wait3A_890, %mul3A_2, %dma_wait3A_891] : memref<50x4096x128xf32, #tpu.memory_space<hbm>> -> memref<1x128x128xf32, #tpu.memory_space<hbm>>
    %dma_wait3A_893 = tpu.memref_squeeze %dma_wait3A_892 : memref<1x128x128xf32, #tpu.memory_space<hbm>> -> memref<128x128xf32, #tpu.memory_space<hbm>>
    %dma_wait3A_894 = arith.constant 0 : i32
    %dma_wait3A_895 = tpu.memref_slice %arg4[%dma_wait3A_890, %mul3A_2, %dma_wait3A_894] : memref<50x4096x128xf32, #tpu.memory_space<hbm>> -> memref<1x128x128xf32, #tpu.memory_space<hbm>>
    %dma_wait3A_896 = tpu.memref_squeeze %dma_wait3A_895 : memref<1x128x128xf32, #tpu.memory_space<hbm>> -> memref<128x128xf32, #tpu.memory_space<hbm>>
    tpu.wait_dma2 semaphore(%arg21 : memref<!tpu.dma_semaphore, #tpu.memory_space<semaphore_mem>>) src(%arg7 : memref<128x128xf32, #tpu.memory_space<vmem>>) dst(%dma_wait3A_896 : memref<128x128xf32, #tpu.memory_space<hbm>>)
    %dma_start3A_897 = arith.constant 36 : i32
    %dma_start3A_898 = arith.constant 0 : i32
    %dma_start3A_899 = tpu.memref_slice %arg5[%dma_start3A_897, %dma_start3A_898] : memref<50x128xi32, #tpu.memory_space<vmem>> -> memref<1x128xi32, #tpu.memory_space<vmem>>
    %dma_start3A_900 = tpu.memref_squeeze %dma_start3A_899 : memref<1x128xi32, #tpu.memory_space<vmem>> -> memref<128xi32, #tpu.memory_space<vmem>>
    %dma_start3A_901 = arith.constant 0 : i32
    %dma_start3A_902 = arith.constant 0 : i32
    %dma_start3A_903 = tpu.memref_slice %arg2[%dma_start3A_901, %dma_start3A_902] : memref<100000x128xf32, #tpu.memory_space<hbm>> -> memref<100000x128xf32, #tpu.memory_space<hbm>>
    tpu.enqueue_indirect_dma source(%dma_start3A_903 : memref<100000x128xf32, #tpu.memory_space<hbm>>) target(%arg7 : memref<128x128xf32, #tpu.memory_space<vmem>>) offsets(%dma_start3A_900 : memref<128xi32, #tpu.memory_space<vmem>>) semaphore(%arg14 : memref<!tpu.dma_semaphore, #tpu.memory_space<semaphore_mem>>)
    %dma_wait3A_904 = arith.constant 31 : i32
    %dma_wait3A_905 = arith.constant 0 : i32
    %dma_wait3A_906 = tpu.memref_slice %arg5[%dma_wait3A_904, %dma_wait3A_905] : memref<50x128xi32, #tpu.memory_space<vmem>> -> memref<1x128xi32, #tpu.memory_space<vmem>>
    %dma_wait3A_907 = tpu.memref_squeeze %dma_wait3A_906 : memref<1x128xi32, #tpu.memory_space<vmem>> -> memref<128xi32, #tpu.memory_space<vmem>>
    %dma_wait3A_908 = arith.constant 0 : i32
    %dma_wait3A_909 = arith.constant 0 : i32
    %dma_wait3A_910 = tpu.memref_slice %arg2[%dma_wait3A_908, %dma_wait3A_909] : memref<100000x128xf32, #tpu.memory_space<hbm>> -> memref<100000x128xf32, #tpu.memory_space<hbm>>
    tpu.wait_indirect_dma semaphore(%arg16 : memref<!tpu.dma_semaphore, #tpu.memory_space<semaphore_mem>>) src(%dma_wait3A_910 : memref<100000x128xf32, #tpu.memory_space<hbm>>) dst(%arg9 : memref<128x128xf32, #tpu.memory_space<vmem>>)
    %dma_start3A_911 = arith.constant 31 : i32
    %dma_start3A_912 = arith.constant 0 : i32
    %dma_start3A_913 = tpu.memref_slice %arg4[%dma_start3A_911, %mul3A_2, %dma_start3A_912] : memref<50x4096x128xf32, #tpu.memory_space<hbm>> -> memref<1x128x128xf32, #tpu.memory_space<hbm>>
    %dma_start3A_914 = tpu.memref_squeeze %dma_start3A_913 : memref<1x128x128xf32, #tpu.memory_space<hbm>> -> memref<128x128xf32, #tpu.memory_space<hbm>>
    %dma_start3A_915 = arith.constant 0 : i32
    %dma_start3A_916 = tpu.memref_slice %arg4[%dma_start3A_911, %mul3A_2, %dma_start3A_915] : memref<50x4096x128xf32, #tpu.memory_space<hbm>> -> memref<1x128x128xf32, #tpu.memory_space<hbm>>
    %dma_start3A_917 = tpu.memref_squeeze %dma_start3A_916 : memref<1x128x128xf32, #tpu.memory_space<hbm>> -> memref<128x128xf32, #tpu.memory_space<hbm>>
    tpu.enqueue_dma source(%arg9 : memref<128x128xf32, #tpu.memory_space<vmem>>) target(%dma_start3A_917 : memref<128x128xf32, #tpu.memory_space<hbm>>) target_semaphore(%arg23 : memref<!tpu.dma_semaphore, #tpu.memory_space<semaphore_mem>>)
    %dma_wait3A_918 = arith.constant 30 : i32
    %dma_wait3A_919 = arith.constant 0 : i32
    %dma_wait3A_920 = tpu.memref_slice %arg4[%dma_wait3A_918, %mul3A_2, %dma_wait3A_919] : memref<50x4096x128xf32, #tpu.memory_space<hbm>> -> memref<1x128x128xf32, #tpu.memory_space<hbm>>
    %dma_wait3A_921 = tpu.memref_squeeze %dma_wait3A_920 : memref<1x128x128xf32, #tpu.memory_space<hbm>> -> memref<128x128xf32, #tpu.memory_space<hbm>>
    %dma_wait3A_922 = arith.constant 0 : i32
    %dma_wait3A_923 = tpu.memref_slice %arg4[%dma_wait3A_918, %mul3A_2, %dma_wait3A_922] : memref<50x4096x128xf32, #tpu.memory_space<hbm>> -> memref<1x128x128xf32, #tpu.memory_space<hbm>>
    %dma_wait3A_924 = tpu.memref_squeeze %dma_wait3A_923 : memref<1x128x128xf32, #tpu.memory_space<hbm>> -> memref<128x128xf32, #tpu.memory_space<hbm>>
    tpu.wait_dma2 semaphore(%arg22 : memref<!tpu.dma_semaphore, #tpu.memory_space<semaphore_mem>>) src(%arg8 : memref<128x128xf32, #tpu.memory_space<vmem>>) dst(%dma_wait3A_924 : memref<128x128xf32, #tpu.memory_space<hbm>>)
    %dma_start3A_925 = arith.constant 37 : i32
    %dma_start3A_926 = arith.constant 0 : i32
    %dma_start3A_927 = tpu.memref_slice %arg5[%dma_start3A_925, %dma_start3A_926] : memref<50x128xi32, #tpu.memory_space<vmem>> -> memref<1x128xi32, #tpu.memory_space<vmem>>
    %dma_start3A_928 = tpu.memref_squeeze %dma_start3A_927 : memref<1x128xi32, #tpu.memory_space<vmem>> -> memref<128xi32, #tpu.memory_space<vmem>>
    %dma_start3A_929 = arith.constant 0 : i32
    %dma_start3A_930 = arith.constant 0 : i32
    %dma_start3A_931 = tpu.memref_slice %arg2[%dma_start3A_929, %dma_start3A_930] : memref<100000x128xf32, #tpu.memory_space<hbm>> -> memref<100000x128xf32, #tpu.memory_space<hbm>>
    tpu.enqueue_indirect_dma source(%dma_start3A_931 : memref<100000x128xf32, #tpu.memory_space<hbm>>) target(%arg8 : memref<128x128xf32, #tpu.memory_space<vmem>>) offsets(%dma_start3A_928 : memref<128xi32, #tpu.memory_space<vmem>>) semaphore(%arg15 : memref<!tpu.dma_semaphore, #tpu.memory_space<semaphore_mem>>)
    %dma_wait3A_932 = arith.constant 32 : i32
    %dma_wait3A_933 = arith.constant 0 : i32
    %dma_wait3A_934 = tpu.memref_slice %arg5[%dma_wait3A_932, %dma_wait3A_933] : memref<50x128xi32, #tpu.memory_space<vmem>> -> memref<1x128xi32, #tpu.memory_space<vmem>>
    %dma_wait3A_935 = tpu.memref_squeeze %dma_wait3A_934 : memref<1x128xi32, #tpu.memory_space<vmem>> -> memref<128xi32, #tpu.memory_space<vmem>>
    %dma_wait3A_936 = arith.constant 0 : i32
    %dma_wait3A_937 = arith.constant 0 : i32
    %dma_wait3A_938 = tpu.memref_slice %arg2[%dma_wait3A_936, %dma_wait3A_937] : memref<100000x128xf32, #tpu.memory_space<hbm>> -> memref<100000x128xf32, #tpu.memory_space<hbm>>
    tpu.wait_indirect_dma semaphore(%arg17 : memref<!tpu.dma_semaphore, #tpu.memory_space<semaphore_mem>>) src(%dma_wait3A_938 : memref<100000x128xf32, #tpu.memory_space<hbm>>) dst(%arg10 : memref<128x128xf32, #tpu.memory_space<vmem>>)
    %dma_start3A_939 = arith.constant 32 : i32
    %dma_start3A_940 = arith.constant 0 : i32
    %dma_start3A_941 = tpu.memref_slice %arg4[%dma_start3A_939, %mul3A_2, %dma_start3A_940] : memref<50x4096x128xf32, #tpu.memory_space<hbm>> -> memref<1x128x128xf32, #tpu.memory_space<hbm>>
    %dma_start3A_942 = tpu.memref_squeeze %dma_start3A_941 : memref<1x128x128xf32, #tpu.memory_space<hbm>> -> memref<128x128xf32, #tpu.memory_space<hbm>>
    %dma_start3A_943 = arith.constant 0 : i32
    %dma_start3A_944 = tpu.memref_slice %arg4[%dma_start3A_939, %mul3A_2, %dma_start3A_943] : memref<50x4096x128xf32, #tpu.memory_space<hbm>> -> memref<1x128x128xf32, #tpu.memory_space<hbm>>
    %dma_start3A_945 = tpu.memref_squeeze %dma_start3A_944 : memref<1x128x128xf32, #tpu.memory_space<hbm>> -> memref<128x128xf32, #tpu.memory_space<hbm>>
    tpu.enqueue_dma source(%arg10 : memref<128x128xf32, #tpu.memory_space<vmem>>) target(%dma_start3A_945 : memref<128x128xf32, #tpu.memory_space<hbm>>) target_semaphore(%arg24 : memref<!tpu.dma_semaphore, #tpu.memory_space<semaphore_mem>>)
    %dma_wait3A_946 = arith.constant 31 : i32
    %dma_wait3A_947 = arith.constant 0 : i32
    %dma_wait3A_948 = tpu.memref_slice %arg4[%dma_wait3A_946, %mul3A_2, %dma_wait3A_947] : memref<50x4096x128xf32, #tpu.memory_space<hbm>> -> memref<1x128x128xf32, #tpu.memory_space<hbm>>
    %dma_wait3A_949 = tpu.memref_squeeze %dma_wait3A_948 : memref<1x128x128xf32, #tpu.memory_space<hbm>> -> memref<128x128xf32, #tpu.memory_space<hbm>>
    %dma_wait3A_950 = arith.constant 0 : i32
    %dma_wait3A_951 = tpu.memref_slice %arg4[%dma_wait3A_946, %mul3A_2, %dma_wait3A_950] : memref<50x4096x128xf32, #tpu.memory_space<hbm>> -> memref<1x128x128xf32, #tpu.memory_space<hbm>>
    %dma_wait3A_952 = tpu.memref_squeeze %dma_wait3A_951 : memref<1x128x128xf32, #tpu.memory_space<hbm>> -> memref<128x128xf32, #tpu.memory_space<hbm>>
    tpu.wait_dma2 semaphore(%arg23 : memref<!tpu.dma_semaphore, #tpu.memory_space<semaphore_mem>>) src(%arg9 : memref<128x128xf32, #tpu.memory_space<vmem>>) dst(%dma_wait3A_952 : memref<128x128xf32, #tpu.memory_space<hbm>>)
    %dma_start3A_953 = arith.constant 38 : i32
    %dma_start3A_954 = arith.constant 0 : i32
    %dma_start3A_955 = tpu.memref_slice %arg5[%dma_start3A_953, %dma_start3A_954] : memref<50x128xi32, #tpu.memory_space<vmem>> -> memref<1x128xi32, #tpu.memory_space<vmem>>
    %dma_start3A_956 = tpu.memref_squeeze %dma_start3A_955 : memref<1x128xi32, #tpu.memory_space<vmem>> -> memref<128xi32, #tpu.memory_space<vmem>>
    %dma_start3A_957 = arith.constant 0 : i32
    %dma_start3A_958 = arith.constant 0 : i32
    %dma_start3A_959 = tpu.memref_slice %arg2[%dma_start3A_957, %dma_start3A_958] : memref<100000x128xf32, #tpu.memory_space<hbm>> -> memref<100000x128xf32, #tpu.memory_space<hbm>>
    tpu.enqueue_indirect_dma source(%dma_start3A_959 : memref<100000x128xf32, #tpu.memory_space<hbm>>) target(%arg9 : memref<128x128xf32, #tpu.memory_space<vmem>>) offsets(%dma_start3A_956 : memref<128xi32, #tpu.memory_space<vmem>>) semaphore(%arg16 : memref<!tpu.dma_semaphore, #tpu.memory_space<semaphore_mem>>)
    %dma_wait3A_960 = arith.constant 33 : i32
    %dma_wait3A_961 = arith.constant 0 : i32
    %dma_wait3A_962 = tpu.memref_slice %arg5[%dma_wait3A_960, %dma_wait3A_961] : memref<50x128xi32, #tpu.memory_space<vmem>> -> memref<1x128xi32, #tpu.memory_space<vmem>>
    %dma_wait3A_963 = tpu.memref_squeeze %dma_wait3A_962 : memref<1x128xi32, #tpu.memory_space<vmem>> -> memref<128xi32, #tpu.memory_space<vmem>>
    %dma_wait3A_964 = arith.constant 0 : i32
    %dma_wait3A_965 = arith.constant 0 : i32
    %dma_wait3A_966 = tpu.memref_slice %arg2[%dma_wait3A_964, %dma_wait3A_965] : memref<100000x128xf32, #tpu.memory_space<hbm>> -> memref<100000x128xf32, #tpu.memory_space<hbm>>
    tpu.wait_indirect_dma semaphore(%arg18 : memref<!tpu.dma_semaphore, #tpu.memory_space<semaphore_mem>>) src(%dma_wait3A_966 : memref<100000x128xf32, #tpu.memory_space<hbm>>) dst(%arg11 : memref<128x128xf32, #tpu.memory_space<vmem>>)
    %dma_start3A_967 = arith.constant 33 : i32
    %dma_start3A_968 = arith.constant 0 : i32
    %dma_start3A_969 = tpu.memref_slice %arg4[%dma_start3A_967, %mul3A_2, %dma_start3A_968] : memref<50x4096x128xf32, #tpu.memory_space<hbm>> -> memref<1x128x128xf32, #tpu.memory_space<hbm>>
    %dma_start3A_970 = tpu.memref_squeeze %dma_start3A_969 : memref<1x128x128xf32, #tpu.memory_space<hbm>> -> memref<128x128xf32, #tpu.memory_space<hbm>>
    %dma_start3A_971 = arith.constant 0 : i32
    %dma_start3A_972 = tpu.memref_slice %arg4[%dma_start3A_967, %mul3A_2, %dma_start3A_971] : memref<50x4096x128xf32, #tpu.memory_space<hbm>> -> memref<1x128x128xf32, #tpu.memory_space<hbm>>
    %dma_start3A_973 = tpu.memref_squeeze %dma_start3A_972 : memref<1x128x128xf32, #tpu.memory_space<hbm>> -> memref<128x128xf32, #tpu.memory_space<hbm>>
    tpu.enqueue_dma source(%arg11 : memref<128x128xf32, #tpu.memory_space<vmem>>) target(%dma_start3A_973 : memref<128x128xf32, #tpu.memory_space<hbm>>) target_semaphore(%arg25 : memref<!tpu.dma_semaphore, #tpu.memory_space<semaphore_mem>>)
    %dma_wait3A_974 = arith.constant 32 : i32
    %dma_wait3A_975 = arith.constant 0 : i32
    %dma_wait3A_976 = tpu.memref_slice %arg4[%dma_wait3A_974, %mul3A_2, %dma_wait3A_975] : memref<50x4096x128xf32, #tpu.memory_space<hbm>> -> memref<1x128x128xf32, #tpu.memory_space<hbm>>
    %dma_wait3A_977 = tpu.memref_squeeze %dma_wait3A_976 : memref<1x128x128xf32, #tpu.memory_space<hbm>> -> memref<128x128xf32, #tpu.memory_space<hbm>>
    %dma_wait3A_978 = arith.constant 0 : i32
    %dma_wait3A_979 = tpu.memref_slice %arg4[%dma_wait3A_974, %mul3A_2, %dma_wait3A_978] : memref<50x4096x128xf32, #tpu.memory_space<hbm>> -> memref<1x128x128xf32, #tpu.memory_space<hbm>>
    %dma_wait3A_980 = tpu.memref_squeeze %dma_wait3A_979 : memref<1x128x128xf32, #tpu.memory_space<hbm>> -> memref<128x128xf32, #tpu.memory_space<hbm>>
    tpu.wait_dma2 semaphore(%arg24 : memref<!tpu.dma_semaphore, #tpu.memory_space<semaphore_mem>>) src(%arg10 : memref<128x128xf32, #tpu.memory_space<vmem>>) dst(%dma_wait3A_980 : memref<128x128xf32, #tpu.memory_space<hbm>>)
    %dma_start3A_981 = arith.constant 39 : i32
    %dma_start3A_982 = arith.constant 0 : i32
    %dma_start3A_983 = tpu.memref_slice %arg5[%dma_start3A_981, %dma_start3A_982] : memref<50x128xi32, #tpu.memory_space<vmem>> -> memref<1x128xi32, #tpu.memory_space<vmem>>
    %dma_start3A_984 = tpu.memref_squeeze %dma_start3A_983 : memref<1x128xi32, #tpu.memory_space<vmem>> -> memref<128xi32, #tpu.memory_space<vmem>>
    %dma_start3A_985 = arith.constant 0 : i32
    %dma_start3A_986 = arith.constant 0 : i32
    %dma_start3A_987 = tpu.memref_slice %arg2[%dma_start3A_985, %dma_start3A_986] : memref<100000x128xf32, #tpu.memory_space<hbm>> -> memref<100000x128xf32, #tpu.memory_space<hbm>>
    tpu.enqueue_indirect_dma source(%dma_start3A_987 : memref<100000x128xf32, #tpu.memory_space<hbm>>) target(%arg10 : memref<128x128xf32, #tpu.memory_space<vmem>>) offsets(%dma_start3A_984 : memref<128xi32, #tpu.memory_space<vmem>>) semaphore(%arg17 : memref<!tpu.dma_semaphore, #tpu.memory_space<semaphore_mem>>)
    %dma_wait3A_988 = arith.constant 34 : i32
    %dma_wait3A_989 = arith.constant 0 : i32
    %dma_wait3A_990 = tpu.memref_slice %arg5[%dma_wait3A_988, %dma_wait3A_989] : memref<50x128xi32, #tpu.memory_space<vmem>> -> memref<1x128xi32, #tpu.memory_space<vmem>>
    %dma_wait3A_991 = tpu.memref_squeeze %dma_wait3A_990 : memref<1x128xi32, #tpu.memory_space<vmem>> -> memref<128xi32, #tpu.memory_space<vmem>>
    %dma_wait3A_992 = arith.constant 0 : i32
    %dma_wait3A_993 = arith.constant 0 : i32
    %dma_wait3A_994 = tpu.memref_slice %arg2[%dma_wait3A_992, %dma_wait3A_993] : memref<100000x128xf32, #tpu.memory_space<hbm>> -> memref<100000x128xf32, #tpu.memory_space<hbm>>
    tpu.wait_indirect_dma semaphore(%arg19 : memref<!tpu.dma_semaphore, #tpu.memory_space<semaphore_mem>>) src(%dma_wait3A_994 : memref<100000x128xf32, #tpu.memory_space<hbm>>) dst(%arg12 : memref<128x128xf32, #tpu.memory_space<vmem>>)
    %dma_start3A_995 = arith.constant 34 : i32
    %dma_start3A_996 = arith.constant 0 : i32
    %dma_start3A_997 = tpu.memref_slice %arg4[%dma_start3A_995, %mul3A_2, %dma_start3A_996] : memref<50x4096x128xf32, #tpu.memory_space<hbm>> -> memref<1x128x128xf32, #tpu.memory_space<hbm>>
    %dma_start3A_998 = tpu.memref_squeeze %dma_start3A_997 : memref<1x128x128xf32, #tpu.memory_space<hbm>> -> memref<128x128xf32, #tpu.memory_space<hbm>>
    %dma_start3A_999 = arith.constant 0 : i32
    %dma_start3A_1000 = tpu.memref_slice %arg4[%dma_start3A_995, %mul3A_2, %dma_start3A_999] : memref<50x4096x128xf32, #tpu.memory_space<hbm>> -> memref<1x128x128xf32, #tpu.memory_space<hbm>>
    %dma_start3A_1001 = tpu.memref_squeeze %dma_start3A_1000 : memref<1x128x128xf32, #tpu.memory_space<hbm>> -> memref<128x128xf32, #tpu.memory_space<hbm>>
    tpu.enqueue_dma source(%arg12 : memref<128x128xf32, #tpu.memory_space<vmem>>) target(%dma_start3A_1001 : memref<128x128xf32, #tpu.memory_space<hbm>>) target_semaphore(%arg26 : memref<!tpu.dma_semaphore, #tpu.memory_space<semaphore_mem>>)
    %dma_wait3A_1002 = arith.constant 33 : i32
    %dma_wait3A_1003 = arith.constant 0 : i32
    %dma_wait3A_1004 = tpu.memref_slice %arg4[%dma_wait3A_1002, %mul3A_2, %dma_wait3A_1003] : memref<50x4096x128xf32, #tpu.memory_space<hbm>> -> memref<1x128x128xf32, #tpu.memory_space<hbm>>
    %dma_wait3A_1005 = tpu.memref_squeeze %dma_wait3A_1004 : memref<1x128x128xf32, #tpu.memory_space<hbm>> -> memref<128x128xf32, #tpu.memory_space<hbm>>
    %dma_wait3A_1006 = arith.constant 0 : i32
    %dma_wait3A_1007 = tpu.memref_slice %arg4[%dma_wait3A_1002, %mul3A_2, %dma_wait3A_1006] : memref<50x4096x128xf32, #tpu.memory_space<hbm>> -> memref<1x128x128xf32, #tpu.memory_space<hbm>>
    %dma_wait3A_1008 = tpu.memref_squeeze %dma_wait3A_1007 : memref<1x128x128xf32, #tpu.memory_space<hbm>> -> memref<128x128xf32, #tpu.memory_space<hbm>>
    tpu.wait_dma2 semaphore(%arg25 : memref<!tpu.dma_semaphore, #tpu.memory_space<semaphore_mem>>) src(%arg11 : memref<128x128xf32, #tpu.memory_space<vmem>>) dst(%dma_wait3A_1008 : memref<128x128xf32, #tpu.memory_space<hbm>>)
    %dma_start3A_1009 = arith.constant 40 : i32
    %dma_start3A_1010 = arith.constant 0 : i32
    %dma_start3A_1011 = tpu.memref_slice %arg5[%dma_start3A_1009, %dma_start3A_1010] : memref<50x128xi32, #tpu.memory_space<vmem>> -> memref<1x128xi32, #tpu.memory_space<vmem>>
    %dma_start3A_1012 = tpu.memref_squeeze %dma_start3A_1011 : memref<1x128xi32, #tpu.memory_space<vmem>> -> memref<128xi32, #tpu.memory_space<vmem>>
    %dma_start3A_1013 = arith.constant 0 : i32
    %dma_start3A_1014 = arith.constant 0 : i32
    %dma_start3A_1015 = tpu.memref_slice %arg2[%dma_start3A_1013, %dma_start3A_1014] : memref<100000x128xf32, #tpu.memory_space<hbm>> -> memref<100000x128xf32, #tpu.memory_space<hbm>>
    tpu.enqueue_indirect_dma source(%dma_start3A_1015 : memref<100000x128xf32, #tpu.memory_space<hbm>>) target(%arg11 : memref<128x128xf32, #tpu.memory_space<vmem>>) offsets(%dma_start3A_1012 : memref<128xi32, #tpu.memory_space<vmem>>) semaphore(%arg18 : memref<!tpu.dma_semaphore, #tpu.memory_space<semaphore_mem>>)
    %dma_wait3A_1016 = arith.constant 35 : i32
    %dma_wait3A_1017 = arith.constant 0 : i32
    %dma_wait3A_1018 = tpu.memref_slice %arg5[%dma_wait3A_1016, %dma_wait3A_1017] : memref<50x128xi32, #tpu.memory_space<vmem>> -> memref<1x128xi32, #tpu.memory_space<vmem>>
    %dma_wait3A_1019 = tpu.memref_squeeze %dma_wait3A_1018 : memref<1x128xi32, #tpu.memory_space<vmem>> -> memref<128xi32, #tpu.memory_space<vmem>>
    %dma_wait3A_1020 = arith.constant 0 : i32
    %dma_wait3A_1021 = arith.constant 0 : i32
    %dma_wait3A_1022 = tpu.memref_slice %arg2[%dma_wait3A_1020, %dma_wait3A_1021] : memref<100000x128xf32, #tpu.memory_space<hbm>> -> memref<100000x128xf32, #tpu.memory_space<hbm>>
    tpu.wait_indirect_dma semaphore(%arg13 : memref<!tpu.dma_semaphore, #tpu.memory_space<semaphore_mem>>) src(%dma_wait3A_1022 : memref<100000x128xf32, #tpu.memory_space<hbm>>) dst(%arg6 : memref<128x128xf32, #tpu.memory_space<vmem>>)
    %dma_start3A_1023 = arith.constant 35 : i32
    %dma_start3A_1024 = arith.constant 0 : i32
    %dma_start3A_1025 = tpu.memref_slice %arg4[%dma_start3A_1023, %mul3A_2, %dma_start3A_1024] : memref<50x4096x128xf32, #tpu.memory_space<hbm>> -> memref<1x128x128xf32, #tpu.memory_space<hbm>>
    %dma_start3A_1026 = tpu.memref_squeeze %dma_start3A_1025 : memref<1x128x128xf32, #tpu.memory_space<hbm>> -> memref<128x128xf32, #tpu.memory_space<hbm>>
    %dma_start3A_1027 = arith.constant 0 : i32
    %dma_start3A_1028 = tpu.memref_slice %arg4[%dma_start3A_1023, %mul3A_2, %dma_start3A_1027] : memref<50x4096x128xf32, #tpu.memory_space<hbm>> -> memref<1x128x128xf32, #tpu.memory_space<hbm>>
    %dma_start3A_1029 = tpu.memref_squeeze %dma_start3A_1028 : memref<1x128x128xf32, #tpu.memory_space<hbm>> -> memref<128x128xf32, #tpu.memory_space<hbm>>
    tpu.enqueue_dma source(%arg6 : memref<128x128xf32, #tpu.memory_space<vmem>>) target(%dma_start3A_1029 : memref<128x128xf32, #tpu.memory_space<hbm>>) target_semaphore(%arg20 : memref<!tpu.dma_semaphore, #tpu.memory_space<semaphore_mem>>)
    %dma_wait3A_1030 = arith.constant 34 : i32
    %dma_wait3A_1031 = arith.constant 0 : i32
    %dma_wait3A_1032 = tpu.memref_slice %arg4[%dma_wait3A_1030, %mul3A_2, %dma_wait3A_1031] : memref<50x4096x128xf32, #tpu.memory_space<hbm>> -> memref<1x128x128xf32, #tpu.memory_space<hbm>>
    %dma_wait3A_1033 = tpu.memref_squeeze %dma_wait3A_1032 : memref<1x128x128xf32, #tpu.memory_space<hbm>> -> memref<128x128xf32, #tpu.memory_space<hbm>>
    %dma_wait3A_1034 = arith.constant 0 : i32
    %dma_wait3A_1035 = tpu.memref_slice %arg4[%dma_wait3A_1030, %mul3A_2, %dma_wait3A_1034] : memref<50x4096x128xf32, #tpu.memory_space<hbm>> -> memref<1x128x128xf32, #tpu.memory_space<hbm>>
    %dma_wait3A_1036 = tpu.memref_squeeze %dma_wait3A_1035 : memref<1x128x128xf32, #tpu.memory_space<hbm>> -> memref<128x128xf32, #tpu.memory_space<hbm>>
    tpu.wait_dma2 semaphore(%arg26 : memref<!tpu.dma_semaphore, #tpu.memory_space<semaphore_mem>>) src(%arg12 : memref<128x128xf32, #tpu.memory_space<vmem>>) dst(%dma_wait3A_1036 : memref<128x128xf32, #tpu.memory_space<hbm>>)
    %dma_start3A_1037 = arith.constant 41 : i32
    %dma_start3A_1038 = arith.constant 0 : i32
    %dma_start3A_1039 = tpu.memref_slice %arg5[%dma_start3A_1037, %dma_start3A_1038] : memref<50x128xi32, #tpu.memory_space<vmem>> -> memref<1x128xi32, #tpu.memory_space<vmem>>
    %dma_start3A_1040 = tpu.memref_squeeze %dma_start3A_1039 : memref<1x128xi32, #tpu.memory_space<vmem>> -> memref<128xi32, #tpu.memory_space<vmem>>
    %dma_start3A_1041 = arith.constant 0 : i32
    %dma_start3A_1042 = arith.constant 0 : i32
    %dma_start3A_1043 = tpu.memref_slice %arg2[%dma_start3A_1041, %dma_start3A_1042] : memref<100000x128xf32, #tpu.memory_space<hbm>> -> memref<100000x128xf32, #tpu.memory_space<hbm>>
    tpu.enqueue_indirect_dma source(%dma_start3A_1043 : memref<100000x128xf32, #tpu.memory_space<hbm>>) target(%arg12 : memref<128x128xf32, #tpu.memory_space<vmem>>) offsets(%dma_start3A_1040 : memref<128xi32, #tpu.memory_space<vmem>>) semaphore(%arg19 : memref<!tpu.dma_semaphore, #tpu.memory_space<semaphore_mem>>)
    %dma_wait3A_1044 = arith.constant 36 : i32
    %dma_wait3A_1045 = arith.constant 0 : i32
    %dma_wait3A_1046 = tpu.memref_slice %arg5[%dma_wait3A_1044, %dma_wait3A_1045] : memref<50x128xi32, #tpu.memory_space<vmem>> -> memref<1x128xi32, #tpu.memory_space<vmem>>
    %dma_wait3A_1047 = tpu.memref_squeeze %dma_wait3A_1046 : memref<1x128xi32, #tpu.memory_space<vmem>> -> memref<128xi32, #tpu.memory_space<vmem>>
    %dma_wait3A_1048 = arith.constant 0 : i32
    %dma_wait3A_1049 = arith.constant 0 : i32
    %dma_wait3A_1050 = tpu.memref_slice %arg2[%dma_wait3A_1048, %dma_wait3A_1049] : memref<100000x128xf32, #tpu.memory_space<hbm>> -> memref<100000x128xf32, #tpu.memory_space<hbm>>
    tpu.wait_indirect_dma semaphore(%arg14 : memref<!tpu.dma_semaphore, #tpu.memory_space<semaphore_mem>>) src(%dma_wait3A_1050 : memref<100000x128xf32, #tpu.memory_space<hbm>>) dst(%arg7 : memref<128x128xf32, #tpu.memory_space<vmem>>)
    %dma_start3A_1051 = arith.constant 36 : i32
    %dma_start3A_1052 = arith.constant 0 : i32
    %dma_start3A_1053 = tpu.memref_slice %arg4[%dma_start3A_1051, %mul3A_2, %dma_start3A_1052] : memref<50x4096x128xf32, #tpu.memory_space<hbm>> -> memref<1x128x128xf32, #tpu.memory_space<hbm>>
    %dma_start3A_1054 = tpu.memref_squeeze %dma_start3A_1053 : memref<1x128x128xf32, #tpu.memory_space<hbm>> -> memref<128x128xf32, #tpu.memory_space<hbm>>
    %dma_start3A_1055 = arith.constant 0 : i32
    %dma_start3A_1056 = tpu.memref_slice %arg4[%dma_start3A_1051, %mul3A_2, %dma_start3A_1055] : memref<50x4096x128xf32, #tpu.memory_space<hbm>> -> memref<1x128x128xf32, #tpu.memory_space<hbm>>
    %dma_start3A_1057 = tpu.memref_squeeze %dma_start3A_1056 : memref<1x128x128xf32, #tpu.memory_space<hbm>> -> memref<128x128xf32, #tpu.memory_space<hbm>>
    tpu.enqueue_dma source(%arg7 : memref<128x128xf32, #tpu.memory_space<vmem>>) target(%dma_start3A_1057 : memref<128x128xf32, #tpu.memory_space<hbm>>) target_semaphore(%arg21 : memref<!tpu.dma_semaphore, #tpu.memory_space<semaphore_mem>>)
    %dma_wait3A_1058 = arith.constant 35 : i32
    %dma_wait3A_1059 = arith.constant 0 : i32
    %dma_wait3A_1060 = tpu.memref_slice %arg4[%dma_wait3A_1058, %mul3A_2, %dma_wait3A_1059] : memref<50x4096x128xf32, #tpu.memory_space<hbm>> -> memref<1x128x128xf32, #tpu.memory_space<hbm>>
    %dma_wait3A_1061 = tpu.memref_squeeze %dma_wait3A_1060 : memref<1x128x128xf32, #tpu.memory_space<hbm>> -> memref<128x128xf32, #tpu.memory_space<hbm>>
    %dma_wait3A_1062 = arith.constant 0 : i32
    %dma_wait3A_1063 = tpu.memref_slice %arg4[%dma_wait3A_1058, %mul3A_2, %dma_wait3A_1062] : memref<50x4096x128xf32, #tpu.memory_space<hbm>> -> memref<1x128x128xf32, #tpu.memory_space<hbm>>
    %dma_wait3A_1064 = tpu.memref_squeeze %dma_wait3A_1063 : memref<1x128x128xf32, #tpu.memory_space<hbm>> -> memref<128x128xf32, #tpu.memory_space<hbm>>
    tpu.wait_dma2 semaphore(%arg20 : memref<!tpu.dma_semaphore, #tpu.memory_space<semaphore_mem>>) src(%arg6 : memref<128x128xf32, #tpu.memory_space<vmem>>) dst(%dma_wait3A_1064 : memref<128x128xf32, #tpu.memory_space<hbm>>)
    %dma_start3A_1065 = arith.constant 42 : i32
    %dma_start3A_1066 = arith.constant 0 : i32
    %dma_start3A_1067 = tpu.memref_slice %arg5[%dma_start3A_1065, %dma_start3A_1066] : memref<50x128xi32, #tpu.memory_space<vmem>> -> memref<1x128xi32, #tpu.memory_space<vmem>>
    %dma_start3A_1068 = tpu.memref_squeeze %dma_start3A_1067 : memref<1x128xi32, #tpu.memory_space<vmem>> -> memref<128xi32, #tpu.memory_space<vmem>>
    %dma_start3A_1069 = arith.constant 0 : i32
    %dma_start3A_1070 = arith.constant 0 : i32
    %dma_start3A_1071 = tpu.memref_slice %arg2[%dma_start3A_1069, %dma_start3A_1070] : memref<100000x128xf32, #tpu.memory_space<hbm>> -> memref<100000x128xf32, #tpu.memory_space<hbm>>
    tpu.enqueue_indirect_dma source(%dma_start3A_1071 : memref<100000x128xf32, #tpu.memory_space<hbm>>) target(%arg6 : memref<128x128xf32, #tpu.memory_space<vmem>>) offsets(%dma_start3A_1068 : memref<128xi32, #tpu.memory_space<vmem>>) semaphore(%arg13 : memref<!tpu.dma_semaphore, #tpu.memory_space<semaphore_mem>>)
    %dma_wait3A_1072 = arith.constant 37 : i32
    %dma_wait3A_1073 = arith.constant 0 : i32
    %dma_wait3A_1074 = tpu.memref_slice %arg5[%dma_wait3A_1072, %dma_wait3A_1073] : memref<50x128xi32, #tpu.memory_space<vmem>> -> memref<1x128xi32, #tpu.memory_space<vmem>>
    %dma_wait3A_1075 = tpu.memref_squeeze %dma_wait3A_1074 : memref<1x128xi32, #tpu.memory_space<vmem>> -> memref<128xi32, #tpu.memory_space<vmem>>
    %dma_wait3A_1076 = arith.constant 0 : i32
    %dma_wait3A_1077 = arith.constant 0 : i32
    %dma_wait3A_1078 = tpu.memref_slice %arg2[%dma_wait3A_1076, %dma_wait3A_1077] : memref<100000x128xf32, #tpu.memory_space<hbm>> -> memref<100000x128xf32, #tpu.memory_space<hbm>>
    tpu.wait_indirect_dma semaphore(%arg15 : memref<!tpu.dma_semaphore, #tpu.memory_space<semaphore_mem>>) src(%dma_wait3A_1078 : memref<100000x128xf32, #tpu.memory_space<hbm>>) dst(%arg8 : memref<128x128xf32, #tpu.memory_space<vmem>>)
    %dma_start3A_1079 = arith.constant 37 : i32
    %dma_start3A_1080 = arith.constant 0 : i32
    %dma_start3A_1081 = tpu.memref_slice %arg4[%dma_start3A_1079, %mul3A_2, %dma_start3A_1080] : memref<50x4096x128xf32, #tpu.memory_space<hbm>> -> memref<1x128x128xf32, #tpu.memory_space<hbm>>
    %dma_start3A_1082 = tpu.memref_squeeze %dma_start3A_1081 : memref<1x128x128xf32, #tpu.memory_space<hbm>> -> memref<128x128xf32, #tpu.memory_space<hbm>>
    %dma_start3A_1083 = arith.constant 0 : i32
    %dma_start3A_1084 = tpu.memref_slice %arg4[%dma_start3A_1079, %mul3A_2, %dma_start3A_1083] : memref<50x4096x128xf32, #tpu.memory_space<hbm>> -> memref<1x128x128xf32, #tpu.memory_space<hbm>>
    %dma_start3A_1085 = tpu.memref_squeeze %dma_start3A_1084 : memref<1x128x128xf32, #tpu.memory_space<hbm>> -> memref<128x128xf32, #tpu.memory_space<hbm>>
    tpu.enqueue_dma source(%arg8 : memref<128x128xf32, #tpu.memory_space<vmem>>) target(%dma_start3A_1085 : memref<128x128xf32, #tpu.memory_space<hbm>>) target_semaphore(%arg22 : memref<!tpu.dma_semaphore, #tpu.memory_space<semaphore_mem>>)
    %dma_wait3A_1086 = arith.constant 36 : i32
    %dma_wait3A_1087 = arith.constant 0 : i32
    %dma_wait3A_1088 = tpu.memref_slice %arg4[%dma_wait3A_1086, %mul3A_2, %dma_wait3A_1087] : memref<50x4096x128xf32, #tpu.memory_space<hbm>> -> memref<1x128x128xf32, #tpu.memory_space<hbm>>
    %dma_wait3A_1089 = tpu.memref_squeeze %dma_wait3A_1088 : memref<1x128x128xf32, #tpu.memory_space<hbm>> -> memref<128x128xf32, #tpu.memory_space<hbm>>
    %dma_wait3A_1090 = arith.constant 0 : i32
    %dma_wait3A_1091 = tpu.memref_slice %arg4[%dma_wait3A_1086, %mul3A_2, %dma_wait3A_1090] : memref<50x4096x128xf32, #tpu.memory_space<hbm>> -> memref<1x128x128xf32, #tpu.memory_space<hbm>>
    %dma_wait3A_1092 = tpu.memref_squeeze %dma_wait3A_1091 : memref<1x128x128xf32, #tpu.memory_space<hbm>> -> memref<128x128xf32, #tpu.memory_space<hbm>>
    tpu.wait_dma2 semaphore(%arg21 : memref<!tpu.dma_semaphore, #tpu.memory_space<semaphore_mem>>) src(%arg7 : memref<128x128xf32, #tpu.memory_space<vmem>>) dst(%dma_wait3A_1092 : memref<128x128xf32, #tpu.memory_space<hbm>>)
    %dma_start3A_1093 = arith.constant 43 : i32
    %dma_start3A_1094 = arith.constant 0 : i32
    %dma_start3A_1095 = tpu.memref_slice %arg5[%dma_start3A_1093, %dma_start3A_1094] : memref<50x128xi32, #tpu.memory_space<vmem>> -> memref<1x128xi32, #tpu.memory_space<vmem>>
    %dma_start3A_1096 = tpu.memref_squeeze %dma_start3A_1095 : memref<1x128xi32, #tpu.memory_space<vmem>> -> memref<128xi32, #tpu.memory_space<vmem>>
    %dma_start3A_1097 = arith.constant 0 : i32
    %dma_start3A_1098 = arith.constant 0 : i32
    %dma_start3A_1099 = tpu.memref_slice %arg2[%dma_start3A_1097, %dma_start3A_1098] : memref<100000x128xf32, #tpu.memory_space<hbm>> -> memref<100000x128xf32, #tpu.memory_space<hbm>>
    tpu.enqueue_indirect_dma source(%dma_start3A_1099 : memref<100000x128xf32, #tpu.memory_space<hbm>>) target(%arg7 : memref<128x128xf32, #tpu.memory_space<vmem>>) offsets(%dma_start3A_1096 : memref<128xi32, #tpu.memory_space<vmem>>) semaphore(%arg14 : memref<!tpu.dma_semaphore, #tpu.memory_space<semaphore_mem>>)
    %dma_wait3A_1100 = arith.constant 38 : i32
    %dma_wait3A_1101 = arith.constant 0 : i32
    %dma_wait3A_1102 = tpu.memref_slice %arg5[%dma_wait3A_1100, %dma_wait3A_1101] : memref<50x128xi32, #tpu.memory_space<vmem>> -> memref<1x128xi32, #tpu.memory_space<vmem>>
    %dma_wait3A_1103 = tpu.memref_squeeze %dma_wait3A_1102 : memref<1x128xi32, #tpu.memory_space<vmem>> -> memref<128xi32, #tpu.memory_space<vmem>>
    %dma_wait3A_1104 = arith.constant 0 : i32
    %dma_wait3A_1105 = arith.constant 0 : i32
    %dma_wait3A_1106 = tpu.memref_slice %arg2[%dma_wait3A_1104, %dma_wait3A_1105] : memref<100000x128xf32, #tpu.memory_space<hbm>> -> memref<100000x128xf32, #tpu.memory_space<hbm>>
    tpu.wait_indirect_dma semaphore(%arg16 : memref<!tpu.dma_semaphore, #tpu.memory_space<semaphore_mem>>) src(%dma_wait3A_1106 : memref<100000x128xf32, #tpu.memory_space<hbm>>) dst(%arg9 : memref<128x128xf32, #tpu.memory_space<vmem>>)
    %dma_start3A_1107 = arith.constant 38 : i32
    %dma_start3A_1108 = arith.constant 0 : i32
    %dma_start3A_1109 = tpu.memref_slice %arg4[%dma_start3A_1107, %mul3A_2, %dma_start3A_1108] : memref<50x4096x128xf32, #tpu.memory_space<hbm>> -> memref<1x128x128xf32, #tpu.memory_space<hbm>>
    %dma_start3A_1110 = tpu.memref_squeeze %dma_start3A_1109 : memref<1x128x128xf32, #tpu.memory_space<hbm>> -> memref<128x128xf32, #tpu.memory_space<hbm>>
    %dma_start3A_1111 = arith.constant 0 : i32
    %dma_start3A_1112 = tpu.memref_slice %arg4[%dma_start3A_1107, %mul3A_2, %dma_start3A_1111] : memref<50x4096x128xf32, #tpu.memory_space<hbm>> -> memref<1x128x128xf32, #tpu.memory_space<hbm>>
    %dma_start3A_1113 = tpu.memref_squeeze %dma_start3A_1112 : memref<1x128x128xf32, #tpu.memory_space<hbm>> -> memref<128x128xf32, #tpu.memory_space<hbm>>
    tpu.enqueue_dma source(%arg9 : memref<128x128xf32, #tpu.memory_space<vmem>>) target(%dma_start3A_1113 : memref<128x128xf32, #tpu.memory_space<hbm>>) target_semaphore(%arg23 : memref<!tpu.dma_semaphore, #tpu.memory_space<semaphore_mem>>)
    %dma_wait3A_1114 = arith.constant 37 : i32
    %dma_wait3A_1115 = arith.constant 0 : i32
    %dma_wait3A_1116 = tpu.memref_slice %arg4[%dma_wait3A_1114, %mul3A_2, %dma_wait3A_1115] : memref<50x4096x128xf32, #tpu.memory_space<hbm>> -> memref<1x128x128xf32, #tpu.memory_space<hbm>>
    %dma_wait3A_1117 = tpu.memref_squeeze %dma_wait3A_1116 : memref<1x128x128xf32, #tpu.memory_space<hbm>> -> memref<128x128xf32, #tpu.memory_space<hbm>>
    %dma_wait3A_1118 = arith.constant 0 : i32
    %dma_wait3A_1119 = tpu.memref_slice %arg4[%dma_wait3A_1114, %mul3A_2, %dma_wait3A_1118] : memref<50x4096x128xf32, #tpu.memory_space<hbm>> -> memref<1x128x128xf32, #tpu.memory_space<hbm>>
    %dma_wait3A_1120 = tpu.memref_squeeze %dma_wait3A_1119 : memref<1x128x128xf32, #tpu.memory_space<hbm>> -> memref<128x128xf32, #tpu.memory_space<hbm>>
    tpu.wait_dma2 semaphore(%arg22 : memref<!tpu.dma_semaphore, #tpu.memory_space<semaphore_mem>>) src(%arg8 : memref<128x128xf32, #tpu.memory_space<vmem>>) dst(%dma_wait3A_1120 : memref<128x128xf32, #tpu.memory_space<hbm>>)
    %dma_start3A_1121 = arith.constant 44 : i32
    %dma_start3A_1122 = arith.constant 0 : i32
    %dma_start3A_1123 = tpu.memref_slice %arg5[%dma_start3A_1121, %dma_start3A_1122] : memref<50x128xi32, #tpu.memory_space<vmem>> -> memref<1x128xi32, #tpu.memory_space<vmem>>
    %dma_start3A_1124 = tpu.memref_squeeze %dma_start3A_1123 : memref<1x128xi32, #tpu.memory_space<vmem>> -> memref<128xi32, #tpu.memory_space<vmem>>
    %dma_start3A_1125 = arith.constant 0 : i32
    %dma_start3A_1126 = arith.constant 0 : i32
    %dma_start3A_1127 = tpu.memref_slice %arg2[%dma_start3A_1125, %dma_start3A_1126] : memref<100000x128xf32, #tpu.memory_space<hbm>> -> memref<100000x128xf32, #tpu.memory_space<hbm>>
    tpu.enqueue_indirect_dma source(%dma_start3A_1127 : memref<100000x128xf32, #tpu.memory_space<hbm>>) target(%arg8 : memref<128x128xf32, #tpu.memory_space<vmem>>) offsets(%dma_start3A_1124 : memref<128xi32, #tpu.memory_space<vmem>>) semaphore(%arg15 : memref<!tpu.dma_semaphore, #tpu.memory_space<semaphore_mem>>)
    %dma_wait3A_1128 = arith.constant 39 : i32
    %dma_wait3A_1129 = arith.constant 0 : i32
    %dma_wait3A_1130 = tpu.memref_slice %arg5[%dma_wait3A_1128, %dma_wait3A_1129] : memref<50x128xi32, #tpu.memory_space<vmem>> -> memref<1x128xi32, #tpu.memory_space<vmem>>
    %dma_wait3A_1131 = tpu.memref_squeeze %dma_wait3A_1130 : memref<1x128xi32, #tpu.memory_space<vmem>> -> memref<128xi32, #tpu.memory_space<vmem>>
    %dma_wait3A_1132 = arith.constant 0 : i32
    %dma_wait3A_1133 = arith.constant 0 : i32
    %dma_wait3A_1134 = tpu.memref_slice %arg2[%dma_wait3A_1132, %dma_wait3A_1133] : memref<100000x128xf32, #tpu.memory_space<hbm>> -> memref<100000x128xf32, #tpu.memory_space<hbm>>
    tpu.wait_indirect_dma semaphore(%arg17 : memref<!tpu.dma_semaphore, #tpu.memory_space<semaphore_mem>>) src(%dma_wait3A_1134 : memref<100000x128xf32, #tpu.memory_space<hbm>>) dst(%arg10 : memref<128x128xf32, #tpu.memory_space<vmem>>)
    %dma_start3A_1135 = arith.constant 39 : i32
    %dma_start3A_1136 = arith.constant 0 : i32
    %dma_start3A_1137 = tpu.memref_slice %arg4[%dma_start3A_1135, %mul3A_2, %dma_start3A_1136] : memref<50x4096x128xf32, #tpu.memory_space<hbm>> -> memref<1x128x128xf32, #tpu.memory_space<hbm>>
    %dma_start3A_1138 = tpu.memref_squeeze %dma_start3A_1137 : memref<1x128x128xf32, #tpu.memory_space<hbm>> -> memref<128x128xf32, #tpu.memory_space<hbm>>
    %dma_start3A_1139 = arith.constant 0 : i32
    %dma_start3A_1140 = tpu.memref_slice %arg4[%dma_start3A_1135, %mul3A_2, %dma_start3A_1139] : memref<50x4096x128xf32, #tpu.memory_space<hbm>> -> memref<1x128x128xf32, #tpu.memory_space<hbm>>
    %dma_start3A_1141 = tpu.memref_squeeze %dma_start3A_1140 : memref<1x128x128xf32, #tpu.memory_space<hbm>> -> memref<128x128xf32, #tpu.memory_space<hbm>>
    tpu.enqueue_dma source(%arg10 : memref<128x128xf32, #tpu.memory_space<vmem>>) target(%dma_start3A_1141 : memref<128x128xf32, #tpu.memory_space<hbm>>) target_semaphore(%arg24 : memref<!tpu.dma_semaphore, #tpu.memory_space<semaphore_mem>>)
    %dma_wait3A_1142 = arith.constant 38 : i32
    %dma_wait3A_1143 = arith.constant 0 : i32
    %dma_wait3A_1144 = tpu.memref_slice %arg4[%dma_wait3A_1142, %mul3A_2, %dma_wait3A_1143] : memref<50x4096x128xf32, #tpu.memory_space<hbm>> -> memref<1x128x128xf32, #tpu.memory_space<hbm>>
    %dma_wait3A_1145 = tpu.memref_squeeze %dma_wait3A_1144 : memref<1x128x128xf32, #tpu.memory_space<hbm>> -> memref<128x128xf32, #tpu.memory_space<hbm>>
    %dma_wait3A_1146 = arith.constant 0 : i32
    %dma_wait3A_1147 = tpu.memref_slice %arg4[%dma_wait3A_1142, %mul3A_2, %dma_wait3A_1146] : memref<50x4096x128xf32, #tpu.memory_space<hbm>> -> memref<1x128x128xf32, #tpu.memory_space<hbm>>
    %dma_wait3A_1148 = tpu.memref_squeeze %dma_wait3A_1147 : memref<1x128x128xf32, #tpu.memory_space<hbm>> -> memref<128x128xf32, #tpu.memory_space<hbm>>
    tpu.wait_dma2 semaphore(%arg23 : memref<!tpu.dma_semaphore, #tpu.memory_space<semaphore_mem>>) src(%arg9 : memref<128x128xf32, #tpu.memory_space<vmem>>) dst(%dma_wait3A_1148 : memref<128x128xf32, #tpu.memory_space<hbm>>)
    %dma_start3A_1149 = arith.constant 45 : i32
    %dma_start3A_1150 = arith.constant 0 : i32
    %dma_start3A_1151 = tpu.memref_slice %arg5[%dma_start3A_1149, %dma_start3A_1150] : memref<50x128xi32, #tpu.memory_space<vmem>> -> memref<1x128xi32, #tpu.memory_space<vmem>>
    %dma_start3A_1152 = tpu.memref_squeeze %dma_start3A_1151 : memref<1x128xi32, #tpu.memory_space<vmem>> -> memref<128xi32, #tpu.memory_space<vmem>>
    %dma_start3A_1153 = arith.constant 0 : i32
    %dma_start3A_1154 = arith.constant 0 : i32
    %dma_start3A_1155 = tpu.memref_slice %arg2[%dma_start3A_1153, %dma_start3A_1154] : memref<100000x128xf32, #tpu.memory_space<hbm>> -> memref<100000x128xf32, #tpu.memory_space<hbm>>
    tpu.enqueue_indirect_dma source(%dma_start3A_1155 : memref<100000x128xf32, #tpu.memory_space<hbm>>) target(%arg9 : memref<128x128xf32, #tpu.memory_space<vmem>>) offsets(%dma_start3A_1152 : memref<128xi32, #tpu.memory_space<vmem>>) semaphore(%arg16 : memref<!tpu.dma_semaphore, #tpu.memory_space<semaphore_mem>>)
    %dma_wait3A_1156 = arith.constant 40 : i32
    %dma_wait3A_1157 = arith.constant 0 : i32
    %dma_wait3A_1158 = tpu.memref_slice %arg5[%dma_wait3A_1156, %dma_wait3A_1157] : memref<50x128xi32, #tpu.memory_space<vmem>> -> memref<1x128xi32, #tpu.memory_space<vmem>>
    %dma_wait3A_1159 = tpu.memref_squeeze %dma_wait3A_1158 : memref<1x128xi32, #tpu.memory_space<vmem>> -> memref<128xi32, #tpu.memory_space<vmem>>
    %dma_wait3A_1160 = arith.constant 0 : i32
    %dma_wait3A_1161 = arith.constant 0 : i32
    %dma_wait3A_1162 = tpu.memref_slice %arg2[%dma_wait3A_1160, %dma_wait3A_1161] : memref<100000x128xf32, #tpu.memory_space<hbm>> -> memref<100000x128xf32, #tpu.memory_space<hbm>>
    tpu.wait_indirect_dma semaphore(%arg18 : memref<!tpu.dma_semaphore, #tpu.memory_space<semaphore_mem>>) src(%dma_wait3A_1162 : memref<100000x128xf32, #tpu.memory_space<hbm>>) dst(%arg11 : memref<128x128xf32, #tpu.memory_space<vmem>>)
    %dma_start3A_1163 = arith.constant 40 : i32
    %dma_start3A_1164 = arith.constant 0 : i32
    %dma_start3A_1165 = tpu.memref_slice %arg4[%dma_start3A_1163, %mul3A_2, %dma_start3A_1164] : memref<50x4096x128xf32, #tpu.memory_space<hbm>> -> memref<1x128x128xf32, #tpu.memory_space<hbm>>
    %dma_start3A_1166 = tpu.memref_squeeze %dma_start3A_1165 : memref<1x128x128xf32, #tpu.memory_space<hbm>> -> memref<128x128xf32, #tpu.memory_space<hbm>>
    %dma_start3A_1167 = arith.constant 0 : i32
    %dma_start3A_1168 = tpu.memref_slice %arg4[%dma_start3A_1163, %mul3A_2, %dma_start3A_1167] : memref<50x4096x128xf32, #tpu.memory_space<hbm>> -> memref<1x128x128xf32, #tpu.memory_space<hbm>>
    %dma_start3A_1169 = tpu.memref_squeeze %dma_start3A_1168 : memref<1x128x128xf32, #tpu.memory_space<hbm>> -> memref<128x128xf32, #tpu.memory_space<hbm>>
    tpu.enqueue_dma source(%arg11 : memref<128x128xf32, #tpu.memory_space<vmem>>) target(%dma_start3A_1169 : memref<128x128xf32, #tpu.memory_space<hbm>>) target_semaphore(%arg25 : memref<!tpu.dma_semaphore, #tpu.memory_space<semaphore_mem>>)
    %dma_wait3A_1170 = arith.constant 39 : i32
    %dma_wait3A_1171 = arith.constant 0 : i32
    %dma_wait3A_1172 = tpu.memref_slice %arg4[%dma_wait3A_1170, %mul3A_2, %dma_wait3A_1171] : memref<50x4096x128xf32, #tpu.memory_space<hbm>> -> memref<1x128x128xf32, #tpu.memory_space<hbm>>
    %dma_wait3A_1173 = tpu.memref_squeeze %dma_wait3A_1172 : memref<1x128x128xf32, #tpu.memory_space<hbm>> -> memref<128x128xf32, #tpu.memory_space<hbm>>
    %dma_wait3A_1174 = arith.constant 0 : i32
    %dma_wait3A_1175 = tpu.memref_slice %arg4[%dma_wait3A_1170, %mul3A_2, %dma_wait3A_1174] : memref<50x4096x128xf32, #tpu.memory_space<hbm>> -> memref<1x128x128xf32, #tpu.memory_space<hbm>>
    %dma_wait3A_1176 = tpu.memref_squeeze %dma_wait3A_1175 : memref<1x128x128xf32, #tpu.memory_space<hbm>> -> memref<128x128xf32, #tpu.memory_space<hbm>>
    tpu.wait_dma2 semaphore(%arg24 : memref<!tpu.dma_semaphore, #tpu.memory_space<semaphore_mem>>) src(%arg10 : memref<128x128xf32, #tpu.memory_space<vmem>>) dst(%dma_wait3A_1176 : memref<128x128xf32, #tpu.memory_space<hbm>>)
    %dma_start3A_1177 = arith.constant 46 : i32
    %dma_start3A_1178 = arith.constant 0 : i32
    %dma_start3A_1179 = tpu.memref_slice %arg5[%dma_start3A_1177, %dma_start3A_1178] : memref<50x128xi32, #tpu.memory_space<vmem>> -> memref<1x128xi32, #tpu.memory_space<vmem>>
    %dma_start3A_1180 = tpu.memref_squeeze %dma_start3A_1179 : memref<1x128xi32, #tpu.memory_space<vmem>> -> memref<128xi32, #tpu.memory_space<vmem>>
    %dma_start3A_1181 = arith.constant 0 : i32
    %dma_start3A_1182 = arith.constant 0 : i32
    %dma_start3A_1183 = tpu.memref_slice %arg2[%dma_start3A_1181, %dma_start3A_1182] : memref<100000x128xf32, #tpu.memory_space<hbm>> -> memref<100000x128xf32, #tpu.memory_space<hbm>>
    tpu.enqueue_indirect_dma source(%dma_start3A_1183 : memref<100000x128xf32, #tpu.memory_space<hbm>>) target(%arg10 : memref<128x128xf32, #tpu.memory_space<vmem>>) offsets(%dma_start3A_1180 : memref<128xi32, #tpu.memory_space<vmem>>) semaphore(%arg17 : memref<!tpu.dma_semaphore, #tpu.memory_space<semaphore_mem>>)
    %dma_wait3A_1184 = arith.constant 41 : i32
    %dma_wait3A_1185 = arith.constant 0 : i32
    %dma_wait3A_1186 = tpu.memref_slice %arg5[%dma_wait3A_1184, %dma_wait3A_1185] : memref<50x128xi32, #tpu.memory_space<vmem>> -> memref<1x128xi32, #tpu.memory_space<vmem>>
    %dma_wait3A_1187 = tpu.memref_squeeze %dma_wait3A_1186 : memref<1x128xi32, #tpu.memory_space<vmem>> -> memref<128xi32, #tpu.memory_space<vmem>>
    %dma_wait3A_1188 = arith.constant 0 : i32
    %dma_wait3A_1189 = arith.constant 0 : i32
    %dma_wait3A_1190 = tpu.memref_slice %arg2[%dma_wait3A_1188, %dma_wait3A_1189] : memref<100000x128xf32, #tpu.memory_space<hbm>> -> memref<100000x128xf32, #tpu.memory_space<hbm>>
    tpu.wait_indirect_dma semaphore(%arg19 : memref<!tpu.dma_semaphore, #tpu.memory_space<semaphore_mem>>) src(%dma_wait3A_1190 : memref<100000x128xf32, #tpu.memory_space<hbm>>) dst(%arg12 : memref<128x128xf32, #tpu.memory_space<vmem>>)
    %dma_start3A_1191 = arith.constant 41 : i32
    %dma_start3A_1192 = arith.constant 0 : i32
    %dma_start3A_1193 = tpu.memref_slice %arg4[%dma_start3A_1191, %mul3A_2, %dma_start3A_1192] : memref<50x4096x128xf32, #tpu.memory_space<hbm>> -> memref<1x128x128xf32, #tpu.memory_space<hbm>>
    %dma_start3A_1194 = tpu.memref_squeeze %dma_start3A_1193 : memref<1x128x128xf32, #tpu.memory_space<hbm>> -> memref<128x128xf32, #tpu.memory_space<hbm>>
    %dma_start3A_1195 = arith.constant 0 : i32
    %dma_start3A_1196 = tpu.memref_slice %arg4[%dma_start3A_1191, %mul3A_2, %dma_start3A_1195] : memref<50x4096x128xf32, #tpu.memory_space<hbm>> -> memref<1x128x128xf32, #tpu.memory_space<hbm>>
    %dma_start3A_1197 = tpu.memref_squeeze %dma_start3A_1196 : memref<1x128x128xf32, #tpu.memory_space<hbm>> -> memref<128x128xf32, #tpu.memory_space<hbm>>
    tpu.enqueue_dma source(%arg12 : memref<128x128xf32, #tpu.memory_space<vmem>>) target(%dma_start3A_1197 : memref<128x128xf32, #tpu.memory_space<hbm>>) target_semaphore(%arg26 : memref<!tpu.dma_semaphore, #tpu.memory_space<semaphore_mem>>)
    %dma_wait3A_1198 = arith.constant 40 : i32
    %dma_wait3A_1199 = arith.constant 0 : i32
    %dma_wait3A_1200 = tpu.memref_slice %arg4[%dma_wait3A_1198, %mul3A_2, %dma_wait3A_1199] : memref<50x4096x128xf32, #tpu.memory_space<hbm>> -> memref<1x128x128xf32, #tpu.memory_space<hbm>>
    %dma_wait3A_1201 = tpu.memref_squeeze %dma_wait3A_1200 : memref<1x128x128xf32, #tpu.memory_space<hbm>> -> memref<128x128xf32, #tpu.memory_space<hbm>>
    %dma_wait3A_1202 = arith.constant 0 : i32
    %dma_wait3A_1203 = tpu.memref_slice %arg4[%dma_wait3A_1198, %mul3A_2, %dma_wait3A_1202] : memref<50x4096x128xf32, #tpu.memory_space<hbm>> -> memref<1x128x128xf32, #tpu.memory_space<hbm>>
    %dma_wait3A_1204 = tpu.memref_squeeze %dma_wait3A_1203 : memref<1x128x128xf32, #tpu.memory_space<hbm>> -> memref<128x128xf32, #tpu.memory_space<hbm>>
    tpu.wait_dma2 semaphore(%arg25 : memref<!tpu.dma_semaphore, #tpu.memory_space<semaphore_mem>>) src(%arg11 : memref<128x128xf32, #tpu.memory_space<vmem>>) dst(%dma_wait3A_1204 : memref<128x128xf32, #tpu.memory_space<hbm>>)
    %dma_start3A_1205 = arith.constant 47 : i32
    %dma_start3A_1206 = arith.constant 0 : i32
    %dma_start3A_1207 = tpu.memref_slice %arg5[%dma_start3A_1205, %dma_start3A_1206] : memref<50x128xi32, #tpu.memory_space<vmem>> -> memref<1x128xi32, #tpu.memory_space<vmem>>
    %dma_start3A_1208 = tpu.memref_squeeze %dma_start3A_1207 : memref<1x128xi32, #tpu.memory_space<vmem>> -> memref<128xi32, #tpu.memory_space<vmem>>
    %dma_start3A_1209 = arith.constant 0 : i32
    %dma_start3A_1210 = arith.constant 0 : i32
    %dma_start3A_1211 = tpu.memref_slice %arg2[%dma_start3A_1209, %dma_start3A_1210] : memref<100000x128xf32, #tpu.memory_space<hbm>> -> memref<100000x128xf32, #tpu.memory_space<hbm>>
    tpu.enqueue_indirect_dma source(%dma_start3A_1211 : memref<100000x128xf32, #tpu.memory_space<hbm>>) target(%arg11 : memref<128x128xf32, #tpu.memory_space<vmem>>) offsets(%dma_start3A_1208 : memref<128xi32, #tpu.memory_space<vmem>>) semaphore(%arg18 : memref<!tpu.dma_semaphore, #tpu.memory_space<semaphore_mem>>)
    %dma_wait3A_1212 = arith.constant 42 : i32
    %dma_wait3A_1213 = arith.constant 0 : i32
    %dma_wait3A_1214 = tpu.memref_slice %arg5[%dma_wait3A_1212, %dma_wait3A_1213] : memref<50x128xi32, #tpu.memory_space<vmem>> -> memref<1x128xi32, #tpu.memory_space<vmem>>
    %dma_wait3A_1215 = tpu.memref_squeeze %dma_wait3A_1214 : memref<1x128xi32, #tpu.memory_space<vmem>> -> memref<128xi32, #tpu.memory_space<vmem>>
    %dma_wait3A_1216 = arith.constant 0 : i32
    %dma_wait3A_1217 = arith.constant 0 : i32
    %dma_wait3A_1218 = tpu.memref_slice %arg2[%dma_wait3A_1216, %dma_wait3A_1217] : memref<100000x128xf32, #tpu.memory_space<hbm>> -> memref<100000x128xf32, #tpu.memory_space<hbm>>
    tpu.wait_indirect_dma semaphore(%arg13 : memref<!tpu.dma_semaphore, #tpu.memory_space<semaphore_mem>>) src(%dma_wait3A_1218 : memref<100000x128xf32, #tpu.memory_space<hbm>>) dst(%arg6 : memref<128x128xf32, #tpu.memory_space<vmem>>)
    %dma_start3A_1219 = arith.constant 42 : i32
    %dma_start3A_1220 = arith.constant 0 : i32
    %dma_start3A_1221 = tpu.memref_slice %arg4[%dma_start3A_1219, %mul3A_2, %dma_start3A_1220] : memref<50x4096x128xf32, #tpu.memory_space<hbm>> -> memref<1x128x128xf32, #tpu.memory_space<hbm>>
    %dma_start3A_1222 = tpu.memref_squeeze %dma_start3A_1221 : memref<1x128x128xf32, #tpu.memory_space<hbm>> -> memref<128x128xf32, #tpu.memory_space<hbm>>
    %dma_start3A_1223 = arith.constant 0 : i32
    %dma_start3A_1224 = tpu.memref_slice %arg4[%dma_start3A_1219, %mul3A_2, %dma_start3A_1223] : memref<50x4096x128xf32, #tpu.memory_space<hbm>> -> memref<1x128x128xf32, #tpu.memory_space<hbm>>
    %dma_start3A_1225 = tpu.memref_squeeze %dma_start3A_1224 : memref<1x128x128xf32, #tpu.memory_space<hbm>> -> memref<128x128xf32, #tpu.memory_space<hbm>>
    tpu.enqueue_dma source(%arg6 : memref<128x128xf32, #tpu.memory_space<vmem>>) target(%dma_start3A_1225 : memref<128x128xf32, #tpu.memory_space<hbm>>) target_semaphore(%arg20 : memref<!tpu.dma_semaphore, #tpu.memory_space<semaphore_mem>>)
    %dma_wait3A_1226 = arith.constant 41 : i32
    %dma_wait3A_1227 = arith.constant 0 : i32
    %dma_wait3A_1228 = tpu.memref_slice %arg4[%dma_wait3A_1226, %mul3A_2, %dma_wait3A_1227] : memref<50x4096x128xf32, #tpu.memory_space<hbm>> -> memref<1x128x128xf32, #tpu.memory_space<hbm>>
    %dma_wait3A_1229 = tpu.memref_squeeze %dma_wait3A_1228 : memref<1x128x128xf32, #tpu.memory_space<hbm>> -> memref<128x128xf32, #tpu.memory_space<hbm>>
    %dma_wait3A_1230 = arith.constant 0 : i32
    %dma_wait3A_1231 = tpu.memref_slice %arg4[%dma_wait3A_1226, %mul3A_2, %dma_wait3A_1230] : memref<50x4096x128xf32, #tpu.memory_space<hbm>> -> memref<1x128x128xf32, #tpu.memory_space<hbm>>
    %dma_wait3A_1232 = tpu.memref_squeeze %dma_wait3A_1231 : memref<1x128x128xf32, #tpu.memory_space<hbm>> -> memref<128x128xf32, #tpu.memory_space<hbm>>
    tpu.wait_dma2 semaphore(%arg26 : memref<!tpu.dma_semaphore, #tpu.memory_space<semaphore_mem>>) src(%arg12 : memref<128x128xf32, #tpu.memory_space<vmem>>) dst(%dma_wait3A_1232 : memref<128x128xf32, #tpu.memory_space<hbm>>)
    %dma_start3A_1233 = arith.constant 48 : i32
    %dma_start3A_1234 = arith.constant 0 : i32
    %dma_start3A_1235 = tpu.memref_slice %arg5[%dma_start3A_1233, %dma_start3A_1234] : memref<50x128xi32, #tpu.memory_space<vmem>> -> memref<1x128xi32, #tpu.memory_space<vmem>>
    %dma_start3A_1236 = tpu.memref_squeeze %dma_start3A_1235 : memref<1x128xi32, #tpu.memory_space<vmem>> -> memref<128xi32, #tpu.memory_space<vmem>>
    %dma_start3A_1237 = arith.constant 0 : i32
    %dma_start3A_1238 = arith.constant 0 : i32
    %dma_start3A_1239 = tpu.memref_slice %arg2[%dma_start3A_1237, %dma_start3A_1238] : memref<100000x128xf32, #tpu.memory_space<hbm>> -> memref<100000x128xf32, #tpu.memory_space<hbm>>
    tpu.enqueue_indirect_dma source(%dma_start3A_1239 : memref<100000x128xf32, #tpu.memory_space<hbm>>) target(%arg12 : memref<128x128xf32, #tpu.memory_space<vmem>>) offsets(%dma_start3A_1236 : memref<128xi32, #tpu.memory_space<vmem>>) semaphore(%arg19 : memref<!tpu.dma_semaphore, #tpu.memory_space<semaphore_mem>>)
    %dma_wait3A_1240 = arith.constant 43 : i32
    %dma_wait3A_1241 = arith.constant 0 : i32
    %dma_wait3A_1242 = tpu.memref_slice %arg5[%dma_wait3A_1240, %dma_wait3A_1241] : memref<50x128xi32, #tpu.memory_space<vmem>> -> memref<1x128xi32, #tpu.memory_space<vmem>>
    %dma_wait3A_1243 = tpu.memref_squeeze %dma_wait3A_1242 : memref<1x128xi32, #tpu.memory_space<vmem>> -> memref<128xi32, #tpu.memory_space<vmem>>
    %dma_wait3A_1244 = arith.constant 0 : i32
    %dma_wait3A_1245 = arith.constant 0 : i32
    %dma_wait3A_1246 = tpu.memref_slice %arg2[%dma_wait3A_1244, %dma_wait3A_1245] : memref<100000x128xf32, #tpu.memory_space<hbm>> -> memref<100000x128xf32, #tpu.memory_space<hbm>>
    tpu.wait_indirect_dma semaphore(%arg14 : memref<!tpu.dma_semaphore, #tpu.memory_space<semaphore_mem>>) src(%dma_wait3A_1246 : memref<100000x128xf32, #tpu.memory_space<hbm>>) dst(%arg7 : memref<128x128xf32, #tpu.memory_space<vmem>>)
    %dma_start3A_1247 = arith.constant 43 : i32
    %dma_start3A_1248 = arith.constant 0 : i32
    %dma_start3A_1249 = tpu.memref_slice %arg4[%dma_start3A_1247, %mul3A_2, %dma_start3A_1248] : memref<50x4096x128xf32, #tpu.memory_space<hbm>> -> memref<1x128x128xf32, #tpu.memory_space<hbm>>
    %dma_start3A_1250 = tpu.memref_squeeze %dma_start3A_1249 : memref<1x128x128xf32, #tpu.memory_space<hbm>> -> memref<128x128xf32, #tpu.memory_space<hbm>>
    %dma_start3A_1251 = arith.constant 0 : i32
    %dma_start3A_1252 = tpu.memref_slice %arg4[%dma_start3A_1247, %mul3A_2, %dma_start3A_1251] : memref<50x4096x128xf32, #tpu.memory_space<hbm>> -> memref<1x128x128xf32, #tpu.memory_space<hbm>>
    %dma_start3A_1253 = tpu.memref_squeeze %dma_start3A_1252 : memref<1x128x128xf32, #tpu.memory_space<hbm>> -> memref<128x128xf32, #tpu.memory_space<hbm>>
    tpu.enqueue_dma source(%arg7 : memref<128x128xf32, #tpu.memory_space<vmem>>) target(%dma_start3A_1253 : memref<128x128xf32, #tpu.memory_space<hbm>>) target_semaphore(%arg21 : memref<!tpu.dma_semaphore, #tpu.memory_space<semaphore_mem>>)
    %dma_wait3A_1254 = arith.constant 42 : i32
    %dma_wait3A_1255 = arith.constant 0 : i32
    %dma_wait3A_1256 = tpu.memref_slice %arg4[%dma_wait3A_1254, %mul3A_2, %dma_wait3A_1255] : memref<50x4096x128xf32, #tpu.memory_space<hbm>> -> memref<1x128x128xf32, #tpu.memory_space<hbm>>
    %dma_wait3A_1257 = tpu.memref_squeeze %dma_wait3A_1256 : memref<1x128x128xf32, #tpu.memory_space<hbm>> -> memref<128x128xf32, #tpu.memory_space<hbm>>
    %dma_wait3A_1258 = arith.constant 0 : i32
    %dma_wait3A_1259 = tpu.memref_slice %arg4[%dma_wait3A_1254, %mul3A_2, %dma_wait3A_1258] : memref<50x4096x128xf32, #tpu.memory_space<hbm>> -> memref<1x128x128xf32, #tpu.memory_space<hbm>>
    %dma_wait3A_1260 = tpu.memref_squeeze %dma_wait3A_1259 : memref<1x128x128xf32, #tpu.memory_space<hbm>> -> memref<128x128xf32, #tpu.memory_space<hbm>>
    tpu.wait_dma2 semaphore(%arg20 : memref<!tpu.dma_semaphore, #tpu.memory_space<semaphore_mem>>) src(%arg6 : memref<128x128xf32, #tpu.memory_space<vmem>>) dst(%dma_wait3A_1260 : memref<128x128xf32, #tpu.memory_space<hbm>>)
    %dma_start3A_1261 = arith.constant 49 : i32
    %dma_start3A_1262 = arith.constant 0 : i32
    %dma_start3A_1263 = tpu.memref_slice %arg5[%dma_start3A_1261, %dma_start3A_1262] : memref<50x128xi32, #tpu.memory_space<vmem>> -> memref<1x128xi32, #tpu.memory_space<vmem>>
    %dma_start3A_1264 = tpu.memref_squeeze %dma_start3A_1263 : memref<1x128xi32, #tpu.memory_space<vmem>> -> memref<128xi32, #tpu.memory_space<vmem>>
    %dma_start3A_1265 = arith.constant 0 : i32
    %dma_start3A_1266 = arith.constant 0 : i32
    %dma_start3A_1267 = tpu.memref_slice %arg2[%dma_start3A_1265, %dma_start3A_1266] : memref<100000x128xf32, #tpu.memory_space<hbm>> -> memref<100000x128xf32, #tpu.memory_space<hbm>>
    tpu.enqueue_indirect_dma source(%dma_start3A_1267 : memref<100000x128xf32, #tpu.memory_space<hbm>>) target(%arg6 : memref<128x128xf32, #tpu.memory_space<vmem>>) offsets(%dma_start3A_1264 : memref<128xi32, #tpu.memory_space<vmem>>) semaphore(%arg13 : memref<!tpu.dma_semaphore, #tpu.memory_space<semaphore_mem>>)
    %dma_wait3A_1268 = arith.constant 44 : i32
    %dma_wait3A_1269 = arith.constant 0 : i32
    %dma_wait3A_1270 = tpu.memref_slice %arg5[%dma_wait3A_1268, %dma_wait3A_1269] : memref<50x128xi32, #tpu.memory_space<vmem>> -> memref<1x128xi32, #tpu.memory_space<vmem>>
    %dma_wait3A_1271 = tpu.memref_squeeze %dma_wait3A_1270 : memref<1x128xi32, #tpu.memory_space<vmem>> -> memref<128xi32, #tpu.memory_space<vmem>>
    %dma_wait3A_1272 = arith.constant 0 : i32
    %dma_wait3A_1273 = arith.constant 0 : i32
    %dma_wait3A_1274 = tpu.memref_slice %arg2[%dma_wait3A_1272, %dma_wait3A_1273] : memref<100000x128xf32, #tpu.memory_space<hbm>> -> memref<100000x128xf32, #tpu.memory_space<hbm>>
    tpu.wait_indirect_dma semaphore(%arg15 : memref<!tpu.dma_semaphore, #tpu.memory_space<semaphore_mem>>) src(%dma_wait3A_1274 : memref<100000x128xf32, #tpu.memory_space<hbm>>) dst(%arg8 : memref<128x128xf32, #tpu.memory_space<vmem>>)
    %dma_start3A_1275 = arith.constant 44 : i32
    %dma_start3A_1276 = arith.constant 0 : i32
    %dma_start3A_1277 = tpu.memref_slice %arg4[%dma_start3A_1275, %mul3A_2, %dma_start3A_1276] : memref<50x4096x128xf32, #tpu.memory_space<hbm>> -> memref<1x128x128xf32, #tpu.memory_space<hbm>>
    %dma_start3A_1278 = tpu.memref_squeeze %dma_start3A_1277 : memref<1x128x128xf32, #tpu.memory_space<hbm>> -> memref<128x128xf32, #tpu.memory_space<hbm>>
    %dma_start3A_1279 = arith.constant 0 : i32
    %dma_start3A_1280 = tpu.memref_slice %arg4[%dma_start3A_1275, %mul3A_2, %dma_start3A_1279] : memref<50x4096x128xf32, #tpu.memory_space<hbm>> -> memref<1x128x128xf32, #tpu.memory_space<hbm>>
    %dma_start3A_1281 = tpu.memref_squeeze %dma_start3A_1280 : memref<1x128x128xf32, #tpu.memory_space<hbm>> -> memref<128x128xf32, #tpu.memory_space<hbm>>
    tpu.enqueue_dma source(%arg8 : memref<128x128xf32, #tpu.memory_space<vmem>>) target(%dma_start3A_1281 : memref<128x128xf32, #tpu.memory_space<hbm>>) target_semaphore(%arg22 : memref<!tpu.dma_semaphore, #tpu.memory_space<semaphore_mem>>)
    %dma_wait3A_1282 = arith.constant 45 : i32
    %dma_wait3A_1283 = arith.constant 0 : i32
    %dma_wait3A_1284 = tpu.memref_slice %arg5[%dma_wait3A_1282, %dma_wait3A_1283] : memref<50x128xi32, #tpu.memory_space<vmem>> -> memref<1x128xi32, #tpu.memory_space<vmem>>
    %dma_wait3A_1285 = tpu.memref_squeeze %dma_wait3A_1284 : memref<1x128xi32, #tpu.memory_space<vmem>> -> memref<128xi32, #tpu.memory_space<vmem>>
    %dma_wait3A_1286 = arith.constant 0 : i32
    %dma_wait3A_1287 = arith.constant 0 : i32
    %dma_wait3A_1288 = tpu.memref_slice %arg2[%dma_wait3A_1286, %dma_wait3A_1287] : memref<100000x128xf32, #tpu.memory_space<hbm>> -> memref<100000x128xf32, #tpu.memory_space<hbm>>
    tpu.wait_indirect_dma semaphore(%arg16 : memref<!tpu.dma_semaphore, #tpu.memory_space<semaphore_mem>>) src(%dma_wait3A_1288 : memref<100000x128xf32, #tpu.memory_space<hbm>>) dst(%arg9 : memref<128x128xf32, #tpu.memory_space<vmem>>)
    %dma_start3A_1289 = arith.constant 45 : i32
    %dma_start3A_1290 = arith.constant 0 : i32
    %dma_start3A_1291 = tpu.memref_slice %arg4[%dma_start3A_1289, %mul3A_2, %dma_start3A_1290] : memref<50x4096x128xf32, #tpu.memory_space<hbm>> -> memref<1x128x128xf32, #tpu.memory_space<hbm>>
    %dma_start3A_1292 = tpu.memref_squeeze %dma_start3A_1291 : memref<1x128x128xf32, #tpu.memory_space<hbm>> -> memref<128x128xf32, #tpu.memory_space<hbm>>
    %dma_start3A_1293 = arith.constant 0 : i32
    %dma_start3A_1294 = tpu.memref_slice %arg4[%dma_start3A_1289, %mul3A_2, %dma_start3A_1293] : memref<50x4096x128xf32, #tpu.memory_space<hbm>> -> memref<1x128x128xf32, #tpu.memory_space<hbm>>
    %dma_start3A_1295 = tpu.memref_squeeze %dma_start3A_1294 : memref<1x128x128xf32, #tpu.memory_space<hbm>> -> memref<128x128xf32, #tpu.memory_space<hbm>>
    tpu.enqueue_dma source(%arg9 : memref<128x128xf32, #tpu.memory_space<vmem>>) target(%dma_start3A_1295 : memref<128x128xf32, #tpu.memory_space<hbm>>) target_semaphore(%arg23 : memref<!tpu.dma_semaphore, #tpu.memory_space<semaphore_mem>>)
    %dma_wait3A_1296 = arith.constant 46 : i32
    %dma_wait3A_1297 = arith.constant 0 : i32
    %dma_wait3A_1298 = tpu.memref_slice %arg5[%dma_wait3A_1296, %dma_wait3A_1297] : memref<50x128xi32, #tpu.memory_space<vmem>> -> memref<1x128xi32, #tpu.memory_space<vmem>>
    %dma_wait3A_1299 = tpu.memref_squeeze %dma_wait3A_1298 : memref<1x128xi32, #tpu.memory_space<vmem>> -> memref<128xi32, #tpu.memory_space<vmem>>
    %dma_wait3A_1300 = arith.constant 0 : i32
    %dma_wait3A_1301 = arith.constant 0 : i32
    %dma_wait3A_1302 = tpu.memref_slice %arg2[%dma_wait3A_1300, %dma_wait3A_1301] : memref<100000x128xf32, #tpu.memory_space<hbm>> -> memref<100000x128xf32, #tpu.memory_space<hbm>>
    tpu.wait_indirect_dma semaphore(%arg17 : memref<!tpu.dma_semaphore, #tpu.memory_space<semaphore_mem>>) src(%dma_wait3A_1302 : memref<100000x128xf32, #tpu.memory_space<hbm>>) dst(%arg10 : memref<128x128xf32, #tpu.memory_space<vmem>>)
    %dma_start3A_1303 = arith.constant 46 : i32
    %dma_start3A_1304 = arith.constant 0 : i32
    %dma_start3A_1305 = tpu.memref_slice %arg4[%dma_start3A_1303, %mul3A_2, %dma_start3A_1304] : memref<50x4096x128xf32, #tpu.memory_space<hbm>> -> memref<1x128x128xf32, #tpu.memory_space<hbm>>
    %dma_start3A_1306 = tpu.memref_squeeze %dma_start3A_1305 : memref<1x128x128xf32, #tpu.memory_space<hbm>> -> memref<128x128xf32, #tpu.memory_space<hbm>>
    %dma_start3A_1307 = arith.constant 0 : i32
    %dma_start3A_1308 = tpu.memref_slice %arg4[%dma_start3A_1303, %mul3A_2, %dma_start3A_1307] : memref<50x4096x128xf32, #tpu.memory_space<hbm>> -> memref<1x128x128xf32, #tpu.memory_space<hbm>>
    %dma_start3A_1309 = tpu.memref_squeeze %dma_start3A_1308 : memref<1x128x128xf32, #tpu.memory_space<hbm>> -> memref<128x128xf32, #tpu.memory_space<hbm>>
    tpu.enqueue_dma source(%arg10 : memref<128x128xf32, #tpu.memory_space<vmem>>) target(%dma_start3A_1309 : memref<128x128xf32, #tpu.memory_space<hbm>>) target_semaphore(%arg24 : memref<!tpu.dma_semaphore, #tpu.memory_space<semaphore_mem>>)
    %dma_wait3A_1310 = arith.constant 47 : i32
    %dma_wait3A_1311 = arith.constant 0 : i32
    %dma_wait3A_1312 = tpu.memref_slice %arg5[%dma_wait3A_1310, %dma_wait3A_1311] : memref<50x128xi32, #tpu.memory_space<vmem>> -> memref<1x128xi32, #tpu.memory_space<vmem>>
    %dma_wait3A_1313 = tpu.memref_squeeze %dma_wait3A_1312 : memref<1x128xi32, #tpu.memory_space<vmem>> -> memref<128xi32, #tpu.memory_space<vmem>>
    %dma_wait3A_1314 = arith.constant 0 : i32
    %dma_wait3A_1315 = arith.constant 0 : i32
    %dma_wait3A_1316 = tpu.memref_slice %arg2[%dma_wait3A_1314, %dma_wait3A_1315] : memref<100000x128xf32, #tpu.memory_space<hbm>> -> memref<100000x128xf32, #tpu.memory_space<hbm>>
    tpu.wait_indirect_dma semaphore(%arg18 : memref<!tpu.dma_semaphore, #tpu.memory_space<semaphore_mem>>) src(%dma_wait3A_1316 : memref<100000x128xf32, #tpu.memory_space<hbm>>) dst(%arg11 : memref<128x128xf32, #tpu.memory_space<vmem>>)
    %dma_start3A_1317 = arith.constant 47 : i32
    %dma_start3A_1318 = arith.constant 0 : i32
    %dma_start3A_1319 = tpu.memref_slice %arg4[%dma_start3A_1317, %mul3A_2, %dma_start3A_1318] : memref<50x4096x128xf32, #tpu.memory_space<hbm>> -> memref<1x128x128xf32, #tpu.memory_space<hbm>>
    %dma_start3A_1320 = tpu.memref_squeeze %dma_start3A_1319 : memref<1x128x128xf32, #tpu.memory_space<hbm>> -> memref<128x128xf32, #tpu.memory_space<hbm>>
    %dma_start3A_1321 = arith.constant 0 : i32
    %dma_start3A_1322 = tpu.memref_slice %arg4[%dma_start3A_1317, %mul3A_2, %dma_start3A_1321] : memref<50x4096x128xf32, #tpu.memory_space<hbm>> -> memref<1x128x128xf32, #tpu.memory_space<hbm>>
    %dma_start3A_1323 = tpu.memref_squeeze %dma_start3A_1322 : memref<1x128x128xf32, #tpu.memory_space<hbm>> -> memref<128x128xf32, #tpu.memory_space<hbm>>
    tpu.enqueue_dma source(%arg11 : memref<128x128xf32, #tpu.memory_space<vmem>>) target(%dma_start3A_1323 : memref<128x128xf32, #tpu.memory_space<hbm>>) target_semaphore(%arg25 : memref<!tpu.dma_semaphore, #tpu.memory_space<semaphore_mem>>)
    %dma_wait3A_1324 = arith.constant 48 : i32
    %dma_wait3A_1325 = arith.constant 0 : i32
    %dma_wait3A_1326 = tpu.memref_slice %arg5[%dma_wait3A_1324, %dma_wait3A_1325] : memref<50x128xi32, #tpu.memory_space<vmem>> -> memref<1x128xi32, #tpu.memory_space<vmem>>
    %dma_wait3A_1327 = tpu.memref_squeeze %dma_wait3A_1326 : memref<1x128xi32, #tpu.memory_space<vmem>> -> memref<128xi32, #tpu.memory_space<vmem>>
    %dma_wait3A_1328 = arith.constant 0 : i32
    %dma_wait3A_1329 = arith.constant 0 : i32
    %dma_wait3A_1330 = tpu.memref_slice %arg2[%dma_wait3A_1328, %dma_wait3A_1329] : memref<100000x128xf32, #tpu.memory_space<hbm>> -> memref<100000x128xf32, #tpu.memory_space<hbm>>
    tpu.wait_indirect_dma semaphore(%arg19 : memref<!tpu.dma_semaphore, #tpu.memory_space<semaphore_mem>>) src(%dma_wait3A_1330 : memref<100000x128xf32, #tpu.memory_space<hbm>>) dst(%arg12 : memref<128x128xf32, #tpu.memory_space<vmem>>)
    %dma_start3A_1331 = arith.constant 48 : i32
    %dma_start3A_1332 = arith.constant 0 : i32
    %dma_start3A_1333 = tpu.memref_slice %arg4[%dma_start3A_1331, %mul3A_2, %dma_start3A_1332] : memref<50x4096x128xf32, #tpu.memory_space<hbm>> -> memref<1x128x128xf32, #tpu.memory_space<hbm>>
    %dma_start3A_1334 = tpu.memref_squeeze %dma_start3A_1333 : memref<1x128x128xf32, #tpu.memory_space<hbm>> -> memref<128x128xf32, #tpu.memory_space<hbm>>
    %dma_start3A_1335 = arith.constant 0 : i32
    %dma_start3A_1336 = tpu.memref_slice %arg4[%dma_start3A_1331, %mul3A_2, %dma_start3A_1335] : memref<50x4096x128xf32, #tpu.memory_space<hbm>> -> memref<1x128x128xf32, #tpu.memory_space<hbm>>
    %dma_start3A_1337 = tpu.memref_squeeze %dma_start3A_1336 : memref<1x128x128xf32, #tpu.memory_space<hbm>> -> memref<128x128xf32, #tpu.memory_space<hbm>>
    tpu.enqueue_dma source(%arg12 : memref<128x128xf32, #tpu.memory_space<vmem>>) target(%dma_start3A_1337 : memref<128x128xf32, #tpu.memory_space<hbm>>) target_semaphore(%arg26 : memref<!tpu.dma_semaphore, #tpu.memory_space<semaphore_mem>>)
    %dma_wait3A_1338 = arith.constant 49 : i32
    %dma_wait3A_1339 = arith.constant 0 : i32
    %dma_wait3A_1340 = tpu.memref_slice %arg5[%dma_wait3A_1338, %dma_wait3A_1339] : memref<50x128xi32, #tpu.memory_space<vmem>> -> memref<1x128xi32, #tpu.memory_space<vmem>>
    %dma_wait3A_1341 = tpu.memref_squeeze %dma_wait3A_1340 : memref<1x128xi32, #tpu.memory_space<vmem>> -> memref<128xi32, #tpu.memory_space<vmem>>
    %dma_wait3A_1342 = arith.constant 0 : i32
    %dma_wait3A_1343 = arith.constant 0 : i32
    %dma_wait3A_1344 = tpu.memref_slice %arg2[%dma_wait3A_1342, %dma_wait3A_1343] : memref<100000x128xf32, #tpu.memory_space<hbm>> -> memref<100000x128xf32, #tpu.memory_space<hbm>>
    tpu.wait_indirect_dma semaphore(%arg13 : memref<!tpu.dma_semaphore, #tpu.memory_space<semaphore_mem>>) src(%dma_wait3A_1344 : memref<100000x128xf32, #tpu.memory_space<hbm>>) dst(%arg6 : memref<128x128xf32, #tpu.memory_space<vmem>>)
    %dma_start3A_1345 = arith.constant 49 : i32
    %dma_start3A_1346 = arith.constant 0 : i32
    %dma_start3A_1347 = tpu.memref_slice %arg4[%dma_start3A_1345, %mul3A_2, %dma_start3A_1346] : memref<50x4096x128xf32, #tpu.memory_space<hbm>> -> memref<1x128x128xf32, #tpu.memory_space<hbm>>
    %dma_start3A_1348 = tpu.memref_squeeze %dma_start3A_1347 : memref<1x128x128xf32, #tpu.memory_space<hbm>> -> memref<128x128xf32, #tpu.memory_space<hbm>>
    %dma_start3A_1349 = arith.constant 0 : i32
    %dma_start3A_1350 = tpu.memref_slice %arg4[%dma_start3A_1345, %mul3A_2, %dma_start3A_1349] : memref<50x4096x128xf32, #tpu.memory_space<hbm>> -> memref<1x128x128xf32, #tpu.memory_space<hbm>>
    %dma_start3A_1351 = tpu.memref_squeeze %dma_start3A_1350 : memref<1x128x128xf32, #tpu.memory_space<hbm>> -> memref<128x128xf32, #tpu.memory_space<hbm>>
    tpu.enqueue_dma source(%arg6 : memref<128x128xf32, #tpu.memory_space<vmem>>) target(%dma_start3A_1351 : memref<128x128xf32, #tpu.memory_space<hbm>>) target_semaphore(%arg20 : memref<!tpu.dma_semaphore, #tpu.memory_space<semaphore_mem>>)
    %dma_wait3A_1352 = arith.constant 43 : i32
    %dma_wait3A_1353 = arith.constant 0 : i32
    %dma_wait3A_1354 = tpu.memref_slice %arg4[%dma_wait3A_1352, %mul3A_2, %dma_wait3A_1353] : memref<50x4096x128xf32, #tpu.memory_space<hbm>> -> memref<1x128x128xf32, #tpu.memory_space<hbm>>
    %dma_wait3A_1355 = tpu.memref_squeeze %dma_wait3A_1354 : memref<1x128x128xf32, #tpu.memory_space<hbm>> -> memref<128x128xf32, #tpu.memory_space<hbm>>
    %dma_wait3A_1356 = arith.constant 0 : i32
    %dma_wait3A_1357 = tpu.memref_slice %arg4[%dma_wait3A_1352, %mul3A_2, %dma_wait3A_1356] : memref<50x4096x128xf32, #tpu.memory_space<hbm>> -> memref<1x128x128xf32, #tpu.memory_space<hbm>>
    %dma_wait3A_1358 = tpu.memref_squeeze %dma_wait3A_1357 : memref<1x128x128xf32, #tpu.memory_space<hbm>> -> memref<128x128xf32, #tpu.memory_space<hbm>>
    tpu.wait_dma2 semaphore(%arg21 : memref<!tpu.dma_semaphore, #tpu.memory_space<semaphore_mem>>) src(%arg7 : memref<128x128xf32, #tpu.memory_space<vmem>>) dst(%dma_wait3A_1358 : memref<128x128xf32, #tpu.memory_space<hbm>>)
    %dma_wait3A_1359 = arith.constant 44 : i32
    %dma_wait3A_1360 = arith.constant 0 : i32
    %dma_wait3A_1361 = tpu.memref_slice %arg4[%dma_wait3A_1359, %mul3A_2, %dma_wait3A_1360] : memref<50x4096x128xf32, #tpu.memory_space<hbm>> -> memref<1x128x128xf32, #tpu.memory_space<hbm>>
    %dma_wait3A_1362 = tpu.memref_squeeze %dma_wait3A_1361 : memref<1x128x128xf32, #tpu.memory_space<hbm>> -> memref<128x128xf32, #tpu.memory_space<hbm>>
    %dma_wait3A_1363 = arith.constant 0 : i32
    %dma_wait3A_1364 = tpu.memref_slice %arg4[%dma_wait3A_1359, %mul3A_2, %dma_wait3A_1363] : memref<50x4096x128xf32, #tpu.memory_space<hbm>> -> memref<1x128x128xf32, #tpu.memory_space<hbm>>
    %dma_wait3A_1365 = tpu.memref_squeeze %dma_wait3A_1364 : memref<1x128x128xf32, #tpu.memory_space<hbm>> -> memref<128x128xf32, #tpu.memory_space<hbm>>
    tpu.wait_dma2 semaphore(%arg22 : memref<!tpu.dma_semaphore, #tpu.memory_space<semaphore_mem>>) src(%arg8 : memref<128x128xf32, #tpu.memory_space<vmem>>) dst(%dma_wait3A_1365 : memref<128x128xf32, #tpu.memory_space<hbm>>)
    %dma_wait3A_1366 = arith.constant 45 : i32
    %dma_wait3A_1367 = arith.constant 0 : i32
    %dma_wait3A_1368 = tpu.memref_slice %arg4[%dma_wait3A_1366, %mul3A_2, %dma_wait3A_1367] : memref<50x4096x128xf32, #tpu.memory_space<hbm>> -> memref<1x128x128xf32, #tpu.memory_space<hbm>>
    %dma_wait3A_1369 = tpu.memref_squeeze %dma_wait3A_1368 : memref<1x128x128xf32, #tpu.memory_space<hbm>> -> memref<128x128xf32, #tpu.memory_space<hbm>>
    %dma_wait3A_1370 = arith.constant 0 : i32
    %dma_wait3A_1371 = tpu.memref_slice %arg4[%dma_wait3A_1366, %mul3A_2, %dma_wait3A_1370] : memref<50x4096x128xf32, #tpu.memory_space<hbm>> -> memref<1x128x128xf32, #tpu.memory_space<hbm>>
    %dma_wait3A_1372 = tpu.memref_squeeze %dma_wait3A_1371 : memref<1x128x128xf32, #tpu.memory_space<hbm>> -> memref<128x128xf32, #tpu.memory_space<hbm>>
    tpu.wait_dma2 semaphore(%arg23 : memref<!tpu.dma_semaphore, #tpu.memory_space<semaphore_mem>>) src(%arg9 : memref<128x128xf32, #tpu.memory_space<vmem>>) dst(%dma_wait3A_1372 : memref<128x128xf32, #tpu.memory_space<hbm>>)
    %dma_wait3A_1373 = arith.constant 46 : i32
    %dma_wait3A_1374 = arith.constant 0 : i32
    %dma_wait3A_1375 = tpu.memref_slice %arg4[%dma_wait3A_1373, %mul3A_2, %dma_wait3A_1374] : memref<50x4096x128xf32, #tpu.memory_space<hbm>> -> memref<1x128x128xf32, #tpu.memory_space<hbm>>
    %dma_wait3A_1376 = tpu.memref_squeeze %dma_wait3A_1375 : memref<1x128x128xf32, #tpu.memory_space<hbm>> -> memref<128x128xf32, #tpu.memory_space<hbm>>
    %dma_wait3A_1377 = arith.constant 0 : i32
    %dma_wait3A_1378 = tpu.memref_slice %arg4[%dma_wait3A_1373, %mul3A_2, %dma_wait3A_1377] : memref<50x4096x128xf32, #tpu.memory_space<hbm>> -> memref<1x128x128xf32, #tpu.memory_space<hbm>>
    %dma_wait3A_1379 = tpu.memref_squeeze %dma_wait3A_1378 : memref<1x128x128xf32, #tpu.memory_space<hbm>> -> memref<128x128xf32, #tpu.memory_space<hbm>>
    tpu.wait_dma2 semaphore(%arg24 : memref<!tpu.dma_semaphore, #tpu.memory_space<semaphore_mem>>) src(%arg10 : memref<128x128xf32, #tpu.memory_space<vmem>>) dst(%dma_wait3A_1379 : memref<128x128xf32, #tpu.memory_space<hbm>>)
    %dma_wait3A_1380 = arith.constant 47 : i32
    %dma_wait3A_1381 = arith.constant 0 : i32
    %dma_wait3A_1382 = tpu.memref_slice %arg4[%dma_wait3A_1380, %mul3A_2, %dma_wait3A_1381] : memref<50x4096x128xf32, #tpu.memory_space<hbm>> -> memref<1x128x128xf32, #tpu.memory_space<hbm>>
    %dma_wait3A_1383 = tpu.memref_squeeze %dma_wait3A_1382 : memref<1x128x128xf32, #tpu.memory_space<hbm>> -> memref<128x128xf32, #tpu.memory_space<hbm>>
    %dma_wait3A_1384 = arith.constant 0 : i32
    %dma_wait3A_1385 = tpu.memref_slice %arg4[%dma_wait3A_1380, %mul3A_2, %dma_wait3A_1384] : memref<50x4096x128xf32, #tpu.memory_space<hbm>> -> memref<1x128x128xf32, #tpu.memory_space<hbm>>
    %dma_wait3A_1386 = tpu.memref_squeeze %dma_wait3A_1385 : memref<1x128x128xf32, #tpu.memory_space<hbm>> -> memref<128x128xf32, #tpu.memory_space<hbm>>
    tpu.wait_dma2 semaphore(%arg25 : memref<!tpu.dma_semaphore, #tpu.memory_space<semaphore_mem>>) src(%arg11 : memref<128x128xf32, #tpu.memory_space<vmem>>) dst(%dma_wait3A_1386 : memref<128x128xf32, #tpu.memory_space<hbm>>)
    %dma_wait3A_1387 = arith.constant 48 : i32
    %dma_wait3A_1388 = arith.constant 0 : i32
    %dma_wait3A_1389 = tpu.memref_slice %arg4[%dma_wait3A_1387, %mul3A_2, %dma_wait3A_1388] : memref<50x4096x128xf32, #tpu.memory_space<hbm>> -> memref<1x128x128xf32, #tpu.memory_space<hbm>>
    %dma_wait3A_1390 = tpu.memref_squeeze %dma_wait3A_1389 : memref<1x128x128xf32, #tpu.memory_space<hbm>> -> memref<128x128xf32, #tpu.memory_space<hbm>>
    %dma_wait3A_1391 = arith.constant 0 : i32
    %dma_wait3A_1392 = tpu.memref_slice %arg4[%dma_wait3A_1387, %mul3A_2, %dma_wait3A_1391] : memref<50x4096x128xf32, #tpu.memory_space<hbm>> -> memref<1x128x128xf32, #tpu.memory_space<hbm>>
    %dma_wait3A_1393 = tpu.memref_squeeze %dma_wait3A_1392 : memref<1x128x128xf32, #tpu.memory_space<hbm>> -> memref<128x128xf32, #tpu.memory_space<hbm>>
    tpu.wait_dma2 semaphore(%arg26 : memref<!tpu.dma_semaphore, #tpu.memory_space<semaphore_mem>>) src(%arg12 : memref<128x128xf32, #tpu.memory_space<vmem>>) dst(%dma_wait3A_1393 : memref<128x128xf32, #tpu.memory_space<hbm>>)
    %dma_wait3A_1394 = arith.constant 49 : i32
    %dma_wait3A_1395 = arith.constant 0 : i32
    %dma_wait3A_1396 = tpu.memref_slice %arg4[%dma_wait3A_1394, %mul3A_2, %dma_wait3A_1395] : memref<50x4096x128xf32, #tpu.memory_space<hbm>> -> memref<1x128x128xf32, #tpu.memory_space<hbm>>
    %dma_wait3A_1397 = tpu.memref_squeeze %dma_wait3A_1396 : memref<1x128x128xf32, #tpu.memory_space<hbm>> -> memref<128x128xf32, #tpu.memory_space<hbm>>
    %dma_wait3A_1398 = arith.constant 0 : i32
    %dma_wait3A_1399 = tpu.memref_slice %arg4[%dma_wait3A_1394, %mul3A_2, %dma_wait3A_1398] : memref<50x4096x128xf32, #tpu.memory_space<hbm>> -> memref<1x128x128xf32, #tpu.memory_space<hbm>>
    %dma_wait3A_1400 = tpu.memref_squeeze %dma_wait3A_1399 : memref<1x128x128xf32, #tpu.memory_space<hbm>> -> memref<128x128xf32, #tpu.memory_space<hbm>>
    tpu.wait_dma2 semaphore(%arg20 : memref<!tpu.dma_semaphore, #tpu.memory_space<semaphore_mem>>) src(%arg6 : memref<128x128xf32, #tpu.memory_space<vmem>>) dst(%dma_wait3A_1400 : memref<128x128xf32, #tpu.memory_space<hbm>>)
    return
  }
}

</mosaic_0001>

<sc_bundles>
// kernel: kernel.3.cloned.1.call-start
scs
__scs_entry_jumppad:
0x0: {  	(pc) =	sbr.rel $0x88, $3  }
0x1: {  	(tag) =	ssettag $0x0;
	lr =	simm.s32 $0x1  }
0x2: {  	[smem:$0x3F9F] =	sst lr;
	_ =	strace $0xD0000000  }
0x3: {  	_ = 	snop  }
0x4: {  	_ = 	snop  }
0x5: {  	_ = 	snop  }
0x6: {  	_ = 	snop  }
0x7: {  	_ = 	snop  }
__scs_overlays_trampoline_lowered:
0x8: {  	[smem:$0x3FAE] =	sst s0  }
0x9: {  	[smem:$0x3FAF] =	sst s1  }
0xa: {  	[smem:$0x3FB0] =	sst s2  }
0xb: {  	[smem:$0x3FB1] =	sst s3  }
0xc: {  	[smem:$0x3FB2] =	sst s4  }
0xd: {  	[smem:$0x3FB3] =	sst s5  }
0xe: {  	[smem:$0x3FB4] =	sst s6  }
0xf: {  	[smem:$0x3FB5] =	sst s7  }
0x10: {  	[smem:$0x3FB6] =	sst s8  }
0x11: {  	[smem:$0x3FB7] =	sst s9;
	s0 =	simm.s32 @!p0 $0x0  }
0x12: {  	s1 =	sld [smem:$0x3F9D];
	s0 =	simm.s32 @p0 $0x1  }
0x13: {  	[smem:$0x3FB8] =	sst s0;
	s0 =	simm.s32 @!p1 $0x0  }
0x14: {  	s2 =	sld [smem:$0x3F9C];
	s0 =	simm.s32 @p1 $0x1  }
0x15: {  	[smem:$0x3FB9] =	sst s0;
	s0 =	simm.s32 @!p2 $0x0  }
0x16: {  	s3 =	sld [smem:$0x3FDB];
	s0 =	simm.s32 @p2 $0x1  }
0x17: {  	s4 =	simm.s32 $0x1BF5;
	[smem:$0x3FBB] =	sst s0  }
0x18: {  	s0 =	sld [smem:$0x3F9E];
	_ =	swait.ge [sflag:s4], $0x0  }
0x19: {  	s7 =	sld [smem:$0x3F9F]  }
0x1a: {  	s8 =	sadd.s32 $0xFFFFE003, lr  }
0x1b: {  	s9 =	sadd.s32 $0xFFFFFEF7, lr;
	s5 =	simm.s32 $0xFFFFFFFF;
	p2 =	slt.u32 s8, $0xFFFFF086  }
0x1c: {  	p1 =	slt.u32 s9, $0xF7A;
	s5 =	simm.s32 @!p2 $0x0  }
0x1d: {  	s5 =	simm.s32 @p1 $0x1;
	p0 =	seq.s32 s7, s2  }
0x1e: {  	s7 =	smul.u32 @!p0 $0xF7A, s2;
	p2 =	seq.s32 @!p0 s5, $0x0  }
0x1f: {  	s9 =	smul.u32 $0xF7A, s1;
	s8 =	simm.s32 @!p0 $0x1BF5;
	p2 =	por !p2, p0  }
0x20: {  	[sflag:s8] =	ssyncset.s32 @!p0 $0xFFFFF086;
	s6 =	sadd.s32 @!p0 s3, s7;
	s7 =	simm.s32 @!p0 $0x108  }
0x21: {  	s3 =	sadd.s32 s3, s9;
	s6 =	sadd.s32 @!p0 $0x88, s6;
	s7 =	simm.s32 @p2 $0x1082  }
0x22: {  	[simem:s7], [sflag:s8] =	dma.local @!p0 [hbm:s6], $0xF7A  }
0x23: {  	s9 =	sor.u32 $0xD0000000, s2;
	s6 =	simm.s32 $0x108;
	_ =	swait.ge @!p0 [sflag:s8], $0x0  }
0x24: {  	s3 =	sadd.s32 $0x88, s3;
	s6 =	simm.s32 @!p1 $0x1082;
	[sflag:s4] =	ssyncset.s32 $0xFFFFF086  }
0x25: {  	[simem:s6], [sflag:s4] =	dma.local [hbm:s3], $0xF7A  }
0x26: {  	[smem:$0x3F9F] =	sst s1;
	(tag) =	ssettag s2;
	_ =	strace s9  }
0x27: {  	s1 =	sld [smem:$0x3FAF]  }
0x28: {  	s2 =	sld [smem:$0x3FB0]  }
0x29: {  	s4 =	sld [smem:$0x3FB2]  }
0x2a: {  	p0 =	seq.s32 s5, $0x0;
	s5 =	sld [smem:$0x3FB3]  }
0x2b: {  	s6 =	sld [smem:$0x3FB4]  }
0x2c: {  	s7 =	sld [smem:$0x3FB5]  }
0x2d: {  	s3 =	simm.s32 $0x108;
	s8 =	sld [smem:$0x3FB6]  }
0x2e: {  	s3 =	simm.s32 @!p0 $0x1082;
	s9 =	sld [smem:$0x3FB7]  }
0x2f: {  	lr =	sadd.s32 s0, s3;
	s0 =	sld [smem:$0x3FAE]  }
0x30: {  	s3 =	sld [smem:$0x3FB1]  }
0x31: {  	[smem:$0x3FBA] =	sst s10  }
0x32: {  	s10 =	sld [smem:$0x3FB8];
	_ =	sdelay $0x3  }
0x33: {  	p0 =	seq.s32 s10, $0x1;
	s10 =	sld [smem:$0x3FBA];
	_ =	sdelay $0x3  }
0x34: {  	[smem:$0x3FBA] =	sst s10  }
0x35: {  	s10 =	sld [smem:$0x3FB9];
	_ =	sdelay $0x3  }
0x36: {  	p1 =	seq.s32 s10, $0x1;
	s10 =	sld [smem:$0x3FBA];
	_ =	sdelay $0x3  }
0x37: {  	[smem:$0x3FBA] =	sst s10  }
0x38: {  	s10 =	sld [smem:$0x3FBB]  }
0x39: {  	_ = 	snop;
	(pc) =	sbr.ind lr, $3  }
0x3a: {  	_ = 	snop  }
0x3b: {  	_ = 	snop  }
0x3c: {  	p2 =	seq.s32 s10, $0x1;
	s10 =	sld [smem:$0x3FBA]  }
0x3d: {  	_ =	shalt  }
0x3e: {  	_ =	shalt  }
0x3f: {  	_ =	shalt  }
0x40: {  	_ =	shalt  }
0x41: {  	_ =	shalt  }
0x42: {  	_ =	shalt  }
0x43: {  	_ =	shalt  }
0x44: {  	_ =	shalt  }
0x45: {  	_ =	shalt  }
0x46: {  	_ =	shalt  }
0x47: {  	_ =	shalt  }
0x48: {  	_ =	shalt  }
0x49: {  	_ =	shalt  }
0x4a: {  	_ =	shalt  }
0x4b: {  	_ =	shalt  }
0x4c: {  	_ =	shalt  }
0x4d: {  	_ =	shalt  }
0x4e: {  	_ =	shalt  }
0x4f: {  	_ =	shalt  }
0x50: {  	_ =	shalt  }
0x51: {  	_ =	shalt  }
0x52: {  	_ =	shalt  }
0x53: {  	_ =	shalt  }
0x54: {  	_ =	shalt  }
0x55: {  	_ =	shalt  }
0x56: {  	_ =	shalt  }
0x57: {  	_ =	shalt  }
0x58: {  	_ =	shalt  }
0x59: {  	_ =	shalt  }
0x5a: {  	_ =	shalt  }
0x5b: {  	_ =	shalt  }
0x5c: {  	_ =	shalt  }
0x5d: {  	_ =	shalt  }
0x5e: {  	_ =	shalt  }
0x5f: {  	_ =	shalt  }
0x60: {  	_ =	shalt  }
0x61: {  	_ =	shalt  }
0x62: {  	_ =	shalt  }
0x63: {  	_ =	shalt  }
0x64: {  	_ =	shalt  }
0x65: {  	_ =	shalt  }
0x66: {  	_ =	shalt  }
0x67: {  	_ =	shalt  }
0x68: {  	_ =	shalt  }
0x69: {  	_ =	shalt  }
0x6a: {  	_ =	shalt  }
0x6b: {  	_ =	shalt  }
0x6c: {  	_ =	shalt  }
0x6d: {  	_ =	shalt  }
0x6e: {  	_ =	shalt  }
0x6f: {  	_ =	shalt  }
0x70: {  	_ =	shalt  }
0x71: {  	_ =	shalt  }
0x72: {  	_ =	shalt  }
0x73: {  	_ =	shalt  }
0x74: {  	_ =	shalt  }
0x75: {  	_ =	shalt  }
0x76: {  	_ =	shalt  }
0x77: {  	_ =	shalt  }
0x78: {  	_ =	shalt  }
0x79: {  	_ =	shalt  }
0x7a: {  	_ =	shalt  }
0x7b: {  	_ =	shalt  }
0x7c: {  	_ =	shalt  }
0x7d: {  	_ =	shalt  }
0x7e: {  	_ =	shalt  }
0x7f: {  	_ =	shalt  }
0x80: {  	_ =	shalt  }
0x81: {  	_ =	shalt  }
0x82: {  	_ =	shalt  }
0x83: {  	_ =	shalt  }
0x84: {  	_ =	shalt  }
0x85: {  	_ =	shalt  }
0x86: {  	_ =	shalt  }
0x87: {  	_ =	shalt  }
.Lfunc_end0:
.L_simem_size_0:
called_computation_lowered:
.L_overlay_start_0:
0x88: {  	s2 =	sld [smem:$0x3FD9]  }
0x89: {  	s3 =	sld [smem:$0x3FFE];
	_ =	sdelay $0x1  }
0x8a: {  	s1 =	srdreg.scid  }
0x8b: {  	s0 =	sand.u32 $0x1, s1  }
0x8c: {  	s18 =	sshll.u32 s0, $0xA;
	s2 =	sadd.s32 s3, s2  }
0x8d: {  	s2 =	sadd.s32 s2, s18  }
0x8e: {  	[smem:$0x3FC6] =	sst s2  }
0x8f: {  	_ = 	snop  }
0x90: {  	s2 =	sld [smem:$0x3FC9]  }
0x91: {  	s19 =	sld [smem:$0x3FC8]  }
0x92: {  	s4 =	sld [smem:$0x3FD0];
	(tm) =	ssettm $0x1  }
0x93: {  	s5 =	sld [smem:$0x3FFB];
	_ =	sdelay $0x3  }
0x94: {  	_ =	strace s5  }
0x95: {  	s5 =	sld [smem:$0x3FFC];
	_ =	sdelay $0x3  }
0x96: {  	_ =	strace s5  }
0x97: {  	s5 =	sld [smem:$0x3FFD];
	_ =	sdelay $0x3  }
0x98: {  	_ =	strace s5  }
0x99: {  	_ =	strace $0x8FFFFFFF  }
0x9a: {  	s20 =	sld [smem:$0x3FDB];
	_ =	sdelay $0x1  }
0x9b: {  	s6 =	simm.s32 $_scs_section_size  }
0x9c: {  	s7 =	simm.s32 $_size__tile_overlayer_lowered;
	s8 =	simm.s32 $_tile_overlayer_lowered  }
0x9d: {  	s23 =	simm.s32 $0x1BFF;
	s22 =	sshll.u32 s8, $0x1;
	s5 =	sadd.s32 s6, s20  }
0x9e: {  	s9 =	simm.s32 $0x0;
	s21 =	sshll.u32 s7, $0x1;
	s7 =	sadd.s32 s22, s5  }
0x9f: {  	[timem:s9], [sflag:s23] =	dma.local [hbm:s7], s21  }
0xa0: {  	_ =	swait.ge [sflag:s23], s21  }
0xa1: {  	s6 =	ssub.s32 $0x0, s21;
	[sflag:s23] =	ssyncset.done $0x0  }
0xa2: {  	[sflag:s23] =	ssyncadd.s32 s6;
	_ =	sdelay $0x1  }
0xa3: {  	s24 =	simm.s32 $0x1B8B  }
0xa4: {  	_ =	swait.ge [sflag:s24], $0x1  }
0xa5: {  	[sflag:s24] =	ssyncset.done $0x0  }
0xa6: {  	s25 =	simm.s32 $0x1B8E;
	[sflag:s24] =	ssyncadd.s32 $0xFFFFFFFF  }
0xa7: {  	s26 =	simm.s32 $execute0_lowered;
	[smem:$0x3FD2] =	sst s25  }
0xa8: {  	s6 =	sshll.u32 s26, $0x1;
	_ =	strace $0x80000046;
	[dreg:$0x1] =	wrdreg $0xFFFFFFFF  }
0xa9: {  	s28 =	simm.s32 $_size_execute0_lowered;
	s5 =	sadd.s32 s5, s6;
	[dreg:$0x0] =	wrdreg $0x0  }
0xaa: {  	s6 =	sshll.u32 s28, $0x1;
	[dreg:$0x2] =	wrdreg s5  }
0xab: {  	[dreg:$0x3] =	wrdreg s6  }
0xac: {  	[dreg:$0x4] =	wrdreg $0xC0  }
0xad: {  	_ =	task [dreg:s9], $0x5FFFF  }
0xae: {  	[dreg:$0x1] =	wrdreg $0xFFFFFFFF  }
0xaf: {  	[dreg:$0x0] =	wrdreg $0x60  }
0xb0: {  	[dreg:$0x2] =	wrdreg s19  }
0xb1: {  	[dreg:$0x3] =	wrdreg s2  }
0xb2: {  	[dreg:$0x4] =	wrdreg s4  }
0xb3: {  	[dreg:$0x5] =	wrdreg $0x9  }
0xb4: {  	_ =	task.clear_ibuf [dreg:s9], $0x6FFFF;
	_ =	strace $0x90000046  }
0xb5: {  	s29 =	simm.s32 $0x9;
	_ =	strace $0x80000048  }
0xb6: {  	_ =	swait.ge [sflag:s29], $0x1  }
0xb7: {  	[sflag:s29] =	ssyncadd.s32 $0xFFFFFFFF  }
0xb8: {  	_ =	strace $0x90000048  }
0xb9: {  	_ =	sfence  }
0xba: {  	s30 =	sld [smem:$0x0];
	_ =	sdelay $0x2  }
0xbb: {  	s31 =	sshll.u32 s1, $0xD;
	s1 =	sshrl.u32 s1, $0x2  }
0xbc: {  	s3 =	sand.u32 $0x4000, s31;
	s1 =	sadd.s32 s1, s30  }
0xbd: {  	s0 =	sor.u32 s3, s0;
	s1 =	sshll.u32 s1, $0x11  }
0xbe: {  	s0 =	sor.u32 s1, s0  }
0xbf: {  	s0 =	sadd.s32 $0x8F2B, s0  }
0xc0: {  	[sflag:s0] =	ssyncadd.remote.s32 $0x1  }
0xc1: {  	_ =	sfence.sel $0xFFFF  }
0xc2: {  	[dreg:$0x0] =	wrdreg $0xFFFFFFFF;
	(pc) =	sbr.abs _section_cstart, $3  }
0xc3: {  	[dreg:$0x1] =	wrdreg $0xFFFFFFFF  }
0xc4: {  	_ =	task.clear_ibuf [dreg:s9], $0x2FFFF;
	_ =	strace $0x9FFFFFFF  }
0xc5: {  	(tm) =	ssettm $0x7FFFFFFF  }
tec
execute0_lowered:
.L_overlay_start_1:
0x0: {  	(tag) =	ssettag $0x1  }
0x1: {  	s3 =	rddreg [dreg:$0x0]  }
0x2: {  	s0 =	srdreg.scid;
	s4 =	rddreg [dreg:$0x1]  }
0x3: {  	s13 =	stileid.u32;
	s26 =	rddreg [dreg:$0x2];
	s1 =	sand.u32 $0x1, s0  }
0x4: {  	s2 =	simm.s32 $0x0;
	s5 =	sshll.u32 s13, $0x8;
	s6 =	sshll.u32 s1, $0x7  }
0x5: {  	[smem:$0x7FF] =	sst s2;
	s5 =	sor.u32 s6, s5  }
0x6: {  	_ =	strace $0x80000047;
	s6 =	sadd.s32 s4, s5;
	s7 =	sshll.u32 s5, $0x4  }
0x7: {  	[smem:$0x7B8] =	sst s6;
	s8 =	sadd.s32 $0x6000, s6;
	s28 =	sadd.s32 s26, s7  }
0x8: {  	[dreg:$0x4] =	wrdreg s8;
	s0 =	sadd.s32 $0x10000, s28  }
0x9: {  	s9 =	sadd.s32 $0x20000, s28;
	[dreg:$0x5] =	wrdreg s0  }
0xa: {  	s10 =	sadd.s32 $0x30000, s28;
	[dreg:$0x6] =	wrdreg s9  }
0xb: {  	s11 =	sadd.s32 $0x40000, s28;
	[dreg:$0x7] =	wrdreg s10  }
0xc: {  	s12 =	sadd.s32 $0x50000, s28;
	[dreg:$0x8] =	wrdreg s11  }
0xd: {  	s14 =	sadd.s32 $0x60000, s28;
	[dreg:$0x9] =	wrdreg s12  }
0xe: {  	s15 =	sadd.s32 $0x70000, s28;
	[dreg:$0xa] =	wrdreg s14  }
0xf: {  	s16 =	sadd.s32 $0x80000, s28;
	[dreg:$0xb] =	wrdreg s15  }
0x10: {  	s17 =	sadd.s32 $0x90000, s28;
	[dreg:$0xc] =	wrdreg s16  }
0x11: {  	s18 =	sadd.s32 $0xA0000, s28;
	[dreg:$0xd] =	wrdreg s17  }
0x12: {  	s19 =	sadd.s32 $0xB0000, s28;
	[dreg:$0xe] =	wrdreg s18  }
0x13: {  	s20 =	sadd.s32 $0xC0000, s28;
	[dreg:$0xf] =	wrdreg s19  }
0x14: {  	s21 =	sadd.s32 $0xD0000, s28;
	[dreg:$0x10] =	wrdreg s20  }
0x15: {  	s22 =	sadd.s32 $0xE0000, s28;
	[dreg:$0x11] =	wrdreg s21  }
0x16: {  	s23 =	sadd.s32 $0xF0000, s28;
	[dreg:$0x12] =	wrdreg s22  }
0x17: {  	s24 =	sadd.s32 $0x100000, s28;
	[dreg:$0x13] =	wrdreg s23  }
0x18: {  	s25 =	sadd.s32 $0x110000, s28;
	[dreg:$0x14] =	wrdreg s24  }
0x19: {  	s26 =	sadd.s32 $0x120000, s28;
	[dreg:$0x15] =	wrdreg s25  }
0x1a: {  	s4 =	sadd.s32 $0x130000, s28;
	[dreg:$0x16] =	wrdreg s26  }
0x1b: {  	s5 =	sadd.s32 $0x140000, s28;
	[dreg:$0x17] =	wrdreg s4  }
0x1c: {  	s6 =	sadd.s32 $0x150000, s28;
	[dreg:$0x18] =	wrdreg s5  }
0x1d: {  	s7 =	sadd.s32 $0x160000, s28;
	[dreg:$0x19] =	wrdreg s6  }
0x1e: {  	s8 =	sadd.s32 $0x170000, s28;
	[dreg:$0x1a] =	wrdreg s7  }
0x1f: {  	[dreg:$0x1b] =	wrdreg s8;
	s9 =	sadd.s32 $0x180000, s28  }
0x20: {  	s10 =	sadd.s32 $0x190000, s28;
	[dreg:$0x1c] =	wrdreg s9  }
0x21: {  	s11 =	sadd.s32 $0x1A0000, s28;
	[dreg:$0x1d] =	wrdreg s10  }
0x22: {  	s12 =	sadd.s32 $0x1B0000, s28;
	[dreg:$0x1e] =	wrdreg s11  }
0x23: {  	s14 =	sadd.s32 $0x1C0000, s28;
	[dreg:$0x1f] =	wrdreg s12  }
0x24: {  	s15 =	sadd.s32 $0x1D0000, s28;
	[smem:$0x7B9] =	sst s14  }
0x25: {  	s16 =	sadd.s32 $0x1E0000, s28;
	[smem:$0x7BA] =	sst s15  }
0x26: {  	s17 =	sadd.s32 $0x1F0000, s28;
	[smem:$0x7BB] =	sst s16  }
0x27: {  	s18 =	sadd.s32 $0x200000, s28;
	[smem:$0x7BC] =	sst s17  }
0x28: {  	s19 =	sadd.s32 $0x210000, s28;
	[smem:$0x7BD] =	sst s18  }
0x29: {  	s20 =	sadd.s32 $0x220000, s28;
	[smem:$0x7BE] =	sst s19  }
0x2a: {  	s21 =	sadd.s32 $0x230000, s28;
	[smem:$0x7BF] =	sst s20  }
0x2b: {  	s22 =	sadd.s32 $0x240000, s28;
	[smem:$0x7C0] =	sst s21  }
0x2c: {  	s23 =	sadd.s32 $0x250000, s28;
	[smem:$0x7C1] =	sst s22  }
0x2d: {  	s24 =	sadd.s32 $0x260000, s28;
	[smem:$0x7C2] =	sst s23  }
0x2e: {  	s25 =	sadd.s32 $0x270000, s28;
	[smem:$0x7C3] =	sst s24  }
0x2f: {  	s26 =	sadd.s32 $0x280000, s28;
	[smem:$0x7C4] =	sst s25  }
0x30: {  	s4 =	sadd.s32 $0x290000, s28;
	[smem:$0x7C5] =	sst s26  }
0x31: {  	s5 =	sadd.s32 $0x2A0000, s28;
	[smem:$0x7C6] =	sst s4  }
0x32: {  	s6 =	sadd.s32 $0x2B0000, s28;
	[smem:$0x7C7] =	sst s5  }
0x33: {  	s7 =	sadd.s32 $0x2C0000, s28;
	[smem:$0x7C8] =	sst s6  }
0x34: {  	s8 =	sadd.s32 $0x2D0000, s28;
	[smem:$0x7C9] =	sst s7  }
0x35: {  	[smem:$0x7CA] =	sst s8;
	s9 =	sadd.s32 $0x2E0000, s28  }
0x36: {  	s10 =	sadd.s32 $0x2F0000, s28;
	[smem:$0x7CB] =	sst s9  }
0x37: {  	s11 =	sadd.s32 $0x300000, s28;
	[smem:$0x7CC] =	sst s10  }
0x38: {  	s12 =	sadd.s32 $0x310000, s28;
	[smem:$0x7CD] =	sst s11  }
0x39: {  	s14 =	simm.s32 $0x8000;
	[smem:$0x7CE] =	sst s12  }
0x3a: {  	s15 =	simm.s32 $0x100;
	[smem:$0x7FD] =	sst s14  }
0x3b: {  	s16 =	simm.s32 $0x180;
	[smem:$0x7CF] =	sst s15  }
0x3c: {  	s17 =	simm.s32 $0x200;
	[smem:$0x7D0] =	sst s16  }
0x3d: {  	s18 =	simm.s32 $0x280;
	[smem:$0x7D1] =	sst s17  }
0x3e: {  	s19 =	simm.s32 $0x300;
	[smem:$0x7D2] =	sst s18  }
0x3f: {  	s20 =	simm.s32 $0x380;
	[smem:$0x7D3] =	sst s19  }
0x40: {  	s21 =	simm.s32 $0x480;
	[smem:$0x7D4] =	sst s20  }
0x41: {  	s22 =	simm.s32 $0x500;
	[smem:$0x7D5] =	sst s21  }
0x42: {  	s23 =	simm.s32 $0x580;
	[smem:$0x7D6] =	sst s22  }
0x43: {  	s24 =	simm.s32 $0x600;
	[smem:$0x7D7] =	sst s23  }
0x44: {  	s25 =	simm.s32 $0x680;
	[smem:$0x7D8] =	sst s24  }
0x45: {  	s26 =	simm.s32 $0x700;
	[smem:$0x7D9] =	sst s25  }
0x46: {  	s4 =	simm.s32 $0x780;
	[smem:$0x7DA] =	sst s26  }
0x47: {  	s5 =	simm.s32 $0x800;
	[smem:$0x7DB] =	sst s4  }
0x48: {  	s6 =	simm.s32 $0x880;
	[smem:$0x7DC] =	sst s5  }
0x49: {  	s7 =	simm.s32 $0x900;
	[smem:$0x7DD] =	sst s6  }
0x4a: {  	s8 =	simm.s32 $0x980;
	[smem:$0x7DE] =	sst s7  }
0x4b: {  	[smem:$0x7DF] =	sst s8;
	s9 =	simm.s32 $0xA00  }
0x4c: {  	s10 =	simm.s32 $0xA80;
	[smem:$0x7E0] =	sst s9  }
0x4d: {  	s11 =	simm.s32 $0xB00;
	[smem:$0x7E1] =	sst s10  }
0x4e: {  	s12 =	simm.s32 $0xB80;
	[smem:$0x7E2] =	sst s11  }
0x4f: {  	s14 =	simm.s32 $0xC00;
	[smem:$0x7E3] =	sst s12  }
0x50: {  	s15 =	simm.s32 $0xC80;
	[smem:$0x7E4] =	sst s14  }
0x51: {  	s16 =	simm.s32 $0xD00;
	[smem:$0x7E5] =	sst s15  }
0x52: {  	s30 =	simm.s32 $0x400;
	s17 =	simm.s32 $0xD80;
	[smem:$0x7E6] =	sst s16  }
0x53: {  	s31 =	simm.s32 $0xF;
	s19 =	simm.s32 $0xE00;
	[smem:$0x7E7] =	sst s17  }
0x54: {  	p0 =	por $0x0, $0x0;
	s20 =	simm.s32 $0xE80;
	[smem:$0x7E8] =	sst s19  }
0x55: {  	s1 =	ssub.s32 $0x2, s1;
	s21 =	simm.s32 $0xF00;
	[smem:$0x7E9] =	sst s20  }
0x56: {  	s18 =	sshrl.u32 s1, $0x1;
	s22 =	simm.s32 $0xF80;
	[smem:$0x7EA] =	sst s21  }
0x57: {  	s23 =	simm.s32 $0x1000;
	s24 =	simm.s32 $0x1080;
	[smem:$0x7EB] =	sst s22  }
0x58: {  	s25 =	simm.s32 $0x1100;
	s4 =	simm.s32 $0x1C00;
	[smem:$0x7EC] =	sst s23  }
0x59: {  	s26 =	simm.s32 $0x1180;
	s5 =	simm.s32 $0x1200;
	[smem:$0x7ED] =	sst s24  }
0x5a: {  	s6 =	simm.s32 $0x1280;
	s7 =	simm.s32 $0x1300;
	[smem:$0x7EE] =	sst s25  }
0x5b: {  	s8 =	simm.s32 $0x1380;
	s1 =	ssub.s32 s1, s18;
	[smem:$0x7EF] =	sst s26  }
0x5c: {  	s9 =	simm.s32 $0x80;
	s19 =	simm.s32 $0x5C00;
	[smem:$0x7F0] =	sst s5  }
0x5d: {  	s14 =	simm.s32 $0x9C00;
	s11 =	simm.s32 $0xDC00;
	[smem:$0x7F1] =	sst s6  }
0x5e: {  	s10 =	simm.s32 $0x11C00;
	[smem:$0x7F2] =	sst s7;
	s7 =	simm.s32 $0x15C00  }
0x5f: {  	[smem:$0x7F3] =	sst s8;
	s12 =	simm.s32 $0x1400;
	s6 =	simm.s32 $0x1  }
0x60: {  	s15 =	simm.s32 $0x1480;
	s8 =	simm.s32 $0x19C00;
	s0 =	sld [smem:$0x7FD]  }
0x61: {  	s16 =	simm.s32 $0x1500;
	s26 =	simm.s32 $0x2;
	[smem:$0x7F4] =	sst s12  }
0x62: {  	s17 =	simm.s32 $0x1580;
	s5 =	simm.s32 $0x8;
	[smem:$0x7F5] =	sst s15  }
0x63: {  	s18 =	simm.s32 $0x1600;
	s21 =	simm.s32 $0x3;
	[smem:$0x7F6] =	sst s16  }
0x64: {  	s20 =	simm.s32 $0x1680;
	s22 =	simm.s32 $0x1700;
	[smem:$0x7F7] =	sst s17  }
0x65: {  	s23 =	simm.s32 $0x4;
	s1 =	smax.u32 s1, $0x1;
	[smem:$0x7F8] =	sst s18  }
0x66: {  	s24 =	simm.s32 $0x1780;
	[smem:$0x7F9] =	sst s20;
	p1 =	sne.s32 s1, $0x1  }
.Ltmp0:
0x67: {  	s25 =	simm.s32 $0x1880;
	[smem:$0x7FA] =	sst s22;
	(pc) =	sbr.rel @!p1 .LBB2_1-.Ltmp0, $4  }
0x68: {  	s12 =	simm.s32 $0x9;
	s15 =	simm.s32 $0xA;
	[smem:$0x7FB] =	sst s24  }
0x69: {  	[smem:$0x7FC] =	sst s25;
	s24 =	simm.s32 $0x5;
	s20 =	simm.s32 $0xB  }
0x6a: {  	s25 =	simm.s32 $0x6;
	s18 =	simm.s32 $0xC;
	s22 =	simm.s32 $0x7  }
0x6b: {  	s17 =	simm.s32 $0xD;
	s16 =	simm.s32 $0xE;
	s29 =	sadd.s32 $0xFFFFFFFF, s1  }
0x6c: {  	s13 =	sld [smem:$0x7B8];
	_ =	sdelay $0x2  }
0x6d: {  	[tilespmem:s2], [sflag:$0xF] =	stream.strided.gather [hbm4b:s13+s30], $0x1800, s0, s30, $0x38;
	[tilespmem:$0x1DC00] =	vst v63  }
0x6e: {  	s1 =	rddreg [dreg:$0x4];
	s13 =	simm.s32 $0x1800  }
0x6f: {  	[tilespmem:s13], [sflag:$0xF] =	stream.linear.gather [hbm4b:s1+s2], $0x100, $0x38;
	[tilespmem:$0x1DC00] =	vst v63  }
0x70: {  	_ =	swait.ge [sflag:s31], $0x1900  }
0x71: {  	[sflag:s31] =	ssyncset.done $0x0  }
0x72: {  	[sflag:s31] =	ssyncadd.s32 $0xFFFFE700  }
0x73: {  	[tilespmem:s4], [sflag:$0x1] =	stream.indirect.gather [hbm4b:s3+s9], $0x80, s2, s9, $0xb8;
	[tilespmem:$0x1DC00] =	vst v63  }
0x74: {  	s0 =	sld [smem:$0x7CF]  }
0x75: {  	[tilespmem:s19], [sflag:$0x2] =	stream.indirect.gather [hbm4b:s3+s9], $0x80, s9, s9, $0xb8;
	[tilespmem:$0x1DC00] =	vst v63  }
0x76: {  	s1 =	sld [smem:$0x7D0]  }
0x77: {  	[tilespmem:s14], [sflag:$0x3] =	stream.indirect.gather [hbm4b:s3+s9], $0x80, s0, s9, $0xb8;
	[tilespmem:$0x1DC00] =	vst v63  }
0x78: {  	s0 =	sld [smem:$0x7D1]  }
0x79: {  	[tilespmem:s11], [sflag:$0x4] =	stream.indirect.gather [hbm4b:s3+s9], $0x80, s1, s9, $0xb8;
	[tilespmem:$0x1DC00] =	vst v63  }
0x7a: {  	s1 =	sld [smem:$0x7D2]  }
0x7b: {  	[tilespmem:s10], [sflag:$0x5] =	stream.indirect.gather [hbm4b:s3+s9], $0x80, s0, s9, $0xb8;
	[tilespmem:$0x1DC00] =	vst v63  }
0x7c: {  	_ = 	snop  }
0x7d: {  	[tilespmem:s7], [sflag:$0x6] =	stream.indirect.gather [hbm4b:s3+s9], $0x80, s1, s9, $0xb8;
	[tilespmem:$0x1DC00] =	vst v63  }
0x7e: {  	_ =	swait.ge [sflag:s6], $0x4000  }
0x7f: {  	[sflag:s6] =	ssyncset.done $0x0  }
0x80: {  	s1 =	sld [smem:$0x7D3];
	[sflag:s6] =	ssyncadd.s32 $0xFFFFC000  }
0x81: {  	[hbm4b:s28+s2] =	stream.linear.scatter [tilespmem:s4], [sflag:$0x8], $0x4000, $0x38;
	[tilespmem:$0x1DC00] =	vst v63  }
0x82: {  	_ = 	snop  }
0x83: {  	[tilespmem:s8], [sflag:$0x7] =	stream.indirect.gather [hbm4b:s3+s9], $0x80, s1, s9, $0xb8;
	[tilespmem:$0x1DC00] =	vst v63  }
0x84: {  	_ =	swait.ge [sflag:s26], $0x4000  }
0x85: {  	[sflag:s26] =	ssyncset.done $0x0  }
0x86: {  	s1 =	rddreg [dreg:$0x5];
	[sflag:s26] =	ssyncadd.s32 $0xFFFFC000  }
0x87: {  	[hbm4b:s1+s2] =	stream.linear.scatter [tilespmem:s19], [sflag:$0x9], $0x4000, $0x38;
	[tilespmem:$0x1DC00] =	vst v63  }
0x88: {  	_ =	swait.ge [sflag:s5], $0x4000  }
0x89: {  	s1 =	sld [smem:$0x7D4]  }
0x8a: {  	[sflag:s5] =	ssyncset.done $0x0  }
0x8b: {  	[sflag:s5] =	ssyncadd.s32 $0xFFFFC000  }
0x8c: {  	[tilespmem:s4], [sflag:$0x1] =	stream.indirect.gather [hbm4b:s3+s9], $0x80, s1, s9, $0xb8;
	[tilespmem:$0x1DC00] =	vst v63  }
0x8d: {  	_ =	swait.ge [sflag:s21], $0x4000  }
0x8e: {  	[sflag:s21] =	ssyncset.done $0x0  }
0x8f: {  	s1 =	rddreg [dreg:$0x6];
	[sflag:s21] =	ssyncadd.s32 $0xFFFFC000  }
0x90: {  	[hbm4b:s1+s2] =	stream.linear.scatter [tilespmem:s14], [sflag:$0xA], $0x4000, $0x38;
	[tilespmem:$0x1DC00] =	vst v63  }
0x91: {  	_ =	swait.ge [sflag:s12], $0x4000  }
0x92: {  	[sflag:s12] =	ssyncset.done $0x0  }
0x93: {  	[sflag:s12] =	ssyncadd.s32 $0xFFFFC000  }
0x94: {  	[tilespmem:s19], [sflag:$0x2] =	stream.indirect.gather [hbm4b:s3+s9], $0x80, s30, s9, $0xb8;
	[tilespmem:$0x1DC00] =	vst v63  }
0x95: {  	_ =	swait.ge [sflag:s23], $0x4000  }
0x96: {  	[sflag:s23] =	ssyncset.done $0x0  }
0x97: {  	s1 =	rddreg [dreg:$0x7];
	[sflag:s23] =	ssyncadd.s32 $0xFFFFC000  }
0x98: {  	[hbm4b:s1+s2] =	stream.linear.scatter [tilespmem:s11], [sflag:$0xB], $0x4000, $0x38;
	[tilespmem:$0x1DC00] =	vst v63  }
0x99: {  	_ =	swait.ge [sflag:s15], $0x4000  }
0x9a: {  	s1 =	sld [smem:$0x7D5]  }
0x9b: {  	[sflag:s15] =	ssyncset.done $0x0  }
0x9c: {  	[sflag:s15] =	ssyncadd.s32 $0xFFFFC000  }
0x9d: {  	[tilespmem:s14], [sflag:$0x3] =	stream.indirect.gather [hbm4b:s3+s9], $0x80, s1, s9, $0xb8;
	[tilespmem:$0x1DC00] =	vst v63  }
0x9e: {  	_ =	swait.ge [sflag:s24], $0x4000  }
0x9f: {  	[sflag:s24] =	ssyncset.done $0x0  }
0xa0: {  	s1 =	rddreg [dreg:$0x8];
	[sflag:s24] =	ssyncadd.s32 $0xFFFFC000  }
0xa1: {  	[hbm4b:s1+s2] =	stream.linear.scatter [tilespmem:s10], [sflag:$0xC], $0x4000, $0x38;
	[tilespmem:$0x1DC00] =	vst v63  }
0xa2: {  	_ =	swait.ge [sflag:s20], $0x4000  }
0xa3: {  	s1 =	sld [smem:$0x7D6]  }
0xa4: {  	[sflag:s20] =	ssyncset.done $0x0  }
0xa5: {  	[sflag:s20] =	ssyncadd.s32 $0xFFFFC000  }
0xa6: {  	[tilespmem:s11], [sflag:$0x4] =	stream.indirect.gather [hbm4b:s3+s9], $0x80, s1, s9, $0xb8;
	[tilespmem:$0x1DC00] =	vst v63  }
0xa7: {  	_ =	swait.ge [sflag:s25], $0x4000  }
0xa8: {  	[sflag:s25] =	ssyncset.done $0x0  }
0xa9: {  	s1 =	rddreg [dreg:$0x9];
	[sflag:s25] =	ssyncadd.s32 $0xFFFFC000  }
0xaa: {  	[hbm4b:s1+s2] =	stream.linear.scatter [tilespmem:s7], [sflag:$0xD], $0x4000, $0x38;
	[tilespmem:$0x1DC00] =	vst v63  }
0xab: {  	_ =	swait.ge [sflag:s18], $0x4000  }
0xac: {  	s1 =	sld [smem:$0x7D7]  }
0xad: {  	[sflag:s18] =	ssyncset.done $0x0  }
0xae: {  	[sflag:s18] =	ssyncadd.s32 $0xFFFFC000  }
0xaf: {  	[tilespmem:s10], [sflag:$0x5] =	stream.indirect.gather [hbm4b:s3+s9], $0x80, s1, s9, $0xb8;
	[tilespmem:$0x1DC00] =	vst v63  }
0xb0: {  	_ =	swait.ge [sflag:s22], $0x4000  }
0xb1: {  	[sflag:s22] =	ssyncset.done $0x0  }
0xb2: {  	s1 =	rddreg [dreg:$0xa];
	[sflag:s22] =	ssyncadd.s32 $0xFFFFC000  }
0xb3: {  	[hbm4b:s1+s2] =	stream.linear.scatter [tilespmem:s8], [sflag:$0xE], $0x4000, $0x38;
	[tilespmem:$0x1DC00] =	vst v63  }
0xb4: {  	_ =	swait.ge [sflag:s17], $0x4000  }
0xb5: {  	s1 =	sld [smem:$0x7D8]  }
0xb6: {  	[sflag:s17] =	ssyncset.done $0x0  }
0xb7: {  	[sflag:s17] =	ssyncadd.s32 $0xFFFFC000  }
0xb8: {  	[tilespmem:s7], [sflag:$0x6] =	stream.indirect.gather [hbm4b:s3+s9], $0x80, s1, s9, $0xb8;
	[tilespmem:$0x1DC00] =	vst v63  }
0xb9: {  	_ =	swait.ge [sflag:s6], $0x4000  }
0xba: {  	[sflag:s6] =	ssyncset.done $0x0  }
0xbb: {  	s1 =	rddreg [dreg:$0xb];
	[sflag:s6] =	ssyncadd.s32 $0xFFFFC000  }
0xbc: {  	[hbm4b:s1+s2] =	stream.linear.scatter [tilespmem:s4], [sflag:$0x8], $0x4000, $0x38;
	[tilespmem:$0x1DC00] =	vst v63  }
0xbd: {  	_ =	swait.ge [sflag:s16], $0x4000  }
0xbe: {  	s1 =	sld [smem:$0x7D9]  }
0xbf: {  	[sflag:s16] =	ssyncset.done $0x0  }
0xc0: {  	[sflag:s16] =	ssyncadd.s32 $0xFFFFC000  }
0xc1: {  	[tilespmem:s8], [sflag:$0x7] =	stream.indirect.gather [hbm4b:s3+s9], $0x80, s1, s9, $0xb8;
	[tilespmem:$0x1DC00] =	vst v63  }
0xc2: {  	_ =	swait.ge [sflag:s26], $0x4000  }
0xc3: {  	[sflag:s26] =	ssyncset.done $0x0  }
0xc4: {  	s1 =	rddreg [dreg:$0xc];
	[sflag:s26] =	ssyncadd.s32 $0xFFFFC000  }
0xc5: {  	[hbm4b:s1+s2] =	stream.linear.scatter [tilespmem:s19], [sflag:$0x9], $0x4000, $0x38;
	[tilespmem:$0x1DC00] =	vst v63  }
0xc6: {  	_ =	swait.ge [sflag:s5], $0x4000  }
0xc7: {  	s1 =	sld [smem:$0x7DA]  }
0xc8: {  	[sflag:s5] =	ssyncset.done $0x0  }
0xc9: {  	[sflag:s5] =	ssyncadd.s32 $0xFFFFC000  }
0xca: {  	[tilespmem:s4], [sflag:$0x1] =	stream.indirect.gather [hbm4b:s3+s9], $0x80, s1, s9, $0xb8;
	[tilespmem:$0x1DC00] =	vst v63  }
0xcb: {  	_ =	swait.ge [sflag:s21], $0x4000  }
0xcc: {  	[sflag:s21] =	ssyncset.done $0x0  }
0xcd: {  	s1 =	rddreg [dreg:$0xd];
	[sflag:s21] =	ssyncadd.s32 $0xFFFFC000  }
0xce: {  	[hbm4b:s1+s2] =	stream.linear.scatter [tilespmem:s14], [sflag:$0xA], $0x4000, $0x38;
	[tilespmem:$0x1DC00] =	vst v63  }
0xcf: {  	_ =	swait.ge [sflag:s12], $0x4000  }
0xd0: {  	s1 =	sld [smem:$0x7DB]  }
0xd1: {  	[sflag:s12] =	ssyncset.done $0x0  }
0xd2: {  	[sflag:s12] =	ssyncadd.s32 $0xFFFFC000  }
0xd3: {  	[tilespmem:s19], [sflag:$0x2] =	stream.indirect.gather [hbm4b:s3+s9], $0x80, s1, s9, $0xb8;
	[tilespmem:$0x1DC00] =	vst v63  }
0xd4: {  	_ =	swait.ge [sflag:s23], $0x4000  }
0xd5: {  	[sflag:s23] =	ssyncset.done $0x0  }
0xd6: {  	s1 =	rddreg [dreg:$0xe];
	[sflag:s23] =	ssyncadd.s32 $0xFFFFC000  }
0xd7: {  	[hbm4b:s1+s2] =	stream.linear.scatter [tilespmem:s11], [sflag:$0xB], $0x4000, $0x38;
	[tilespmem:$0x1DC00] =	vst v63  }
0xd8: {  	_ =	swait.ge [sflag:s15], $0x4000  }
0xd9: {  	s1 =	sld [smem:$0x7DC]  }
0xda: {  	[sflag:s15] =	ssyncset.done $0x0  }
0xdb: {  	[sflag:s15] =	ssyncadd.s32 $0xFFFFC000  }
0xdc: {  	[tilespmem:s14], [sflag:$0x3] =	stream.indirect.gather [hbm4b:s3+s9], $0x80, s1, s9, $0xb8;
	[tilespmem:$0x1DC00] =	vst v63  }
0xdd: {  	_ =	swait.ge [sflag:s24], $0x4000  }
0xde: {  	[sflag:s24] =	ssyncset.done $0x0  }
0xdf: {  	s1 =	rddreg [dreg:$0xf];
	[sflag:s24] =	ssyncadd.s32 $0xFFFFC000  }
0xe0: {  	[hbm4b:s1+s2] =	stream.linear.scatter [tilespmem:s10], [sflag:$0xC], $0x4000, $0x38;
	[tilespmem:$0x1DC00] =	vst v63  }
0xe1: {  	_ =	swait.ge [sflag:s20], $0x4000  }
0xe2: {  	s1 =	sld [smem:$0x7DD]  }
0xe3: {  	[sflag:s20] =	ssyncset.done $0x0  }
0xe4: {  	[sflag:s20] =	ssyncadd.s32 $0xFFFFC000  }
0xe5: {  	[tilespmem:s11], [sflag:$0x4] =	stream.indirect.gather [hbm4b:s3+s9], $0x80, s1, s9, $0xb8;
	[tilespmem:$0x1DC00] =	vst v63  }
0xe6: {  	_ =	swait.ge [sflag:s25], $0x4000  }
0xe7: {  	[sflag:s25] =	ssyncset.done $0x0  }
0xe8: {  	s1 =	rddreg [dreg:$0x10];
	[sflag:s25] =	ssyncadd.s32 $0xFFFFC000  }
0xe9: {  	[hbm4b:s1+s2] =	stream.linear.scatter [tilespmem:s7], [sflag:$0xD], $0x4000, $0x38;
	[tilespmem:$0x1DC00] =	vst v63  }
0xea: {  	_ =	swait.ge [sflag:s18], $0x4000  }
0xeb: {  	s1 =	sld [smem:$0x7DE]  }
0xec: {  	[sflag:s18] =	ssyncset.done $0x0  }
0xed: {  	[sflag:s18] =	ssyncadd.s32 $0xFFFFC000  }
0xee: {  	[tilespmem:s10], [sflag:$0x5] =	stream.indirect.gather [hbm4b:s3+s9], $0x80, s1, s9, $0xb8;
	[tilespmem:$0x1DC00] =	vst v63  }
0xef: {  	_ =	swait.ge [sflag:s22], $0x4000  }
0xf0: {  	[sflag:s22] =	ssyncset.done $0x0  }
0xf1: {  	s1 =	rddreg [dreg:$0x11];
	[sflag:s22] =	ssyncadd.s32 $0xFFFFC000  }
0xf2: {  	[hbm4b:s1+s2] =	stream.linear.scatter [tilespmem:s8], [sflag:$0xE], $0x4000, $0x38;
	[tilespmem:$0x1DC00] =	vst v63  }
0xf3: {  	_ =	swait.ge [sflag:s17], $0x4000  }
0xf4: {  	s1 =	sld [smem:$0x7DF]  }
0xf5: {  	[sflag:s17] =	ssyncset.done $0x0  }
0xf6: {  	[sflag:s17] =	ssyncadd.s32 $0xFFFFC000  }
0xf7: {  	[tilespmem:s7], [sflag:$0x6] =	stream.indirect.gather [hbm4b:s3+s9], $0x80, s1, s9, $0xb8;
	[tilespmem:$0x1DC00] =	vst v63  }
0xf8: {  	_ =	swait.ge [sflag:s6], $0x4000  }
0xf9: {  	[sflag:s6] =	ssyncset.done $0x0  }
0xfa: {  	s1 =	rddreg [dreg:$0x12];
	[sflag:s6] =	ssyncadd.s32 $0xFFFFC000  }
0xfb: {  	[hbm4b:s1+s2] =	stream.linear.scatter [tilespmem:s4], [sflag:$0x8], $0x4000, $0x38;
	[tilespmem:$0x1DC00] =	vst v63  }
0xfc: {  	_ =	swait.ge [sflag:s16], $0x4000  }
0xfd: {  	s1 =	sld [smem:$0x7E0]  }
0xfe: {  	[sflag:s16] =	ssyncset.done $0x0  }
0xff: {  	[sflag:s16] =	ssyncadd.s32 $0xFFFFC000  }
0x100: {  	[tilespmem:s8], [sflag:$0x7] =	stream.indirect.gather [hbm4b:s3+s9], $0x80, s1, s9, $0xb8;
	[tilespmem:$0x1DC00] =	vst v63  }
0x101: {  	_ =	swait.ge [sflag:s26], $0x4000  }
0x102: {  	[sflag:s26] =	ssyncset.done $0x0  }
0x103: {  	s1 =	rddreg [dreg:$0x13];
	[sflag:s26] =	ssyncadd.s32 $0xFFFFC000  }
0x104: {  	[hbm4b:s1+s2] =	stream.linear.scatter [tilespmem:s19], [sflag:$0x9], $0x4000, $0x38;
	[tilespmem:$0x1DC00] =	vst v63  }
0x105: {  	_ =	swait.ge [sflag:s5], $0x4000  }
0x106: {  	s1 =	sld [smem:$0x7E1]  }
0x107: {  	[sflag:s5] =	ssyncset.done $0x0  }
0x108: {  	[sflag:s5] =	ssyncadd.s32 $0xFFFFC000  }
0x109: {  	[tilespmem:s4], [sflag:$0x1] =	stream.indirect.gather [hbm4b:s3+s9], $0x80, s1, s9, $0xb8;
	[tilespmem:$0x1DC00] =	vst v63  }
0x10a: {  	_ =	swait.ge [sflag:s21], $0x4000  }
0x10b: {  	[sflag:s21] =	ssyncset.done $0x0  }
0x10c: {  	s1 =	rddreg [dreg:$0x14];
	[sflag:s21] =	ssyncadd.s32 $0xFFFFC000  }
0x10d: {  	[hbm4b:s1+s2] =	stream.linear.scatter [tilespmem:s14], [sflag:$0xA], $0x4000, $0x38;
	[tilespmem:$0x1DC00] =	vst v63  }
0x10e: {  	_ =	swait.ge [sflag:s12], $0x4000  }
0x10f: {  	s1 =	sld [smem:$0x7E2]  }
0x110: {  	[sflag:s12] =	ssyncset.done $0x0  }
0x111: {  	[sflag:s12] =	ssyncadd.s32 $0xFFFFC000  }
0x112: {  	[tilespmem:s19], [sflag:$0x2] =	stream.indirect.gather [hbm4b:s3+s9], $0x80, s1, s9, $0xb8;
	[tilespmem:$0x1DC00] =	vst v63  }
0x113: {  	_ =	swait.ge [sflag:s23], $0x4000  }
0x114: {  	[sflag:s23] =	ssyncset.done $0x0  }
0x115: {  	s1 =	rddreg [dreg:$0x15];
	[sflag:s23] =	ssyncadd.s32 $0xFFFFC000  }
0x116: {  	[hbm4b:s1+s2] =	stream.linear.scatter [tilespmem:s11], [sflag:$0xB], $0x4000, $0x38;
	[tilespmem:$0x1DC00] =	vst v63  }
0x117: {  	_ =	swait.ge [sflag:s15], $0x4000  }
0x118: {  	s1 =	sld [smem:$0x7E3]  }
0x119: {  	[sflag:s15] =	ssyncset.done $0x0  }
0x11a: {  	[sflag:s15] =	ssyncadd.s32 $0xFFFFC000  }
0x11b: {  	[tilespmem:s14], [sflag:$0x3] =	stream.indirect.gather [hbm4b:s3+s9], $0x80, s1, s9, $0xb8;
	[tilespmem:$0x1DC00] =	vst v63  }
0x11c: {  	_ =	swait.ge [sflag:s24], $0x4000  }
0x11d: {  	[sflag:s24] =	ssyncset.done $0x0  }
0x11e: {  	s1 =	rddreg [dreg:$0x16];
	[sflag:s24] =	ssyncadd.s32 $0xFFFFC000  }
0x11f: {  	[hbm4b:s1+s2] =	stream.linear.scatter [tilespmem:s10], [sflag:$0xC], $0x4000, $0x38;
	[tilespmem:$0x1DC00] =	vst v63  }
0x120: {  	_ =	swait.ge [sflag:s20], $0x4000  }
0x121: {  	s1 =	sld [smem:$0x7E4]  }
0x122: {  	[sflag:s20] =	ssyncset.done $0x0  }
0x123: {  	[sflag:s20] =	ssyncadd.s32 $0xFFFFC000  }
0x124: {  	[tilespmem:s11], [sflag:$0x4] =	stream.indirect.gather [hbm4b:s3+s9], $0x80, s1, s9, $0xb8;
	[tilespmem:$0x1DC00] =	vst v63  }
0x125: {  	_ =	swait.ge [sflag:s25], $0x4000  }
0x126: {  	[sflag:s25] =	ssyncset.done $0x0  }
0x127: {  	s1 =	rddreg [dreg:$0x17];
	[sflag:s25] =	ssyncadd.s32 $0xFFFFC000  }
0x128: {  	[hbm4b:s1+s2] =	stream.linear.scatter [tilespmem:s7], [sflag:$0xD], $0x4000, $0x38;
	[tilespmem:$0x1DC00] =	vst v63  }
0x129: {  	_ =	swait.ge [sflag:s18], $0x4000  }
0x12a: {  	s1 =	sld [smem:$0x7E5]  }
0x12b: {  	[sflag:s18] =	ssyncset.done $0x0  }
0x12c: {  	[sflag:s18] =	ssyncadd.s32 $0xFFFFC000  }
0x12d: {  	[tilespmem:s10], [sflag:$0x5] =	stream.indirect.gather [hbm4b:s3+s9], $0x80, s1, s9, $0xb8;
	[tilespmem:$0x1DC00] =	vst v63  }
0x12e: {  	_ =	swait.ge [sflag:s22], $0x4000  }
0x12f: {  	[sflag:s22] =	ssyncset.done $0x0  }
0x130: {  	s1 =	rddreg [dreg:$0x18];
	[sflag:s22] =	ssyncadd.s32 $0xFFFFC000  }
0x131: {  	[hbm4b:s1+s2] =	stream.linear.scatter [tilespmem:s8], [sflag:$0xE], $0x4000, $0x38;
	[tilespmem:$0x1DC00] =	vst v63  }
0x132: {  	_ =	swait.ge [sflag:s17], $0x4000  }
0x133: {  	s1 =	sld [smem:$0x7E6]  }
0x134: {  	[sflag:s17] =	ssyncset.done $0x0  }
0x135: {  	[sflag:s17] =	ssyncadd.s32 $0xFFFFC000  }
0x136: {  	[tilespmem:s7], [sflag:$0x6] =	stream.indirect.gather [hbm4b:s3+s9], $0x80, s1, s9, $0xb8;
	[tilespmem:$0x1DC00] =	vst v63  }
0x137: {  	_ =	swait.ge [sflag:s6], $0x4000  }
0x138: {  	[sflag:s6] =	ssyncset.done $0x0  }
0x139: {  	s1 =	rddreg [dreg:$0x19];
	[sflag:s6] =	ssyncadd.s32 $0xFFFFC000  }
0x13a: {  	[hbm4b:s1+s2] =	stream.linear.scatter [tilespmem:s4], [sflag:$0x8], $0x4000, $0x38;
	[tilespmem:$0x1DC00] =	vst v63  }
0x13b: {  	_ =	swait.ge [sflag:s16], $0x4000  }
0x13c: {  	s1 =	sld [smem:$0x7E7]  }
0x13d: {  	[sflag:s16] =	ssyncset.done $0x0  }
0x13e: {  	[sflag:s16] =	ssyncadd.s32 $0xFFFFC000  }
0x13f: {  	[tilespmem:s8], [sflag:$0x7] =	stream.indirect.gather [hbm4b:s3+s9], $0x80, s1, s9, $0xb8;
	[tilespmem:$0x1DC00] =	vst v63  }
0x140: {  	_ =	swait.ge [sflag:s26], $0x4000  }
0x141: {  	[sflag:s26] =	ssyncset.done $0x0  }
0x142: {  	s1 =	rddreg [dreg:$0x1a];
	[sflag:s26] =	ssyncadd.s32 $0xFFFFC000  }
0x143: {  	[hbm4b:s1+s2] =	stream.linear.scatter [tilespmem:s19], [sflag:$0x9], $0x4000, $0x38;
	[tilespmem:$0x1DC00] =	vst v63  }
0x144: {  	_ =	swait.ge [sflag:s5], $0x4000  }
0x145: {  	s1 =	sld [smem:$0x7E8]  }
0x146: {  	[sflag:s5] =	ssyncset.done $0x0  }
0x147: {  	[sflag:s5] =	ssyncadd.s32 $0xFFFFC000  }
0x148: {  	[tilespmem:s4], [sflag:$0x1] =	stream.indirect.gather [hbm4b:s3+s9], $0x80, s1, s9, $0xb8;
	[tilespmem:$0x1DC00] =	vst v63  }
0x149: {  	_ =	swait.ge [sflag:s21], $0x4000  }
0x14a: {  	[sflag:s21] =	ssyncset.done $0x0  }
0x14b: {  	s1 =	rddreg [dreg:$0x1b];
	[sflag:s21] =	ssyncadd.s32 $0xFFFFC000  }
0x14c: {  	[hbm4b:s1+s2] =	stream.linear.scatter [tilespmem:s14], [sflag:$0xA], $0x4000, $0x38;
	[tilespmem:$0x1DC00] =	vst v63  }
0x14d: {  	_ =	swait.ge [sflag:s12], $0x4000  }
0x14e: {  	s1 =	sld [smem:$0x7E9]  }
0x14f: {  	[sflag:s12] =	ssyncset.done $0x0  }
0x150: {  	[sflag:s12] =	ssyncadd.s32 $0xFFFFC000  }
0x151: {  	[tilespmem:s19], [sflag:$0x2] =	stream.indirect.gather [hbm4b:s3+s9], $0x80, s1, s9, $0xb8;
	[tilespmem:$0x1DC00] =	vst v63  }
0x152: {  	_ =	swait.ge [sflag:s23], $0x4000  }
0x153: {  	[sflag:s23] =	ssyncset.done $0x0  }
0x154: {  	s1 =	rddreg [dreg:$0x1c];
	[sflag:s23] =	ssyncadd.s32 $0xFFFFC000  }
0x155: {  	[hbm4b:s1+s2] =	stream.linear.scatter [tilespmem:s11], [sflag:$0xB], $0x4000, $0x38;
	[tilespmem:$0x1DC00] =	vst v63  }
0x156: {  	_ =	swait.ge [sflag:s15], $0x4000  }
0x157: {  	s1 =	sld [smem:$0x7EA]  }
0x158: {  	[sflag:s15] =	ssyncset.done $0x0  }
0x159: {  	[sflag:s15] =	ssyncadd.s32 $0xFFFFC000  }
0x15a: {  	[tilespmem:s14], [sflag:$0x3] =	stream.indirect.gather [hbm4b:s3+s9], $0x80, s1, s9, $0xb8;
	[tilespmem:$0x1DC00] =	vst v63  }
0x15b: {  	_ =	swait.ge [sflag:s24], $0x4000  }
0x15c: {  	[sflag:s24] =	ssyncset.done $0x0  }
0x15d: {  	s1 =	rddreg [dreg:$0x1d];
	[sflag:s24] =	ssyncadd.s32 $0xFFFFC000  }
0x15e: {  	[hbm4b:s1+s2] =	stream.linear.scatter [tilespmem:s10], [sflag:$0xC], $0x4000, $0x38;
	[tilespmem:$0x1DC00] =	vst v63  }
0x15f: {  	_ =	swait.ge [sflag:s20], $0x4000  }
0x160: {  	s1 =	sld [smem:$0x7EB]  }
0x161: {  	[sflag:s20] =	ssyncset.done $0x0  }
0x162: {  	[sflag:s20] =	ssyncadd.s32 $0xFFFFC000  }
0x163: {  	[tilespmem:s11], [sflag:$0x4] =	stream.indirect.gather [hbm4b:s3+s9], $0x80, s1, s9, $0xb8;
	[tilespmem:$0x1DC00] =	vst v63  }
0x164: {  	_ =	swait.ge [sflag:s25], $0x4000  }
0x165: {  	[sflag:s25] =	ssyncset.done $0x0  }
0x166: {  	s1 =	rddreg [dreg:$0x1e];
	[sflag:s25] =	ssyncadd.s32 $0xFFFFC000  }
0x167: {  	[hbm4b:s1+s2] =	stream.linear.scatter [tilespmem:s7], [sflag:$0xD], $0x4000, $0x38;
	[tilespmem:$0x1DC00] =	vst v63  }
0x168: {  	_ =	swait.ge [sflag:s18], $0x4000  }
0x169: {  	s1 =	sld [smem:$0x7EC]  }
0x16a: {  	[sflag:s18] =	ssyncset.done $0x0  }
0x16b: {  	[sflag:s18] =	ssyncadd.s32 $0xFFFFC000  }
0x16c: {  	[tilespmem:s10], [sflag:$0x5] =	stream.indirect.gather [hbm4b:s3+s9], $0x80, s1, s9, $0xb8;
	[tilespmem:$0x1DC00] =	vst v63  }
0x16d: {  	_ =	swait.ge [sflag:s22], $0x4000  }
0x16e: {  	[sflag:s22] =	ssyncset.done $0x0  }
0x16f: {  	s1 =	rddreg [dreg:$0x1f];
	[sflag:s22] =	ssyncadd.s32 $0xFFFFC000  }
0x170: {  	[hbm4b:s1+s2] =	stream.linear.scatter [tilespmem:s8], [sflag:$0xE], $0x4000, $0x38;
	[tilespmem:$0x1DC00] =	vst v63  }
0x171: {  	_ =	swait.ge [sflag:s17], $0x4000  }
0x172: {  	s1 =	sld [smem:$0x7ED]  }
0x173: {  	[sflag:s17] =	ssyncset.done $0x0  }
0x174: {  	[sflag:s17] =	ssyncadd.s32 $0xFFFFC000  }
0x175: {  	[tilespmem:s7], [sflag:$0x6] =	stream.indirect.gather [hbm4b:s3+s9], $0x80, s1, s9, $0xb8;
	[tilespmem:$0x1DC00] =	vst v63  }
0x176: {  	_ =	swait.ge [sflag:s6], $0x4000  }
0x177: {  	s1 =	sld [smem:$0x7B9]  }
0x178: {  	[sflag:s6] =	ssyncset.done $0x0  }
0x179: {  	[sflag:s6] =	ssyncadd.s32 $0xFFFFC000  }
0x17a: {  	[hbm4b:s1+s2] =	stream.linear.scatter [tilespmem:s4], [sflag:$0x8], $0x4000, $0x38;
	[tilespmem:$0x1DC00] =	vst v63  }
0x17b: {  	_ =	swait.ge [sflag:s16], $0x4000  }
0x17c: {  	s1 =	sld [smem:$0x7EE]  }
0x17d: {  	[sflag:s16] =	ssyncset.done $0x0  }
0x17e: {  	[sflag:s16] =	ssyncadd.s32 $0xFFFFC000  }
0x17f: {  	[tilespmem:s8], [sflag:$0x7] =	stream.indirect.gather [hbm4b:s3+s9], $0x80, s1, s9, $0xb8;
	[tilespmem:$0x1DC00] =	vst v63  }
0x180: {  	_ =	swait.ge [sflag:s26], $0x4000  }
0x181: {  	s1 =	sld [smem:$0x7BA]  }
0x182: {  	[sflag:s26] =	ssyncset.done $0x0  }
0x183: {  	[sflag:s26] =	ssyncadd.s32 $0xFFFFC000  }
0x184: {  	[hbm4b:s1+s2] =	stream.linear.scatter [tilespmem:s19], [sflag:$0x9], $0x4000, $0x38;
	[tilespmem:$0x1DC00] =	vst v63  }
0x185: {  	_ =	swait.ge [sflag:s5], $0x4000  }
0x186: {  	s1 =	sld [smem:$0x7EF]  }
0x187: {  	[sflag:s5] =	ssyncset.done $0x0  }
0x188: {  	[sflag:s5] =	ssyncadd.s32 $0xFFFFC000  }
0x189: {  	[tilespmem:s4], [sflag:$0x1] =	stream.indirect.gather [hbm4b:s3+s9], $0x80, s1, s9, $0xb8;
	[tilespmem:$0x1DC00] =	vst v63  }
0x18a: {  	_ =	swait.ge [sflag:s21], $0x4000  }
0x18b: {  	s1 =	sld [smem:$0x7BB]  }
0x18c: {  	[sflag:s21] =	ssyncset.done $0x0  }
0x18d: {  	[sflag:s21] =	ssyncadd.s32 $0xFFFFC000  }
0x18e: {  	[hbm4b:s1+s2] =	stream.linear.scatter [tilespmem:s14], [sflag:$0xA], $0x4000, $0x38;
	[tilespmem:$0x1DC00] =	vst v63  }
0x18f: {  	_ =	swait.ge [sflag:s12], $0x4000  }
0x190: {  	s1 =	sld [smem:$0x7F0]  }
0x191: {  	[sflag:s12] =	ssyncset.done $0x0  }
0x192: {  	[sflag:s12] =	ssyncadd.s32 $0xFFFFC000  }
0x193: {  	[tilespmem:s19], [sflag:$0x2] =	stream.indirect.gather [hbm4b:s3+s9], $0x80, s1, s9, $0xb8;
	[tilespmem:$0x1DC00] =	vst v63  }
0x194: {  	_ =	swait.ge [sflag:s23], $0x4000  }
0x195: {  	s1 =	sld [smem:$0x7BC]  }
0x196: {  	[sflag:s23] =	ssyncset.done $0x0  }
0x197: {  	[sflag:s23] =	ssyncadd.s32 $0xFFFFC000  }
0x198: {  	[hbm4b:s1+s2] =	stream.linear.scatter [tilespmem:s11], [sflag:$0xB], $0x4000, $0x38;
	[tilespmem:$0x1DC00] =	vst v63  }
0x199: {  	_ =	swait.ge [sflag:s15], $0x4000  }
0x19a: {  	s1 =	sld [smem:$0x7F1]  }
0x19b: {  	[sflag:s15] =	ssyncset.done $0x0  }
0x19c: {  	[sflag:s15] =	ssyncadd.s32 $0xFFFFC000  }
0x19d: {  	[tilespmem:s14], [sflag:$0x3] =	stream.indirect.gather [hbm4b:s3+s9], $0x80, s1, s9, $0xb8;
	[tilespmem:$0x1DC00] =	vst v63  }
0x19e: {  	_ =	swait.ge [sflag:s24], $0x4000  }
0x19f: {  	s1 =	sld [smem:$0x7BD]  }
0x1a0: {  	[sflag:s24] =	ssyncset.done $0x0  }
0x1a1: {  	[sflag:s24] =	ssyncadd.s32 $0xFFFFC000  }
0x1a2: {  	[hbm4b:s1+s2] =	stream.linear.scatter [tilespmem:s10], [sflag:$0xC], $0x4000, $0x38;
	[tilespmem:$0x1DC00] =	vst v63  }
0x1a3: {  	_ =	swait.ge [sflag:s20], $0x4000  }
0x1a4: {  	s1 =	sld [smem:$0x7F2]  }
0x1a5: {  	[sflag:s20] =	ssyncset.done $0x0  }
0x1a6: {  	[sflag:s20] =	ssyncadd.s32 $0xFFFFC000  }
0x1a7: {  	[tilespmem:s11], [sflag:$0x4] =	stream.indirect.gather [hbm4b:s3+s9], $0x80, s1, s9, $0xb8;
	[tilespmem:$0x1DC00] =	vst v63  }
0x1a8: {  	_ =	swait.ge [sflag:s25], $0x4000  }
0x1a9: {  	s1 =	sld [smem:$0x7BE]  }
0x1aa: {  	[sflag:s25] =	ssyncset.done $0x0  }
0x1ab: {  	[sflag:s25] =	ssyncadd.s32 $0xFFFFC000  }
0x1ac: {  	[hbm4b:s1+s2] =	stream.linear.scatter [tilespmem:s7], [sflag:$0xD], $0x4000, $0x38;
	[tilespmem:$0x1DC00] =	vst v63  }
0x1ad: {  	_ =	swait.ge [sflag:s18], $0x4000  }
0x1ae: {  	s1 =	sld [smem:$0x7F3]  }
0x1af: {  	[sflag:s18] =	ssyncset.done $0x0  }
0x1b0: {  	[sflag:s18] =	ssyncadd.s32 $0xFFFFC000  }
0x1b1: {  	[tilespmem:s10], [sflag:$0x5] =	stream.indirect.gather [hbm4b:s3+s9], $0x80, s1, s9, $0xb8;
	[tilespmem:$0x1DC00] =	vst v63  }
0x1b2: {  	_ =	swait.ge [sflag:s22], $0x4000  }
0x1b3: {  	s1 =	sld [smem:$0x7BF]  }
0x1b4: {  	[sflag:s22] =	ssyncset.done $0x0  }
0x1b5: {  	[sflag:s22] =	ssyncadd.s32 $0xFFFFC000  }
0x1b6: {  	[hbm4b:s1+s2] =	stream.linear.scatter [tilespmem:s8], [sflag:$0xE], $0x4000, $0x38;
	[tilespmem:$0x1DC00] =	vst v63  }
0x1b7: {  	_ =	swait.ge [sflag:s17], $0x4000  }
0x1b8: {  	s1 =	sld [smem:$0x7F4]  }
0x1b9: {  	[sflag:s17] =	ssyncset.done $0x0  }
0x1ba: {  	[sflag:s17] =	ssyncadd.s32 $0xFFFFC000  }
0x1bb: {  	[tilespmem:s7], [sflag:$0x6] =	stream.indirect.gather [hbm4b:s3+s9], $0x80, s1, s9, $0xb8;
	[tilespmem:$0x1DC00] =	vst v63  }
0x1bc: {  	_ =	swait.ge [sflag:s6], $0x4000  }
0x1bd: {  	s1 =	sld [smem:$0x7C0]  }
0x1be: {  	[sflag:s6] =	ssyncset.done $0x0  }
0x1bf: {  	[sflag:s6] =	ssyncadd.s32 $0xFFFFC000  }
0x1c0: {  	[hbm4b:s1+s2] =	stream.linear.scatter [tilespmem:s4], [sflag:$0x8], $0x4000, $0x38;
	[tilespmem:$0x1DC00] =	vst v63  }
0x1c1: {  	_ =	swait.ge [sflag:s16], $0x4000  }
0x1c2: {  	s1 =	sld [smem:$0x7F5]  }
0x1c3: {  	[sflag:s16] =	ssyncset.done $0x0  }
0x1c4: {  	[sflag:s16] =	ssyncadd.s32 $0xFFFFC000  }
0x1c5: {  	[tilespmem:s8], [sflag:$0x7] =	stream.indirect.gather [hbm4b:s3+s9], $0x80, s1, s9, $0xb8;
	[tilespmem:$0x1DC00] =	vst v63  }
0x1c6: {  	_ =	swait.ge [sflag:s26], $0x4000  }
0x1c7: {  	s1 =	sld [smem:$0x7C1]  }
0x1c8: {  	[sflag:s26] =	ssyncset.done $0x0  }
0x1c9: {  	[sflag:s26] =	ssyncadd.s32 $0xFFFFC000  }
0x1ca: {  	[hbm4b:s1+s2] =	stream.linear.scatter [tilespmem:s19], [sflag:$0x9], $0x4000, $0x38;
	[tilespmem:$0x1DC00] =	vst v63  }
0x1cb: {  	_ =	swait.ge [sflag:s5], $0x4000  }
0x1cc: {  	s1 =	sld [smem:$0x7F6]  }
0x1cd: {  	[sflag:s5] =	ssyncset.done $0x0  }
0x1ce: {  	[sflag:s5] =	ssyncadd.s32 $0xFFFFC000  }
0x1cf: {  	[tilespmem:s4], [sflag:$0x1] =	stream.indirect.gather [hbm4b:s3+s9], $0x80, s1, s9, $0xb8;
	[tilespmem:$0x1DC00] =	vst v63  }
0x1d0: {  	_ =	swait.ge [sflag:s21], $0x4000  }
0x1d1: {  	s1 =	sld [smem:$0x7C2]  }
0x1d2: {  	[sflag:s21] =	ssyncset.done $0x0  }
0x1d3: {  	[sflag:s21] =	ssyncadd.s32 $0xFFFFC000  }
0x1d4: {  	[hbm4b:s1+s2] =	stream.linear.scatter [tilespmem:s14], [sflag:$0xA], $0x4000, $0x38;
	[tilespmem:$0x1DC00] =	vst v63  }
0x1d5: {  	_ =	swait.ge [sflag:s12], $0x4000  }
0x1d6: {  	s1 =	sld [smem:$0x7F7]  }
0x1d7: {  	[sflag:s12] =	ssyncset.done $0x0  }
0x1d8: {  	[sflag:s12] =	ssyncadd.s32 $0xFFFFC000  }
0x1d9: {  	[tilespmem:s19], [sflag:$0x2] =	stream.indirect.gather [hbm4b:s3+s9], $0x80, s1, s9, $0xb8;
	[tilespmem:$0x1DC00] =	vst v63  }
0x1da: {  	_ =	swait.ge [sflag:s23], $0x4000  }
0x1db: {  	s1 =	sld [smem:$0x7C3]  }
0x1dc: {  	[sflag:s23] =	ssyncset.done $0x0  }
0x1dd: {  	[sflag:s23] =	ssyncadd.s32 $0xFFFFC000  }
0x1de: {  	[hbm4b:s1+s2] =	stream.linear.scatter [tilespmem:s11], [sflag:$0xB], $0x4000, $0x38;
	[tilespmem:$0x1DC00] =	vst v63  }
0x1df: {  	_ =	swait.ge [sflag:s15], $0x4000  }
0x1e0: {  	s1 =	sld [smem:$0x7F8]  }
0x1e1: {  	[sflag:s15] =	ssyncset.done $0x0  }
0x1e2: {  	[sflag:s15] =	ssyncadd.s32 $0xFFFFC000  }
0x1e3: {  	[tilespmem:s14], [sflag:$0x3] =	stream.indirect.gather [hbm4b:s3+s9], $0x80, s1, s9, $0xb8;
	[tilespmem:$0x1DC00] =	vst v63  }
0x1e4: {  	_ =	swait.ge [sflag:s24], $0x4000  }
0x1e5: {  	s1 =	sld [smem:$0x7C4]  }
0x1e6: {  	[sflag:s24] =	ssyncset.done $0x0  }
0x1e7: {  	[sflag:s24] =	ssyncadd.s32 $0xFFFFC000  }
0x1e8: {  	[hbm4b:s1+s2] =	stream.linear.scatter [tilespmem:s10], [sflag:$0xC], $0x4000, $0x38;
	[tilespmem:$0x1DC00] =	vst v63  }
0x1e9: {  	_ =	swait.ge [sflag:s20], $0x4000  }
0x1ea: {  	s1 =	sld [smem:$0x7F9]  }
0x1eb: {  	[sflag:s20] =	ssyncset.done $0x0  }
0x1ec: {  	[sflag:s20] =	ssyncadd.s32 $0xFFFFC000  }
0x1ed: {  	[tilespmem:s11], [sflag:$0x4] =	stream.indirect.gather [hbm4b:s3+s9], $0x80, s1, s9, $0xb8;
	[tilespmem:$0x1DC00] =	vst v63  }
0x1ee: {  	_ =	swait.ge [sflag:s25], $0x4000  }
0x1ef: {  	s1 =	sld [smem:$0x7C5]  }
0x1f0: {  	[sflag:s25] =	ssyncset.done $0x0  }
0x1f1: {  	[sflag:s25] =	ssyncadd.s32 $0xFFFFC000  }
0x1f2: {  	[hbm4b:s1+s2] =	stream.linear.scatter [tilespmem:s7], [sflag:$0xD], $0x4000, $0x38;
	[tilespmem:$0x1DC00] =	vst v63  }
0x1f3: {  	_ =	swait.ge [sflag:s18], $0x4000  }
0x1f4: {  	s1 =	sld [smem:$0x7FA]  }
0x1f5: {  	[sflag:s18] =	ssyncset.done $0x0  }
0x1f6: {  	[sflag:s18] =	ssyncadd.s32 $0xFFFFC000  }
0x1f7: {  	[tilespmem:s10], [sflag:$0x5] =	stream.indirect.gather [hbm4b:s3+s9], $0x80, s1, s9, $0xb8;
	[tilespmem:$0x1DC00] =	vst v63  }
0x1f8: {  	_ =	swait.ge [sflag:s22], $0x4000  }
0x1f9: {  	s1 =	sld [smem:$0x7C6]  }
0x1fa: {  	[sflag:s22] =	ssyncset.done $0x0  }
0x1fb: {  	[sflag:s22] =	ssyncadd.s32 $0xFFFFC000  }
0x1fc: {  	[hbm4b:s1+s2] =	stream.linear.scatter [tilespmem:s8], [sflag:$0xE], $0x4000, $0x38;
	[tilespmem:$0x1DC00] =	vst v63  }
0x1fd: {  	_ =	swait.ge [sflag:s17], $0x4000  }
0x1fe: {  	s1 =	sld [smem:$0x7FB]  }
0x1ff: {  	[sflag:s17] =	ssyncset.done $0x0  }
0x200: {  	[sflag:s17] =	ssyncadd.s32 $0xFFFFC000  }
0x201: {  	[tilespmem:s7], [sflag:$0x6] =	stream.indirect.gather [hbm4b:s3+s9], $0x80, s1, s9, $0xb8;
	[tilespmem:$0x1DC00] =	vst v63  }
0x202: {  	_ =	swait.ge [sflag:s6], $0x4000  }
0x203: {  	s1 =	sld [smem:$0x7C7]  }
0x204: {  	[sflag:s6] =	ssyncset.done $0x0  }
0x205: {  	[sflag:s6] =	ssyncadd.s32 $0xFFFFC000  }
0x206: {  	[hbm4b:s1+s2] =	stream.linear.scatter [tilespmem:s4], [sflag:$0x8], $0x4000, $0x38;
	[tilespmem:$0x1DC00] =	vst v63  }
0x207: {  	_ =	swait.ge [sflag:s16], $0x4000  }
0x208: {  	[sflag:s16] =	ssyncset.done $0x0  }
0x209: {  	[sflag:s16] =	ssyncadd.s32 $0xFFFFC000  }
0x20a: {  	[tilespmem:s8], [sflag:$0x7] =	stream.indirect.gather [hbm4b:s3+s9], $0x80, s13, s9, $0xb8;
	[tilespmem:$0x1DC00] =	vst v63  }
0x20b: {  	_ =	swait.ge [sflag:s26], $0x4000  }
0x20c: {  	s1 =	sld [smem:$0x7C8]  }
0x20d: {  	[sflag:s26] =	ssyncset.done $0x0  }
0x20e: {  	[sflag:s26] =	ssyncadd.s32 $0xFFFFC000  }
0x20f: {  	[hbm4b:s1+s2] =	stream.linear.scatter [tilespmem:s19], [sflag:$0x9], $0x4000, $0x38;
	[tilespmem:$0x1DC00] =	vst v63  }
0x210: {  	_ =	swait.ge [sflag:s5], $0x4000  }
0x211: {  	s13 =	sld [smem:$0x7FC]  }
0x212: {  	[sflag:s5] =	ssyncset.done $0x0  }
0x213: {  	[sflag:s5] =	ssyncadd.s32 $0xFFFFC000  }
0x214: {  	[tilespmem:s4], [sflag:$0x1] =	stream.indirect.gather [hbm4b:s3+s9], $0x80, s13, s9, $0xb8;
	[tilespmem:$0x1DC00] =	vst v63  }
0x215: {  	_ =	swait.ge [sflag:s21], $0x4000  }
0x216: {  	s1 =	sld [smem:$0x7C9]  }
0x217: {  	[sflag:s21] =	ssyncset.done $0x0  }
0x218: {  	[sflag:s21] =	ssyncadd.s32 $0xFFFFC000  }
0x219: {  	[hbm4b:s1+s2] =	stream.linear.scatter [tilespmem:s14], [sflag:$0xA], $0x4000, $0x38;
	[tilespmem:$0x1DC00] =	vst v63  }
0x21a: {  	_ =	swait.ge [sflag:s23], $0x4000  }
0x21b: {  	s13 =	sld [smem:$0x7CA]  }
0x21c: {  	[sflag:s23] =	ssyncset.done $0x0  }
0x21d: {  	[sflag:s23] =	ssyncadd.s32 $0xFFFFC000  }
0x21e: {  	[hbm4b:s13+s2] =	stream.linear.scatter [tilespmem:s11], [sflag:$0xB], $0x4000, $0x38;
	[tilespmem:$0x1DC00] =	vst v63  }
0x21f: {  	_ =	swait.ge [sflag:s24], $0x4000  }
0x220: {  	s1 =	sld [smem:$0x7CB]  }
0x221: {  	[sflag:s24] =	ssyncset.done $0x0  }
0x222: {  	[sflag:s24] =	ssyncadd.s32 $0xFFFFC000  }
0x223: {  	[hbm4b:s1+s2] =	stream.linear.scatter [tilespmem:s10], [sflag:$0xC], $0x4000, $0x38;
	[tilespmem:$0x1DC00] =	vst v63  }
0x224: {  	_ =	swait.ge [sflag:s25], $0x4000  }
0x225: {  	s13 =	sld [smem:$0x7CC]  }
0x226: {  	[sflag:s25] =	ssyncset.done $0x0  }
0x227: {  	[sflag:s25] =	ssyncadd.s32 $0xFFFFC000  }
0x228: {  	[hbm4b:s13+s2] =	stream.linear.scatter [tilespmem:s7], [sflag:$0xD], $0x4000, $0x38;
	[tilespmem:$0x1DC00] =	vst v63  }
0x229: {  	_ =	swait.ge [sflag:s22], $0x4000  }
0x22a: {  	s1 =	sld [smem:$0x7CD]  }
0x22b: {  	[sflag:s22] =	ssyncset.done $0x0  }
0x22c: {  	[sflag:s22] =	ssyncadd.s32 $0xFFFFC000  }
0x22d: {  	[hbm4b:s1+s2] =	stream.linear.scatter [tilespmem:s8], [sflag:$0xE], $0x4000, $0x38;
	[tilespmem:$0x1DC00] =	vst v63  }
0x22e: {  	_ =	swait.ge [sflag:s6], $0x4000  }
0x22f: {  	s13 =	sld [smem:$0x7CE]  }
0x230: {  	[sflag:s6] =	ssyncset.done $0x0  }
0x231: {  	[sflag:s6] =	ssyncadd.s32 $0xFFFFC000  }
0x232: {  	[hbm4b:s13+s2] =	stream.linear.scatter [tilespmem:s4], [sflag:$0x8], $0x4000, $0x38;
	[tilespmem:$0x1DC00] =	vst v63  }
0x233: {  	_ =	swait.ge [sflag:s12], $0x4000  }
0x234: {  	[sflag:s12] =	ssyncset.done $0x0  }
0x235: {  	[sflag:s12] =	ssyncadd.s32 $0xFFFFC000  }
0x236: {  	_ =	swait.ge [sflag:s15], $0x4000  }
0x237: {  	[sflag:s15] =	ssyncset.done $0x0  }
0x238: {  	[sflag:s15] =	ssyncadd.s32 $0xFFFFC000  }
0x239: {  	_ =	swait.ge [sflag:s20], $0x4000  }
0x23a: {  	[sflag:s20] =	ssyncset.done $0x0  }
0x23b: {  	[sflag:s20] =	ssyncadd.s32 $0xFFFFC000  }
0x23c: {  	_ =	swait.ge [sflag:s18], $0x4000  }
0x23d: {  	[sflag:s18] =	ssyncset.done $0x0  }
0x23e: {  	[sflag:s18] =	ssyncadd.s32 $0xFFFFC000  }
0x23f: {  	_ =	swait.ge [sflag:s17], $0x4000  }
0x240: {  	[sflag:s17] =	ssyncset.done $0x0  }
0x241: {  	p1 =	sne.s32 s29, $0x1;
	[sflag:s17] =	ssyncadd.s32 $0xFFFFC000  }
.Ltmp1:
0x242: {  	_ =	swait.ge [sflag:s16], $0x4000;
	(pc) =	sbr.rel @!p1 .LBB2_3-.Ltmp1, $4  }
0x243: {  	[sflag:s16] =	ssyncset.done $0x0  }
0x244: {  	[sflag:s16] =	ssyncadd.s32 $0xFFFFC000  }
0x245: {  	p0 =	por $0x1, $0x1;
	_ =	swait.ge [sflag:s5], $0x4000  }
0x246: {  	s1 =	sadd.s32 $0xFFFFFFFF, s29;
	s0 =	sld [smem:$0x7FD];
	[sflag:s5] =	ssyncset.done $0x0  }
.LBB2_4:
0x247: {  	s30 =	smov.u32 s28;
	s28 =	sld [smem:$0x7B8];
	_ =	sdelay $0x1  }
0x248: {  	[sflag:s5] =	ssyncadd.s32 $0xFFFFC000;
	s29 =	simm.s32 $0x400  }
0x249: {  	[tilespmem:s2], [sflag:$0xF] =	stream.strided.gather [hbm4b:s28+s29], $0x1800, s0, s29, $0x38;
	[tilespmem:$0x1DC00] =	vst v63  }
0x24a: {  	s13 =	rddreg [dreg:$0x4];
	s29 =	simm.s32 $0x1800  }
0x24b: {  	[tilespmem:s29], [sflag:$0xF] =	stream.linear.gather [hbm4b:s13+s2], $0x100, $0x38;
	[tilespmem:$0x1DC00] =	vst v63  }
0x24c: {  	_ =	swait.ge [sflag:s31], $0x1900  }
0x24d: {  	[sflag:s31] =	ssyncset.done $0x0  }
0x24e: {  	[sflag:s31] =	ssyncadd.s32 $0xFFFFE700  }
0x24f: {  	[tilespmem:s4], [sflag:$0x1] =	stream.indirect.gather [hbm4b:s3+s9], $0x80, s2, s9, $0xb8;
	[tilespmem:$0x1DC00] =	vst v63  }
0x250: {  	s0 =	sld [smem:$0x7CF]  }
0x251: {  	[tilespmem:s19], [sflag:$0x2] =	stream.indirect.gather [hbm4b:s3+s9], $0x80, s9, s9, $0xb8;
	[tilespmem:$0x1DC00] =	vst v63  }
0x252: {  	s13 =	sld [smem:$0x7D0]  }
0x253: {  	[tilespmem:s14], [sflag:$0x3] =	stream.indirect.gather [hbm4b:s3+s9], $0x80, s0, s9, $0xb8;
	[tilespmem:$0x1DC00] =	vst v63  }
0x254: {  	s0 =	sld [smem:$0x7D1]  }
0x255: {  	[tilespmem:s11], [sflag:$0x4] =	stream.indirect.gather [hbm4b:s3+s9], $0x80, s13, s9, $0xb8;
	[tilespmem:$0x1DC00] =	vst v63  }
0x256: {  	s13 =	sld [smem:$0x7D2]  }
0x257: {  	[tilespmem:s10], [sflag:$0x5] =	stream.indirect.gather [hbm4b:s3+s9], $0x80, s0, s9, $0xb8;
	[tilespmem:$0x1DC00] =	vst v63  }
0x258: {  	_ = 	snop  }
0x259: {  	[tilespmem:s7], [sflag:$0x6] =	stream.indirect.gather [hbm4b:s3+s9], $0x80, s13, s9, $0xb8;
	[tilespmem:$0x1DC00] =	vst v63  }
0x25a: {  	_ =	swait.ge [sflag:s6], $0x4000  }
0x25b: {  	[sflag:s6] =	ssyncset.done $0x0  }
0x25c: {  	s28 =	smov.u32 s30;
	s13 =	sld [smem:$0x7D3];
	[sflag:s6] =	ssyncadd.s32 $0xFFFFC000  }
0x25d: {  	[hbm4b:s28+s2] =	stream.linear.scatter [tilespmem:s4], [sflag:$0x8], $0x4000, $0x38;
	[tilespmem:$0x1DC00] =	vst v63  }
0x25e: {  	_ = 	snop  }
0x25f: {  	[tilespmem:s8], [sflag:$0x7] =	stream.indirect.gather [hbm4b:s3+s9], $0x80, s13, s9, $0xb8;
	[tilespmem:$0x1DC00] =	vst v63  }
0x260: {  	_ =	swait.ge [sflag:s26], $0x4000  }
0x261: {  	[sflag:s26] =	ssyncset.done $0x0  }
0x262: {  	s13 =	rddreg [dreg:$0x5];
	[sflag:s26] =	ssyncadd.s32 $0xFFFFC000  }
0x263: {  	[hbm4b:s13+s2] =	stream.linear.scatter [tilespmem:s19], [sflag:$0x9], $0x4000, $0x38;
	[tilespmem:$0x1DC00] =	vst v63  }
0x264: {  	_ =	swait.ge [sflag:s5], $0x4000  }
0x265: {  	s13 =	sld [smem:$0x7D4]  }
0x266: {  	[sflag:s5] =	ssyncset.done $0x0  }
0x267: {  	[sflag:s5] =	ssyncadd.s32 $0xFFFFC000  }
0x268: {  	[tilespmem:s4], [sflag:$0x1] =	stream.indirect.gather [hbm4b:s3+s9], $0x80, s13, s9, $0xb8;
	[tilespmem:$0x1DC00] =	vst v63  }
0x269: {  	_ =	swait.ge [sflag:s21], $0x4000  }
0x26a: {  	[sflag:s21] =	ssyncset.done $0x0  }
0x26b: {  	s13 =	rddreg [dreg:$0x6];
	[sflag:s21] =	ssyncadd.s32 $0xFFFFC000  }
0x26c: {  	[hbm4b:s13+s2] =	stream.linear.scatter [tilespmem:s14], [sflag:$0xA], $0x4000, $0x38;
	[tilespmem:$0x1DC00] =	vst v63  }
0x26d: {  	_ =	swait.ge [sflag:s12], $0x4000  }
0x26e: {  	[sflag:s12] =	ssyncset.done $0x0  }
0x26f: {  	s30 =	simm.s32 $0x400;
	[sflag:s12] =	ssyncadd.s32 $0xFFFFC000  }
0x270: {  	[tilespmem:s19], [sflag:$0x2] =	stream.indirect.gather [hbm4b:s3+s9], $0x80, s30, s9, $0xb8;
	[tilespmem:$0x1DC00] =	vst v63  }
0x271: {  	_ =	swait.ge [sflag:s23], $0x4000  }
0x272: {  	[sflag:s23] =	ssyncset.done $0x0  }
0x273: {  	s13 =	rddreg [dreg:$0x7];
	[sflag:s23] =	ssyncadd.s32 $0xFFFFC000  }
0x274: {  	[hbm4b:s13+s2] =	stream.linear.scatter [tilespmem:s11], [sflag:$0xB], $0x4000, $0x38;
	[tilespmem:$0x1DC00] =	vst v63  }
0x275: {  	_ =	swait.ge [sflag:s15], $0x4000  }
0x276: {  	s13 =	sld [smem:$0x7D5]  }
0x277: {  	[sflag:s15] =	ssyncset.done $0x0  }
0x278: {  	[sflag:s15] =	ssyncadd.s32 $0xFFFFC000  }
0x279: {  	[tilespmem:s14], [sflag:$0x3] =	stream.indirect.gather [hbm4b:s3+s9], $0x80, s13, s9, $0xb8;
	[tilespmem:$0x1DC00] =	vst v63  }
0x27a: {  	_ =	swait.ge [sflag:s24], $0x4000  }
0x27b: {  	[sflag:s24] =	ssyncset.done $0x0  }
0x27c: {  	s13 =	rddreg [dreg:$0x8];
	[sflag:s24] =	ssyncadd.s32 $0xFFFFC000  }
0x27d: {  	[hbm4b:s13+s2] =	stream.linear.scatter [tilespmem:s10], [sflag:$0xC], $0x4000, $0x38;
	[tilespmem:$0x1DC00] =	vst v63  }
0x27e: {  	_ =	swait.ge [sflag:s20], $0x4000  }
0x27f: {  	s13 =	sld [smem:$0x7D6]  }
0x280: {  	[sflag:s20] =	ssyncset.done $0x0  }
0x281: {  	[sflag:s20] =	ssyncadd.s32 $0xFFFFC000  }
0x282: {  	[tilespmem:s11], [sflag:$0x4] =	stream.indirect.gather [hbm4b:s3+s9], $0x80, s13, s9, $0xb8;
	[tilespmem:$0x1DC00] =	vst v63  }
0x283: {  	_ =	swait.ge [sflag:s25], $0x4000  }
0x284: {  	[sflag:s25] =	ssyncset.done $0x0  }
0x285: {  	s13 =	rddreg [dreg:$0x9];
	[sflag:s25] =	ssyncadd.s32 $0xFFFFC000  }
0x286: {  	[hbm4b:s13+s2] =	stream.linear.scatter [tilespmem:s7], [sflag:$0xD], $0x4000, $0x38;
	[tilespmem:$0x1DC00] =	vst v63  }
0x287: {  	_ =	swait.ge [sflag:s18], $0x4000  }
0x288: {  	s13 =	sld [smem:$0x7D7]  }
0x289: {  	[sflag:s18] =	ssyncset.done $0x0  }
0x28a: {  	[sflag:s18] =	ssyncadd.s32 $0xFFFFC000  }
0x28b: {  	[tilespmem:s10], [sflag:$0x5] =	stream.indirect.gather [hbm4b:s3+s9], $0x80, s13, s9, $0xb8;
	[tilespmem:$0x1DC00] =	vst v63  }
0x28c: {  	_ =	swait.ge [sflag:s22], $0x4000  }
0x28d: {  	[sflag:s22] =	ssyncset.done $0x0  }
0x28e: {  	s13 =	rddreg [dreg:$0xa];
	[sflag:s22] =	ssyncadd.s32 $0xFFFFC000  }
0x28f: {  	[hbm4b:s13+s2] =	stream.linear.scatter [tilespmem:s8], [sflag:$0xE], $0x4000, $0x38;
	[tilespmem:$0x1DC00] =	vst v63  }
0x290: {  	_ =	swait.ge [sflag:s17], $0x4000  }
0x291: {  	s13 =	sld [smem:$0x7D8]  }
0x292: {  	[sflag:s17] =	ssyncset.done $0x0  }
0x293: {  	[sflag:s17] =	ssyncadd.s32 $0xFFFFC000  }
0x294: {  	[tilespmem:s7], [sflag:$0x6] =	stream.indirect.gather [hbm4b:s3+s9], $0x80, s13, s9, $0xb8;
	[tilespmem:$0x1DC00] =	vst v63  }
0x295: {  	_ =	swait.ge [sflag:s6], $0x4000  }
0x296: {  	[sflag:s6] =	ssyncset.done $0x0  }
0x297: {  	s13 =	rddreg [dreg:$0xb];
	[sflag:s6] =	ssyncadd.s32 $0xFFFFC000  }
0x298: {  	[hbm4b:s13+s2] =	stream.linear.scatter [tilespmem:s4], [sflag:$0x8], $0x4000, $0x38;
	[tilespmem:$0x1DC00] =	vst v63  }
0x299: {  	_ =	swait.ge [sflag:s16], $0x4000  }
0x29a: {  	s13 =	sld [smem:$0x7D9]  }
0x29b: {  	[sflag:s16] =	ssyncset.done $0x0  }
0x29c: {  	[sflag:s16] =	ssyncadd.s32 $0xFFFFC000  }
0x29d: {  	[tilespmem:s8], [sflag:$0x7] =	stream.indirect.gather [hbm4b:s3+s9], $0x80, s13, s9, $0xb8;
	[tilespmem:$0x1DC00] =	vst v63  }
0x29e: {  	_ =	swait.ge [sflag:s26], $0x4000  }
0x29f: {  	[sflag:s26] =	ssyncset.done $0x0  }
0x2a0: {  	s13 =	rddreg [dreg:$0xc];
	[sflag:s26] =	ssyncadd.s32 $0xFFFFC000  }
0x2a1: {  	[hbm4b:s13+s2] =	stream.linear.scatter [tilespmem:s19], [sflag:$0x9], $0x4000, $0x38;
	[tilespmem:$0x1DC00] =	vst v63  }
0x2a2: {  	_ =	swait.ge [sflag:s5], $0x4000  }
0x2a3: {  	s13 =	sld [smem:$0x7DA]  }
0x2a4: {  	[sflag:s5] =	ssyncset.done $0x0  }
0x2a5: {  	[sflag:s5] =	ssyncadd.s32 $0xFFFFC000  }
0x2a6: {  	[tilespmem:s4], [sflag:$0x1] =	stream.indirect.gather [hbm4b:s3+s9], $0x80, s13, s9, $0xb8;
	[tilespmem:$0x1DC00] =	vst v63  }
0x2a7: {  	_ =	swait.ge [sflag:s21], $0x4000  }
0x2a8: {  	[sflag:s21] =	ssyncset.done $0x0  }
0x2a9: {  	s13 =	rddreg [dreg:$0xd];
	[sflag:s21] =	ssyncadd.s32 $0xFFFFC000  }
0x2aa: {  	[hbm4b:s13+s2] =	stream.linear.scatter [tilespmem:s14], [sflag:$0xA], $0x4000, $0x38;
	[tilespmem:$0x1DC00] =	vst v63  }
0x2ab: {  	_ =	swait.ge [sflag:s12], $0x4000  }
0x2ac: {  	s13 =	sld [smem:$0x7DB]  }
0x2ad: {  	[sflag:s12] =	ssyncset.done $0x0  }
0x2ae: {  	[sflag:s12] =	ssyncadd.s32 $0xFFFFC000  }
0x2af: {  	[tilespmem:s19], [sflag:$0x2] =	stream.indirect.gather [hbm4b:s3+s9], $0x80, s13, s9, $0xb8;
	[tilespmem:$0x1DC00] =	vst v63  }
0x2b0: {  	_ =	swait.ge [sflag:s23], $0x4000  }
0x2b1: {  	[sflag:s23] =	ssyncset.done $0x0  }
0x2b2: {  	s13 =	rddreg [dreg:$0xe];
	[sflag:s23] =	ssyncadd.s32 $0xFFFFC000  }
0x2b3: {  	[hbm4b:s13+s2] =	stream.linear.scatter [tilespmem:s11], [sflag:$0xB], $0x4000, $0x38;
	[tilespmem:$0x1DC00] =	vst v63  }
0x2b4: {  	_ =	swait.ge [sflag:s15], $0x4000  }
0x2b5: {  	s13 =	sld [smem:$0x7DC]  }
0x2b6: {  	[sflag:s15] =	ssyncset.done $0x0  }
0x2b7: {  	[sflag:s15] =	ssyncadd.s32 $0xFFFFC000  }
0x2b8: {  	[tilespmem:s14], [sflag:$0x3] =	stream.indirect.gather [hbm4b:s3+s9], $0x80, s13, s9, $0xb8;
	[tilespmem:$0x1DC00] =	vst v63  }
0x2b9: {  	_ =	swait.ge [sflag:s24], $0x4000  }
0x2ba: {  	[sflag:s24] =	ssyncset.done $0x0  }
0x2bb: {  	s13 =	rddreg [dreg:$0xf];
	[sflag:s24] =	ssyncadd.s32 $0xFFFFC000  }
0x2bc: {  	[hbm4b:s13+s2] =	stream.linear.scatter [tilespmem:s10], [sflag:$0xC], $0x4000, $0x38;
	[tilespmem:$0x1DC00] =	vst v63  }
0x2bd: {  	_ =	swait.ge [sflag:s20], $0x4000  }
0x2be: {  	s13 =	sld [smem:$0x7DD]  }
0x2bf: {  	[sflag:s20] =	ssyncset.done $0x0  }
0x2c0: {  	[sflag:s20] =	ssyncadd.s32 $0xFFFFC000  }
0x2c1: {  	[tilespmem:s11], [sflag:$0x4] =	stream.indirect.gather [hbm4b:s3+s9], $0x80, s13, s9, $0xb8;
	[tilespmem:$0x1DC00] =	vst v63  }
0x2c2: {  	_ =	swait.ge [sflag:s25], $0x4000  }
0x2c3: {  	[sflag:s25] =	ssyncset.done $0x0  }
0x2c4: {  	s13 =	rddreg [dreg:$0x10];
	[sflag:s25] =	ssyncadd.s32 $0xFFFFC000  }
0x2c5: {  	[hbm4b:s13+s2] =	stream.linear.scatter [tilespmem:s7], [sflag:$0xD], $0x4000, $0x38;
	[tilespmem:$0x1DC00] =	vst v63  }
0x2c6: {  	_ =	swait.ge [sflag:s18], $0x4000  }
0x2c7: {  	s13 =	sld [smem:$0x7DE]  }
0x2c8: {  	[sflag:s18] =	ssyncset.done $0x0  }
0x2c9: {  	[sflag:s18] =	ssyncadd.s32 $0xFFFFC000  }
0x2ca: {  	[tilespmem:s10], [sflag:$0x5] =	stream.indirect.gather [hbm4b:s3+s9], $0x80, s13, s9, $0xb8;
	[tilespmem:$0x1DC00] =	vst v63  }
0x2cb: {  	_ =	swait.ge [sflag:s22], $0x4000  }
0x2cc: {  	[sflag:s22] =	ssyncset.done $0x0  }
0x2cd: {  	s13 =	rddreg [dreg:$0x11];
	[sflag:s22] =	ssyncadd.s32 $0xFFFFC000  }
0x2ce: {  	[hbm4b:s13+s2] =	stream.linear.scatter [tilespmem:s8], [sflag:$0xE], $0x4000, $0x38;
	[tilespmem:$0x1DC00] =	vst v63  }
0x2cf: {  	_ =	swait.ge [sflag:s17], $0x4000  }
0x2d0: {  	s13 =	sld [smem:$0x7DF]  }
0x2d1: {  	[sflag:s17] =	ssyncset.done $0x0  }
0x2d2: {  	[sflag:s17] =	ssyncadd.s32 $0xFFFFC000  }
0x2d3: {  	[tilespmem:s7], [sflag:$0x6] =	stream.indirect.gather [hbm4b:s3+s9], $0x80, s13, s9, $0xb8;
	[tilespmem:$0x1DC00] =	vst v63  }
0x2d4: {  	_ =	swait.ge [sflag:s6], $0x4000  }
0x2d5: {  	[sflag:s6] =	ssyncset.done $0x0  }
0x2d6: {  	s13 =	rddreg [dreg:$0x12];
	[sflag:s6] =	ssyncadd.s32 $0xFFFFC000  }
0x2d7: {  	[hbm4b:s13+s2] =	stream.linear.scatter [tilespmem:s4], [sflag:$0x8], $0x4000, $0x38;
	[tilespmem:$0x1DC00] =	vst v63  }
0x2d8: {  	_ =	swait.ge [sflag:s16], $0x4000  }
0x2d9: {  	s13 =	sld [smem:$0x7E0]  }
0x2da: {  	[sflag:s16] =	ssyncset.done $0x0  }
0x2db: {  	[sflag:s16] =	ssyncadd.s32 $0xFFFFC000  }
0x2dc: {  	[tilespmem:s8], [sflag:$0x7] =	stream.indirect.gather [hbm4b:s3+s9], $0x80, s13, s9, $0xb8;
	[tilespmem:$0x1DC00] =	vst v63  }
0x2dd: {  	_ =	swait.ge [sflag:s26], $0x4000  }
0x2de: {  	[sflag:s26] =	ssyncset.done $0x0  }
0x2df: {  	s13 =	rddreg [dreg:$0x13];
	[sflag:s26] =	ssyncadd.s32 $0xFFFFC000  }
0x2e0: {  	[hbm4b:s13+s2] =	stream.linear.scatter [tilespmem:s19], [sflag:$0x9], $0x4000, $0x38;
	[tilespmem:$0x1DC00] =	vst v63  }
0x2e1: {  	_ =	swait.ge [sflag:s5], $0x4000  }
0x2e2: {  	s13 =	sld [smem:$0x7E1]  }
0x2e3: {  	[sflag:s5] =	ssyncset.done $0x0  }
0x2e4: {  	[sflag:s5] =	ssyncadd.s32 $0xFFFFC000  }
0x2e5: {  	[tilespmem:s4], [sflag:$0x1] =	stream.indirect.gather [hbm4b:s3+s9], $0x80, s13, s9, $0xb8;
	[tilespmem:$0x1DC00] =	vst v63  }
0x2e6: {  	_ =	swait.ge [sflag:s21], $0x4000  }
0x2e7: {  	[sflag:s21] =	ssyncset.done $0x0  }
0x2e8: {  	s13 =	rddreg [dreg:$0x14];
	[sflag:s21] =	ssyncadd.s32 $0xFFFFC000  }
0x2e9: {  	[hbm4b:s13+s2] =	stream.linear.scatter [tilespmem:s14], [sflag:$0xA], $0x4000, $0x38;
	[tilespmem:$0x1DC00] =	vst v63  }
0x2ea: {  	_ =	swait.ge [sflag:s12], $0x4000  }
0x2eb: {  	s13 =	sld [smem:$0x7E2]  }
0x2ec: {  	[sflag:s12] =	ssyncset.done $0x0  }
0x2ed: {  	[sflag:s12] =	ssyncadd.s32 $0xFFFFC000  }
0x2ee: {  	[tilespmem:s19], [sflag:$0x2] =	stream.indirect.gather [hbm4b:s3+s9], $0x80, s13, s9, $0xb8;
	[tilespmem:$0x1DC00] =	vst v63  }
0x2ef: {  	_ =	swait.ge [sflag:s23], $0x4000  }
0x2f0: {  	[sflag:s23] =	ssyncset.done $0x0  }
0x2f1: {  	s13 =	rddreg [dreg:$0x15];
	[sflag:s23] =	ssyncadd.s32 $0xFFFFC000  }
0x2f2: {  	[hbm4b:s13+s2] =	stream.linear.scatter [tilespmem:s11], [sflag:$0xB], $0x4000, $0x38;
	[tilespmem:$0x1DC00] =	vst v63  }
0x2f3: {  	_ =	swait.ge [sflag:s15], $0x4000  }
0x2f4: {  	s13 =	sld [smem:$0x7E3]  }
0x2f5: {  	[sflag:s15] =	ssyncset.done $0x0  }
0x2f6: {  	[sflag:s15] =	ssyncadd.s32 $0xFFFFC000  }
0x2f7: {  	[tilespmem:s14], [sflag:$0x3] =	stream.indirect.gather [hbm4b:s3+s9], $0x80, s13, s9, $0xb8;
	[tilespmem:$0x1DC00] =	vst v63  }
0x2f8: {  	_ =	swait.ge [sflag:s24], $0x4000  }
0x2f9: {  	[sflag:s24] =	ssyncset.done $0x0  }
0x2fa: {  	s13 =	rddreg [dreg:$0x16];
	[sflag:s24] =	ssyncadd.s32 $0xFFFFC000  }
0x2fb: {  	[hbm4b:s13+s2] =	stream.linear.scatter [tilespmem:s10], [sflag:$0xC], $0x4000, $0x38;
	[tilespmem:$0x1DC00] =	vst v63  }
0x2fc: {  	_ =	swait.ge [sflag:s20], $0x4000  }
0x2fd: {  	s13 =	sld [smem:$0x7E4]  }
0x2fe: {  	[sflag:s20] =	ssyncset.done $0x0  }
0x2ff: {  	[sflag:s20] =	ssyncadd.s32 $0xFFFFC000  }
0x300: {  	[tilespmem:s11], [sflag:$0x4] =	stream.indirect.gather [hbm4b:s3+s9], $0x80, s13, s9, $0xb8;
	[tilespmem:$0x1DC00] =	vst v63  }
0x301: {  	_ =	swait.ge [sflag:s25], $0x4000  }
0x302: {  	[sflag:s25] =	ssyncset.done $0x0  }
0x303: {  	s13 =	rddreg [dreg:$0x17];
	[sflag:s25] =	ssyncadd.s32 $0xFFFFC000  }
0x304: {  	[hbm4b:s13+s2] =	stream.linear.scatter [tilespmem:s7], [sflag:$0xD], $0x4000, $0x38;
	[tilespmem:$0x1DC00] =	vst v63  }
0x305: {  	_ =	swait.ge [sflag:s18], $0x4000  }
0x306: {  	s13 =	sld [smem:$0x7E5]  }
0x307: {  	[sflag:s18] =	ssyncset.done $0x0  }
0x308: {  	[sflag:s18] =	ssyncadd.s32 $0xFFFFC000  }
0x309: {  	[tilespmem:s10], [sflag:$0x5] =	stream.indirect.gather [hbm4b:s3+s9], $0x80, s13, s9, $0xb8;
	[tilespmem:$0x1DC00] =	vst v63  }
0x30a: {  	_ =	swait.ge [sflag:s22], $0x4000  }
0x30b: {  	[sflag:s22] =	ssyncset.done $0x0  }
0x30c: {  	s13 =	rddreg [dreg:$0x18];
	[sflag:s22] =	ssyncadd.s32 $0xFFFFC000  }
0x30d: {  	[hbm4b:s13+s2] =	stream.linear.scatter [tilespmem:s8], [sflag:$0xE], $0x4000, $0x38;
	[tilespmem:$0x1DC00] =	vst v63  }
0x30e: {  	_ =	swait.ge [sflag:s17], $0x4000  }
0x30f: {  	s13 =	sld [smem:$0x7E6]  }
0x310: {  	[sflag:s17] =	ssyncset.done $0x0  }
0x311: {  	[sflag:s17] =	ssyncadd.s32 $0xFFFFC000  }
0x312: {  	[tilespmem:s7], [sflag:$0x6] =	stream.indirect.gather [hbm4b:s3+s9], $0x80, s13, s9, $0xb8;
	[tilespmem:$0x1DC00] =	vst v63  }
0x313: {  	_ =	swait.ge [sflag:s6], $0x4000  }
0x314: {  	[sflag:s6] =	ssyncset.done $0x0  }
0x315: {  	s13 =	rddreg [dreg:$0x19];
	[sflag:s6] =	ssyncadd.s32 $0xFFFFC000  }
0x316: {  	[hbm4b:s13+s2] =	stream.linear.scatter [tilespmem:s4], [sflag:$0x8], $0x4000, $0x38;
	[tilespmem:$0x1DC00] =	vst v63  }
0x317: {  	_ =	swait.ge [sflag:s16], $0x4000  }
0x318: {  	s13 =	sld [smem:$0x7E7]  }
0x319: {  	[sflag:s16] =	ssyncset.done $0x0  }
0x31a: {  	[sflag:s16] =	ssyncadd.s32 $0xFFFFC000  }
0x31b: {  	[tilespmem:s8], [sflag:$0x7] =	stream.indirect.gather [hbm4b:s3+s9], $0x80, s13, s9, $0xb8;
	[tilespmem:$0x1DC00] =	vst v63  }
0x31c: {  	_ =	swait.ge [sflag:s26], $0x4000  }
0x31d: {  	[sflag:s26] =	ssyncset.done $0x0  }
0x31e: {  	s13 =	rddreg [dreg:$0x1a];
	[sflag:s26] =	ssyncadd.s32 $0xFFFFC000  }
0x31f: {  	[hbm4b:s13+s2] =	stream.linear.scatter [tilespmem:s19], [sflag:$0x9], $0x4000, $0x38;
	[tilespmem:$0x1DC00] =	vst v63  }
0x320: {  	_ =	swait.ge [sflag:s5], $0x4000  }
0x321: {  	s13 =	sld [smem:$0x7E8]  }
0x322: {  	[sflag:s5] =	ssyncset.done $0x0  }
0x323: {  	[sflag:s5] =	ssyncadd.s32 $0xFFFFC000  }
0x324: {  	[tilespmem:s4], [sflag:$0x1] =	stream.indirect.gather [hbm4b:s3+s9], $0x80, s13, s9, $0xb8;
	[tilespmem:$0x1DC00] =	vst v63  }
0x325: {  	_ =	swait.ge [sflag:s21], $0x4000  }
0x326: {  	[sflag:s21] =	ssyncset.done $0x0  }
0x327: {  	s13 =	rddreg [dreg:$0x1b];
	[sflag:s21] =	ssyncadd.s32 $0xFFFFC000  }
0x328: {  	[hbm4b:s13+s2] =	stream.linear.scatter [tilespmem:s14], [sflag:$0xA], $0x4000, $0x38;
	[tilespmem:$0x1DC00] =	vst v63  }
0x329: {  	_ =	swait.ge [sflag:s12], $0x4000  }
0x32a: {  	s13 =	sld [smem:$0x7E9]  }
0x32b: {  	[sflag:s12] =	ssyncset.done $0x0  }
0x32c: {  	[sflag:s12] =	ssyncadd.s32 $0xFFFFC000  }
0x32d: {  	[tilespmem:s19], [sflag:$0x2] =	stream.indirect.gather [hbm4b:s3+s9], $0x80, s13, s9, $0xb8;
	[tilespmem:$0x1DC00] =	vst v63  }
0x32e: {  	_ =	swait.ge [sflag:s23], $0x4000  }
0x32f: {  	[sflag:s23] =	ssyncset.done $0x0  }
0x330: {  	s13 =	rddreg [dreg:$0x1c];
	[sflag:s23] =	ssyncadd.s32 $0xFFFFC000  }
0x331: {  	[hbm4b:s13+s2] =	stream.linear.scatter [tilespmem:s11], [sflag:$0xB], $0x4000, $0x38;
	[tilespmem:$0x1DC00] =	vst v63  }
0x332: {  	_ =	swait.ge [sflag:s15], $0x4000  }
0x333: {  	s13 =	sld [smem:$0x7EA]  }
0x334: {  	[sflag:s15] =	ssyncset.done $0x0  }
0x335: {  	[sflag:s15] =	ssyncadd.s32 $0xFFFFC000  }
0x336: {  	[tilespmem:s14], [sflag:$0x3] =	stream.indirect.gather [hbm4b:s3+s9], $0x80, s13, s9, $0xb8;
	[tilespmem:$0x1DC00] =	vst v63  }
0x337: {  	_ =	swait.ge [sflag:s24], $0x4000  }
0x338: {  	[sflag:s24] =	ssyncset.done $0x0  }
0x339: {  	s13 =	rddreg [dreg:$0x1d];
	[sflag:s24] =	ssyncadd.s32 $0xFFFFC000  }
0x33a: {  	[hbm4b:s13+s2] =	stream.linear.scatter [tilespmem:s10], [sflag:$0xC], $0x4000, $0x38;
	[tilespmem:$0x1DC00] =	vst v63  }
0x33b: {  	_ =	swait.ge [sflag:s20], $0x4000  }
0x33c: {  	s13 =	sld [smem:$0x7EB]  }
0x33d: {  	[sflag:s20] =	ssyncset.done $0x0  }
0x33e: {  	[sflag:s20] =	ssyncadd.s32 $0xFFFFC000  }
0x33f: {  	[tilespmem:s11], [sflag:$0x4] =	stream.indirect.gather [hbm4b:s3+s9], $0x80, s13, s9, $0xb8;
	[tilespmem:$0x1DC00] =	vst v63  }
0x340: {  	_ =	swait.ge [sflag:s25], $0x4000  }
0x341: {  	[sflag:s25] =	ssyncset.done $0x0  }
0x342: {  	s13 =	rddreg [dreg:$0x1e];
	[sflag:s25] =	ssyncadd.s32 $0xFFFFC000  }
0x343: {  	[hbm4b:s13+s2] =	stream.linear.scatter [tilespmem:s7], [sflag:$0xD], $0x4000, $0x38;
	[tilespmem:$0x1DC00] =	vst v63  }
0x344: {  	_ =	swait.ge [sflag:s18], $0x4000  }
0x345: {  	s13 =	sld [smem:$0x7EC]  }
0x346: {  	[sflag:s18] =	ssyncset.done $0x0  }
0x347: {  	[sflag:s18] =	ssyncadd.s32 $0xFFFFC000  }
0x348: {  	[tilespmem:s10], [sflag:$0x5] =	stream.indirect.gather [hbm4b:s3+s9], $0x80, s13, s9, $0xb8;
	[tilespmem:$0x1DC00] =	vst v63  }
0x349: {  	_ =	swait.ge [sflag:s22], $0x4000  }
0x34a: {  	[sflag:s22] =	ssyncset.done $0x0  }
0x34b: {  	s13 =	rddreg [dreg:$0x1f];
	[sflag:s22] =	ssyncadd.s32 $0xFFFFC000  }
0x34c: {  	[hbm4b:s13+s2] =	stream.linear.scatter [tilespmem:s8], [sflag:$0xE], $0x4000, $0x38;
	[tilespmem:$0x1DC00] =	vst v63  }
0x34d: {  	_ =	swait.ge [sflag:s17], $0x4000  }
0x34e: {  	s13 =	sld [smem:$0x7ED]  }
0x34f: {  	[sflag:s17] =	ssyncset.done $0x0  }
0x350: {  	[sflag:s17] =	ssyncadd.s32 $0xFFFFC000  }
0x351: {  	[tilespmem:s7], [sflag:$0x6] =	stream.indirect.gather [hbm4b:s3+s9], $0x80, s13, s9, $0xb8;
	[tilespmem:$0x1DC00] =	vst v63  }
0x352: {  	_ =	swait.ge [sflag:s6], $0x4000  }
0x353: {  	s13 =	sld [smem:$0x7B9]  }
0x354: {  	[sflag:s6] =	ssyncset.done $0x0  }
0x355: {  	[sflag:s6] =	ssyncadd.s32 $0xFFFFC000  }
0x356: {  	[hbm4b:s13+s2] =	stream.linear.scatter [tilespmem:s4], [sflag:$0x8], $0x4000, $0x38;
	[tilespmem:$0x1DC00] =	vst v63  }
0x357: {  	_ =	swait.ge [sflag:s16], $0x4000  }
0x358: {  	s13 =	sld [smem:$0x7EE]  }
0x359: {  	[sflag:s16] =	ssyncset.done $0x0  }
0x35a: {  	[sflag:s16] =	ssyncadd.s32 $0xFFFFC000  }
0x35b: {  	[tilespmem:s8], [sflag:$0x7] =	stream.indirect.gather [hbm4b:s3+s9], $0x80, s13, s9, $0xb8;
	[tilespmem:$0x1DC00] =	vst v63  }
0x35c: {  	_ =	swait.ge [sflag:s26], $0x4000  }
0x35d: {  	s13 =	sld [smem:$0x7BA]  }
0x35e: {  	[sflag:s26] =	ssyncset.done $0x0  }
0x35f: {  	[sflag:s26] =	ssyncadd.s32 $0xFFFFC000  }
0x360: {  	[hbm4b:s13+s2] =	stream.linear.scatter [tilespmem:s19], [sflag:$0x9], $0x4000, $0x38;
	[tilespmem:$0x1DC00] =	vst v63  }
0x361: {  	_ =	swait.ge [sflag:s5], $0x4000  }
0x362: {  	s13 =	sld [smem:$0x7EF]  }
0x363: {  	[sflag:s5] =	ssyncset.done $0x0  }
0x364: {  	[sflag:s5] =	ssyncadd.s32 $0xFFFFC000  }
0x365: {  	[tilespmem:s4], [sflag:$0x1] =	stream.indirect.gather [hbm4b:s3+s9], $0x80, s13, s9, $0xb8;
	[tilespmem:$0x1DC00] =	vst v63  }
0x366: {  	_ =	swait.ge [sflag:s21], $0x4000  }
0x367: {  	s13 =	sld [smem:$0x7BB]  }
0x368: {  	[sflag:s21] =	ssyncset.done $0x0  }
0x369: {  	[sflag:s21] =	ssyncadd.s32 $0xFFFFC000  }
0x36a: {  	[hbm4b:s13+s2] =	stream.linear.scatter [tilespmem:s14], [sflag:$0xA], $0x4000, $0x38;
	[tilespmem:$0x1DC00] =	vst v63  }
0x36b: {  	_ =	swait.ge [sflag:s12], $0x4000  }
0x36c: {  	s13 =	sld [smem:$0x7F0]  }
0x36d: {  	[sflag:s12] =	ssyncset.done $0x0  }
0x36e: {  	[sflag:s12] =	ssyncadd.s32 $0xFFFFC000  }
0x36f: {  	[tilespmem:s19], [sflag:$0x2] =	stream.indirect.gather [hbm4b:s3+s9], $0x80, s13, s9, $0xb8;
	[tilespmem:$0x1DC00] =	vst v63  }
0x370: {  	_ =	swait.ge [sflag:s23], $0x4000  }
0x371: {  	s13 =	sld [smem:$0x7BC]  }
0x372: {  	[sflag:s23] =	ssyncset.done $0x0  }
0x373: {  	[sflag:s23] =	ssyncadd.s32 $0xFFFFC000  }
0x374: {  	[hbm4b:s13+s2] =	stream.linear.scatter [tilespmem:s11], [sflag:$0xB], $0x4000, $0x38;
	[tilespmem:$0x1DC00] =	vst v63  }
0x375: {  	_ =	swait.ge [sflag:s15], $0x4000  }
0x376: {  	s13 =	sld [smem:$0x7F1]  }
0x377: {  	[sflag:s15] =	ssyncset.done $0x0  }
0x378: {  	[sflag:s15] =	ssyncadd.s32 $0xFFFFC000  }
0x379: {  	[tilespmem:s14], [sflag:$0x3] =	stream.indirect.gather [hbm4b:s3+s9], $0x80, s13, s9, $0xb8;
	[tilespmem:$0x1DC00] =	vst v63  }
0x37a: {  	_ =	swait.ge [sflag:s24], $0x4000  }
0x37b: {  	s13 =	sld [smem:$0x7BD]  }
0x37c: {  	[sflag:s24] =	ssyncset.done $0x0  }
0x37d: {  	[sflag:s24] =	ssyncadd.s32 $0xFFFFC000  }
0x37e: {  	[hbm4b:s13+s2] =	stream.linear.scatter [tilespmem:s10], [sflag:$0xC], $0x4000, $0x38;
	[tilespmem:$0x1DC00] =	vst v63  }
0x37f: {  	_ =	swait.ge [sflag:s20], $0x4000  }
0x380: {  	s13 =	sld [smem:$0x7F2]  }
0x381: {  	[sflag:s20] =	ssyncset.done $0x0  }
0x382: {  	[sflag:s20] =	ssyncadd.s32 $0xFFFFC000  }
0x383: {  	[tilespmem:s11], [sflag:$0x4] =	stream.indirect.gather [hbm4b:s3+s9], $0x80, s13, s9, $0xb8;
	[tilespmem:$0x1DC00] =	vst v63  }
0x384: {  	_ =	swait.ge [sflag:s25], $0x4000  }
0x385: {  	s13 =	sld [smem:$0x7BE]  }
0x386: {  	[sflag:s25] =	ssyncset.done $0x0  }
0x387: {  	[sflag:s25] =	ssyncadd.s32 $0xFFFFC000  }
0x388: {  	[hbm4b:s13+s2] =	stream.linear.scatter [tilespmem:s7], [sflag:$0xD], $0x4000, $0x38;
	[tilespmem:$0x1DC00] =	vst v63  }
0x389: {  	_ =	swait.ge [sflag:s18], $0x4000  }
0x38a: {  	s13 =	sld [smem:$0x7F3]  }
0x38b: {  	[sflag:s18] =	ssyncset.done $0x0  }
0x38c: {  	[sflag:s18] =	ssyncadd.s32 $0xFFFFC000  }
0x38d: {  	[tilespmem:s10], [sflag:$0x5] =	stream.indirect.gather [hbm4b:s3+s9], $0x80, s13, s9, $0xb8;
	[tilespmem:$0x1DC00] =	vst v63  }
0x38e: {  	_ =	swait.ge [sflag:s22], $0x4000  }
0x38f: {  	s13 =	sld [smem:$0x7BF]  }
0x390: {  	[sflag:s22] =	ssyncset.done $0x0  }
0x391: {  	[sflag:s22] =	ssyncadd.s32 $0xFFFFC000  }
0x392: {  	[hbm4b:s13+s2] =	stream.linear.scatter [tilespmem:s8], [sflag:$0xE], $0x4000, $0x38;
	[tilespmem:$0x1DC00] =	vst v63  }
0x393: {  	_ =	swait.ge [sflag:s17], $0x4000  }
0x394: {  	s13 =	sld [smem:$0x7F4]  }
0x395: {  	[sflag:s17] =	ssyncset.done $0x0  }
0x396: {  	[sflag:s17] =	ssyncadd.s32 $0xFFFFC000  }
0x397: {  	[tilespmem:s7], [sflag:$0x6] =	stream.indirect.gather [hbm4b:s3+s9], $0x80, s13, s9, $0xb8;
	[tilespmem:$0x1DC00] =	vst v63  }
0x398: {  	_ =	swait.ge [sflag:s6], $0x4000  }
0x399: {  	s13 =	sld [smem:$0x7C0]  }
0x39a: {  	[sflag:s6] =	ssyncset.done $0x0  }
0x39b: {  	[sflag:s6] =	ssyncadd.s32 $0xFFFFC000  }
0x39c: {  	[hbm4b:s13+s2] =	stream.linear.scatter [tilespmem:s4], [sflag:$0x8], $0x4000, $0x38;
	[tilespmem:$0x1DC00] =	vst v63  }
0x39d: {  	_ =	swait.ge [sflag:s16], $0x4000  }
0x39e: {  	s13 =	sld [smem:$0x7F5]  }
0x39f: {  	[sflag:s16] =	ssyncset.done $0x0  }
0x3a0: {  	[sflag:s16] =	ssyncadd.s32 $0xFFFFC000  }
0x3a1: {  	[tilespmem:s8], [sflag:$0x7] =	stream.indirect.gather [hbm4b:s3+s9], $0x80, s13, s9, $0xb8;
	[tilespmem:$0x1DC00] =	vst v63  }
0x3a2: {  	_ =	swait.ge [sflag:s26], $0x4000  }
0x3a3: {  	s13 =	sld [smem:$0x7C1]  }
0x3a4: {  	[sflag:s26] =	ssyncset.done $0x0  }
0x3a5: {  	[sflag:s26] =	ssyncadd.s32 $0xFFFFC000  }
0x3a6: {  	[hbm4b:s13+s2] =	stream.linear.scatter [tilespmem:s19], [sflag:$0x9], $0x4000, $0x38;
	[tilespmem:$0x1DC00] =	vst v63  }
0x3a7: {  	_ =	swait.ge [sflag:s5], $0x4000  }
0x3a8: {  	s13 =	sld [smem:$0x7F6]  }
0x3a9: {  	[sflag:s5] =	ssyncset.done $0x0  }
0x3aa: {  	[sflag:s5] =	ssyncadd.s32 $0xFFFFC000  }
0x3ab: {  	[tilespmem:s4], [sflag:$0x1] =	stream.indirect.gather [hbm4b:s3+s9], $0x80, s13, s9, $0xb8;
	[tilespmem:$0x1DC00] =	vst v63  }
0x3ac: {  	_ =	swait.ge [sflag:s21], $0x4000  }
0x3ad: {  	s13 =	sld [smem:$0x7C2]  }
0x3ae: {  	[sflag:s21] =	ssyncset.done $0x0  }
0x3af: {  	[sflag:s21] =	ssyncadd.s32 $0xFFFFC000  }
0x3b0: {  	[hbm4b:s13+s2] =	stream.linear.scatter [tilespmem:s14], [sflag:$0xA], $0x4000, $0x38;
	[tilespmem:$0x1DC00] =	vst v63  }
0x3b1: {  	_ =	swait.ge [sflag:s12], $0x4000  }
0x3b2: {  	s13 =	sld [smem:$0x7F7]  }
0x3b3: {  	[sflag:s12] =	ssyncset.done $0x0  }
0x3b4: {  	[sflag:s12] =	ssyncadd.s32 $0xFFFFC000  }
0x3b5: {  	[tilespmem:s19], [sflag:$0x2] =	stream.indirect.gather [hbm4b:s3+s9], $0x80, s13, s9, $0xb8;
	[tilespmem:$0x1DC00] =	vst v63  }
0x3b6: {  	_ =	swait.ge [sflag:s23], $0x4000  }
0x3b7: {  	s13 =	sld [smem:$0x7C3]  }
0x3b8: {  	[sflag:s23] =	ssyncset.done $0x0  }
0x3b9: {  	[sflag:s23] =	ssyncadd.s32 $0xFFFFC000  }
0x3ba: {  	[hbm4b:s13+s2] =	stream.linear.scatter [tilespmem:s11], [sflag:$0xB], $0x4000, $0x38;
	[tilespmem:$0x1DC00] =	vst v63  }
0x3bb: {  	_ =	swait.ge [sflag:s15], $0x4000  }
0x3bc: {  	s13 =	sld [smem:$0x7F8]  }
0x3bd: {  	[sflag:s15] =	ssyncset.done $0x0  }
0x3be: {  	[sflag:s15] =	ssyncadd.s32 $0xFFFFC000  }
0x3bf: {  	[tilespmem:s14], [sflag:$0x3] =	stream.indirect.gather [hbm4b:s3+s9], $0x80, s13, s9, $0xb8;
	[tilespmem:$0x1DC00] =	vst v63  }
0x3c0: {  	_ =	swait.ge [sflag:s24], $0x4000  }
0x3c1: {  	s13 =	sld [smem:$0x7C4]  }
0x3c2: {  	[sflag:s24] =	ssyncset.done $0x0  }
0x3c3: {  	[sflag:s24] =	ssyncadd.s32 $0xFFFFC000  }
0x3c4: {  	[hbm4b:s13+s2] =	stream.linear.scatter [tilespmem:s10], [sflag:$0xC], $0x4000, $0x38;
	[tilespmem:$0x1DC00] =	vst v63  }
0x3c5: {  	_ =	swait.ge [sflag:s20], $0x4000  }
0x3c6: {  	s13 =	sld [smem:$0x7F9]  }
0x3c7: {  	[sflag:s20] =	ssyncset.done $0x0  }
0x3c8: {  	[sflag:s20] =	ssyncadd.s32 $0xFFFFC000  }
0x3c9: {  	[tilespmem:s11], [sflag:$0x4] =	stream.indirect.gather [hbm4b:s3+s9], $0x80, s13, s9, $0xb8;
	[tilespmem:$0x1DC00] =	vst v63  }
0x3ca: {  	_ =	swait.ge [sflag:s25], $0x4000  }
0x3cb: {  	s13 =	sld [smem:$0x7C5]  }
0x3cc: {  	[sflag:s25] =	ssyncset.done $0x0  }
0x3cd: {  	[sflag:s25] =	ssyncadd.s32 $0xFFFFC000  }
0x3ce: {  	[hbm4b:s13+s2] =	stream.linear.scatter [tilespmem:s7], [sflag:$0xD], $0x4000, $0x38;
	[tilespmem:$0x1DC00] =	vst v63  }
0x3cf: {  	_ =	swait.ge [sflag:s18], $0x4000  }
0x3d0: {  	s13 =	sld [smem:$0x7FA]  }
0x3d1: {  	[sflag:s18] =	ssyncset.done $0x0  }
0x3d2: {  	[sflag:s18] =	ssyncadd.s32 $0xFFFFC000  }
0x3d3: {  	[tilespmem:s10], [sflag:$0x5] =	stream.indirect.gather [hbm4b:s3+s9], $0x80, s13, s9, $0xb8;
	[tilespmem:$0x1DC00] =	vst v63  }
0x3d4: {  	_ =	swait.ge [sflag:s22], $0x4000  }
0x3d5: {  	s13 =	sld [smem:$0x7C6]  }
0x3d6: {  	[sflag:s22] =	ssyncset.done $0x0  }
0x3d7: {  	[sflag:s22] =	ssyncadd.s32 $0xFFFFC000  }
0x3d8: {  	[hbm4b:s13+s2] =	stream.linear.scatter [tilespmem:s8], [sflag:$0xE], $0x4000, $0x38;
	[tilespmem:$0x1DC00] =	vst v63  }
0x3d9: {  	_ =	swait.ge [sflag:s17], $0x4000  }
0x3da: {  	s13 =	sld [smem:$0x7FB]  }
0x3db: {  	[sflag:s17] =	ssyncset.done $0x0  }
0x3dc: {  	[sflag:s17] =	ssyncadd.s32 $0xFFFFC000  }
0x3dd: {  	[tilespmem:s7], [sflag:$0x6] =	stream.indirect.gather [hbm4b:s3+s9], $0x80, s13, s9, $0xb8;
	[tilespmem:$0x1DC00] =	vst v63  }
0x3de: {  	_ =	swait.ge [sflag:s6], $0x4000  }
0x3df: {  	s13 =	sld [smem:$0x7C7]  }
0x3e0: {  	[sflag:s6] =	ssyncset.done $0x0  }
0x3e1: {  	[sflag:s6] =	ssyncadd.s32 $0xFFFFC000  }
0x3e2: {  	[hbm4b:s13+s2] =	stream.linear.scatter [tilespmem:s4], [sflag:$0x8], $0x4000, $0x38;
	[tilespmem:$0x1DC00] =	vst v63  }
0x3e3: {  	_ =	swait.ge [sflag:s16], $0x4000  }
0x3e4: {  	[sflag:s16] =	ssyncset.done $0x0  }
0x3e5: {  	[sflag:s16] =	ssyncadd.s32 $0xFFFFC000  }
0x3e6: {  	[tilespmem:s8], [sflag:$0x7] =	stream.indirect.gather [hbm4b:s3+s9], $0x80, s29, s9, $0xb8;
	[tilespmem:$0x1DC00] =	vst v63  }
0x3e7: {  	_ =	swait.ge [sflag:s26], $0x4000  }
0x3e8: {  	s13 =	sld [smem:$0x7C8]  }
0x3e9: {  	[sflag:s26] =	ssyncset.done $0x0  }
0x3ea: {  	[sflag:s26] =	ssyncadd.s32 $0xFFFFC000  }
0x3eb: {  	[hbm4b:s13+s2] =	stream.linear.scatter [tilespmem:s19], [sflag:$0x9], $0x4000, $0x38;
	[tilespmem:$0x1DC00] =	vst v63  }
0x3ec: {  	_ =	swait.ge [sflag:s5], $0x4000  }
0x3ed: {  	s29 =	sld [smem:$0x7FC]  }
0x3ee: {  	[sflag:s5] =	ssyncset.done $0x0  }
0x3ef: {  	[sflag:s5] =	ssyncadd.s32 $0xFFFFC000  }
0x3f0: {  	[tilespmem:s4], [sflag:$0x1] =	stream.indirect.gather [hbm4b:s3+s9], $0x80, s29, s9, $0xb8;
	[tilespmem:$0x1DC00] =	vst v63  }
0x3f1: {  	_ =	swait.ge [sflag:s21], $0x4000  }
0x3f2: {  	s13 =	sld [smem:$0x7C9]  }
0x3f3: {  	[sflag:s21] =	ssyncset.done $0x0  }
0x3f4: {  	[sflag:s21] =	ssyncadd.s32 $0xFFFFC000  }
0x3f5: {  	[hbm4b:s13+s2] =	stream.linear.scatter [tilespmem:s14], [sflag:$0xA], $0x4000, $0x38;
	[tilespmem:$0x1DC00] =	vst v63  }
0x3f6: {  	_ =	swait.ge [sflag:s23], $0x4000  }
0x3f7: {  	s29 =	sld [smem:$0x7CA]  }
0x3f8: {  	[sflag:s23] =	ssyncset.done $0x0  }
0x3f9: {  	[sflag:s23] =	ssyncadd.s32 $0xFFFFC000  }
0x3fa: {  	[hbm4b:s29+s2] =	stream.linear.scatter [tilespmem:s11], [sflag:$0xB], $0x4000, $0x38;
	[tilespmem:$0x1DC00] =	vst v63  }
0x3fb: {  	_ =	swait.ge [sflag:s24], $0x4000  }
0x3fc: {  	s13 =	sld [smem:$0x7CB]  }
0x3fd: {  	[sflag:s24] =	ssyncset.done $0x0  }
0x3fe: {  	[sflag:s24] =	ssyncadd.s32 $0xFFFFC000  }
0x3ff: {  	[hbm4b:s13+s2] =	stream.linear.scatter [tilespmem:s10], [sflag:$0xC], $0x4000, $0x38;
	[tilespmem:$0x1DC00] =	vst v63  }
0x400: {  	_ =	swait.ge [sflag:s25], $0x4000  }
0x401: {  	s29 =	sld [smem:$0x7CC]  }
0x402: {  	[sflag:s25] =	ssyncset.done $0x0  }
0x403: {  	[sflag:s25] =	ssyncadd.s32 $0xFFFFC000  }
0x404: {  	[hbm4b:s29+s2] =	stream.linear.scatter [tilespmem:s7], [sflag:$0xD], $0x4000, $0x38;
	[tilespmem:$0x1DC00] =	vst v63  }
0x405: {  	_ =	swait.ge [sflag:s22], $0x4000  }
0x406: {  	s13 =	sld [smem:$0x7CD]  }
0x407: {  	[sflag:s22] =	ssyncset.done $0x0  }
0x408: {  	[sflag:s22] =	ssyncadd.s32 $0xFFFFC000  }
0x409: {  	[hbm4b:s13+s2] =	stream.linear.scatter [tilespmem:s8], [sflag:$0xE], $0x4000, $0x38;
	[tilespmem:$0x1DC00] =	vst v63  }
0x40a: {  	_ =	swait.ge [sflag:s6], $0x4000  }
0x40b: {  	s29 =	sld [smem:$0x7CE]  }
0x40c: {  	[sflag:s6] =	ssyncset.done $0x0  }
0x40d: {  	[sflag:s6] =	ssyncadd.s32 $0xFFFFC000  }
0x40e: {  	[hbm4b:s29+s2] =	stream.linear.scatter [tilespmem:s4], [sflag:$0x8], $0x4000, $0x38;
	[tilespmem:$0x1DC00] =	vst v63  }
0x40f: {  	_ =	swait.ge [sflag:s12], $0x4000  }
0x410: {  	[sflag:s12] =	ssyncset.done $0x0  }
0x411: {  	[sflag:s12] =	ssyncadd.s32 $0xFFFFC000  }
0x412: {  	_ =	swait.ge [sflag:s15], $0x4000  }
0x413: {  	[sflag:s15] =	ssyncset.done $0x0  }
0x414: {  	[sflag:s15] =	ssyncadd.s32 $0xFFFFC000  }
0x415: {  	_ =	swait.ge [sflag:s20], $0x4000  }
0x416: {  	[sflag:s20] =	ssyncset.done $0x0  }
0x417: {  	[sflag:s20] =	ssyncadd.s32 $0xFFFFC000  }
0x418: {  	_ =	swait.ge [sflag:s18], $0x4000  }
0x419: {  	[sflag:s18] =	ssyncset.done $0x0  }
0x41a: {  	[sflag:s18] =	ssyncadd.s32 $0xFFFFC000  }
0x41b: {  	_ =	swait.ge [sflag:s17], $0x4000  }
0x41c: {  	[sflag:s17] =	ssyncset.done $0x0  }
0x41d: {  	p1 =	sne.s32 s1, $0x1;
	[sflag:s17] =	ssyncadd.s32 $0xFFFFC000  }
.Ltmp2:
0x41e: {  	_ =	swait.ge [sflag:s16], $0x4000;
	(pc) =	sbr.rel @p1 .LBB2_4-.Ltmp2, $4  }
0x41f: {  	[sflag:s16] =	ssyncset.done $0x0  }
0x420: {  	[sflag:s16] =	ssyncadd.s32 $0xFFFFC000  }
0x421: {  	_ =	swait.ge [sflag:s5], $0x4000  }
0x422: {  	s1 =	sadd.s32 $0xFFFFFFFF, s1;
	s0 =	sld [smem:$0x7FD];
	[sflag:s5] =	ssyncset.done $0x0  }
0x423: {  	s29 =	sld [smem:$0x7B8];
	s13 =	stileid.u32  }
.LBB2_6:
0x424: {  	_ = 	snop  }
0x425: {  	[sflag:s5] =	ssyncadd.s32 @p0 $0xFFFFC000  }
0x426: {  	[tilespmem:s2], [sflag:$0xF] =	stream.strided.gather [hbm4b:s29+s30], $0x1800, s0, s30, $0x38;
	[tilespmem:$0x1DC00] =	vst v63  }
0x427: {  	s1 =	rddreg [dreg:$0x4];
	s29 =	simm.s32 $0x1800  }
0x428: {  	[tilespmem:s29], [sflag:$0xF] =	stream.linear.gather [hbm4b:s1+s2], $0x100, $0x38;
	[tilespmem:$0x1DC00] =	vst v63  }
0x429: {  	_ =	swait.ge [sflag:s31], $0x1900  }
0x42a: {  	[sflag:s31] =	ssyncset.done $0x0  }
0x42b: {  	[sflag:s31] =	ssyncadd.s32 $0xFFFFE700  }
0x42c: {  	[tilespmem:s4], [sflag:$0x1] =	stream.indirect.gather [hbm4b:s3+s9], $0x80, s2, s9, $0xb8;
	[tilespmem:$0x1DC00] =	vst v63  }
0x42d: {  	s1 =	sld [smem:$0x7CF]  }
0x42e: {  	[tilespmem:s19], [sflag:$0x2] =	stream.indirect.gather [hbm4b:s3+s9], $0x80, s9, s9, $0xb8;
	[tilespmem:$0x1DC00] =	vst v63  }
0x42f: {  	s31 =	sld [smem:$0x7D0]  }
0x430: {  	[tilespmem:s14], [sflag:$0x3] =	stream.indirect.gather [hbm4b:s3+s9], $0x80, s1, s9, $0xb8;
	[tilespmem:$0x1DC00] =	vst v63  }
0x431: {  	s0 =	sld [smem:$0x7D1]  }
0x432: {  	[tilespmem:s11], [sflag:$0x4] =	stream.indirect.gather [hbm4b:s3+s9], $0x80, s31, s9, $0xb8;
	[tilespmem:$0x1DC00] =	vst v63  }
0x433: {  	s31 =	sld [smem:$0x7D2]  }
0x434: {  	[tilespmem:s10], [sflag:$0x5] =	stream.indirect.gather [hbm4b:s3+s9], $0x80, s0, s9, $0xb8;
	[tilespmem:$0x1DC00] =	vst v63  }
0x435: {  	_ = 	snop  }
0x436: {  	[tilespmem:s7], [sflag:$0x6] =	stream.indirect.gather [hbm4b:s3+s9], $0x80, s31, s9, $0xb8;
	[tilespmem:$0x1DC00] =	vst v63  }
0x437: {  	_ =	swait.ge [sflag:s6], $0x4000  }
0x438: {  	[sflag:s6] =	ssyncset.done $0x0  }
0x439: {  	s31 =	sld [smem:$0x7D3];
	[sflag:s6] =	ssyncadd.s32 $0xFFFFC000  }
0x43a: {  	[hbm4b:s28+s2] =	stream.linear.scatter [tilespmem:s4], [sflag:$0x8], $0x4000, $0x38;
	[tilespmem:$0x1DC00] =	vst v63  }
0x43b: {  	_ = 	snop  }
0x43c: {  	[tilespmem:s8], [sflag:$0x7] =	stream.indirect.gather [hbm4b:s3+s9], $0x80, s31, s9, $0xb8;
	[tilespmem:$0x1DC00] =	vst v63  }
0x43d: {  	_ =	swait.ge [sflag:s26], $0x4000  }
0x43e: {  	[sflag:s26] =	ssyncset.done $0x0  }
0x43f: {  	s1 =	rddreg [dreg:$0x5];
	[sflag:s26] =	ssyncadd.s32 $0xFFFFC000  }
0x440: {  	[hbm4b:s1+s2] =	stream.linear.scatter [tilespmem:s19], [sflag:$0x9], $0x4000, $0x38;
	[tilespmem:$0x1DC00] =	vst v63  }
0x441: {  	_ =	swait.ge [sflag:s5], $0x4000  }
0x442: {  	s28 =	sld [smem:$0x7D4]  }
0x443: {  	[sflag:s5] =	ssyncset.done $0x0  }
0x444: {  	[sflag:s5] =	ssyncadd.s32 $0xFFFFC000  }
0x445: {  	[tilespmem:s4], [sflag:$0x1] =	stream.indirect.gather [hbm4b:s3+s9], $0x80, s28, s9, $0xb8;
	[tilespmem:$0x1DC00] =	vst v63  }
0x446: {  	_ =	swait.ge [sflag:s21], $0x4000  }
0x447: {  	[sflag:s21] =	ssyncset.done $0x0  }
0x448: {  	s31 =	rddreg [dreg:$0x6];
	[sflag:s21] =	ssyncadd.s32 $0xFFFFC000  }
0x449: {  	[hbm4b:s31+s2] =	stream.linear.scatter [tilespmem:s14], [sflag:$0xA], $0x4000, $0x38;
	[tilespmem:$0x1DC00] =	vst v63  }
0x44a: {  	_ =	swait.ge [sflag:s12], $0x4000  }
0x44b: {  	[sflag:s12] =	ssyncset.done $0x0  }
0x44c: {  	[sflag:s12] =	ssyncadd.s32 $0xFFFFC000  }
0x44d: {  	[tilespmem:s19], [sflag:$0x2] =	stream.indirect.gather [hbm4b:s3+s9], $0x80, s30, s9, $0xb8;
	[tilespmem:$0x1DC00] =	vst v63  }
0x44e: {  	_ =	swait.ge [sflag:s23], $0x4000  }
0x44f: {  	[sflag:s23] =	ssyncset.done $0x0  }
0x450: {  	s1 =	rddreg [dreg:$0x7];
	[sflag:s23] =	ssyncadd.s32 $0xFFFFC000  }
0x451: {  	[hbm4b:s1+s2] =	stream.linear.scatter [tilespmem:s11], [sflag:$0xB], $0x4000, $0x38;
	[tilespmem:$0x1DC00] =	vst v63  }
0x452: {  	_ =	swait.ge [sflag:s15], $0x4000  }
0x453: {  	s28 =	sld [smem:$0x7D5]  }
0x454: {  	[sflag:s15] =	ssyncset.done $0x0  }
0x455: {  	[sflag:s15] =	ssyncadd.s32 $0xFFFFC000  }
0x456: {  	[tilespmem:s14], [sflag:$0x3] =	stream.indirect.gather [hbm4b:s3+s9], $0x80, s28, s9, $0xb8;
	[tilespmem:$0x1DC00] =	vst v63  }
0x457: {  	_ =	swait.ge [sflag:s24], $0x4000  }
0x458: {  	[sflag:s24] =	ssyncset.done $0x0  }
0x459: {  	s30 =	rddreg [dreg:$0x8];
	[sflag:s24] =	ssyncadd.s32 $0xFFFFC000  }
0x45a: {  	[hbm4b:s30+s2] =	stream.linear.scatter [tilespmem:s10], [sflag:$0xC], $0x4000, $0x38;
	[tilespmem:$0x1DC00] =	vst v63  }
0x45b: {  	_ =	swait.ge [sflag:s20], $0x4000  }
0x45c: {  	s31 =	sld [smem:$0x7D6]  }
0x45d: {  	[sflag:s20] =	ssyncset.done $0x0  }
0x45e: {  	[sflag:s20] =	ssyncadd.s32 $0xFFFFC000  }
0x45f: {  	[tilespmem:s11], [sflag:$0x4] =	stream.indirect.gather [hbm4b:s3+s9], $0x80, s31, s9, $0xb8;
	[tilespmem:$0x1DC00] =	vst v63  }
0x460: {  	_ =	swait.ge [sflag:s25], $0x4000  }
0x461: {  	[sflag:s25] =	ssyncset.done $0x0  }
0x462: {  	s1 =	rddreg [dreg:$0x9];
	[sflag:s25] =	ssyncadd.s32 $0xFFFFC000  }
0x463: {  	[hbm4b:s1+s2] =	stream.linear.scatter [tilespmem:s7], [sflag:$0xD], $0x4000, $0x38;
	[tilespmem:$0x1DC00] =	vst v63  }
0x464: {  	_ =	swait.ge [sflag:s18], $0x4000  }
0x465: {  	s28 =	sld [smem:$0x7D7]  }
0x466: {  	[sflag:s18] =	ssyncset.done $0x0  }
0x467: {  	[sflag:s18] =	ssyncadd.s32 $0xFFFFC000  }
0x468: {  	[tilespmem:s10], [sflag:$0x5] =	stream.indirect.gather [hbm4b:s3+s9], $0x80, s28, s9, $0xb8;
	[tilespmem:$0x1DC00] =	vst v63  }
0x469: {  	_ =	swait.ge [sflag:s22], $0x4000  }
0x46a: {  	[sflag:s22] =	ssyncset.done $0x0  }
0x46b: {  	s30 =	rddreg [dreg:$0xa];
	[sflag:s22] =	ssyncadd.s32 $0xFFFFC000  }
0x46c: {  	[hbm4b:s30+s2] =	stream.linear.scatter [tilespmem:s8], [sflag:$0xE], $0x4000, $0x38;
	[tilespmem:$0x1DC00] =	vst v63  }
0x46d: {  	_ =	swait.ge [sflag:s17], $0x4000  }
0x46e: {  	s31 =	sld [smem:$0x7D8]  }
0x46f: {  	[sflag:s17] =	ssyncset.done $0x0  }
0x470: {  	[sflag:s17] =	ssyncadd.s32 $0xFFFFC000  }
0x471: {  	[tilespmem:s7], [sflag:$0x6] =	stream.indirect.gather [hbm4b:s3+s9], $0x80, s31, s9, $0xb8;
	[tilespmem:$0x1DC00] =	vst v63  }
0x472: {  	_ =	swait.ge [sflag:s6], $0x4000  }
0x473: {  	[sflag:s6] =	ssyncset.done $0x0  }
0x474: {  	s1 =	rddreg [dreg:$0xb];
	[sflag:s6] =	ssyncadd.s32 $0xFFFFC000  }
0x475: {  	[hbm4b:s1+s2] =	stream.linear.scatter [tilespmem:s4], [sflag:$0x8], $0x4000, $0x38;
	[tilespmem:$0x1DC00] =	vst v63  }
0x476: {  	_ =	swait.ge [sflag:s16], $0x4000  }
0x477: {  	s28 =	sld [smem:$0x7D9]  }
0x478: {  	[sflag:s16] =	ssyncset.done $0x0  }
0x479: {  	[sflag:s16] =	ssyncadd.s32 $0xFFFFC000  }
0x47a: {  	[tilespmem:s8], [sflag:$0x7] =	stream.indirect.gather [hbm4b:s3+s9], $0x80, s28, s9, $0xb8;
	[tilespmem:$0x1DC00] =	vst v63  }
0x47b: {  	_ =	swait.ge [sflag:s26], $0x4000  }
0x47c: {  	[sflag:s26] =	ssyncset.done $0x0  }
0x47d: {  	s30 =	rddreg [dreg:$0xc];
	[sflag:s26] =	ssyncadd.s32 $0xFFFFC000  }
0x47e: {  	[hbm4b:s30+s2] =	stream.linear.scatter [tilespmem:s19], [sflag:$0x9], $0x4000, $0x38;
	[tilespmem:$0x1DC00] =	vst v63  }
0x47f: {  	_ =	swait.ge [sflag:s5], $0x4000  }
0x480: {  	s31 =	sld [smem:$0x7DA]  }
0x481: {  	[sflag:s5] =	ssyncset.done $0x0  }
0x482: {  	[sflag:s5] =	ssyncadd.s32 $0xFFFFC000  }
0x483: {  	[tilespmem:s4], [sflag:$0x1] =	stream.indirect.gather [hbm4b:s3+s9], $0x80, s31, s9, $0xb8;
	[tilespmem:$0x1DC00] =	vst v63  }
0x484: {  	_ =	swait.ge [sflag:s21], $0x4000  }
0x485: {  	[sflag:s21] =	ssyncset.done $0x0  }
0x486: {  	s1 =	rddreg [dreg:$0xd];
	[sflag:s21] =	ssyncadd.s32 $0xFFFFC000  }
0x487: {  	[hbm4b:s1+s2] =	stream.linear.scatter [tilespmem:s14], [sflag:$0xA], $0x4000, $0x38;
	[tilespmem:$0x1DC00] =	vst v63  }
0x488: {  	_ =	swait.ge [sflag:s12], $0x4000  }
0x489: {  	s28 =	sld [smem:$0x7DB]  }
0x48a: {  	[sflag:s12] =	ssyncset.done $0x0  }
0x48b: {  	[sflag:s12] =	ssyncadd.s32 $0xFFFFC000  }
0x48c: {  	[tilespmem:s19], [sflag:$0x2] =	stream.indirect.gather [hbm4b:s3+s9], $0x80, s28, s9, $0xb8;
	[tilespmem:$0x1DC00] =	vst v63  }
0x48d: {  	_ =	swait.ge [sflag:s23], $0x4000  }
0x48e: {  	[sflag:s23] =	ssyncset.done $0x0  }
0x48f: {  	s30 =	rddreg [dreg:$0xe];
	[sflag:s23] =	ssyncadd.s32 $0xFFFFC000  }
0x490: {  	[hbm4b:s30+s2] =	stream.linear.scatter [tilespmem:s11], [sflag:$0xB], $0x4000, $0x38;
	[tilespmem:$0x1DC00] =	vst v63  }
0x491: {  	_ =	swait.ge [sflag:s15], $0x4000  }
0x492: {  	s31 =	sld [smem:$0x7DC]  }
0x493: {  	[sflag:s15] =	ssyncset.done $0x0  }
0x494: {  	[sflag:s15] =	ssyncadd.s32 $0xFFFFC000  }
0x495: {  	[tilespmem:s14], [sflag:$0x3] =	stream.indirect.gather [hbm4b:s3+s9], $0x80, s31, s9, $0xb8;
	[tilespmem:$0x1DC00] =	vst v63  }
0x496: {  	_ =	swait.ge [sflag:s24], $0x4000  }
0x497: {  	[sflag:s24] =	ssyncset.done $0x0  }
0x498: {  	s1 =	rddreg [dreg:$0xf];
	[sflag:s24] =	ssyncadd.s32 $0xFFFFC000  }
0x499: {  	[hbm4b:s1+s2] =	stream.linear.scatter [tilespmem:s10], [sflag:$0xC], $0x4000, $0x38;
	[tilespmem:$0x1DC00] =	vst v63  }
0x49a: {  	_ =	swait.ge [sflag:s20], $0x4000  }
0x49b: {  	s28 =	sld [smem:$0x7DD]  }
0x49c: {  	[sflag:s20] =	ssyncset.done $0x0  }
0x49d: {  	[sflag:s20] =	ssyncadd.s32 $0xFFFFC000  }
0x49e: {  	[tilespmem:s11], [sflag:$0x4] =	stream.indirect.gather [hbm4b:s3+s9], $0x80, s28, s9, $0xb8;
	[tilespmem:$0x1DC00] =	vst v63  }
0x49f: {  	_ =	swait.ge [sflag:s25], $0x4000  }
0x4a0: {  	[sflag:s25] =	ssyncset.done $0x0  }
0x4a1: {  	s30 =	rddreg [dreg:$0x10];
	[sflag:s25] =	ssyncadd.s32 $0xFFFFC000  }
0x4a2: {  	[hbm4b:s30+s2] =	stream.linear.scatter [tilespmem:s7], [sflag:$0xD], $0x4000, $0x38;
	[tilespmem:$0x1DC00] =	vst v63  }
0x4a3: {  	_ =	swait.ge [sflag:s18], $0x4000  }
0x4a4: {  	s31 =	sld [smem:$0x7DE]  }
0x4a5: {  	[sflag:s18] =	ssyncset.done $0x0  }
0x4a6: {  	[sflag:s18] =	ssyncadd.s32 $0xFFFFC000  }
0x4a7: {  	[tilespmem:s10], [sflag:$0x5] =	stream.indirect.gather [hbm4b:s3+s9], $0x80, s31, s9, $0xb8;
	[tilespmem:$0x1DC00] =	vst v63  }
0x4a8: {  	_ =	swait.ge [sflag:s22], $0x4000  }
0x4a9: {  	[sflag:s22] =	ssyncset.done $0x0  }
0x4aa: {  	s1 =	rddreg [dreg:$0x11];
	[sflag:s22] =	ssyncadd.s32 $0xFFFFC000  }
0x4ab: {  	[hbm4b:s1+s2] =	stream.linear.scatter [tilespmem:s8], [sflag:$0xE], $0x4000, $0x38;
	[tilespmem:$0x1DC00] =	vst v63  }
0x4ac: {  	_ =	swait.ge [sflag:s17], $0x4000  }
0x4ad: {  	s28 =	sld [smem:$0x7DF]  }
0x4ae: {  	[sflag:s17] =	ssyncset.done $0x0  }
0x4af: {  	[sflag:s17] =	ssyncadd.s32 $0xFFFFC000  }
0x4b0: {  	[tilespmem:s7], [sflag:$0x6] =	stream.indirect.gather [hbm4b:s3+s9], $0x80, s28, s9, $0xb8;
	[tilespmem:$0x1DC00] =	vst v63  }
0x4b1: {  	_ =	swait.ge [sflag:s6], $0x4000  }
0x4b2: {  	[sflag:s6] =	ssyncset.done $0x0  }
0x4b3: {  	s30 =	rddreg [dreg:$0x12];
	[sflag:s6] =	ssyncadd.s32 $0xFFFFC000  }
0x4b4: {  	[hbm4b:s30+s2] =	stream.linear.scatter [tilespmem:s4], [sflag:$0x8], $0x4000, $0x38;
	[tilespmem:$0x1DC00] =	vst v63  }
0x4b5: {  	_ =	swait.ge [sflag:s16], $0x4000  }
0x4b6: {  	s31 =	sld [smem:$0x7E0]  }
0x4b7: {  	[sflag:s16] =	ssyncset.done $0x0  }
0x4b8: {  	[sflag:s16] =	ssyncadd.s32 $0xFFFFC000  }
0x4b9: {  	[tilespmem:s8], [sflag:$0x7] =	stream.indirect.gather [hbm4b:s3+s9], $0x80, s31, s9, $0xb8;
	[tilespmem:$0x1DC00] =	vst v63  }
0x4ba: {  	_ =	swait.ge [sflag:s26], $0x4000  }
0x4bb: {  	[sflag:s26] =	ssyncset.done $0x0  }
0x4bc: {  	s1 =	rddreg [dreg:$0x13];
	[sflag:s26] =	ssyncadd.s32 $0xFFFFC000  }
0x4bd: {  	[hbm4b:s1+s2] =	stream.linear.scatter [tilespmem:s19], [sflag:$0x9], $0x4000, $0x38;
	[tilespmem:$0x1DC00] =	vst v63  }
0x4be: {  	_ =	swait.ge [sflag:s5], $0x4000  }
0x4bf: {  	s28 =	sld [smem:$0x7E1]  }
0x4c0: {  	[sflag:s5] =	ssyncset.done $0x0  }
0x4c1: {  	[sflag:s5] =	ssyncadd.s32 $0xFFFFC000  }
0x4c2: {  	[tilespmem:s4], [sflag:$0x1] =	stream.indirect.gather [hbm4b:s3+s9], $0x80, s28, s9, $0xb8;
	[tilespmem:$0x1DC00] =	vst v63  }
0x4c3: {  	_ =	swait.ge [sflag:s21], $0x4000  }
0x4c4: {  	[sflag:s21] =	ssyncset.done $0x0  }
0x4c5: {  	s30 =	rddreg [dreg:$0x14];
	[sflag:s21] =	ssyncadd.s32 $0xFFFFC000  }
0x4c6: {  	[hbm4b:s30+s2] =	stream.linear.scatter [tilespmem:s14], [sflag:$0xA], $0x4000, $0x38;
	[tilespmem:$0x1DC00] =	vst v63  }
0x4c7: {  	_ =	swait.ge [sflag:s12], $0x4000  }
0x4c8: {  	s31 =	sld [smem:$0x7E2]  }
0x4c9: {  	[sflag:s12] =	ssyncset.done $0x0  }
0x4ca: {  	[sflag:s12] =	ssyncadd.s32 $0xFFFFC000  }
0x4cb: {  	[tilespmem:s19], [sflag:$0x2] =	stream.indirect.gather [hbm4b:s3+s9], $0x80, s31, s9, $0xb8;
	[tilespmem:$0x1DC00] =	vst v63  }
0x4cc: {  	_ =	swait.ge [sflag:s23], $0x4000  }
0x4cd: {  	[sflag:s23] =	ssyncset.done $0x0  }
0x4ce: {  	s1 =	rddreg [dreg:$0x15];
	[sflag:s23] =	ssyncadd.s32 $0xFFFFC000  }
0x4cf: {  	[hbm4b:s1+s2] =	stream.linear.scatter [tilespmem:s11], [sflag:$0xB], $0x4000, $0x38;
	[tilespmem:$0x1DC00] =	vst v63  }
0x4d0: {  	_ =	swait.ge [sflag:s15], $0x4000  }
0x4d1: {  	s28 =	sld [smem:$0x7E3]  }
0x4d2: {  	[sflag:s15] =	ssyncset.done $0x0  }
0x4d3: {  	[sflag:s15] =	ssyncadd.s32 $0xFFFFC000  }
0x4d4: {  	[tilespmem:s14], [sflag:$0x3] =	stream.indirect.gather [hbm4b:s3+s9], $0x80, s28, s9, $0xb8;
	[tilespmem:$0x1DC00] =	vst v63  }
0x4d5: {  	_ =	swait.ge [sflag:s24], $0x4000  }
0x4d6: {  	[sflag:s24] =	ssyncset.done $0x0  }
0x4d7: {  	s30 =	rddreg [dreg:$0x16];
	[sflag:s24] =	ssyncadd.s32 $0xFFFFC000  }
0x4d8: {  	[hbm4b:s30+s2] =	stream.linear.scatter [tilespmem:s10], [sflag:$0xC], $0x4000, $0x38;
	[tilespmem:$0x1DC00] =	vst v63  }
0x4d9: {  	_ =	swait.ge [sflag:s20], $0x4000  }
0x4da: {  	s31 =	sld [smem:$0x7E4]  }
0x4db: {  	[sflag:s20] =	ssyncset.done $0x0  }
0x4dc: {  	[sflag:s20] =	ssyncadd.s32 $0xFFFFC000  }
0x4dd: {  	[tilespmem:s11], [sflag:$0x4] =	stream.indirect.gather [hbm4b:s3+s9], $0x80, s31, s9, $0xb8;
	[tilespmem:$0x1DC00] =	vst v63  }
0x4de: {  	_ =	swait.ge [sflag:s25], $0x4000  }
0x4df: {  	[sflag:s25] =	ssyncset.done $0x0  }
0x4e0: {  	s1 =	rddreg [dreg:$0x17];
	[sflag:s25] =	ssyncadd.s32 $0xFFFFC000  }
0x4e1: {  	[hbm4b:s1+s2] =	stream.linear.scatter [tilespmem:s7], [sflag:$0xD], $0x4000, $0x38;
	[tilespmem:$0x1DC00] =	vst v63  }
0x4e2: {  	_ =	swait.ge [sflag:s18], $0x4000  }
0x4e3: {  	s28 =	sld [smem:$0x7E5]  }
0x4e4: {  	[sflag:s18] =	ssyncset.done $0x0  }
0x4e5: {  	[sflag:s18] =	ssyncadd.s32 $0xFFFFC000  }
0x4e6: {  	[tilespmem:s10], [sflag:$0x5] =	stream.indirect.gather [hbm4b:s3+s9], $0x80, s28, s9, $0xb8;
	[tilespmem:$0x1DC00] =	vst v63  }
0x4e7: {  	_ =	swait.ge [sflag:s22], $0x4000  }
0x4e8: {  	[sflag:s22] =	ssyncset.done $0x0  }
0x4e9: {  	s30 =	rddreg [dreg:$0x18];
	[sflag:s22] =	ssyncadd.s32 $0xFFFFC000  }
0x4ea: {  	[hbm4b:s30+s2] =	stream.linear.scatter [tilespmem:s8], [sflag:$0xE], $0x4000, $0x38;
	[tilespmem:$0x1DC00] =	vst v63  }
0x4eb: {  	_ =	swait.ge [sflag:s17], $0x4000  }
0x4ec: {  	s31 =	sld [smem:$0x7E6]  }
0x4ed: {  	[sflag:s17] =	ssyncset.done $0x0  }
0x4ee: {  	[sflag:s17] =	ssyncadd.s32 $0xFFFFC000  }
0x4ef: {  	[tilespmem:s7], [sflag:$0x6] =	stream.indirect.gather [hbm4b:s3+s9], $0x80, s31, s9, $0xb8;
	[tilespmem:$0x1DC00] =	vst v63  }
0x4f0: {  	_ =	swait.ge [sflag:s6], $0x4000  }
0x4f1: {  	[sflag:s6] =	ssyncset.done $0x0  }
0x4f2: {  	s1 =	rddreg [dreg:$0x19];
	[sflag:s6] =	ssyncadd.s32 $0xFFFFC000  }
0x4f3: {  	[hbm4b:s1+s2] =	stream.linear.scatter [tilespmem:s4], [sflag:$0x8], $0x4000, $0x38;
	[tilespmem:$0x1DC00] =	vst v63  }
0x4f4: {  	_ =	swait.ge [sflag:s16], $0x4000  }
0x4f5: {  	s28 =	sld [smem:$0x7E7]  }
0x4f6: {  	[sflag:s16] =	ssyncset.done $0x0  }
0x4f7: {  	[sflag:s16] =	ssyncadd.s32 $0xFFFFC000  }
0x4f8: {  	[tilespmem:s8], [sflag:$0x7] =	stream.indirect.gather [hbm4b:s3+s9], $0x80, s28, s9, $0xb8;
	[tilespmem:$0x1DC00] =	vst v63  }
0x4f9: {  	_ =	swait.ge [sflag:s26], $0x4000  }
0x4fa: {  	[sflag:s26] =	ssyncset.done $0x0  }
0x4fb: {  	s30 =	rddreg [dreg:$0x1a];
	[sflag:s26] =	ssyncadd.s32 $0xFFFFC000  }
0x4fc: {  	[hbm4b:s30+s2] =	stream.linear.scatter [tilespmem:s19], [sflag:$0x9], $0x4000, $0x38;
	[tilespmem:$0x1DC00] =	vst v63  }
0x4fd: {  	_ =	swait.ge [sflag:s5], $0x4000  }
0x4fe: {  	s31 =	sld [smem:$0x7E8]  }
0x4ff: {  	[sflag:s5] =	ssyncset.done $0x0  }
0x500: {  	[sflag:s5] =	ssyncadd.s32 $0xFFFFC000  }
0x501: {  	[tilespmem:s4], [sflag:$0x1] =	stream.indirect.gather [hbm4b:s3+s9], $0x80, s31, s9, $0xb8;
	[tilespmem:$0x1DC00] =	vst v63  }
0x502: {  	_ =	swait.ge [sflag:s21], $0x4000  }
0x503: {  	[sflag:s21] =	ssyncset.done $0x0  }
0x504: {  	s1 =	rddreg [dreg:$0x1b];
	[sflag:s21] =	ssyncadd.s32 $0xFFFFC000  }
0x505: {  	[hbm4b:s1+s2] =	stream.linear.scatter [tilespmem:s14], [sflag:$0xA], $0x4000, $0x38;
	[tilespmem:$0x1DC00] =	vst v63  }
0x506: {  	_ =	swait.ge [sflag:s12], $0x4000  }
0x507: {  	s28 =	sld [smem:$0x7E9]  }
0x508: {  	[sflag:s12] =	ssyncset.done $0x0  }
0x509: {  	[sflag:s12] =	ssyncadd.s32 $0xFFFFC000  }
0x50a: {  	[tilespmem:s19], [sflag:$0x2] =	stream.indirect.gather [hbm4b:s3+s9], $0x80, s28, s9, $0xb8;
	[tilespmem:$0x1DC00] =	vst v63  }
0x50b: {  	_ =	swait.ge [sflag:s23], $0x4000  }
0x50c: {  	[sflag:s23] =	ssyncset.done $0x0  }
0x50d: {  	s30 =	rddreg [dreg:$0x1c];
	[sflag:s23] =	ssyncadd.s32 $0xFFFFC000  }
0x50e: {  	[hbm4b:s30+s2] =	stream.linear.scatter [tilespmem:s11], [sflag:$0xB], $0x4000, $0x38;
	[tilespmem:$0x1DC00] =	vst v63  }
0x50f: {  	_ =	swait.ge [sflag:s15], $0x4000  }
0x510: {  	s31 =	sld [smem:$0x7EA]  }
0x511: {  	[sflag:s15] =	ssyncset.done $0x0  }
0x512: {  	[sflag:s15] =	ssyncadd.s32 $0xFFFFC000  }
0x513: {  	[tilespmem:s14], [sflag:$0x3] =	stream.indirect.gather [hbm4b:s3+s9], $0x80, s31, s9, $0xb8;
	[tilespmem:$0x1DC00] =	vst v63  }
0x514: {  	_ =	swait.ge [sflag:s24], $0x4000  }
0x515: {  	[sflag:s24] =	ssyncset.done $0x0  }
0x516: {  	s1 =	rddreg [dreg:$0x1d];
	[sflag:s24] =	ssyncadd.s32 $0xFFFFC000  }
0x517: {  	[hbm4b:s1+s2] =	stream.linear.scatter [tilespmem:s10], [sflag:$0xC], $0x4000, $0x38;
	[tilespmem:$0x1DC00] =	vst v63  }
0x518: {  	_ =	swait.ge [sflag:s20], $0x4000  }
0x519: {  	s28 =	sld [smem:$0x7EB]  }
0x51a: {  	[sflag:s20] =	ssyncset.done $0x0  }
0x51b: {  	[sflag:s20] =	ssyncadd.s32 $0xFFFFC000  }
0x51c: {  	[tilespmem:s11], [sflag:$0x4] =	stream.indirect.gather [hbm4b:s3+s9], $0x80, s28, s9, $0xb8;
	[tilespmem:$0x1DC00] =	vst v63  }
0x51d: {  	_ =	swait.ge [sflag:s25], $0x4000  }
0x51e: {  	[sflag:s25] =	ssyncset.done $0x0  }
0x51f: {  	s30 =	rddreg [dreg:$0x1e];
	[sflag:s25] =	ssyncadd.s32 $0xFFFFC000  }
0x520: {  	[hbm4b:s30+s2] =	stream.linear.scatter [tilespmem:s7], [sflag:$0xD], $0x4000, $0x38;
	[tilespmem:$0x1DC00] =	vst v63  }
0x521: {  	_ =	swait.ge [sflag:s18], $0x4000  }
0x522: {  	s31 =	sld [smem:$0x7EC]  }
0x523: {  	[sflag:s18] =	ssyncset.done $0x0  }
0x524: {  	[sflag:s18] =	ssyncadd.s32 $0xFFFFC000  }
0x525: {  	[tilespmem:s10], [sflag:$0x5] =	stream.indirect.gather [hbm4b:s3+s9], $0x80, s31, s9, $0xb8;
	[tilespmem:$0x1DC00] =	vst v63  }
0x526: {  	_ =	swait.ge [sflag:s22], $0x4000  }
0x527: {  	[sflag:s22] =	ssyncset.done $0x0  }
0x528: {  	s1 =	rddreg [dreg:$0x1f];
	[sflag:s22] =	ssyncadd.s32 $0xFFFFC000  }
0x529: {  	[hbm4b:s1+s2] =	stream.linear.scatter [tilespmem:s8], [sflag:$0xE], $0x4000, $0x38;
	[tilespmem:$0x1DC00] =	vst v63  }
0x52a: {  	_ =	swait.ge [sflag:s17], $0x4000  }
0x52b: {  	s28 =	sld [smem:$0x7ED]  }
0x52c: {  	[sflag:s17] =	ssyncset.done $0x0  }
0x52d: {  	[sflag:s17] =	ssyncadd.s32 $0xFFFFC000  }
0x52e: {  	[tilespmem:s7], [sflag:$0x6] =	stream.indirect.gather [hbm4b:s3+s9], $0x80, s28, s9, $0xb8;
	[tilespmem:$0x1DC00] =	vst v63  }
0x52f: {  	_ =	swait.ge [sflag:s6], $0x4000  }
0x530: {  	s30 =	sld [smem:$0x7B9]  }
0x531: {  	[sflag:s6] =	ssyncset.done $0x0  }
0x532: {  	[sflag:s6] =	ssyncadd.s32 $0xFFFFC000  }
0x533: {  	[hbm4b:s30+s2] =	stream.linear.scatter [tilespmem:s4], [sflag:$0x8], $0x4000, $0x38;
	[tilespmem:$0x1DC00] =	vst v63  }
0x534: {  	_ =	swait.ge [sflag:s16], $0x4000  }
0x535: {  	s31 =	sld [smem:$0x7EE]  }
0x536: {  	[sflag:s16] =	ssyncset.done $0x0  }
0x537: {  	[sflag:s16] =	ssyncadd.s32 $0xFFFFC000  }
0x538: {  	[tilespmem:s8], [sflag:$0x7] =	stream.indirect.gather [hbm4b:s3+s9], $0x80, s31, s9, $0xb8;
	[tilespmem:$0x1DC00] =	vst v63  }
0x539: {  	_ =	swait.ge [sflag:s26], $0x4000  }
0x53a: {  	s1 =	sld [smem:$0x7BA]  }
0x53b: {  	[sflag:s26] =	ssyncset.done $0x0  }
0x53c: {  	[sflag:s26] =	ssyncadd.s32 $0xFFFFC000  }
0x53d: {  	[hbm4b:s1+s2] =	stream.linear.scatter [tilespmem:s19], [sflag:$0x9], $0x4000, $0x38;
	[tilespmem:$0x1DC00] =	vst v63  }
0x53e: {  	_ =	swait.ge [sflag:s5], $0x4000  }
0x53f: {  	s28 =	sld [smem:$0x7EF]  }
0x540: {  	[sflag:s5] =	ssyncset.done $0x0  }
0x541: {  	[sflag:s5] =	ssyncadd.s32 $0xFFFFC000  }
0x542: {  	[tilespmem:s4], [sflag:$0x1] =	stream.indirect.gather [hbm4b:s3+s9], $0x80, s28, s9, $0xb8;
	[tilespmem:$0x1DC00] =	vst v63  }
0x543: {  	_ =	swait.ge [sflag:s21], $0x4000  }
0x544: {  	s30 =	sld [smem:$0x7BB]  }
0x545: {  	[sflag:s21] =	ssyncset.done $0x0  }
0x546: {  	[sflag:s21] =	ssyncadd.s32 $0xFFFFC000  }
0x547: {  	[hbm4b:s30+s2] =	stream.linear.scatter [tilespmem:s14], [sflag:$0xA], $0x4000, $0x38;
	[tilespmem:$0x1DC00] =	vst v63  }
0x548: {  	_ =	swait.ge [sflag:s12], $0x4000  }
0x549: {  	s31 =	sld [smem:$0x7F0]  }
0x54a: {  	[sflag:s12] =	ssyncset.done $0x0  }
0x54b: {  	[sflag:s12] =	ssyncadd.s32 $0xFFFFC000  }
0x54c: {  	[tilespmem:s19], [sflag:$0x2] =	stream.indirect.gather [hbm4b:s3+s9], $0x80, s31, s9, $0xb8;
	[tilespmem:$0x1DC00] =	vst v63  }
0x54d: {  	_ =	swait.ge [sflag:s23], $0x4000  }
0x54e: {  	s1 =	sld [smem:$0x7BC]  }
0x54f: {  	[sflag:s23] =	ssyncset.done $0x0  }
0x550: {  	[sflag:s23] =	ssyncadd.s32 $0xFFFFC000  }
0x551: {  	[hbm4b:s1+s2] =	stream.linear.scatter [tilespmem:s11], [sflag:$0xB], $0x4000, $0x38;
	[tilespmem:$0x1DC00] =	vst v63  }
0x552: {  	_ =	swait.ge [sflag:s15], $0x4000  }
0x553: {  	s28 =	sld [smem:$0x7F1]  }
0x554: {  	[sflag:s15] =	ssyncset.done $0x0  }
0x555: {  	[sflag:s15] =	ssyncadd.s32 $0xFFFFC000  }
0x556: {  	[tilespmem:s14], [sflag:$0x3] =	stream.indirect.gather [hbm4b:s3+s9], $0x80, s28, s9, $0xb8;
	[tilespmem:$0x1DC00] =	vst v63  }
0x557: {  	_ =	swait.ge [sflag:s24], $0x4000  }
0x558: {  	s30 =	sld [smem:$0x7BD]  }
0x559: {  	[sflag:s24] =	ssyncset.done $0x0  }
0x55a: {  	[sflag:s24] =	ssyncadd.s32 $0xFFFFC000  }
0x55b: {  	[hbm4b:s30+s2] =	stream.linear.scatter [tilespmem:s10], [sflag:$0xC], $0x4000, $0x38;
	[tilespmem:$0x1DC00] =	vst v63  }
0x55c: {  	_ =	swait.ge [sflag:s20], $0x4000  }
0x55d: {  	s31 =	sld [smem:$0x7F2]  }
0x55e: {  	[sflag:s20] =	ssyncset.done $0x0  }
0x55f: {  	[sflag:s20] =	ssyncadd.s32 $0xFFFFC000  }
0x560: {  	[tilespmem:s11], [sflag:$0x4] =	stream.indirect.gather [hbm4b:s3+s9], $0x80, s31, s9, $0xb8;
	[tilespmem:$0x1DC00] =	vst v63  }
0x561: {  	_ =	swait.ge [sflag:s25], $0x4000  }
0x562: {  	s1 =	sld [smem:$0x7BE]  }
0x563: {  	[sflag:s25] =	ssyncset.done $0x0  }
0x564: {  	[sflag:s25] =	ssyncadd.s32 $0xFFFFC000  }
0x565: {  	[hbm4b:s1+s2] =	stream.linear.scatter [tilespmem:s7], [sflag:$0xD], $0x4000, $0x38;
	[tilespmem:$0x1DC00] =	vst v63  }
0x566: {  	_ =	swait.ge [sflag:s18], $0x4000  }
0x567: {  	s28 =	sld [smem:$0x7F3]  }
0x568: {  	[sflag:s18] =	ssyncset.done $0x0  }
0x569: {  	[sflag:s18] =	ssyncadd.s32 $0xFFFFC000  }
0x56a: {  	[tilespmem:s10], [sflag:$0x5] =	stream.indirect.gather [hbm4b:s3+s9], $0x80, s28, s9, $0xb8;
	[tilespmem:$0x1DC00] =	vst v63  }
0x56b: {  	_ =	swait.ge [sflag:s22], $0x4000  }
0x56c: {  	s30 =	sld [smem:$0x7BF]  }
0x56d: {  	[sflag:s22] =	ssyncset.done $0x0  }
0x56e: {  	[sflag:s22] =	ssyncadd.s32 $0xFFFFC000  }
0x56f: {  	[hbm4b:s30+s2] =	stream.linear.scatter [tilespmem:s8], [sflag:$0xE], $0x4000, $0x38;
	[tilespmem:$0x1DC00] =	vst v63  }
0x570: {  	_ =	swait.ge [sflag:s17], $0x4000  }
0x571: {  	s31 =	sld [smem:$0x7F4]  }
0x572: {  	[sflag:s17] =	ssyncset.done $0x0  }
0x573: {  	[sflag:s17] =	ssyncadd.s32 $0xFFFFC000  }
0x574: {  	[tilespmem:s7], [sflag:$0x6] =	stream.indirect.gather [hbm4b:s3+s9], $0x80, s31, s9, $0xb8;
	[tilespmem:$0x1DC00] =	vst v63  }
0x575: {  	_ =	swait.ge [sflag:s6], $0x4000  }
0x576: {  	s1 =	sld [smem:$0x7C0]  }
0x577: {  	[sflag:s6] =	ssyncset.done $0x0  }
0x578: {  	[sflag:s6] =	ssyncadd.s32 $0xFFFFC000  }
0x579: {  	[hbm4b:s1+s2] =	stream.linear.scatter [tilespmem:s4], [sflag:$0x8], $0x4000, $0x38;
	[tilespmem:$0x1DC00] =	vst v63  }
0x57a: {  	_ =	swait.ge [sflag:s16], $0x4000  }
0x57b: {  	s28 =	sld [smem:$0x7F5]  }
0x57c: {  	[sflag:s16] =	ssyncset.done $0x0  }
0x57d: {  	[sflag:s16] =	ssyncadd.s32 $0xFFFFC000  }
0x57e: {  	[tilespmem:s8], [sflag:$0x7] =	stream.indirect.gather [hbm4b:s3+s9], $0x80, s28, s9, $0xb8;
	[tilespmem:$0x1DC00] =	vst v63  }
0x57f: {  	_ =	swait.ge [sflag:s26], $0x4000  }
0x580: {  	s30 =	sld [smem:$0x7C1]  }
0x581: {  	[sflag:s26] =	ssyncset.done $0x0  }
0x582: {  	[sflag:s26] =	ssyncadd.s32 $0xFFFFC000  }
0x583: {  	[hbm4b:s30+s2] =	stream.linear.scatter [tilespmem:s19], [sflag:$0x9], $0x4000, $0x38;
	[tilespmem:$0x1DC00] =	vst v63  }
0x584: {  	_ =	swait.ge [sflag:s5], $0x4000  }
0x585: {  	s31 =	sld [smem:$0x7F6]  }
0x586: {  	[sflag:s5] =	ssyncset.done $0x0  }
0x587: {  	[sflag:s5] =	ssyncadd.s32 $0xFFFFC000  }
0x588: {  	[tilespmem:s4], [sflag:$0x1] =	stream.indirect.gather [hbm4b:s3+s9], $0x80, s31, s9, $0xb8;
	[tilespmem:$0x1DC00] =	vst v63  }
0x589: {  	_ =	swait.ge [sflag:s21], $0x4000  }
0x58a: {  	s1 =	sld [smem:$0x7C2]  }
0x58b: {  	[sflag:s21] =	ssyncset.done $0x0  }
0x58c: {  	[sflag:s21] =	ssyncadd.s32 $0xFFFFC000  }
0x58d: {  	[hbm4b:s1+s2] =	stream.linear.scatter [tilespmem:s14], [sflag:$0xA], $0x4000, $0x38;
	[tilespmem:$0x1DC00] =	vst v63  }
0x58e: {  	_ =	swait.ge [sflag:s12], $0x4000  }
0x58f: {  	s28 =	sld [smem:$0x7F7]  }
0x590: {  	[sflag:s12] =	ssyncset.done $0x0  }
0x591: {  	[sflag:s12] =	ssyncadd.s32 $0xFFFFC000  }
0x592: {  	[tilespmem:s19], [sflag:$0x2] =	stream.indirect.gather [hbm4b:s3+s9], $0x80, s28, s9, $0xb8;
	[tilespmem:$0x1DC00] =	vst v63  }
0x593: {  	_ =	swait.ge [sflag:s23], $0x4000  }
0x594: {  	s30 =	sld [smem:$0x7C3]  }
0x595: {  	[sflag:s23] =	ssyncset.done $0x0  }
0x596: {  	[sflag:s23] =	ssyncadd.s32 $0xFFFFC000  }
0x597: {  	[hbm4b:s30+s2] =	stream.linear.scatter [tilespmem:s11], [sflag:$0xB], $0x4000, $0x38;
	[tilespmem:$0x1DC00] =	vst v63  }
0x598: {  	_ =	swait.ge [sflag:s15], $0x4000  }
0x599: {  	s31 =	sld [smem:$0x7F8]  }
0x59a: {  	[sflag:s15] =	ssyncset.done $0x0  }
0x59b: {  	[sflag:s15] =	ssyncadd.s32 $0xFFFFC000  }
0x59c: {  	[tilespmem:s14], [sflag:$0x3] =	stream.indirect.gather [hbm4b:s3+s9], $0x80, s31, s9, $0xb8;
	[tilespmem:$0x1DC00] =	vst v63  }
0x59d: {  	_ =	swait.ge [sflag:s24], $0x4000  }
0x59e: {  	s1 =	sld [smem:$0x7C4]  }
0x59f: {  	[sflag:s24] =	ssyncset.done $0x0  }
0x5a0: {  	[sflag:s24] =	ssyncadd.s32 $0xFFFFC000  }
0x5a1: {  	[hbm4b:s1+s2] =	stream.linear.scatter [tilespmem:s10], [sflag:$0xC], $0x4000, $0x38;
	[tilespmem:$0x1DC00] =	vst v63  }
0x5a2: {  	_ =	swait.ge [sflag:s20], $0x4000  }
0x5a3: {  	s28 =	sld [smem:$0x7F9]  }
0x5a4: {  	[sflag:s20] =	ssyncset.done $0x0  }
0x5a5: {  	[sflag:s20] =	ssyncadd.s32 $0xFFFFC000  }
0x5a6: {  	[tilespmem:s11], [sflag:$0x4] =	stream.indirect.gather [hbm4b:s3+s9], $0x80, s28, s9, $0xb8;
	[tilespmem:$0x1DC00] =	vst v63  }
0x5a7: {  	_ =	swait.ge [sflag:s25], $0x4000  }
0x5a8: {  	s30 =	sld [smem:$0x7C5]  }
0x5a9: {  	[sflag:s25] =	ssyncset.done $0x0  }
0x5aa: {  	[sflag:s25] =	ssyncadd.s32 $0xFFFFC000  }
0x5ab: {  	[hbm4b:s30+s2] =	stream.linear.scatter [tilespmem:s7], [sflag:$0xD], $0x4000, $0x38;
	[tilespmem:$0x1DC00] =	vst v63  }
0x5ac: {  	_ =	swait.ge [sflag:s18], $0x4000  }
0x5ad: {  	s31 =	sld [smem:$0x7FA]  }
0x5ae: {  	[sflag:s18] =	ssyncset.done $0x0  }
0x5af: {  	[sflag:s18] =	ssyncadd.s32 $0xFFFFC000  }
0x5b0: {  	[tilespmem:s10], [sflag:$0x5] =	stream.indirect.gather [hbm4b:s3+s9], $0x80, s31, s9, $0xb8;
	[tilespmem:$0x1DC00] =	vst v63  }
0x5b1: {  	_ =	swait.ge [sflag:s22], $0x4000  }
0x5b2: {  	s1 =	sld [smem:$0x7C6]  }
0x5b3: {  	[sflag:s22] =	ssyncset.done $0x0  }
0x5b4: {  	[sflag:s22] =	ssyncadd.s32 $0xFFFFC000  }
0x5b5: {  	[hbm4b:s1+s2] =	stream.linear.scatter [tilespmem:s8], [sflag:$0xE], $0x4000, $0x38;
	[tilespmem:$0x1DC00] =	vst v63  }
0x5b6: {  	_ =	swait.ge [sflag:s17], $0x4000  }
0x5b7: {  	s28 =	sld [smem:$0x7FB]  }
0x5b8: {  	[sflag:s17] =	ssyncset.done $0x0  }
0x5b9: {  	[sflag:s17] =	ssyncadd.s32 $0xFFFFC000  }
0x5ba: {  	[tilespmem:s7], [sflag:$0x6] =	stream.indirect.gather [hbm4b:s3+s9], $0x80, s28, s9, $0xb8;
	[tilespmem:$0x1DC00] =	vst v63  }
0x5bb: {  	_ =	swait.ge [sflag:s6], $0x4000  }
0x5bc: {  	s30 =	sld [smem:$0x7C7]  }
0x5bd: {  	[sflag:s6] =	ssyncset.done $0x0  }
0x5be: {  	[sflag:s6] =	ssyncadd.s32 $0xFFFFC000  }
0x5bf: {  	[hbm4b:s30+s2] =	stream.linear.scatter [tilespmem:s4], [sflag:$0x8], $0x4000, $0x38;
	[tilespmem:$0x1DC00] =	vst v63  }
0x5c0: {  	_ =	swait.ge [sflag:s16], $0x4000  }
0x5c1: {  	[sflag:s16] =	ssyncset.done $0x0  }
0x5c2: {  	[sflag:s16] =	ssyncadd.s32 $0xFFFFC000  }
0x5c3: {  	[tilespmem:s8], [sflag:$0x7] =	stream.indirect.gather [hbm4b:s3+s9], $0x80, s29, s9, $0xb8;
	[tilespmem:$0x1DC00] =	vst v63  }
0x5c4: {  	_ =	swait.ge [sflag:s26], $0x4000  }
0x5c5: {  	s31 =	sld [smem:$0x7C8]  }
0x5c6: {  	[sflag:s26] =	ssyncset.done $0x0  }
0x5c7: {  	[sflag:s26] =	ssyncadd.s32 $0xFFFFC000  }
0x5c8: {  	[hbm4b:s31+s2] =	stream.linear.scatter [tilespmem:s19], [sflag:$0x9], $0x4000, $0x38;
	[tilespmem:$0x1DC00] =	vst v63  }
0x5c9: {  	_ =	swait.ge [sflag:s5], $0x4000  }
0x5ca: {  	s1 =	sld [smem:$0x7FC]  }
0x5cb: {  	[sflag:s5] =	ssyncset.done $0x0  }
0x5cc: {  	[sflag:s5] =	ssyncadd.s32 $0xFFFFC000  }
0x5cd: {  	[tilespmem:s4], [sflag:$0x1] =	stream.indirect.gather [hbm4b:s3+s9], $0x80, s1, s9, $0xb8;
	[tilespmem:$0x1DC00] =	vst v63  }
0x5ce: {  	_ =	swait.ge [sflag:s21], $0x4000  }
0x5cf: {  	s19 =	sld [smem:$0x7C9]  }
0x5d0: {  	[sflag:s21] =	ssyncset.done $0x0  }
0x5d1: {  	[sflag:s21] =	ssyncadd.s32 $0xFFFFC000  }
0x5d2: {  	[hbm4b:s19+s2] =	stream.linear.scatter [tilespmem:s14], [sflag:$0xA], $0x4000, $0x38;
	[tilespmem:$0x1DC00] =	vst v63  }
0x5d3: {  	_ =	swait.ge [sflag:s23], $0x4000  }
0x5d4: {  	s26 =	sld [smem:$0x7CA]  }
0x5d5: {  	[sflag:s23] =	ssyncset.done $0x0  }
0x5d6: {  	[sflag:s23] =	ssyncadd.s32 $0xFFFFC000  }
0x5d7: {  	[hbm4b:s26+s2] =	stream.linear.scatter [tilespmem:s11], [sflag:$0xB], $0x4000, $0x38;
	[tilespmem:$0x1DC00] =	vst v63  }
0x5d8: {  	_ =	swait.ge [sflag:s24], $0x4000  }
0x5d9: {  	s28 =	sld [smem:$0x7CB]  }
0x5da: {  	[sflag:s24] =	ssyncset.done $0x0  }
0x5db: {  	[sflag:s24] =	ssyncadd.s32 $0xFFFFC000  }
0x5dc: {  	[hbm4b:s28+s2] =	stream.linear.scatter [tilespmem:s10], [sflag:$0xC], $0x4000, $0x38;
	[tilespmem:$0x1DC00] =	vst v63  }
0x5dd: {  	_ =	swait.ge [sflag:s25], $0x4000  }
0x5de: {  	s29 =	sld [smem:$0x7CC]  }
0x5df: {  	[sflag:s25] =	ssyncset.done $0x0  }
0x5e0: {  	[sflag:s25] =	ssyncadd.s32 $0xFFFFC000  }
0x5e1: {  	[hbm4b:s29+s2] =	stream.linear.scatter [tilespmem:s7], [sflag:$0xD], $0x4000, $0x38;
	[tilespmem:$0x1DC00] =	vst v63  }
0x5e2: {  	_ =	swait.ge [sflag:s22], $0x4000  }
0x5e3: {  	s30 =	sld [smem:$0x7CD]  }
0x5e4: {  	[sflag:s22] =	ssyncset.done $0x0  }
0x5e5: {  	[sflag:s22] =	ssyncadd.s32 $0xFFFFC000  }
0x5e6: {  	[hbm4b:s30+s2] =	stream.linear.scatter [tilespmem:s8], [sflag:$0xE], $0x4000, $0x38;
	[tilespmem:$0x1DC00] =	vst v63  }
0x5e7: {  	_ =	swait.ge [sflag:s6], $0x4000  }
0x5e8: {  	s31 =	sld [smem:$0x7CE]  }
0x5e9: {  	[sflag:s6] =	ssyncset.done $0x0  }
0x5ea: {  	[sflag:s6] =	ssyncadd.s32 $0xFFFFC000  }
0x5eb: {  	[hbm4b:s31+s2] =	stream.linear.scatter [tilespmem:s4], [sflag:$0x8], $0x4000, $0x38;
	[tilespmem:$0x1DC00] =	vst v63  }
0x5ec: {  	_ =	swait.ge [sflag:s12], $0x4000  }
0x5ed: {  	[sflag:s12] =	ssyncset.done $0x0  }
0x5ee: {  	[sflag:s12] =	ssyncadd.s32 $0xFFFFC000  }
0x5ef: {  	_ =	swait.ge [sflag:s15], $0x4000  }
0x5f0: {  	[sflag:s15] =	ssyncset.done $0x0  }
0x5f1: {  	[sflag:s15] =	ssyncadd.s32 $0xFFFFC000  }
0x5f2: {  	_ =	swait.ge [sflag:s20], $0x4000  }
0x5f3: {  	[sflag:s20] =	ssyncset.done $0x0  }
0x5f4: {  	[sflag:s20] =	ssyncadd.s32 $0xFFFFC000  }
0x5f5: {  	_ =	swait.ge [sflag:s18], $0x4000  }
0x5f6: {  	[sflag:s18] =	ssyncset.done $0x0  }
0x5f7: {  	[sflag:s18] =	ssyncadd.s32 $0xFFFFC000  }
0x5f8: {  	_ =	swait.ge [sflag:s17], $0x4000  }
0x5f9: {  	[sflag:s17] =	ssyncset.done $0x0  }
0x5fa: {  	[sflag:s17] =	ssyncadd.s32 $0xFFFFC000  }
0x5fb: {  	_ =	swait.ge [sflag:s16], $0x4000  }
0x5fc: {  	[sflag:s16] =	ssyncset.done $0x0  }
0x5fd: {  	[sflag:s16] =	ssyncadd.s32 $0xFFFFC000  }
0x5fe: {  	_ =	swait.ge [sflag:s5], $0x4000  }
0x5ff: {  	[sflag:s5] =	ssyncset.done $0x0  }
0x600: {  	[sflag:s5] =	ssyncadd.s32 $0xFFFFC000  }
0x601: {  	_ =	sfence.sel $0x180000  }
0x602: {  	[bflag:$0x0] =	sbarrier.arrive $0xFFFF  }
0x603: {  	_ =	strace $0x90000047  }
0x604: {  	[bflag:$0x2] =	sbarrier.arrive $0xFFFF  }
0x605: {  	p0 =	sne.s32 s13, $0x0;
	s0 =	rddreg [dreg:$0x3]  }
0x606: {  	s0 =	sadd.s32 @!p0 $0x100000, s0  }
0x607: {  	[sflag:s0] =	ssyncadd.tile.s32 @!p0 $0x1;
	_ =	shalt  }
.LBB2_1:
.Ltmp3:
0x608: {  	(pc) =	sbr.rel .LBB2_6-.Ltmp3, $2  }
0x609: {  	_ =	sdelay $0x2  }
0x60a: {  	s29 =	sld [smem:$0x7B8]  }
.LBB2_3:
.Ltmp4:
0x60b: {  	(pc) =	sbr.rel .LBB2_6-.Ltmp4, $2  }
0x60c: {  	_ =	sdelay $0x2  }
0x60d: {  	s29 =	sld [smem:$0x7B8];
	s13 =	stileid.u32  }
.Lfunc_end2:
_tile_overlayer_lowered:
.L_overlay_start_2:
0x60e: {  	(tag) =	ssettag $0x2  }
0x60f: {  	s0 =	rddreg [dreg:$0x0];
	s2 =	stileid.u32  }
0x610: {  	s1 =	rddreg [dreg:$0x1];
	p0 =	sne.s32 s2, $0x0  }
0x611: {  	s3 =	rddreg [dreg:$0x2];
	[bflag:$0x3] =	sbarrier.arrive $0xFFFF;
	s2 =	simm.s32 @!p0 $0x1C0F  }
0x612: {  	[timem:s3], [sflag:s2] =	dma.local @!p0 [hbm:s0], s1  }
0x613: {  	s0 =	simm.s32 @!p0 $0xF  }
0x614: {  	_ =	swait.ge @!p0 [sflag:s0], s1  }
0x615: {  	s1 =	ssub.s32 @!p0 $0x0, s1;
	[sflag:s0] =	ssyncset.done @!p0 $0x0  }
0x616: {  	[sflag:s0] =	ssyncadd.s32 @!p0 s1  }
0x617: {  	[bflag:$0x3] =	sbarrier.arrive $0xFFFF  }
0x618: {  	_ =	shalt  }

</sc_bundles>
